<compile_context>
chip_gen: v7x
topology: tpu7x:2x2x1
jax: 0.10.2.dev20260603
libtpu: 0.0.44.dev20260713+nightly
codegen_flags: <defaults>
</compile_context>

<pallas_src>
import functools

import jax
import jax.numpy as jnp
from jax import lax
from jax.experimental import pallas as pl
from jax.experimental.pallas import tpu as pltpu
from jax.experimental.pallas import tpu_sc as plsc

_B = 16384
_D = 32
_NC = 2
_NS = 16
_NW = _NC * _NS
_BPW = _B // _NW
_CHUNK = 128
_NCHUNK = _BPW // _CHUNK
_LANES = 16
_RING = 8


def _gmf_body(uix_hbm, iix_hbm, ut_hbm, it_hbm, out_hbm,
              uidx_v, iidx_v, slab, outT, sems):
    wid = lax.axis_index("s") * _NC + lax.axis_index("c")
    iota = lax.iota(jnp.int32, _LANES)

    pltpu.sync_copy(uix_hbm.at[pl.ds(wid * _NCHUNK, _NCHUNK)], uidx_v)
    pltpu.sync_copy(iix_hbm.at[pl.ds(wid * _NCHUNK, _NCHUNK)], iidx_v)

    def read_idx(ref, i):
        c0 = (i % _CHUNK) >> 4 << 4
        vec = ref[i // _CHUNK, pl.ds(c0, _LANES)]
        lane = i & (_LANES - 1)
        return jnp.sum(jnp.where(iota == lane, vec, 0), axis=0)

    def fire(i, slot):
        ru = read_idx(uidx_v, i)
        ri = read_idx(iidx_v, i)
        ug = pl.multiple_of((ru >> 7) * _CHUNK, _CHUNK)
        ig = pl.multiple_of((ri >> 7) * _CHUNK, _CHUNK)
        pltpu.async_copy(
            ut_hbm.at[:, pl.ds(ug, _CHUNK)], slab.at[slot, 0], sems[slot])
        pltpu.async_copy(
            it_hbm.at[:, pl.ds(ig, _CHUNK)], slab.at[slot, 1], sems[slot])

    def wait_pair(slot):
        pltpu.make_async_copy(
            ut_hbm.at[:, pl.ds(0, 2 * _CHUNK)], slab.at[slot], sems[slot]).wait()

    def extract(slot, i):
        ru = read_idx(uidx_v, i)
        ri = read_idx(iidx_v, i)
        cu = jnp.full((_LANES,), ru & 127, jnp.int32)
        ci = jnp.full((_LANES,), ri & 127, jnp.int32)
        icol = jnp.full((_LANES,), i, jnp.int32)
        for h in range(2):
            rows = iota + h * _LANES
            u = plsc.load_gather(slab.at[slot, 0], [rows, cu])
            v = plsc.load_gather(slab.at[slot, 1], [rows, ci])
            plsc.store_scatter(outT, [rows, icol], u * v)

    for p in range(_RING):
        fire(p, p)

    def group(g, carry):
        for p in range(_RING):
            i = g * _RING + p
            wait_pair(p)
            extract(p, i)
            @pl.when(i + _RING < _BPW)
            def _():
                fire(i + _RING, p)
        return carry

    lax.fori_loop(0, _BPW // _RING, group, 0)

    pltpu.sync_copy(outT, out_hbm.at[:, pl.ds(wid * _BPW, _BPW)])


@functools.partial(
    pl.kernel,
    out_type=jax.ShapeDtypeStruct((_D, _B), jnp.float32),
    mesh=plsc.VectorSubcoreMesh(core_axis_name="c", subcore_axis_name="s"),
    compiler_params=pltpu.CompilerParams(
        use_tc_tiling_on_sc=True, needs_layout_passes=False),
    scratch_types=[
        pltpu.VMEM((_NCHUNK, _CHUNK), jnp.int32),
        pltpu.VMEM((_NCHUNK, _CHUNK), jnp.int32),
        pltpu.VMEM((_RING, 2, _D, _CHUNK), jnp.float32),
        pltpu.VMEM((_D, _BPW), jnp.float32),
        [pltpu.SemaphoreType.DMA] * _RING,
    ],
)
def _gmf(uix_hbm, iix_hbm, ut_hbm, it_hbm, out_hbm,
         uidx_v, iidx_v, slab, outT, sems):
    _gmf_body(uix_hbm, iix_hbm, ut_hbm, it_hbm, out_hbm,
              uidx_v, iidx_v, slab, outT, sems)


def kernel(user, item, user_table, item_table):
    uix = user.astype(jnp.int32).reshape(_B // _CHUNK, _CHUNK)
    iix = item.astype(jnp.int32).reshape(_B // _CHUNK, _CHUNK)
    out_t = _gmf(uix, iix, user_table.T, item_table.T)
    return out_t.T

# --- scband reference (transcript-rebuilt; emitter-appended) ---
"""Pipeline reference for scband-gmf-14998025798441 (READ-ONLY COPY).

The authoritative reference and input builder live on the scoring server;
editing this copy changes nothing except your own understanding.
"""

import jax, jax.numpy as jnp
import numpy as np

NUM_USER = 1000000
NUM_ITEM = 1000000
NUM_FACTOR = 32
BATCH = 16384


def setup_inputs(seed: int = 0) -> dict:
    key = jax.random.key(seed)
    k1, k2, k3, k4 = jax.random.split(key, 4)
    user = jax.random.randint(k1, (BATCH,), 0, NUM_USER, dtype=jnp.int64 if jax.config.jax_enable_x64 else jnp.int32)
    item = jax.random.randint(k2, (BATCH,), 0, NUM_ITEM, dtype=jnp.int64 if jax.config.jax_enable_x64 else jnp.int32)
    user_table = jax.random.normal(k3, (NUM_USER, NUM_FACTOR), dtype=jnp.float32) * 0.01
    item_table = jax.random.normal(k4, (NUM_ITEM, NUM_FACTOR), dtype=jnp.float32) * 0.01
    return {"user": user, "item": item, "user_table": user_table, "item_table": item_table}


def reference(user, item, user_table, item_table):
    # user_embedding_GMF = self.user_embedding_GMF(user)
    user_embedding = jnp.take(user_table, user, axis=0)
    # item_embedding_GMF = self.item_embedding_GMF(item)
    item_embedding = jnp.take(item_table, item, axis=0)
    # GMF_layer = torch.mul(user_embedding_GMF, item_embedding_GMF)
    gmf_layer = user_embedding * item_embedding
    return gmf_layer

if __name__ == "__main__":
    import jax
    _d = setup_inputs()
    print(jax.jit(kernel)(*tuple(_d.values())))

</pallas_src>

<mosaic_0001>
#map = affine_map<(d0, d1) -> (0, 0)>
module attributes {stable_mosaic.version = 14 : i64} {
  func.func @_gmf(%arg0: i32, %arg1: i32, %arg2: memref<128x128xi32, #tpu.memory_space<hbm>>, %arg3: memref<128x128xi32, #tpu.memory_space<hbm>>, %arg4: memref<32x1000000xf32, #tpu.memory_space<hbm>>, %arg5: memref<32x1000000xf32, #tpu.memory_space<hbm>>, %arg6: memref<32x16384xf32, #tpu.memory_space<hbm>>, %arg7: memref<4x128xi32, #tpu.memory_space<vmem>>, %arg8: memref<4x128xi32, #tpu.memory_space<vmem>>, %arg9: memref<8x2x32x128xf32, #tpu.memory_space<vmem>>, %arg10: memref<32x512xf32, #tpu.memory_space<vmem>>, %arg11: memref<!tpu.dma_semaphore, #tpu.memory_space<semaphore_mem>>, %arg12: memref<!tpu.dma_semaphore, #tpu.memory_space<semaphore_mem>>, %arg13: memref<!tpu.dma_semaphore, #tpu.memory_space<semaphore_mem>>, %arg14: memref<!tpu.dma_semaphore, #tpu.memory_space<semaphore_mem>>, %arg15: memref<!tpu.dma_semaphore, #tpu.memory_space<semaphore_mem>>, %arg16: memref<!tpu.dma_semaphore, #tpu.memory_space<semaphore_mem>>, %arg17: memref<!tpu.dma_semaphore, #tpu.memory_space<semaphore_mem>>, %arg18: memref<!tpu.dma_semaphore, #tpu.memory_space<semaphore_mem>>) attributes {dimension_semantics = [#tpu.dimension_semantics<core_parallel>, #tpu.dimension_semantics<subcore_parallel>], iteration_bounds = array<i64: 2, 16>, scalar_prefetch = 0 : i64, scratch_operands = 12 : i64, tpu.core_type = #tpu.core_type<sc_vector_subcore>, window_params = [{transform_indices = #map}, {transform_indices = #map}, {transform_indices = #map}, {transform_indices = #map}, {transform_indices = #map}]} {
    %mul3A = arith.constant 2 : i32
    %mul3A_0 = arith.muli %arg1, %mul3A : i32
    %add3A = arith.addi %mul3A_0, %arg0 : i32
    %iota3A = tpu.iota {dimensions = array<i32: 0>} : vector<16xi32>
    %mul3A_1 = arith.constant 4 : i32
    %mul3A_2 = arith.muli %add3A, %mul3A_1 : i32
    "tpu.region"() ({
      %run_scoped3A = tpu.sem_alloc : memref<!tpu.dma_semaphore, #tpu.memory_space<semaphore_mem>>
      %dma_start3A_531 = arith.constant 0 : i32
      %dma_start3A_532 = tpu.memref_slice %arg2[%mul3A_2, %dma_start3A_531] : memref<128x128xi32, #tpu.memory_space<hbm>> -> memref<4x128xi32, #tpu.memory_space<hbm>>
      %dma_start3A_533 = arith.constant 0 : i32
      %dma_start3A_534 = tpu.memref_slice %arg2[%mul3A_2, %dma_start3A_533] : memref<128x128xi32, #tpu.memory_space<hbm>> -> memref<4x128xi32, #tpu.memory_space<hbm>>
      tpu.enqueue_dma source(%dma_start3A_534 : memref<4x128xi32, #tpu.memory_space<hbm>>) target(%arg7 : memref<4x128xi32, #tpu.memory_space<vmem>>) target_semaphore(%run_scoped3A : memref<!tpu.dma_semaphore, #tpu.memory_space<semaphore_mem>>)
      %dma_wait3A = arith.constant 0 : i32
      %dma_wait3A_535 = tpu.memref_slice %arg2[%mul3A_2, %dma_wait3A] : memref<128x128xi32, #tpu.memory_space<hbm>> -> memref<4x128xi32, #tpu.memory_space<hbm>>
      %dma_wait3A_536 = arith.constant 0 : i32
      %dma_wait3A_537 = tpu.memref_slice %arg2[%mul3A_2, %dma_wait3A_536] : memref<128x128xi32, #tpu.memory_space<hbm>> -> memref<4x128xi32, #tpu.memory_space<hbm>>
      tpu.wait_dma2 semaphore(%run_scoped3A : memref<!tpu.dma_semaphore, #tpu.memory_space<semaphore_mem>>) src(%dma_wait3A_537 : memref<4x128xi32, #tpu.memory_space<hbm>>) dst(%arg7 : memref<4x128xi32, #tpu.memory_space<vmem>>)
      tpu.yield
    }) : () -> ()
    %mul3A_3 = arith.constant 4 : i32
    %mul3A_4 = arith.muli %add3A, %mul3A_3 : i32
    "tpu.region"() ({
      %run_scoped3A = tpu.sem_alloc : memref<!tpu.dma_semaphore, #tpu.memory_space<semaphore_mem>>
      %dma_start3A_531 = arith.constant 0 : i32
      %dma_start3A_532 = tpu.memref_slice %arg3[%mul3A_4, %dma_start3A_531] : memref<128x128xi32, #tpu.memory_space<hbm>> -> memref<4x128xi32, #tpu.memory_space<hbm>>
      %dma_start3A_533 = arith.constant 0 : i32
      %dma_start3A_534 = tpu.memref_slice %arg3[%mul3A_4, %dma_start3A_533] : memref<128x128xi32, #tpu.memory_space<hbm>> -> memref<4x128xi32, #tpu.memory_space<hbm>>
      tpu.enqueue_dma source(%dma_start3A_534 : memref<4x128xi32, #tpu.memory_space<hbm>>) target(%arg8 : memref<4x128xi32, #tpu.memory_space<vmem>>) target_semaphore(%run_scoped3A : memref<!tpu.dma_semaphore, #tpu.memory_space<semaphore_mem>>)
      %dma_wait3A = arith.constant 0 : i32
      %dma_wait3A_535 = tpu.memref_slice %arg3[%mul3A_4, %dma_wait3A] : memref<128x128xi32, #tpu.memory_space<hbm>> -> memref<4x128xi32, #tpu.memory_space<hbm>>
      %dma_wait3A_536 = arith.constant 0 : i32
      %dma_wait3A_537 = tpu.memref_slice %arg3[%mul3A_4, %dma_wait3A_536] : memref<128x128xi32, #tpu.memory_space<hbm>> -> memref<4x128xi32, #tpu.memory_space<hbm>>
      tpu.wait_dma2 semaphore(%run_scoped3A : memref<!tpu.dma_semaphore, #tpu.memory_space<semaphore_mem>>) src(%dma_wait3A_537 : memref<4x128xi32, #tpu.memory_space<hbm>>) dst(%arg8 : memref<4x128xi32, #tpu.memory_space<vmem>>)
      tpu.yield
    }) : () -> ()
    %get3A = arith.constant 0 : i32
    %get3A_5 = arith.index_cast %get3A : i32 to index
    %get3A_6 = arith.constant 0 : index
    %get3A_7 = tpu.vector_load %arg7[%get3A_5, %get3A_6] {strides = array<i32>} : memref<4x128xi32, #tpu.memory_space<vmem>>, vector<16xi32>,
    %eq3A = arith.constant 0 : i32
    %eq3A_8 = vector.broadcast %eq3A : i32 to vector<16xi32>
    %eq3A_9 = arith.cmpi eq, %iota3A, %eq3A_8 : vector<16xi32>
    %jit3A = arith.constant 0 : i32
    %broadcast_in_dim3A = vector.broadcast %jit3A : i32 to vector<16xi32>
    %select_n3A = arith.select %eq3A_9, %get3A_7, %broadcast_in_dim3A : vector<16xi1>, vector<16xi32>
    %reduce_sum3A = arith.constant true
    %reduce_sum3A_10 = vector.broadcast %reduce_sum3A : i1 to vector<16xi1>
    %reduce_sum3A_11 = tpu.scan <sum>, %select_n3A masked %reduce_sum3A_10 : vector<16xi32>, vector<16xi1> -> vector<16xi32>
    %reduce_sum3A_12 = vector.extract %reduce_sum3A_11[15] : i32 from vector<16xi32>
    %get3A_13 = arith.constant 0 : i32
    %get3A_14 = arith.index_cast %get3A_13 : i32 to index
    %get3A_15 = arith.constant 0 : index
    %get3A_16 = tpu.vector_load %arg8[%get3A_14, %get3A_15] {strides = array<i32>} : memref<4x128xi32, #tpu.memory_space<vmem>>, vector<16xi32>,
    %eq3A_17 = arith.constant 0 : i32
    %eq3A_18 = vector.broadcast %eq3A_17 : i32 to vector<16xi32>
    %eq3A_19 = arith.cmpi eq, %iota3A, %eq3A_18 : vector<16xi32>
    %jit3A_20 = arith.constant 0 : i32
    %broadcast_in_dim3A_21 = vector.broadcast %jit3A_20 : i32 to vector<16xi32>
    %select_n3A_22 = arith.select %eq3A_19, %get3A_16, %broadcast_in_dim3A_21 : vector<16xi1>, vector<16xi32>
    %reduce_sum3A_23 = arith.constant true
    %reduce_sum3A_24 = vector.broadcast %reduce_sum3A_23 : i1 to vector<16xi1>
    %reduce_sum3A_25 = tpu.scan <sum>, %select_n3A_22 masked %reduce_sum3A_24 : vector<16xi32>, vector<16xi1> -> vector<16xi32>
    %reduce_sum3A_26 = vector.extract %reduce_sum3A_25[15] : i32 from vector<16xi32>
    %shift_right_arithmetic3A = arith.constant 7 : i32
    %shift_right_arithmetic3A_27 = arith.shrsi %reduce_sum3A_12, %shift_right_arithmetic3A : i32
    %mul3A_28 = arith.constant 128 : i32
    %mul3A_29 = arith.muli %shift_right_arithmetic3A_27, %mul3A_28 : i32
    %multiple_of3A = tpu.assume_multiple %mul3A_29, 128 : i32
    %shift_right_arithmetic3A_30 = arith.constant 7 : i32
    %shift_right_arithmetic3A_31 = arith.shrsi %reduce_sum3A_26, %shift_right_arithmetic3A_30 : i32
    %mul3A_32 = arith.constant 128 : i32
    %mul3A_33 = arith.muli %shift_right_arithmetic3A_31, %mul3A_32 : i32
    %multiple_of3A_34 = tpu.assume_multiple %mul3A_33, 128 : i32
    %dma_start3A = arith.constant 0 : i32
    %dma_start3A_35 = arith.constant 0 : i32
    %dma_start3A_36 = arith.constant 0 : i32
    %dma_start3A_37 = arith.constant 0 : i32
    %dma_start3A_38 = tpu.memref_slice %arg9[%dma_start3A, %dma_start3A_35, %dma_start3A_36, %dma_start3A_37] : memref<8x2x32x128xf32, #tpu.memory_space<vmem>> -> memref<1x1x32x128xf32, #tpu.memory_space<vmem>>
    %dma_start3A_39 = tpu.memref_squeeze %dma_start3A_38 : memref<1x1x32x128xf32, #tpu.memory_space<vmem>> -> memref<32x128xf32, #tpu.memory_space<vmem>>
    %dma_start3A_40 = arith.constant 0 : i32
    %dma_start3A_41 = tpu.memref_slice %arg4[%dma_start3A_40, %multiple_of3A] : memref<32x1000000xf32, #tpu.memory_space<hbm>> -> memref<32x128xf32, #tpu.memory_space<hbm>>
    %dma_start3A_42 = arith.constant 0 : i32
    %dma_start3A_43 = arith.constant 0 : i32
    %dma_start3A_44 = tpu.memref_slice %arg9[%dma_start3A, %dma_start3A_35, %dma_start3A_42, %dma_start3A_43] : memref<8x2x32x128xf32, #tpu.memory_space<vmem>> -> memref<1x1x32x128xf32, #tpu.memory_space<vmem>>
    %dma_start3A_45 = tpu.memref_squeeze %dma_start3A_44 : memref<1x1x32x128xf32, #tpu.memory_space<vmem>> -> memref<32x128xf32, #tpu.memory_space<vmem>>
    %dma_start3A_46 = arith.constant 0 : i32
    %dma_start3A_47 = tpu.memref_slice %arg4[%dma_start3A_46, %multiple_of3A] : memref<32x1000000xf32, #tpu.memory_space<hbm>> -> memref<32x128xf32, #tpu.memory_space<hbm>>
    tpu.enqueue_dma source(%dma_start3A_47 : memref<32x128xf32, #tpu.memory_space<hbm>>) target(%dma_start3A_45 : memref<32x128xf32, #tpu.memory_space<vmem>>) target_semaphore(%arg11 : memref<!tpu.dma_semaphore, #tpu.memory_space<semaphore_mem>>)
    %dma_start3A_48 = arith.constant 0 : i32
    %dma_start3A_49 = arith.constant 1 : i32
    %dma_start3A_50 = arith.constant 0 : i32
    %dma_start3A_51 = arith.constant 0 : i32
    %dma_start3A_52 = tpu.memref_slice %arg9[%dma_start3A_48, %dma_start3A_49, %dma_start3A_50, %dma_start3A_51] : memref<8x2x32x128xf32, #tpu.memory_space<vmem>> -> memref<1x1x32x128xf32, #tpu.memory_space<vmem>>
    %dma_start3A_53 = tpu.memref_squeeze %dma_start3A_52 : memref<1x1x32x128xf32, #tpu.memory_space<vmem>> -> memref<32x128xf32, #tpu.memory_space<vmem>>
    %dma_start3A_54 = arith.constant 0 : i32
    %dma_start3A_55 = tpu.memref_slice %arg5[%dma_start3A_54, %multiple_of3A_34] : memref<32x1000000xf32, #tpu.memory_space<hbm>> -> memref<32x128xf32, #tpu.memory_space<hbm>>
    %dma_start3A_56 = arith.constant 0 : i32
    %dma_start3A_57 = arith.constant 0 : i32
    %dma_start3A_58 = tpu.memref_slice %arg9[%dma_start3A_48, %dma_start3A_49, %dma_start3A_56, %dma_start3A_57] : memref<8x2x32x128xf32, #tpu.memory_space<vmem>> -> memref<1x1x32x128xf32, #tpu.memory_space<vmem>>
    %dma_start3A_59 = tpu.memref_squeeze %dma_start3A_58 : memref<1x1x32x128xf32, #tpu.memory_space<vmem>> -> memref<32x128xf32, #tpu.memory_space<vmem>>
    %dma_start3A_60 = arith.constant 0 : i32
    %dma_start3A_61 = tpu.memref_slice %arg5[%dma_start3A_60, %multiple_of3A_34] : memref<32x1000000xf32, #tpu.memory_space<hbm>> -> memref<32x128xf32, #tpu.memory_space<hbm>>
    tpu.enqueue_dma source(%dma_start3A_61 : memref<32x128xf32, #tpu.memory_space<hbm>>) target(%dma_start3A_59 : memref<32x128xf32, #tpu.memory_space<vmem>>) target_semaphore(%arg11 : memref<!tpu.dma_semaphore, #tpu.memory_space<semaphore_mem>>)
    %get3A_62 = arith.constant 0 : i32
    %get3A_63 = arith.index_cast %get3A_62 : i32 to index
    %get3A_64 = arith.constant 0 : index
    %get3A_65 = tpu.vector_load %arg7[%get3A_63, %get3A_64] {strides = array<i32>} : memref<4x128xi32, #tpu.memory_space<vmem>>, vector<16xi32>,
    %eq3A_66 = arith.constant 1 : i32
    %eq3A_67 = vector.broadcast %eq3A_66 : i32 to vector<16xi32>
    %eq3A_68 = arith.cmpi eq, %iota3A, %eq3A_67 : vector<16xi32>
    %jit3A_69 = arith.constant 0 : i32
    %broadcast_in_dim3A_70 = vector.broadcast %jit3A_69 : i32 to vector<16xi32>
    %select_n3A_71 = arith.select %eq3A_68, %get3A_65, %broadcast_in_dim3A_70 : vector<16xi1>, vector<16xi32>
    %reduce_sum3A_72 = arith.constant true
    %reduce_sum3A_73 = vector.broadcast %reduce_sum3A_72 : i1 to vector<16xi1>
    %reduce_sum3A_74 = tpu.scan <sum>, %select_n3A_71 masked %reduce_sum3A_73 : vector<16xi32>, vector<16xi1> -> vector<16xi32>
    %reduce_sum3A_75 = vector.extract %reduce_sum3A_74[15] : i32 from vector<16xi32>
    %get3A_76 = arith.constant 0 : i32
    %get3A_77 = arith.index_cast %get3A_76 : i32 to index
    %get3A_78 = arith.constant 0 : index
    %get3A_79 = tpu.vector_load %arg8[%get3A_77, %get3A_78] {strides = array<i32>} : memref<4x128xi32, #tpu.memory_space<vmem>>, vector<16xi32>,
    %eq3A_80 = arith.constant 1 : i32
    %eq3A_81 = vector.broadcast %eq3A_80 : i32 to vector<16xi32>
    %eq3A_82 = arith.cmpi eq, %iota3A, %eq3A_81 : vector<16xi32>
    %jit3A_83 = arith.constant 0 : i32
    %broadcast_in_dim3A_84 = vector.broadcast %jit3A_83 : i32 to vector<16xi32>
    %select_n3A_85 = arith.select %eq3A_82, %get3A_79, %broadcast_in_dim3A_84 : vector<16xi1>, vector<16xi32>
    %reduce_sum3A_86 = arith.constant true
    %reduce_sum3A_87 = vector.broadcast %reduce_sum3A_86 : i1 to vector<16xi1>
    %reduce_sum3A_88 = tpu.scan <sum>, %select_n3A_85 masked %reduce_sum3A_87 : vector<16xi32>, vector<16xi1> -> vector<16xi32>
    %reduce_sum3A_89 = vector.extract %reduce_sum3A_88[15] : i32 from vector<16xi32>
    %shift_right_arithmetic3A_90 = arith.constant 7 : i32
    %shift_right_arithmetic3A_91 = arith.shrsi %reduce_sum3A_75, %shift_right_arithmetic3A_90 : i32
    %mul3A_92 = arith.constant 128 : i32
    %mul3A_93 = arith.muli %shift_right_arithmetic3A_91, %mul3A_92 : i32
    %multiple_of3A_94 = tpu.assume_multiple %mul3A_93, 128 : i32
    %shift_right_arithmetic3A_95 = arith.constant 7 : i32
    %shift_right_arithmetic3A_96 = arith.shrsi %reduce_sum3A_89, %shift_right_arithmetic3A_95 : i32
    %mul3A_97 = arith.constant 128 : i32
    %mul3A_98 = arith.muli %shift_right_arithmetic3A_96, %mul3A_97 : i32
    %multiple_of3A_99 = tpu.assume_multiple %mul3A_98, 128 : i32
    %dma_start3A_100 = arith.constant 1 : i32
    %dma_start3A_101 = arith.constant 0 : i32
    %dma_start3A_102 = arith.constant 0 : i32
    %dma_start3A_103 = arith.constant 0 : i32
    %dma_start3A_104 = tpu.memref_slice %arg9[%dma_start3A_100, %dma_start3A_101, %dma_start3A_102, %dma_start3A_103] : memref<8x2x32x128xf32, #tpu.memory_space<vmem>> -> memref<1x1x32x128xf32, #tpu.memory_space<vmem>>
    %dma_start3A_105 = tpu.memref_squeeze %dma_start3A_104 : memref<1x1x32x128xf32, #tpu.memory_space<vmem>> -> memref<32x128xf32, #tpu.memory_space<vmem>>
    %dma_start3A_106 = arith.constant 0 : i32
    %dma_start3A_107 = tpu.memref_slice %arg4[%dma_start3A_106, %multiple_of3A_94] : memref<32x1000000xf32, #tpu.memory_space<hbm>> -> memref<32x128xf32, #tpu.memory_space<hbm>>
    %dma_start3A_108 = arith.constant 0 : i32
    %dma_start3A_109 = arith.constant 0 : i32
    %dma_start3A_110 = tpu.memref_slice %arg9[%dma_start3A_100, %dma_start3A_101, %dma_start3A_108, %dma_start3A_109] : memref<8x2x32x128xf32, #tpu.memory_space<vmem>> -> memref<1x1x32x128xf32, #tpu.memory_space<vmem>>
    %dma_start3A_111 = tpu.memref_squeeze %dma_start3A_110 : memref<1x1x32x128xf32, #tpu.memory_space<vmem>> -> memref<32x128xf32, #tpu.memory_space<vmem>>
    %dma_start3A_112 = arith.constant 0 : i32
    %dma_start3A_113 = tpu.memref_slice %arg4[%dma_start3A_112, %multiple_of3A_94] : memref<32x1000000xf32, #tpu.memory_space<hbm>> -> memref<32x128xf32, #tpu.memory_space<hbm>>
    tpu.enqueue_dma source(%dma_start3A_113 : memref<32x128xf32, #tpu.memory_space<hbm>>) target(%dma_start3A_111 : memref<32x128xf32, #tpu.memory_space<vmem>>) target_semaphore(%arg12 : memref<!tpu.dma_semaphore, #tpu.memory_space<semaphore_mem>>)
    %dma_start3A_114 = arith.constant 1 : i32
    %dma_start3A_115 = arith.constant 1 : i32
    %dma_start3A_116 = arith.constant 0 : i32
    %dma_start3A_117 = arith.constant 0 : i32
    %dma_start3A_118 = tpu.memref_slice %arg9[%dma_start3A_114, %dma_start3A_115, %dma_start3A_116, %dma_start3A_117] : memref<8x2x32x128xf32, #tpu.memory_space<vmem>> -> memref<1x1x32x128xf32, #tpu.memory_space<vmem>>
    %dma_start3A_119 = tpu.memref_squeeze %dma_start3A_118 : memref<1x1x32x128xf32, #tpu.memory_space<vmem>> -> memref<32x128xf32, #tpu.memory_space<vmem>>
    %dma_start3A_120 = arith.constant 0 : i32
    %dma_start3A_121 = tpu.memref_slice %arg5[%dma_start3A_120, %multiple_of3A_99] : memref<32x1000000xf32, #tpu.memory_space<hbm>> -> memref<32x128xf32, #tpu.memory_space<hbm>>
    %dma_start3A_122 = arith.constant 0 : i32
    %dma_start3A_123 = arith.constant 0 : i32
    %dma_start3A_124 = tpu.memref_slice %arg9[%dma_start3A_114, %dma_start3A_115, %dma_start3A_122, %dma_start3A_123] : memref<8x2x32x128xf32, #tpu.memory_space<vmem>> -> memref<1x1x32x128xf32, #tpu.memory_space<vmem>>
    %dma_start3A_125 = tpu.memref_squeeze %dma_start3A_124 : memref<1x1x32x128xf32, #tpu.memory_space<vmem>> -> memref<32x128xf32, #tpu.memory_space<vmem>>
    %dma_start3A_126 = arith.constant 0 : i32
    %dma_start3A_127 = tpu.memref_slice %arg5[%dma_start3A_126, %multiple_of3A_99] : memref<32x1000000xf32, #tpu.memory_space<hbm>> -> memref<32x128xf32, #tpu.memory_space<hbm>>
    tpu.enqueue_dma source(%dma_start3A_127 : memref<32x128xf32, #tpu.memory_space<hbm>>) target(%dma_start3A_125 : memref<32x128xf32, #tpu.memory_space<vmem>>) target_semaphore(%arg12 : memref<!tpu.dma_semaphore, #tpu.memory_space<semaphore_mem>>)
    %get3A_128 = arith.constant 0 : i32
    %get3A_129 = arith.index_cast %get3A_128 : i32 to index
    %get3A_130 = arith.constant 0 : index
    %get3A_131 = tpu.vector_load %arg7[%get3A_129, %get3A_130] {strides = array<i32>} : memref<4x128xi32, #tpu.memory_space<vmem>>, vector<16xi32>,
    %eq3A_132 = arith.constant 2 : i32
    %eq3A_133 = vector.broadcast %eq3A_132 : i32 to vector<16xi32>
    %eq3A_134 = arith.cmpi eq, %iota3A, %eq3A_133 : vector<16xi32>
    %jit3A_135 = arith.constant 0 : i32
    %broadcast_in_dim3A_136 = vector.broadcast %jit3A_135 : i32 to vector<16xi32>
    %select_n3A_137 = arith.select %eq3A_134, %get3A_131, %broadcast_in_dim3A_136 : vector<16xi1>, vector<16xi32>
    %reduce_sum3A_138 = arith.constant true
    %reduce_sum3A_139 = vector.broadcast %reduce_sum3A_138 : i1 to vector<16xi1>
    %reduce_sum3A_140 = tpu.scan <sum>, %select_n3A_137 masked %reduce_sum3A_139 : vector<16xi32>, vector<16xi1> -> vector<16xi32>
    %reduce_sum3A_141 = vector.extract %reduce_sum3A_140[15] : i32 from vector<16xi32>
    %get3A_142 = arith.constant 0 : i32
    %get3A_143 = arith.index_cast %get3A_142 : i32 to index
    %get3A_144 = arith.constant 0 : index
    %get3A_145 = tpu.vector_load %arg8[%get3A_143, %get3A_144] {strides = array<i32>} : memref<4x128xi32, #tpu.memory_space<vmem>>, vector<16xi32>,
    %eq3A_146 = arith.constant 2 : i32
    %eq3A_147 = vector.broadcast %eq3A_146 : i32 to vector<16xi32>
    %eq3A_148 = arith.cmpi eq, %iota3A, %eq3A_147 : vector<16xi32>
    %jit3A_149 = arith.constant 0 : i32
    %broadcast_in_dim3A_150 = vector.broadcast %jit3A_149 : i32 to vector<16xi32>
    %select_n3A_151 = arith.select %eq3A_148, %get3A_145, %broadcast_in_dim3A_150 : vector<16xi1>, vector<16xi32>
    %reduce_sum3A_152 = arith.constant true
    %reduce_sum3A_153 = vector.broadcast %reduce_sum3A_152 : i1 to vector<16xi1>
    %reduce_sum3A_154 = tpu.scan <sum>, %select_n3A_151 masked %reduce_sum3A_153 : vector<16xi32>, vector<16xi1> -> vector<16xi32>
    %reduce_sum3A_155 = vector.extract %reduce_sum3A_154[15] : i32 from vector<16xi32>
    %shift_right_arithmetic3A_156 = arith.constant 7 : i32
    %shift_right_arithmetic3A_157 = arith.shrsi %reduce_sum3A_141, %shift_right_arithmetic3A_156 : i32
    %mul3A_158 = arith.constant 128 : i32
    %mul3A_159 = arith.muli %shift_right_arithmetic3A_157, %mul3A_158 : i32
    %multiple_of3A_160 = tpu.assume_multiple %mul3A_159, 128 : i32
    %shift_right_arithmetic3A_161 = arith.constant 7 : i32
    %shift_right_arithmetic3A_162 = arith.shrsi %reduce_sum3A_155, %shift_right_arithmetic3A_161 : i32
    %mul3A_163 = arith.constant 128 : i32
    %mul3A_164 = arith.muli %shift_right_arithmetic3A_162, %mul3A_163 : i32
    %multiple_of3A_165 = tpu.assume_multiple %mul3A_164, 128 : i32
    %dma_start3A_166 = arith.constant 2 : i32
    %dma_start3A_167 = arith.constant 0 : i32
    %dma_start3A_168 = arith.constant 0 : i32
    %dma_start3A_169 = arith.constant 0 : i32
    %dma_start3A_170 = tpu.memref_slice %arg9[%dma_start3A_166, %dma_start3A_167, %dma_start3A_168, %dma_start3A_169] : memref<8x2x32x128xf32, #tpu.memory_space<vmem>> -> memref<1x1x32x128xf32, #tpu.memory_space<vmem>>
    %dma_start3A_171 = tpu.memref_squeeze %dma_start3A_170 : memref<1x1x32x128xf32, #tpu.memory_space<vmem>> -> memref<32x128xf32, #tpu.memory_space<vmem>>
    %dma_start3A_172 = arith.constant 0 : i32
    %dma_start3A_173 = tpu.memref_slice %arg4[%dma_start3A_172, %multiple_of3A_160] : memref<32x1000000xf32, #tpu.memory_space<hbm>> -> memref<32x128xf32, #tpu.memory_space<hbm>>
    %dma_start3A_174 = arith.constant 0 : i32
    %dma_start3A_175 = arith.constant 0 : i32
    %dma_start3A_176 = tpu.memref_slice %arg9[%dma_start3A_166, %dma_start3A_167, %dma_start3A_174, %dma_start3A_175] : memref<8x2x32x128xf32, #tpu.memory_space<vmem>> -> memref<1x1x32x128xf32, #tpu.memory_space<vmem>>
    %dma_start3A_177 = tpu.memref_squeeze %dma_start3A_176 : memref<1x1x32x128xf32, #tpu.memory_space<vmem>> -> memref<32x128xf32, #tpu.memory_space<vmem>>
    %dma_start3A_178 = arith.constant 0 : i32
    %dma_start3A_179 = tpu.memref_slice %arg4[%dma_start3A_178, %multiple_of3A_160] : memref<32x1000000xf32, #tpu.memory_space<hbm>> -> memref<32x128xf32, #tpu.memory_space<hbm>>
    tpu.enqueue_dma source(%dma_start3A_179 : memref<32x128xf32, #tpu.memory_space<hbm>>) target(%dma_start3A_177 : memref<32x128xf32, #tpu.memory_space<vmem>>) target_semaphore(%arg13 : memref<!tpu.dma_semaphore, #tpu.memory_space<semaphore_mem>>)
    %dma_start3A_180 = arith.constant 2 : i32
    %dma_start3A_181 = arith.constant 1 : i32
    %dma_start3A_182 = arith.constant 0 : i32
    %dma_start3A_183 = arith.constant 0 : i32
    %dma_start3A_184 = tpu.memref_slice %arg9[%dma_start3A_180, %dma_start3A_181, %dma_start3A_182, %dma_start3A_183] : memref<8x2x32x128xf32, #tpu.memory_space<vmem>> -> memref<1x1x32x128xf32, #tpu.memory_space<vmem>>
    %dma_start3A_185 = tpu.memref_squeeze %dma_start3A_184 : memref<1x1x32x128xf32, #tpu.memory_space<vmem>> -> memref<32x128xf32, #tpu.memory_space<vmem>>
    %dma_start3A_186 = arith.constant 0 : i32
    %dma_start3A_187 = tpu.memref_slice %arg5[%dma_start3A_186, %multiple_of3A_165] : memref<32x1000000xf32, #tpu.memory_space<hbm>> -> memref<32x128xf32, #tpu.memory_space<hbm>>
    %dma_start3A_188 = arith.constant 0 : i32
    %dma_start3A_189 = arith.constant 0 : i32
    %dma_start3A_190 = tpu.memref_slice %arg9[%dma_start3A_180, %dma_start3A_181, %dma_start3A_188, %dma_start3A_189] : memref<8x2x32x128xf32, #tpu.memory_space<vmem>> -> memref<1x1x32x128xf32, #tpu.memory_space<vmem>>
    %dma_start3A_191 = tpu.memref_squeeze %dma_start3A_190 : memref<1x1x32x128xf32, #tpu.memory_space<vmem>> -> memref<32x128xf32, #tpu.memory_space<vmem>>
    %dma_start3A_192 = arith.constant 0 : i32
    %dma_start3A_193 = tpu.memref_slice %arg5[%dma_start3A_192, %multiple_of3A_165] : memref<32x1000000xf32, #tpu.memory_space<hbm>> -> memref<32x128xf32, #tpu.memory_space<hbm>>
    tpu.enqueue_dma source(%dma_start3A_193 : memref<32x128xf32, #tpu.memory_space<hbm>>) target(%dma_start3A_191 : memref<32x128xf32, #tpu.memory_space<vmem>>) target_semaphore(%arg13 : memref<!tpu.dma_semaphore, #tpu.memory_space<semaphore_mem>>)
    %get3A_194 = arith.constant 0 : i32
    %get3A_195 = arith.index_cast %get3A_194 : i32 to index
    %get3A_196 = arith.constant 0 : index
    %get3A_197 = tpu.vector_load %arg7[%get3A_195, %get3A_196] {strides = array<i32>} : memref<4x128xi32, #tpu.memory_space<vmem>>, vector<16xi32>,
    %eq3A_198 = arith.constant 3 : i32
    %eq3A_199 = vector.broadcast %eq3A_198 : i32 to vector<16xi32>
    %eq3A_200 = arith.cmpi eq, %iota3A, %eq3A_199 : vector<16xi32>
    %jit3A_201 = arith.constant 0 : i32
    %broadcast_in_dim3A_202 = vector.broadcast %jit3A_201 : i32 to vector<16xi32>
    %select_n3A_203 = arith.select %eq3A_200, %get3A_197, %broadcast_in_dim3A_202 : vector<16xi1>, vector<16xi32>
    %reduce_sum3A_204 = arith.constant true
    %reduce_sum3A_205 = vector.broadcast %reduce_sum3A_204 : i1 to vector<16xi1>
    %reduce_sum3A_206 = tpu.scan <sum>, %select_n3A_203 masked %reduce_sum3A_205 : vector<16xi32>, vector<16xi1> -> vector<16xi32>
    %reduce_sum3A_207 = vector.extract %reduce_sum3A_206[15] : i32 from vector<16xi32>
    %get3A_208 = arith.constant 0 : i32
    %get3A_209 = arith.index_cast %get3A_208 : i32 to index
    %get3A_210 = arith.constant 0 : index
    %get3A_211 = tpu.vector_load %arg8[%get3A_209, %get3A_210] {strides = array<i32>} : memref<4x128xi32, #tpu.memory_space<vmem>>, vector<16xi32>,
    %eq3A_212 = arith.constant 3 : i32
    %eq3A_213 = vector.broadcast %eq3A_212 : i32 to vector<16xi32>
    %eq3A_214 = arith.cmpi eq, %iota3A, %eq3A_213 : vector<16xi32>
    %jit3A_215 = arith.constant 0 : i32
    %broadcast_in_dim3A_216 = vector.broadcast %jit3A_215 : i32 to vector<16xi32>
    %select_n3A_217 = arith.select %eq3A_214, %get3A_211, %broadcast_in_dim3A_216 : vector<16xi1>, vector<16xi32>
    %reduce_sum3A_218 = arith.constant true
    %reduce_sum3A_219 = vector.broadcast %reduce_sum3A_218 : i1 to vector<16xi1>
    %reduce_sum3A_220 = tpu.scan <sum>, %select_n3A_217 masked %reduce_sum3A_219 : vector<16xi32>, vector<16xi1> -> vector<16xi32>
    %reduce_sum3A_221 = vector.extract %reduce_sum3A_220[15] : i32 from vector<16xi32>
    %shift_right_arithmetic3A_222 = arith.constant 7 : i32
    %shift_right_arithmetic3A_223 = arith.shrsi %reduce_sum3A_207, %shift_right_arithmetic3A_222 : i32
    %mul3A_224 = arith.constant 128 : i32
    %mul3A_225 = arith.muli %shift_right_arithmetic3A_223, %mul3A_224 : i32
    %multiple_of3A_226 = tpu.assume_multiple %mul3A_225, 128 : i32
    %shift_right_arithmetic3A_227 = arith.constant 7 : i32
    %shift_right_arithmetic3A_228 = arith.shrsi %reduce_sum3A_221, %shift_right_arithmetic3A_227 : i32
    %mul3A_229 = arith.constant 128 : i32
    %mul3A_230 = arith.muli %shift_right_arithmetic3A_228, %mul3A_229 : i32
    %multiple_of3A_231 = tpu.assume_multiple %mul3A_230, 128 : i32
    %dma_start3A_232 = arith.constant 3 : i32
    %dma_start3A_233 = arith.constant 0 : i32
    %dma_start3A_234 = arith.constant 0 : i32
    %dma_start3A_235 = arith.constant 0 : i32
    %dma_start3A_236 = tpu.memref_slice %arg9[%dma_start3A_232, %dma_start3A_233, %dma_start3A_234, %dma_start3A_235] : memref<8x2x32x128xf32, #tpu.memory_space<vmem>> -> memref<1x1x32x128xf32, #tpu.memory_space<vmem>>
    %dma_start3A_237 = tpu.memref_squeeze %dma_start3A_236 : memref<1x1x32x128xf32, #tpu.memory_space<vmem>> -> memref<32x128xf32, #tpu.memory_space<vmem>>
    %dma_start3A_238 = arith.constant 0 : i32
    %dma_start3A_239 = tpu.memref_slice %arg4[%dma_start3A_238, %multiple_of3A_226] : memref<32x1000000xf32, #tpu.memory_space<hbm>> -> memref<32x128xf32, #tpu.memory_space<hbm>>
    %dma_start3A_240 = arith.constant 0 : i32
    %dma_start3A_241 = arith.constant 0 : i32
    %dma_start3A_242 = tpu.memref_slice %arg9[%dma_start3A_232, %dma_start3A_233, %dma_start3A_240, %dma_start3A_241] : memref<8x2x32x128xf32, #tpu.memory_space<vmem>> -> memref<1x1x32x128xf32, #tpu.memory_space<vmem>>
    %dma_start3A_243 = tpu.memref_squeeze %dma_start3A_242 : memref<1x1x32x128xf32, #tpu.memory_space<vmem>> -> memref<32x128xf32, #tpu.memory_space<vmem>>
    %dma_start3A_244 = arith.constant 0 : i32
    %dma_start3A_245 = tpu.memref_slice %arg4[%dma_start3A_244, %multiple_of3A_226] : memref<32x1000000xf32, #tpu.memory_space<hbm>> -> memref<32x128xf32, #tpu.memory_space<hbm>>
    tpu.enqueue_dma source(%dma_start3A_245 : memref<32x128xf32, #tpu.memory_space<hbm>>) target(%dma_start3A_243 : memref<32x128xf32, #tpu.memory_space<vmem>>) target_semaphore(%arg14 : memref<!tpu.dma_semaphore, #tpu.memory_space<semaphore_mem>>)
    %dma_start3A_246 = arith.constant 3 : i32
    %dma_start3A_247 = arith.constant 1 : i32
    %dma_start3A_248 = arith.constant 0 : i32
    %dma_start3A_249 = arith.constant 0 : i32
    %dma_start3A_250 = tpu.memref_slice %arg9[%dma_start3A_246, %dma_start3A_247, %dma_start3A_248, %dma_start3A_249] : memref<8x2x32x128xf32, #tpu.memory_space<vmem>> -> memref<1x1x32x128xf32, #tpu.memory_space<vmem>>
    %dma_start3A_251 = tpu.memref_squeeze %dma_start3A_250 : memref<1x1x32x128xf32, #tpu.memory_space<vmem>> -> memref<32x128xf32, #tpu.memory_space<vmem>>
    %dma_start3A_252 = arith.constant 0 : i32
    %dma_start3A_253 = tpu.memref_slice %arg5[%dma_start3A_252, %multiple_of3A_231] : memref<32x1000000xf32, #tpu.memory_space<hbm>> -> memref<32x128xf32, #tpu.memory_space<hbm>>
    %dma_start3A_254 = arith.constant 0 : i32
    %dma_start3A_255 = arith.constant 0 : i32
    %dma_start3A_256 = tpu.memref_slice %arg9[%dma_start3A_246, %dma_start3A_247, %dma_start3A_254, %dma_start3A_255] : memref<8x2x32x128xf32, #tpu.memory_space<vmem>> -> memref<1x1x32x128xf32, #tpu.memory_space<vmem>>
    %dma_start3A_257 = tpu.memref_squeeze %dma_start3A_256 : memref<1x1x32x128xf32, #tpu.memory_space<vmem>> -> memref<32x128xf32, #tpu.memory_space<vmem>>
    %dma_start3A_258 = arith.constant 0 : i32
    %dma_start3A_259 = tpu.memref_slice %arg5[%dma_start3A_258, %multiple_of3A_231] : memref<32x1000000xf32, #tpu.memory_space<hbm>> -> memref<32x128xf32, #tpu.memory_space<hbm>>
    tpu.enqueue_dma source(%dma_start3A_259 : memref<32x128xf32, #tpu.memory_space<hbm>>) target(%dma_start3A_257 : memref<32x128xf32, #tpu.memory_space<vmem>>) target_semaphore(%arg14 : memref<!tpu.dma_semaphore, #tpu.memory_space<semaphore_mem>>)
    %get3A_260 = arith.constant 0 : i32
    %get3A_261 = arith.index_cast %get3A_260 : i32 to index
    %get3A_262 = arith.constant 0 : index
    %get3A_263 = tpu.vector_load %arg7[%get3A_261, %get3A_262] {strides = array<i32>} : memref<4x128xi32, #tpu.memory_space<vmem>>, vector<16xi32>,
    %eq3A_264 = arith.constant 4 : i32
    %eq3A_265 = vector.broadcast %eq3A_264 : i32 to vector<16xi32>
    %eq3A_266 = arith.cmpi eq, %iota3A, %eq3A_265 : vector<16xi32>
    %jit3A_267 = arith.constant 0 : i32
    %broadcast_in_dim3A_268 = vector.broadcast %jit3A_267 : i32 to vector<16xi32>
    %select_n3A_269 = arith.select %eq3A_266, %get3A_263, %broadcast_in_dim3A_268 : vector<16xi1>, vector<16xi32>
    %reduce_sum3A_270 = arith.constant true
    %reduce_sum3A_271 = vector.broadcast %reduce_sum3A_270 : i1 to vector<16xi1>
    %reduce_sum3A_272 = tpu.scan <sum>, %select_n3A_269 masked %reduce_sum3A_271 : vector<16xi32>, vector<16xi1> -> vector<16xi32>
    %reduce_sum3A_273 = vector.extract %reduce_sum3A_272[15] : i32 from vector<16xi32>
    %get3A_274 = arith.constant 0 : i32
    %get3A_275 = arith.index_cast %get3A_274 : i32 to index
    %get3A_276 = arith.constant 0 : index
    %get3A_277 = tpu.vector_load %arg8[%get3A_275, %get3A_276] {strides = array<i32>} : memref<4x128xi32, #tpu.memory_space<vmem>>, vector<16xi32>,
    %eq3A_278 = arith.constant 4 : i32
    %eq3A_279 = vector.broadcast %eq3A_278 : i32 to vector<16xi32>
    %eq3A_280 = arith.cmpi eq, %iota3A, %eq3A_279 : vector<16xi32>
    %jit3A_281 = arith.constant 0 : i32
    %broadcast_in_dim3A_282 = vector.broadcast %jit3A_281 : i32 to vector<16xi32>
    %select_n3A_283 = arith.select %eq3A_280, %get3A_277, %broadcast_in_dim3A_282 : vector<16xi1>, vector<16xi32>
    %reduce_sum3A_284 = arith.constant true
    %reduce_sum3A_285 = vector.broadcast %reduce_sum3A_284 : i1 to vector<16xi1>
    %reduce_sum3A_286 = tpu.scan <sum>, %select_n3A_283 masked %reduce_sum3A_285 : vector<16xi32>, vector<16xi1> -> vector<16xi32>
    %reduce_sum3A_287 = vector.extract %reduce_sum3A_286[15] : i32 from vector<16xi32>
    %shift_right_arithmetic3A_288 = arith.constant 7 : i32
    %shift_right_arithmetic3A_289 = arith.shrsi %reduce_sum3A_273, %shift_right_arithmetic3A_288 : i32
    %mul3A_290 = arith.constant 128 : i32
    %mul3A_291 = arith.muli %shift_right_arithmetic3A_289, %mul3A_290 : i32
    %multiple_of3A_292 = tpu.assume_multiple %mul3A_291, 128 : i32
    %shift_right_arithmetic3A_293 = arith.constant 7 : i32
    %shift_right_arithmetic3A_294 = arith.shrsi %reduce_sum3A_287, %shift_right_arithmetic3A_293 : i32
    %mul3A_295 = arith.constant 128 : i32
    %mul3A_296 = arith.muli %shift_right_arithmetic3A_294, %mul3A_295 : i32
    %multiple_of3A_297 = tpu.assume_multiple %mul3A_296, 128 : i32
    %dma_start3A_298 = arith.constant 4 : i32
    %dma_start3A_299 = arith.constant 0 : i32
    %dma_start3A_300 = arith.constant 0 : i32
    %dma_start3A_301 = arith.constant 0 : i32
    %dma_start3A_302 = tpu.memref_slice %arg9[%dma_start3A_298, %dma_start3A_299, %dma_start3A_300, %dma_start3A_301] : memref<8x2x32x128xf32, #tpu.memory_space<vmem>> -> memref<1x1x32x128xf32, #tpu.memory_space<vmem>>
    %dma_start3A_303 = tpu.memref_squeeze %dma_start3A_302 : memref<1x1x32x128xf32, #tpu.memory_space<vmem>> -> memref<32x128xf32, #tpu.memory_space<vmem>>
    %dma_start3A_304 = arith.constant 0 : i32
    %dma_start3A_305 = tpu.memref_slice %arg4[%dma_start3A_304, %multiple_of3A_292] : memref<32x1000000xf32, #tpu.memory_space<hbm>> -> memref<32x128xf32, #tpu.memory_space<hbm>>
    %dma_start3A_306 = arith.constant 0 : i32
    %dma_start3A_307 = arith.constant 0 : i32
    %dma_start3A_308 = tpu.memref_slice %arg9[%dma_start3A_298, %dma_start3A_299, %dma_start3A_306, %dma_start3A_307] : memref<8x2x32x128xf32, #tpu.memory_space<vmem>> -> memref<1x1x32x128xf32, #tpu.memory_space<vmem>>
    %dma_start3A_309 = tpu.memref_squeeze %dma_start3A_308 : memref<1x1x32x128xf32, #tpu.memory_space<vmem>> -> memref<32x128xf32, #tpu.memory_space<vmem>>
    %dma_start3A_310 = arith.constant 0 : i32
    %dma_start3A_311 = tpu.memref_slice %arg4[%dma_start3A_310, %multiple_of3A_292] : memref<32x1000000xf32, #tpu.memory_space<hbm>> -> memref<32x128xf32, #tpu.memory_space<hbm>>
    tpu.enqueue_dma source(%dma_start3A_311 : memref<32x128xf32, #tpu.memory_space<hbm>>) target(%dma_start3A_309 : memref<32x128xf32, #tpu.memory_space<vmem>>) target_semaphore(%arg15 : memref<!tpu.dma_semaphore, #tpu.memory_space<semaphore_mem>>)
    %dma_start3A_312 = arith.constant 4 : i32
    %dma_start3A_313 = arith.constant 1 : i32
    %dma_start3A_314 = arith.constant 0 : i32
    %dma_start3A_315 = arith.constant 0 : i32
    %dma_start3A_316 = tpu.memref_slice %arg9[%dma_start3A_312, %dma_start3A_313, %dma_start3A_314, %dma_start3A_315] : memref<8x2x32x128xf32, #tpu.memory_space<vmem>> -> memref<1x1x32x128xf32, #tpu.memory_space<vmem>>
    %dma_start3A_317 = tpu.memref_squeeze %dma_start3A_316 : memref<1x1x32x128xf32, #tpu.memory_space<vmem>> -> memref<32x128xf32, #tpu.memory_space<vmem>>
    %dma_start3A_318 = arith.constant 0 : i32
    %dma_start3A_319 = tpu.memref_slice %arg5[%dma_start3A_318, %multiple_of3A_297] : memref<32x1000000xf32, #tpu.memory_space<hbm>> -> memref<32x128xf32, #tpu.memory_space<hbm>>
    %dma_start3A_320 = arith.constant 0 : i32
    %dma_start3A_321 = arith.constant 0 : i32
    %dma_start3A_322 = tpu.memref_slice %arg9[%dma_start3A_312, %dma_start3A_313, %dma_start3A_320, %dma_start3A_321] : memref<8x2x32x128xf32, #tpu.memory_space<vmem>> -> memref<1x1x32x128xf32, #tpu.memory_space<vmem>>
    %dma_start3A_323 = tpu.memref_squeeze %dma_start3A_322 : memref<1x1x32x128xf32, #tpu.memory_space<vmem>> -> memref<32x128xf32, #tpu.memory_space<vmem>>
    %dma_start3A_324 = arith.constant 0 : i32
    %dma_start3A_325 = tpu.memref_slice %arg5[%dma_start3A_324, %multiple_of3A_297] : memref<32x1000000xf32, #tpu.memory_space<hbm>> -> memref<32x128xf32, #tpu.memory_space<hbm>>
    tpu.enqueue_dma source(%dma_start3A_325 : memref<32x128xf32, #tpu.memory_space<hbm>>) target(%dma_start3A_323 : memref<32x128xf32, #tpu.memory_space<vmem>>) target_semaphore(%arg15 : memref<!tpu.dma_semaphore, #tpu.memory_space<semaphore_mem>>)
    %get3A_326 = arith.constant 0 : i32
    %get3A_327 = arith.index_cast %get3A_326 : i32 to index
    %get3A_328 = arith.constant 0 : index
    %get3A_329 = tpu.vector_load %arg7[%get3A_327, %get3A_328] {strides = array<i32>} : memref<4x128xi32, #tpu.memory_space<vmem>>, vector<16xi32>,
    %eq3A_330 = arith.constant 5 : i32
    %eq3A_331 = vector.broadcast %eq3A_330 : i32 to vector<16xi32>
    %eq3A_332 = arith.cmpi eq, %iota3A, %eq3A_331 : vector<16xi32>
    %jit3A_333 = arith.constant 0 : i32
    %broadcast_in_dim3A_334 = vector.broadcast %jit3A_333 : i32 to vector<16xi32>
    %select_n3A_335 = arith.select %eq3A_332, %get3A_329, %broadcast_in_dim3A_334 : vector<16xi1>, vector<16xi32>
    %reduce_sum3A_336 = arith.constant true
    %reduce_sum3A_337 = vector.broadcast %reduce_sum3A_336 : i1 to vector<16xi1>
    %reduce_sum3A_338 = tpu.scan <sum>, %select_n3A_335 masked %reduce_sum3A_337 : vector<16xi32>, vector<16xi1> -> vector<16xi32>
    %reduce_sum3A_339 = vector.extract %reduce_sum3A_338[15] : i32 from vector<16xi32>
    %get3A_340 = arith.constant 0 : i32
    %get3A_341 = arith.index_cast %get3A_340 : i32 to index
    %get3A_342 = arith.constant 0 : index
    %get3A_343 = tpu.vector_load %arg8[%get3A_341, %get3A_342] {strides = array<i32>} : memref<4x128xi32, #tpu.memory_space<vmem>>, vector<16xi32>,
    %eq3A_344 = arith.constant 5 : i32
    %eq3A_345 = vector.broadcast %eq3A_344 : i32 to vector<16xi32>
    %eq3A_346 = arith.cmpi eq, %iota3A, %eq3A_345 : vector<16xi32>
    %jit3A_347 = arith.constant 0 : i32
    %broadcast_in_dim3A_348 = vector.broadcast %jit3A_347 : i32 to vector<16xi32>
    %select_n3A_349 = arith.select %eq3A_346, %get3A_343, %broadcast_in_dim3A_348 : vector<16xi1>, vector<16xi32>
    %reduce_sum3A_350 = arith.constant true
    %reduce_sum3A_351 = vector.broadcast %reduce_sum3A_350 : i1 to vector<16xi1>
    %reduce_sum3A_352 = tpu.scan <sum>, %select_n3A_349 masked %reduce_sum3A_351 : vector<16xi32>, vector<16xi1> -> vector<16xi32>
    %reduce_sum3A_353 = vector.extract %reduce_sum3A_352[15] : i32 from vector<16xi32>
    %shift_right_arithmetic3A_354 = arith.constant 7 : i32
    %shift_right_arithmetic3A_355 = arith.shrsi %reduce_sum3A_339, %shift_right_arithmetic3A_354 : i32
    %mul3A_356 = arith.constant 128 : i32
    %mul3A_357 = arith.muli %shift_right_arithmetic3A_355, %mul3A_356 : i32
    %multiple_of3A_358 = tpu.assume_multiple %mul3A_357, 128 : i32
    %shift_right_arithmetic3A_359 = arith.constant 7 : i32
    %shift_right_arithmetic3A_360 = arith.shrsi %reduce_sum3A_353, %shift_right_arithmetic3A_359 : i32
    %mul3A_361 = arith.constant 128 : i32
    %mul3A_362 = arith.muli %shift_right_arithmetic3A_360, %mul3A_361 : i32
    %multiple_of3A_363 = tpu.assume_multiple %mul3A_362, 128 : i32
    %dma_start3A_364 = arith.constant 5 : i32
    %dma_start3A_365 = arith.constant 0 : i32
    %dma_start3A_366 = arith.constant 0 : i32
    %dma_start3A_367 = arith.constant 0 : i32
    %dma_start3A_368 = tpu.memref_slice %arg9[%dma_start3A_364, %dma_start3A_365, %dma_start3A_366, %dma_start3A_367] : memref<8x2x32x128xf32, #tpu.memory_space<vmem>> -> memref<1x1x32x128xf32, #tpu.memory_space<vmem>>
    %dma_start3A_369 = tpu.memref_squeeze %dma_start3A_368 : memref<1x1x32x128xf32, #tpu.memory_space<vmem>> -> memref<32x128xf32, #tpu.memory_space<vmem>>
    %dma_start3A_370 = arith.constant 0 : i32
    %dma_start3A_371 = tpu.memref_slice %arg4[%dma_start3A_370, %multiple_of3A_358] : memref<32x1000000xf32, #tpu.memory_space<hbm>> -> memref<32x128xf32, #tpu.memory_space<hbm>>
    %dma_start3A_372 = arith.constant 0 : i32
    %dma_start3A_373 = arith.constant 0 : i32
    %dma_start3A_374 = tpu.memref_slice %arg9[%dma_start3A_364, %dma_start3A_365, %dma_start3A_372, %dma_start3A_373] : memref<8x2x32x128xf32, #tpu.memory_space<vmem>> -> memref<1x1x32x128xf32, #tpu.memory_space<vmem>>
    %dma_start3A_375 = tpu.memref_squeeze %dma_start3A_374 : memref<1x1x32x128xf32, #tpu.memory_space<vmem>> -> memref<32x128xf32, #tpu.memory_space<vmem>>
    %dma_start3A_376 = arith.constant 0 : i32
    %dma_start3A_377 = tpu.memref_slice %arg4[%dma_start3A_376, %multiple_of3A_358] : memref<32x1000000xf32, #tpu.memory_space<hbm>> -> memref<32x128xf32, #tpu.memory_space<hbm>>
    tpu.enqueue_dma source(%dma_start3A_377 : memref<32x128xf32, #tpu.memory_space<hbm>>) target(%dma_start3A_375 : memref<32x128xf32, #tpu.memory_space<vmem>>) target_semaphore(%arg16 : memref<!tpu.dma_semaphore, #tpu.memory_space<semaphore_mem>>)
    %dma_start3A_378 = arith.constant 5 : i32
    %dma_start3A_379 = arith.constant 1 : i32
    %dma_start3A_380 = arith.constant 0 : i32
    %dma_start3A_381 = arith.constant 0 : i32
    %dma_start3A_382 = tpu.memref_slice %arg9[%dma_start3A_378, %dma_start3A_379, %dma_start3A_380, %dma_start3A_381] : memref<8x2x32x128xf32, #tpu.memory_space<vmem>> -> memref<1x1x32x128xf32, #tpu.memory_space<vmem>>
    %dma_start3A_383 = tpu.memref_squeeze %dma_start3A_382 : memref<1x1x32x128xf32, #tpu.memory_space<vmem>> -> memref<32x128xf32, #tpu.memory_space<vmem>>
    %dma_start3A_384 = arith.constant 0 : i32
    %dma_start3A_385 = tpu.memref_slice %arg5[%dma_start3A_384, %multiple_of3A_363] : memref<32x1000000xf32, #tpu.memory_space<hbm>> -> memref<32x128xf32, #tpu.memory_space<hbm>>
    %dma_start3A_386 = arith.constant 0 : i32
    %dma_start3A_387 = arith.constant 0 : i32
    %dma_start3A_388 = tpu.memref_slice %arg9[%dma_start3A_378, %dma_start3A_379, %dma_start3A_386, %dma_start3A_387] : memref<8x2x32x128xf32, #tpu.memory_space<vmem>> -> memref<1x1x32x128xf32, #tpu.memory_space<vmem>>
    %dma_start3A_389 = tpu.memref_squeeze %dma_start3A_388 : memref<1x1x32x128xf32, #tpu.memory_space<vmem>> -> memref<32x128xf32, #tpu.memory_space<vmem>>
    %dma_start3A_390 = arith.constant 0 : i32
    %dma_start3A_391 = tpu.memref_slice %arg5[%dma_start3A_390, %multiple_of3A_363] : memref<32x1000000xf32, #tpu.memory_space<hbm>> -> memref<32x128xf32, #tpu.memory_space<hbm>>
    tpu.enqueue_dma source(%dma_start3A_391 : memref<32x128xf32, #tpu.memory_space<hbm>>) target(%dma_start3A_389 : memref<32x128xf32, #tpu.memory_space<vmem>>) target_semaphore(%arg16 : memref<!tpu.dma_semaphore, #tpu.memory_space<semaphore_mem>>)
    %get3A_392 = arith.constant 0 : i32
    %get3A_393 = arith.index_cast %get3A_392 : i32 to index
    %get3A_394 = arith.constant 0 : index
    %get3A_395 = tpu.vector_load %arg7[%get3A_393, %get3A_394] {strides = array<i32>} : memref<4x128xi32, #tpu.memory_space<vmem>>, vector<16xi32>,
    %eq3A_396 = arith.constant 6 : i32
    %eq3A_397 = vector.broadcast %eq3A_396 : i32 to vector<16xi32>
    %eq3A_398 = arith.cmpi eq, %iota3A, %eq3A_397 : vector<16xi32>
    %jit3A_399 = arith.constant 0 : i32
    %broadcast_in_dim3A_400 = vector.broadcast %jit3A_399 : i32 to vector<16xi32>
    %select_n3A_401 = arith.select %eq3A_398, %get3A_395, %broadcast_in_dim3A_400 : vector<16xi1>, vector<16xi32>
    %reduce_sum3A_402 = arith.constant true
    %reduce_sum3A_403 = vector.broadcast %reduce_sum3A_402 : i1 to vector<16xi1>
    %reduce_sum3A_404 = tpu.scan <sum>, %select_n3A_401 masked %reduce_sum3A_403 : vector<16xi32>, vector<16xi1> -> vector<16xi32>
    %reduce_sum3A_405 = vector.extract %reduce_sum3A_404[15] : i32 from vector<16xi32>
    %get3A_406 = arith.constant 0 : i32
    %get3A_407 = arith.index_cast %get3A_406 : i32 to index
    %get3A_408 = arith.constant 0 : index
    %get3A_409 = tpu.vector_load %arg8[%get3A_407, %get3A_408] {strides = array<i32>} : memref<4x128xi32, #tpu.memory_space<vmem>>, vector<16xi32>,
    %eq3A_410 = arith.constant 6 : i32
    %eq3A_411 = vector.broadcast %eq3A_410 : i32 to vector<16xi32>
    %eq3A_412 = arith.cmpi eq, %iota3A, %eq3A_411 : vector<16xi32>
    %jit3A_413 = arith.constant 0 : i32
    %broadcast_in_dim3A_414 = vector.broadcast %jit3A_413 : i32 to vector<16xi32>
    %select_n3A_415 = arith.select %eq3A_412, %get3A_409, %broadcast_in_dim3A_414 : vector<16xi1>, vector<16xi32>
    %reduce_sum3A_416 = arith.constant true
    %reduce_sum3A_417 = vector.broadcast %reduce_sum3A_416 : i1 to vector<16xi1>
    %reduce_sum3A_418 = tpu.scan <sum>, %select_n3A_415 masked %reduce_sum3A_417 : vector<16xi32>, vector<16xi1> -> vector<16xi32>
    %reduce_sum3A_419 = vector.extract %reduce_sum3A_418[15] : i32 from vector<16xi32>
    %shift_right_arithmetic3A_420 = arith.constant 7 : i32
    %shift_right_arithmetic3A_421 = arith.shrsi %reduce_sum3A_405, %shift_right_arithmetic3A_420 : i32
    %mul3A_422 = arith.constant 128 : i32
    %mul3A_423 = arith.muli %shift_right_arithmetic3A_421, %mul3A_422 : i32
    %multiple_of3A_424 = tpu.assume_multiple %mul3A_423, 128 : i32
    %shift_right_arithmetic3A_425 = arith.constant 7 : i32
    %shift_right_arithmetic3A_426 = arith.shrsi %reduce_sum3A_419, %shift_right_arithmetic3A_425 : i32
    %mul3A_427 = arith.constant 128 : i32
    %mul3A_428 = arith.muli %shift_right_arithmetic3A_426, %mul3A_427 : i32
    %multiple_of3A_429 = tpu.assume_multiple %mul3A_428, 128 : i32
    %dma_start3A_430 = arith.constant 6 : i32
    %dma_start3A_431 = arith.constant 0 : i32
    %dma_start3A_432 = arith.constant 0 : i32
    %dma_start3A_433 = arith.constant 0 : i32
    %dma_start3A_434 = tpu.memref_slice %arg9[%dma_start3A_430, %dma_start3A_431, %dma_start3A_432, %dma_start3A_433] : memref<8x2x32x128xf32, #tpu.memory_space<vmem>> -> memref<1x1x32x128xf32, #tpu.memory_space<vmem>>
    %dma_start3A_435 = tpu.memref_squeeze %dma_start3A_434 : memref<1x1x32x128xf32, #tpu.memory_space<vmem>> -> memref<32x128xf32, #tpu.memory_space<vmem>>
    %dma_start3A_436 = arith.constant 0 : i32
    %dma_start3A_437 = tpu.memref_slice %arg4[%dma_start3A_436, %multiple_of3A_424] : memref<32x1000000xf32, #tpu.memory_space<hbm>> -> memref<32x128xf32, #tpu.memory_space<hbm>>
    %dma_start3A_438 = arith.constant 0 : i32
    %dma_start3A_439 = arith.constant 0 : i32
    %dma_start3A_440 = tpu.memref_slice %arg9[%dma_start3A_430, %dma_start3A_431, %dma_start3A_438, %dma_start3A_439] : memref<8x2x32x128xf32, #tpu.memory_space<vmem>> -> memref<1x1x32x128xf32, #tpu.memory_space<vmem>>
    %dma_start3A_441 = tpu.memref_squeeze %dma_start3A_440 : memref<1x1x32x128xf32, #tpu.memory_space<vmem>> -> memref<32x128xf32, #tpu.memory_space<vmem>>
    %dma_start3A_442 = arith.constant 0 : i32
    %dma_start3A_443 = tpu.memref_slice %arg4[%dma_start3A_442, %multiple_of3A_424] : memref<32x1000000xf32, #tpu.memory_space<hbm>> -> memref<32x128xf32, #tpu.memory_space<hbm>>
    tpu.enqueue_dma source(%dma_start3A_443 : memref<32x128xf32, #tpu.memory_space<hbm>>) target(%dma_start3A_441 : memref<32x128xf32, #tpu.memory_space<vmem>>) target_semaphore(%arg17 : memref<!tpu.dma_semaphore, #tpu.memory_space<semaphore_mem>>)
    %dma_start3A_444 = arith.constant 6 : i32
    %dma_start3A_445 = arith.constant 1 : i32
    %dma_start3A_446 = arith.constant 0 : i32
    %dma_start3A_447 = arith.constant 0 : i32
    %dma_start3A_448 = tpu.memref_slice %arg9[%dma_start3A_444, %dma_start3A_445, %dma_start3A_446, %dma_start3A_447] : memref<8x2x32x128xf32, #tpu.memory_space<vmem>> -> memref<1x1x32x128xf32, #tpu.memory_space<vmem>>
    %dma_start3A_449 = tpu.memref_squeeze %dma_start3A_448 : memref<1x1x32x128xf32, #tpu.memory_space<vmem>> -> memref<32x128xf32, #tpu.memory_space<vmem>>
    %dma_start3A_450 = arith.constant 0 : i32
    %dma_start3A_451 = tpu.memref_slice %arg5[%dma_start3A_450, %multiple_of3A_429] : memref<32x1000000xf32, #tpu.memory_space<hbm>> -> memref<32x128xf32, #tpu.memory_space<hbm>>
    %dma_start3A_452 = arith.constant 0 : i32
    %dma_start3A_453 = arith.constant 0 : i32
    %dma_start3A_454 = tpu.memref_slice %arg9[%dma_start3A_444, %dma_start3A_445, %dma_start3A_452, %dma_start3A_453] : memref<8x2x32x128xf32, #tpu.memory_space<vmem>> -> memref<1x1x32x128xf32, #tpu.memory_space<vmem>>
    %dma_start3A_455 = tpu.memref_squeeze %dma_start3A_454 : memref<1x1x32x128xf32, #tpu.memory_space<vmem>> -> memref<32x128xf32, #tpu.memory_space<vmem>>
    %dma_start3A_456 = arith.constant 0 : i32
    %dma_start3A_457 = tpu.memref_slice %arg5[%dma_start3A_456, %multiple_of3A_429] : memref<32x1000000xf32, #tpu.memory_space<hbm>> -> memref<32x128xf32, #tpu.memory_space<hbm>>
    tpu.enqueue_dma source(%dma_start3A_457 : memref<32x128xf32, #tpu.memory_space<hbm>>) target(%dma_start3A_455 : memref<32x128xf32, #tpu.memory_space<vmem>>) target_semaphore(%arg17 : memref<!tpu.dma_semaphore, #tpu.memory_space<semaphore_mem>>)
    %get3A_458 = arith.constant 0 : i32
    %get3A_459 = arith.index_cast %get3A_458 : i32 to index
    %get3A_460 = arith.constant 0 : index
    %get3A_461 = tpu.vector_load %arg7[%get3A_459, %get3A_460] {strides = array<i32>} : memref<4x128xi32, #tpu.memory_space<vmem>>, vector<16xi32>,
    %eq3A_462 = arith.constant 7 : i32
    %eq3A_463 = vector.broadcast %eq3A_462 : i32 to vector<16xi32>
    %eq3A_464 = arith.cmpi eq, %iota3A, %eq3A_463 : vector<16xi32>
    %jit3A_465 = arith.constant 0 : i32
    %broadcast_in_dim3A_466 = vector.broadcast %jit3A_465 : i32 to vector<16xi32>
    %select_n3A_467 = arith.select %eq3A_464, %get3A_461, %broadcast_in_dim3A_466 : vector<16xi1>, vector<16xi32>
    %reduce_sum3A_468 = arith.constant true
    %reduce_sum3A_469 = vector.broadcast %reduce_sum3A_468 : i1 to vector<16xi1>
    %reduce_sum3A_470 = tpu.scan <sum>, %select_n3A_467 masked %reduce_sum3A_469 : vector<16xi32>, vector<16xi1> -> vector<16xi32>
    %reduce_sum3A_471 = vector.extract %reduce_sum3A_470[15] : i32 from vector<16xi32>
    %get3A_472 = arith.constant 0 : i32
    %get3A_473 = arith.index_cast %get3A_472 : i32 to index
    %get3A_474 = arith.constant 0 : index
    %get3A_475 = tpu.vector_load %arg8[%get3A_473, %get3A_474] {strides = array<i32>} : memref<4x128xi32, #tpu.memory_space<vmem>>, vector<16xi32>,
    %eq3A_476 = arith.constant 7 : i32
    %eq3A_477 = vector.broadcast %eq3A_476 : i32 to vector<16xi32>
    %eq3A_478 = arith.cmpi eq, %iota3A, %eq3A_477 : vector<16xi32>
    %jit3A_479 = arith.constant 0 : i32
    %broadcast_in_dim3A_480 = vector.broadcast %jit3A_479 : i32 to vector<16xi32>
    %select_n3A_481 = arith.select %eq3A_478, %get3A_475, %broadcast_in_dim3A_480 : vector<16xi1>, vector<16xi32>
    %reduce_sum3A_482 = arith.constant true
    %reduce_sum3A_483 = vector.broadcast %reduce_sum3A_482 : i1 to vector<16xi1>
    %reduce_sum3A_484 = tpu.scan <sum>, %select_n3A_481 masked %reduce_sum3A_483 : vector<16xi32>, vector<16xi1> -> vector<16xi32>
    %reduce_sum3A_485 = vector.extract %reduce_sum3A_484[15] : i32 from vector<16xi32>
    %shift_right_arithmetic3A_486 = arith.constant 7 : i32
    %shift_right_arithmetic3A_487 = arith.shrsi %reduce_sum3A_471, %shift_right_arithmetic3A_486 : i32
    %mul3A_488 = arith.constant 128 : i32
    %mul3A_489 = arith.muli %shift_right_arithmetic3A_487, %mul3A_488 : i32
    %multiple_of3A_490 = tpu.assume_multiple %mul3A_489, 128 : i32
    %shift_right_arithmetic3A_491 = arith.constant 7 : i32
    %shift_right_arithmetic3A_492 = arith.shrsi %reduce_sum3A_485, %shift_right_arithmetic3A_491 : i32
    %mul3A_493 = arith.constant 128 : i32
    %mul3A_494 = arith.muli %shift_right_arithmetic3A_492, %mul3A_493 : i32
    %multiple_of3A_495 = tpu.assume_multiple %mul3A_494, 128 : i32
    %dma_start3A_496 = arith.constant 7 : i32
    %dma_start3A_497 = arith.constant 0 : i32
    %dma_start3A_498 = arith.constant 0 : i32
    %dma_start3A_499 = arith.constant 0 : i32
    %dma_start3A_500 = tpu.memref_slice %arg9[%dma_start3A_496, %dma_start3A_497, %dma_start3A_498, %dma_start3A_499] : memref<8x2x32x128xf32, #tpu.memory_space<vmem>> -> memref<1x1x32x128xf32, #tpu.memory_space<vmem>>
    %dma_start3A_501 = tpu.memref_squeeze %dma_start3A_500 : memref<1x1x32x128xf32, #tpu.memory_space<vmem>> -> memref<32x128xf32, #tpu.memory_space<vmem>>
    %dma_start3A_502 = arith.constant 0 : i32
    %dma_start3A_503 = tpu.memref_slice %arg4[%dma_start3A_502, %multiple_of3A_490] : memref<32x1000000xf32, #tpu.memory_space<hbm>> -> memref<32x128xf32, #tpu.memory_space<hbm>>
    %dma_start3A_504 = arith.constant 0 : i32
    %dma_start3A_505 = arith.constant 0 : i32
    %dma_start3A_506 = tpu.memref_slice %arg9[%dma_start3A_496, %dma_start3A_497, %dma_start3A_504, %dma_start3A_505] : memref<8x2x32x128xf32, #tpu.memory_space<vmem>> -> memref<1x1x32x128xf32, #tpu.memory_space<vmem>>
    %dma_start3A_507 = tpu.memref_squeeze %dma_start3A_506 : memref<1x1x32x128xf32, #tpu.memory_space<vmem>> -> memref<32x128xf32, #tpu.memory_space<vmem>>
    %dma_start3A_508 = arith.constant 0 : i32
    %dma_start3A_509 = tpu.memref_slice %arg4[%dma_start3A_508, %multiple_of3A_490] : memref<32x1000000xf32, #tpu.memory_space<hbm>> -> memref<32x128xf32, #tpu.memory_space<hbm>>
    tpu.enqueue_dma source(%dma_start3A_509 : memref<32x128xf32, #tpu.memory_space<hbm>>) target(%dma_start3A_507 : memref<32x128xf32, #tpu.memory_space<vmem>>) target_semaphore(%arg18 : memref<!tpu.dma_semaphore, #tpu.memory_space<semaphore_mem>>)
    %dma_start3A_510 = arith.constant 7 : i32
    %dma_start3A_511 = arith.constant 1 : i32
    %dma_start3A_512 = arith.constant 0 : i32
    %dma_start3A_513 = arith.constant 0 : i32
    %dma_start3A_514 = tpu.memref_slice %arg9[%dma_start3A_510, %dma_start3A_511, %dma_start3A_512, %dma_start3A_513] : memref<8x2x32x128xf32, #tpu.memory_space<vmem>> -> memref<1x1x32x128xf32, #tpu.memory_space<vmem>>
    %dma_start3A_515 = tpu.memref_squeeze %dma_start3A_514 : memref<1x1x32x128xf32, #tpu.memory_space<vmem>> -> memref<32x128xf32, #tpu.memory_space<vmem>>
    %dma_start3A_516 = arith.constant 0 : i32
    %dma_start3A_517 = tpu.memref_slice %arg5[%dma_start3A_516, %multiple_of3A_495] : memref<32x1000000xf32, #tpu.memory_space<hbm>> -> memref<32x128xf32, #tpu.memory_space<hbm>>
    %dma_start3A_518 = arith.constant 0 : i32
    %dma_start3A_519 = arith.constant 0 : i32
    %dma_start3A_520 = tpu.memref_slice %arg9[%dma_start3A_510, %dma_start3A_511, %dma_start3A_518, %dma_start3A_519] : memref<8x2x32x128xf32, #tpu.memory_space<vmem>> -> memref<1x1x32x128xf32, #tpu.memory_space<vmem>>
    %dma_start3A_521 = tpu.memref_squeeze %dma_start3A_520 : memref<1x1x32x128xf32, #tpu.memory_space<vmem>> -> memref<32x128xf32, #tpu.memory_space<vmem>>
    %dma_start3A_522 = arith.constant 0 : i32
    %dma_start3A_523 = tpu.memref_slice %arg5[%dma_start3A_522, %multiple_of3A_495] : memref<32x1000000xf32, #tpu.memory_space<hbm>> -> memref<32x128xf32, #tpu.memory_space<hbm>>
    tpu.enqueue_dma source(%dma_start3A_523 : memref<32x128xf32, #tpu.memory_space<hbm>>) target(%dma_start3A_521 : memref<32x128xf32, #tpu.memory_space<vmem>>) target_semaphore(%arg18 : memref<!tpu.dma_semaphore, #tpu.memory_space<semaphore_mem>>)
    %scan3A = arith.constant 0 : i32
    %scan3A_524 = arith.constant 0 : i32
    %scan3A_525 = arith.constant 64 : i32
    %scan3A_526 = arith.addi %scan3A_524, %scan3A_525 : i32
    %scan3A_527 = arith.constant 1 : i32
    scf.for %scan3A_531 = %scan3A_524 to %scan3A_526 step %scan3A_527  : i32 {
      %mul3A_532 = arith.constant 8 : i32
      %mul3A_533 = arith.muli %scan3A_531, %mul3A_532 : i32
      %add3A_534 = arith.constant 0 : i32
      %add3A_535 = arith.addi %mul3A_533, %add3A_534 : i32
      %dma_wait3A = arith.constant 0 : i32
      %dma_wait3A_536 = arith.constant 0 : i32
      %dma_wait3A_537 = arith.constant 0 : i32
      %dma_wait3A_538 = arith.constant 0 : i32
      %dma_wait3A_539 = tpu.memref_slice %arg9[%dma_wait3A, %dma_wait3A_536, %dma_wait3A_537, %dma_wait3A_538] : memref<8x2x32x128xf32, #tpu.memory_space<vmem>> -> memref<1x2x32x128xf32, #tpu.memory_space<vmem>>
      %dma_wait3A_540 = tpu.memref_squeeze %dma_wait3A_539 : memref<1x2x32x128xf32, #tpu.memory_space<vmem>> -> memref<2x32x128xf32, #tpu.memory_space<vmem>>
      %dma_wait3A_541 = arith.constant 0 : i32
      %dma_wait3A_542 = arith.constant 0 : i32
      %dma_wait3A_543 = tpu.memref_slice %arg4[%dma_wait3A_541, %dma_wait3A_542] : memref<32x1000000xf32, #tpu.memory_space<hbm>> -> memref<32x256xf32, #tpu.memory_space<hbm>>
      %dma_wait3A_544 = arith.constant 0 : i32
      %dma_wait3A_545 = arith.constant 0 : i32
      %dma_wait3A_546 = arith.constant 0 : i32
      %dma_wait3A_547 = tpu.memref_slice %arg9[%dma_wait3A, %dma_wait3A_544, %dma_wait3A_545, %dma_wait3A_546] : memref<8x2x32x128xf32, #tpu.memory_space<vmem>> -> memref<1x2x32x128xf32, #tpu.memory_space<vmem>>
      %dma_wait3A_548 = tpu.memref_squeeze %dma_wait3A_547 : memref<1x2x32x128xf32, #tpu.memory_space<vmem>> -> memref<2x32x128xf32, #tpu.memory_space<vmem>>
      %dma_wait3A_549 = arith.constant 0 : i32
      %dma_wait3A_550 = arith.constant 0 : i32
      %dma_wait3A_551 = tpu.memref_slice %arg4[%dma_wait3A_549, %dma_wait3A_550] : memref<32x1000000xf32, #tpu.memory_space<hbm>> -> memref<32x256xf32, #tpu.memory_space<hbm>>
      tpu.wait_dma2 semaphore(%arg11 : memref<!tpu.dma_semaphore, #tpu.memory_space<semaphore_mem>>) src(%dma_wait3A_551 : memref<32x256xf32, #tpu.memory_space<hbm>>) dst(%dma_wait3A_548 : memref<2x32x128xf32, #tpu.memory_space<vmem>>)
      %jit3A_552 = arith.constant 128 : i32
      %eq3A_553 = arith.constant 0 : i32
      %eq3A_554 = arith.cmpi eq, %jit3A_552, %eq3A_553 : i32
      %jit3A_555 = arith.constant 1 : i32
      %select_n3A_556 = arith.select %eq3A_554, %jit3A_555, %jit3A_552 : i32
      %rem3A = arith.remsi %add3A_535, %select_n3A_556 : i32
      %ne3A = arith.constant 0 : i32
      %ne3A_557 = arith.cmpi ne, %rem3A, %ne3A : i32
      %lt3A = arith.constant 0 : i32
      %lt3A_558 = arith.cmpi slt, %rem3A, %lt3A : i32
      %lt3A_559 = arith.constant 0 : i32
      %lt3A_560 = arith.cmpi slt, %select_n3A_556, %lt3A_559 : i32
      %ne3A_561 = arith.xori %lt3A_558, %lt3A_560 : i1
      %and3A = arith.andi %ne3A_561, %ne3A_557 : i1
      %add3A_562 = arith.addi %rem3A, %select_n3A_556 : i32
      %select_n3A_563 = arith.select %and3A, %add3A_562, %rem3A : i32
      %shift_right_arithmetic3A_564 = arith.constant 4 : i32
      %shift_right_arithmetic3A_565 = arith.shrsi %select_n3A_563, %shift_right_arithmetic3A_564 : i32
      %shift_left3A = arith.constant 4 : i32
      %shift_left3A_566 = arith.shli %shift_right_arithmetic3A_565, %shift_left3A : i32
      %jit3A_567 = arith.constant 128 : i32
      %div3A = arith.divsi %add3A_535, %jit3A_567 : i32
      %sign3A = arith.constant 0 : i32
      %sign3A_568 = arith.cmpi sgt, %add3A_535, %sign3A : i32
      %sign3A_569 = arith.extui %sign3A_568 : i1 to i32
      %sign3A_570 = arith.constant 0 : i32
      %sign3A_571 = arith.cmpi slt, %add3A_535, %sign3A_570 : i32
      %sign3A_572 = arith.extui %sign3A_571 : i1 to i32
      %sign3A_573 = arith.subi %sign3A_569, %sign3A_572 : i32
      %sign3A_574 = arith.constant 0 : i32
      %sign3A_575 = arith.cmpi sgt, %jit3A_567, %sign3A_574 : i32
      %sign3A_576 = arith.extui %sign3A_575 : i1 to i32
      %sign3A_577 = arith.constant 0 : i32
      %sign3A_578 = arith.cmpi slt, %jit3A_567, %sign3A_577 : i32
      %sign3A_579 = arith.extui %sign3A_578 : i1 to i32
      %sign3A_580 = arith.subi %sign3A_576, %sign3A_579 : i32
      %ne3A_581 = arith.cmpi ne, %sign3A_573, %sign3A_580 : i32
      %rem3A_582 = arith.remsi %add3A_535, %jit3A_567 : i32
      %ne3A_583 = arith.constant 0 : i32
      %ne3A_584 = arith.cmpi ne, %rem3A_582, %ne3A_583 : i32
      %and3A_585 = arith.andi %ne3A_581, %ne3A_584 : i1
      %sub3A = arith.constant 1 : i32
      %sub3A_586 = arith.subi %div3A, %sub3A : i32
      %select_n3A_587 = arith.select %and3A_585, %sub3A_586, %div3A : i32
      %get3A_588 = arith.index_cast %select_n3A_587 : i32 to index
      %get3A_589 = arith.index_cast %shift_left3A_566 : i32 to index
      %get3A_590 = tpu.vector_load %arg7[%get3A_588, %get3A_589] {strides = array<i32>} : memref<4x128xi32, #tpu.memory_space<vmem>>, vector<16xi32>,
      %and3A_591 = arith.constant 15 : i32
      %and3A_592 = arith.andi %add3A_535, %and3A_591 : i32
      %eq3A_593 = vector.broadcast %and3A_592 : i32 to vector<16xi32>
      %eq3A_594 = arith.cmpi eq, %iota3A, %eq3A_593 : vector<16xi32>
      %jit3A_595 = arith.constant 0 : i32
      %broadcast_in_dim3A_596 = vector.broadcast %jit3A_595 : i32 to vector<16xi32>
      %select_n3A_597 = arith.select %eq3A_594, %get3A_590, %broadcast_in_dim3A_596 : vector<16xi1>, vector<16xi32>
      %reduce_sum3A_598 = arith.constant true
      %reduce_sum3A_599 = vector.broadcast %reduce_sum3A_598 : i1 to vector<16xi1>
      %reduce_sum3A_600 = tpu.scan <sum>, %select_n3A_597 masked %reduce_sum3A_599 : vector<16xi32>, vector<16xi1> -> vector<16xi32>
      %reduce_sum3A_601 = vector.extract %reduce_sum3A_600[15] : i32 from vector<16xi32>
      %jit3A_602 = arith.constant 128 : i32
      %eq3A_603 = arith.constant 0 : i32
      %eq3A_604 = arith.cmpi eq, %jit3A_602, %eq3A_603 : i32
      %jit3A_605 = arith.constant 1 : i32
      %select_n3A_606 = arith.select %eq3A_604, %jit3A_605, %jit3A_602 : i32
      %rem3A_607 = arith.remsi %add3A_535, %select_n3A_606 : i32
      %ne3A_608 = arith.constant 0 : i32
      %ne3A_609 = arith.cmpi ne, %rem3A_607, %ne3A_608 : i32
      %lt3A_610 = arith.constant 0 : i32
      %lt3A_611 = arith.cmpi slt, %rem3A_607, %lt3A_610 : i32
      %lt3A_612 = arith.constant 0 : i32
      %lt3A_613 = arith.cmpi slt, %select_n3A_606, %lt3A_612 : i32
      %ne3A_614 = arith.xori %lt3A_611, %lt3A_613 : i1
      %and3A_615 = arith.andi %ne3A_614, %ne3A_609 : i1
      %add3A_616 = arith.addi %rem3A_607, %select_n3A_606 : i32
      %select_n3A_617 = arith.select %and3A_615, %add3A_616, %rem3A_607 : i32
      %shift_right_arithmetic3A_618 = arith.constant 4 : i32
      %shift_right_arithmetic3A_619 = arith.shrsi %select_n3A_617, %shift_right_arithmetic3A_618 : i32
      %shift_left3A_620 = arith.constant 4 : i32
      %shift_left3A_621 = arith.shli %shift_right_arithmetic3A_619, %shift_left3A_620 : i32
      %jit3A_622 = arith.constant 128 : i32
      %div3A_623 = arith.divsi %add3A_535, %jit3A_622 : i32
      %sign3A_624 = arith.constant 0 : i32
      %sign3A_625 = arith.cmpi sgt, %add3A_535, %sign3A_624 : i32
      %sign3A_626 = arith.extui %sign3A_625 : i1 to i32
      %sign3A_627 = arith.constant 0 : i32
      %sign3A_628 = arith.cmpi slt, %add3A_535, %sign3A_627 : i32
      %sign3A_629 = arith.extui %sign3A_628 : i1 to i32
      %sign3A_630 = arith.subi %sign3A_626, %sign3A_629 : i32
      %sign3A_631 = arith.constant 0 : i32
      %sign3A_632 = arith.cmpi sgt, %jit3A_622, %sign3A_631 : i32
      %sign3A_633 = arith.extui %sign3A_632 : i1 to i32
      %sign3A_634 = arith.constant 0 : i32
      %sign3A_635 = arith.cmpi slt, %jit3A_622, %sign3A_634 : i32
      %sign3A_636 = arith.extui %sign3A_635 : i1 to i32
      %sign3A_637 = arith.subi %sign3A_633, %sign3A_636 : i32
      %ne3A_638 = arith.cmpi ne, %sign3A_630, %sign3A_637 : i32
      %rem3A_639 = arith.remsi %add3A_535, %jit3A_622 : i32
      %ne3A_640 = arith.constant 0 : i32
      %ne3A_641 = arith.cmpi ne, %rem3A_639, %ne3A_640 : i32
      %and3A_642 = arith.andi %ne3A_638, %ne3A_641 : i1
      %sub3A_643 = arith.constant 1 : i32
      %sub3A_644 = arith.subi %div3A_623, %sub3A_643 : i32
      %select_n3A_645 = arith.select %and3A_642, %sub3A_644, %div3A_623 : i32
      %get3A_646 = arith.index_cast %select_n3A_645 : i32 to index
      %get3A_647 = arith.index_cast %shift_left3A_621 : i32 to index
      %get3A_648 = tpu.vector_load %arg8[%get3A_646, %get3A_647] {strides = array<i32>} : memref<4x128xi32, #tpu.memory_space<vmem>>, vector<16xi32>,
      %and3A_649 = arith.constant 15 : i32
      %and3A_650 = arith.andi %add3A_535, %and3A_649 : i32
      %eq3A_651 = vector.broadcast %and3A_650 : i32 to vector<16xi32>
      %eq3A_652 = arith.cmpi eq, %iota3A, %eq3A_651 : vector<16xi32>
      %jit3A_653 = arith.constant 0 : i32
      %broadcast_in_dim3A_654 = vector.broadcast %jit3A_653 : i32 to vector<16xi32>
      %select_n3A_655 = arith.select %eq3A_652, %get3A_648, %broadcast_in_dim3A_654 : vector<16xi1>, vector<16xi32>
      %reduce_sum3A_656 = arith.constant true
      %reduce_sum3A_657 = vector.broadcast %reduce_sum3A_656 : i1 to vector<16xi1>
      %reduce_sum3A_658 = tpu.scan <sum>, %select_n3A_655 masked %reduce_sum3A_657 : vector<16xi32>, vector<16xi1> -> vector<16xi32>
      %reduce_sum3A_659 = vector.extract %reduce_sum3A_658[15] : i32 from vector<16xi32>
      %and3A_660 = arith.constant 127 : i32
      %and3A_661 = arith.andi %reduce_sum3A_601, %and3A_660 : i32
      %broadcast_in_dim3A_662 = vector.broadcast %and3A_661 : i32 to vector<16xi32>
      %and3A_663 = arith.constant 127 : i32
      %and3A_664 = arith.andi %reduce_sum3A_659, %and3A_663 : i32
      %broadcast_in_dim3A_665 = vector.broadcast %and3A_664 : i32 to vector<16xi32>
      %broadcast_in_dim3A_666 = vector.broadcast %add3A_535 : i32 to vector<16xi32>
      %add3A_667 = arith.constant 0 : i32
      %add3A_668 = vector.broadcast %add3A_667 : i32 to vector<16xi32>
      %add3A_669 = arith.addi %iota3A, %add3A_668 : vector<16xi32>
      %gather3A = arith.constant 0 : i32
      %gather3A_670 = arith.constant 0 : i32
      %gather3A_671 = arith.constant 0 : i32
      %gather3A_672 = arith.constant 0 : i32
      %gather3A_673 = tpu.memref_slice %arg9[%gather3A, %gather3A_670, %gather3A_671, %gather3A_672] : memref<8x2x32x128xf32, #tpu.memory_space<vmem>> -> memref<1x1x32x128xf32, #tpu.memory_space<vmem>>
      %gather3A_674 = tpu.memref_squeeze %gather3A_673 : memref<1x1x32x128xf32, #tpu.memory_space<vmem>> -> memref<32x128xf32, #tpu.memory_space<vmem>>
      %gather3A_675 = tpu.vector_load_idx %gather3A_674[%add3A_669, %broadcast_in_dim3A_662] : memref<32x128xf32, #tpu.memory_space<vmem>>[vector<16xi32>, vector<16xi32>], vector<16xf32>,
      %gather3A_676 = arith.constant 0 : i32
      %gather3A_677 = arith.constant 1 : i32
      %gather3A_678 = arith.constant 0 : i32
      %gather3A_679 = arith.constant 0 : i32
      %gather3A_680 = tpu.memref_slice %arg9[%gather3A_676, %gather3A_677, %gather3A_678, %gather3A_679] : memref<8x2x32x128xf32, #tpu.memory_space<vmem>> -> memref<1x1x32x128xf32, #tpu.memory_space<vmem>>
      %gather3A_681 = tpu.memref_squeeze %gather3A_680 : memref<1x1x32x128xf32, #tpu.memory_space<vmem>> -> memref<32x128xf32, #tpu.memory_space<vmem>>
      %gather3A_682 = tpu.vector_load_idx %gather3A_681[%add3A_669, %broadcast_in_dim3A_665] : memref<32x128xf32, #tpu.memory_space<vmem>>[vector<16xi32>, vector<16xi32>], vector<16xf32>,
      %mul3A_683 = arith.mulf %gather3A_675, %gather3A_682 : vector<16xf32>
      tpu.vector_store_idx %arg10[%add3A_669, %broadcast_in_dim3A_666], %mul3A_683 : memref<32x512xf32, #tpu.memory_space<vmem>>[vector<16xi32>, vector<16xi32>], vector<16xf32>,
      %add3A_684 = arith.constant 16 : i32
      %add3A_685 = vector.broadcast %add3A_684 : i32 to vector<16xi32>
      %add3A_686 = arith.addi %iota3A, %add3A_685 : vector<16xi32>
      %gather3A_687 = arith.constant 0 : i32
      %gather3A_688 = arith.constant 0 : i32
      %gather3A_689 = arith.constant 0 : i32
      %gather3A_690 = arith.constant 0 : i32
      %gather3A_691 = tpu.memref_slice %arg9[%gather3A_687, %gather3A_688, %gather3A_689, %gather3A_690] : memref<8x2x32x128xf32, #tpu.memory_space<vmem>> -> memref<1x1x32x128xf32, #tpu.memory_space<vmem>>
      %gather3A_692 = tpu.memref_squeeze %gather3A_691 : memref<1x1x32x128xf32, #tpu.memory_space<vmem>> -> memref<32x128xf32, #tpu.memory_space<vmem>>
      %gather3A_693 = tpu.vector_load_idx %gather3A_692[%add3A_686, %broadcast_in_dim3A_662] : memref<32x128xf32, #tpu.memory_space<vmem>>[vector<16xi32>, vector<16xi32>], vector<16xf32>,
      %gather3A_694 = arith.constant 0 : i32
      %gather3A_695 = arith.constant 1 : i32
      %gather3A_696 = arith.constant 0 : i32
      %gather3A_697 = arith.constant 0 : i32
      %gather3A_698 = tpu.memref_slice %arg9[%gather3A_694, %gather3A_695, %gather3A_696, %gather3A_697] : memref<8x2x32x128xf32, #tpu.memory_space<vmem>> -> memref<1x1x32x128xf32, #tpu.memory_space<vmem>>
      %gather3A_699 = tpu.memref_squeeze %gather3A_698 : memref<1x1x32x128xf32, #tpu.memory_space<vmem>> -> memref<32x128xf32, #tpu.memory_space<vmem>>
      %gather3A_700 = tpu.vector_load_idx %gather3A_699[%add3A_686, %broadcast_in_dim3A_665] : memref<32x128xf32, #tpu.memory_space<vmem>>[vector<16xi32>, vector<16xi32>], vector<16xf32>,
      %mul3A_701 = arith.mulf %gather3A_693, %gather3A_700 : vector<16xf32>
      tpu.vector_store_idx %arg10[%add3A_686, %broadcast_in_dim3A_666], %mul3A_701 : memref<32x512xf32, #tpu.memory_space<vmem>>[vector<16xi32>, vector<16xi32>], vector<16xf32>,
      %add3A_702 = arith.constant 8 : i32
      %add3A_703 = arith.addi %add3A_535, %add3A_702 : i32
      %lt3A_704 = arith.constant 512 : i32
      %lt3A_705 = arith.cmpi slt, %add3A_703, %lt3A_704 : i32
      %convert_element_type3A = arith.extui %lt3A_705 : i1 to i32
      %cond3A = arith.constant 0 : i32
      %cond3A_706 = arith.cmpi ne, %convert_element_type3A, %cond3A : i32
      scf.if %cond3A_706 {
        %add3A_2016 = arith.constant 8 : i32
        %add3A_2017 = arith.addi %add3A_535, %add3A_2016 : i32
        %jit3A_2018 = arith.constant 128 : i32
        %eq3A_2019 = arith.constant 0 : i32
        %eq3A_2020 = arith.cmpi eq, %jit3A_2018, %eq3A_2019 : i32
        %jit3A_2021 = arith.constant 1 : i32
        %select_n3A_2022 = arith.select %eq3A_2020, %jit3A_2021, %jit3A_2018 : i32
        %rem3A_2023 = arith.remsi %add3A_2017, %select_n3A_2022 : i32
        %ne3A_2024 = arith.constant 0 : i32
        %ne3A_2025 = arith.cmpi ne, %rem3A_2023, %ne3A_2024 : i32
        %lt3A_2026 = arith.constant 0 : i32
        %lt3A_2027 = arith.cmpi slt, %rem3A_2023, %lt3A_2026 : i32
        %lt3A_2028 = arith.constant 0 : i32
        %lt3A_2029 = arith.cmpi slt, %select_n3A_2022, %lt3A_2028 : i32
        %ne3A_2030 = arith.xori %lt3A_2027, %lt3A_2029 : i1
        %and3A_2031 = arith.andi %ne3A_2030, %ne3A_2025 : i1
        %add3A_2032 = arith.addi %rem3A_2023, %select_n3A_2022 : i32
        %select_n3A_2033 = arith.select %and3A_2031, %add3A_2032, %rem3A_2023 : i32
        %shift_right_arithmetic3A_2034 = arith.constant 4 : i32
        %shift_right_arithmetic3A_2035 = arith.shrsi %select_n3A_2033, %shift_right_arithmetic3A_2034 : i32
        %shift_left3A_2036 = arith.constant 4 : i32
        %shift_left3A_2037 = arith.shli %shift_right_arithmetic3A_2035, %shift_left3A_2036 : i32
        %jit3A_2038 = arith.constant 128 : i32
        %div3A_2039 = arith.divsi %add3A_2017, %jit3A_2038 : i32
        %sign3A_2040 = arith.constant 0 : i32
        %sign3A_2041 = arith.cmpi sgt, %add3A_2017, %sign3A_2040 : i32
        %sign3A_2042 = arith.extui %sign3A_2041 : i1 to i32
        %sign3A_2043 = arith.constant 0 : i32
        %sign3A_2044 = arith.cmpi slt, %add3A_2017, %sign3A_2043 : i32
        %sign3A_2045 = arith.extui %sign3A_2044 : i1 to i32
        %sign3A_2046 = arith.subi %sign3A_2042, %sign3A_2045 : i32
        %sign3A_2047 = arith.constant 0 : i32
        %sign3A_2048 = arith.cmpi sgt, %jit3A_2038, %sign3A_2047 : i32
        %sign3A_2049 = arith.extui %sign3A_2048 : i1 to i32
        %sign3A_2050 = arith.constant 0 : i32
        %sign3A_2051 = arith.cmpi slt, %jit3A_2038, %sign3A_2050 : i32
        %sign3A_2052 = arith.extui %sign3A_2051 : i1 to i32
        %sign3A_2053 = arith.subi %sign3A_2049, %sign3A_2052 : i32
        %ne3A_2054 = arith.cmpi ne, %sign3A_2046, %sign3A_2053 : i32
        %rem3A_2055 = arith.remsi %add3A_2017, %jit3A_2038 : i32
        %ne3A_2056 = arith.constant 0 : i32
        %ne3A_2057 = arith.cmpi ne, %rem3A_2055, %ne3A_2056 : i32
        %and3A_2058 = arith.andi %ne3A_2054, %ne3A_2057 : i1
        %sub3A_2059 = arith.constant 1 : i32
        %sub3A_2060 = arith.subi %div3A_2039, %sub3A_2059 : i32
        %select_n3A_2061 = arith.select %and3A_2058, %sub3A_2060, %div3A_2039 : i32
        %get3A_2062 = arith.index_cast %select_n3A_2061 : i32 to index
        %get3A_2063 = arith.index_cast %shift_left3A_2037 : i32 to index
        %get3A_2064 = tpu.vector_load %arg7[%get3A_2062, %get3A_2063] {strides = array<i32>} : memref<4x128xi32, #tpu.memory_space<vmem>>, vector<16xi32>,
        %and3A_2065 = arith.constant 15 : i32
        %and3A_2066 = arith.andi %add3A_2017, %and3A_2065 : i32
        %eq3A_2067 = vector.broadcast %and3A_2066 : i32 to vector<16xi32>
        %eq3A_2068 = arith.cmpi eq, %iota3A, %eq3A_2067 : vector<16xi32>
        %jit3A_2069 = arith.constant 0 : i32
        %broadcast_in_dim3A_2070 = vector.broadcast %jit3A_2069 : i32 to vector<16xi32>
        %select_n3A_2071 = arith.select %eq3A_2068, %get3A_2064, %broadcast_in_dim3A_2070 : vector<16xi1>, vector<16xi32>
        %reduce_sum3A_2072 = arith.constant true
        %reduce_sum3A_2073 = vector.broadcast %reduce_sum3A_2072 : i1 to vector<16xi1>
        %reduce_sum3A_2074 = tpu.scan <sum>, %select_n3A_2071 masked %reduce_sum3A_2073 : vector<16xi32>, vector<16xi1> -> vector<16xi32>
        %reduce_sum3A_2075 = vector.extract %reduce_sum3A_2074[15] : i32 from vector<16xi32>
        %jit3A_2076 = arith.constant 128 : i32
        %eq3A_2077 = arith.constant 0 : i32
        %eq3A_2078 = arith.cmpi eq, %jit3A_2076, %eq3A_2077 : i32
        %jit3A_2079 = arith.constant 1 : i32
        %select_n3A_2080 = arith.select %eq3A_2078, %jit3A_2079, %jit3A_2076 : i32
        %rem3A_2081 = arith.remsi %add3A_2017, %select_n3A_2080 : i32
        %ne3A_2082 = arith.constant 0 : i32
        %ne3A_2083 = arith.cmpi ne, %rem3A_2081, %ne3A_2082 : i32
        %lt3A_2084 = arith.constant 0 : i32
        %lt3A_2085 = arith.cmpi slt, %rem3A_2081, %lt3A_2084 : i32
        %lt3A_2086 = arith.constant 0 : i32
        %lt3A_2087 = arith.cmpi slt, %select_n3A_2080, %lt3A_2086 : i32
        %ne3A_2088 = arith.xori %lt3A_2085, %lt3A_2087 : i1
        %and3A_2089 = arith.andi %ne3A_2088, %ne3A_2083 : i1
        %add3A_2090 = arith.addi %rem3A_2081, %select_n3A_2080 : i32
        %select_n3A_2091 = arith.select %and3A_2089, %add3A_2090, %rem3A_2081 : i32
        %shift_right_arithmetic3A_2092 = arith.constant 4 : i32
        %shift_right_arithmetic3A_2093 = arith.shrsi %select_n3A_2091, %shift_right_arithmetic3A_2092 : i32
        %shift_left3A_2094 = arith.constant 4 : i32
        %shift_left3A_2095 = arith.shli %shift_right_arithmetic3A_2093, %shift_left3A_2094 : i32
        %jit3A_2096 = arith.constant 128 : i32
        %div3A_2097 = arith.divsi %add3A_2017, %jit3A_2096 : i32
        %sign3A_2098 = arith.constant 0 : i32
        %sign3A_2099 = arith.cmpi sgt, %add3A_2017, %sign3A_2098 : i32
        %sign3A_2100 = arith.extui %sign3A_2099 : i1 to i32
        %sign3A_2101 = arith.constant 0 : i32
        %sign3A_2102 = arith.cmpi slt, %add3A_2017, %sign3A_2101 : i32
        %sign3A_2103 = arith.extui %sign3A_2102 : i1 to i32
        %sign3A_2104 = arith.subi %sign3A_2100, %sign3A_2103 : i32
        %sign3A_2105 = arith.constant 0 : i32
        %sign3A_2106 = arith.cmpi sgt, %jit3A_2096, %sign3A_2105 : i32
        %sign3A_2107 = arith.extui %sign3A_2106 : i1 to i32
        %sign3A_2108 = arith.constant 0 : i32
        %sign3A_2109 = arith.cmpi slt, %jit3A_2096, %sign3A_2108 : i32
        %sign3A_2110 = arith.extui %sign3A_2109 : i1 to i32
        %sign3A_2111 = arith.subi %sign3A_2107, %sign3A_2110 : i32
        %ne3A_2112 = arith.cmpi ne, %sign3A_2104, %sign3A_2111 : i32
        %rem3A_2113 = arith.remsi %add3A_2017, %jit3A_2096 : i32
        %ne3A_2114 = arith.constant 0 : i32
        %ne3A_2115 = arith.cmpi ne, %rem3A_2113, %ne3A_2114 : i32
        %and3A_2116 = arith.andi %ne3A_2112, %ne3A_2115 : i1
        %sub3A_2117 = arith.constant 1 : i32
        %sub3A_2118 = arith.subi %div3A_2097, %sub3A_2117 : i32
        %select_n3A_2119 = arith.select %and3A_2116, %sub3A_2118, %div3A_2097 : i32
        %get3A_2120 = arith.index_cast %select_n3A_2119 : i32 to index
        %get3A_2121 = arith.index_cast %shift_left3A_2095 : i32 to index
        %get3A_2122 = tpu.vector_load %arg8[%get3A_2120, %get3A_2121] {strides = array<i32>} : memref<4x128xi32, #tpu.memory_space<vmem>>, vector<16xi32>,
        %and3A_2123 = arith.constant 15 : i32
        %and3A_2124 = arith.andi %add3A_2017, %and3A_2123 : i32
        %eq3A_2125 = vector.broadcast %and3A_2124 : i32 to vector<16xi32>
        %eq3A_2126 = arith.cmpi eq, %iota3A, %eq3A_2125 : vector<16xi32>
        %jit3A_2127 = arith.constant 0 : i32
        %broadcast_in_dim3A_2128 = vector.broadcast %jit3A_2127 : i32 to vector<16xi32>
        %select_n3A_2129 = arith.select %eq3A_2126, %get3A_2122, %broadcast_in_dim3A_2128 : vector<16xi1>, vector<16xi32>
        %reduce_sum3A_2130 = arith.constant true
        %reduce_sum3A_2131 = vector.broadcast %reduce_sum3A_2130 : i1 to vector<16xi1>
        %reduce_sum3A_2132 = tpu.scan <sum>, %select_n3A_2129 masked %reduce_sum3A_2131 : vector<16xi32>, vector<16xi1> -> vector<16xi32>
        %reduce_sum3A_2133 = vector.extract %reduce_sum3A_2132[15] : i32 from vector<16xi32>
        %shift_right_arithmetic3A_2134 = arith.constant 7 : i32
        %shift_right_arithmetic3A_2135 = arith.shrsi %reduce_sum3A_2075, %shift_right_arithmetic3A_2134 : i32
        %mul3A_2136 = arith.constant 128 : i32
        %mul3A_2137 = arith.muli %shift_right_arithmetic3A_2135, %mul3A_2136 : i32
        %multiple_of3A_2138 = tpu.assume_multiple %mul3A_2137, 128 : i32
        %shift_right_arithmetic3A_2139 = arith.constant 7 : i32
        %shift_right_arithmetic3A_2140 = arith.shrsi %reduce_sum3A_2133, %shift_right_arithmetic3A_2139 : i32
        %mul3A_2141 = arith.constant 128 : i32
        %mul3A_2142 = arith.muli %shift_right_arithmetic3A_2140, %mul3A_2141 : i32
        %multiple_of3A_2143 = tpu.assume_multiple %mul3A_2142, 128 : i32
        %dma_start3A_2144 = arith.constant 0 : i32
        %dma_start3A_2145 = arith.constant 0 : i32
        %dma_start3A_2146 = arith.constant 0 : i32
        %dma_start3A_2147 = arith.constant 0 : i32
        %dma_start3A_2148 = tpu.memref_slice %arg9[%dma_start3A_2144, %dma_start3A_2145, %dma_start3A_2146, %dma_start3A_2147] : memref<8x2x32x128xf32, #tpu.memory_space<vmem>> -> memref<1x1x32x128xf32, #tpu.memory_space<vmem>>
        %dma_start3A_2149 = tpu.memref_squeeze %dma_start3A_2148 : memref<1x1x32x128xf32, #tpu.memory_space<vmem>> -> memref<32x128xf32, #tpu.memory_space<vmem>>
        %dma_start3A_2150 = arith.constant 0 : i32
        %dma_start3A_2151 = tpu.memref_slice %arg4[%dma_start3A_2150, %multiple_of3A_2138] : memref<32x1000000xf32, #tpu.memory_space<hbm>> -> memref<32x128xf32, #tpu.memory_space<hbm>>
        %dma_start3A_2152 = arith.constant 0 : i32
        %dma_start3A_2153 = arith.constant 0 : i32
        %dma_start3A_2154 = tpu.memref_slice %arg9[%dma_start3A_2144, %dma_start3A_2145, %dma_start3A_2152, %dma_start3A_2153] : memref<8x2x32x128xf32, #tpu.memory_space<vmem>> -> memref<1x1x32x128xf32, #tpu.memory_space<vmem>>
        %dma_start3A_2155 = tpu.memref_squeeze %dma_start3A_2154 : memref<1x1x32x128xf32, #tpu.memory_space<vmem>> -> memref<32x128xf32, #tpu.memory_space<vmem>>
        %dma_start3A_2156 = arith.constant 0 : i32
        %dma_start3A_2157 = tpu.memref_slice %arg4[%dma_start3A_2156, %multiple_of3A_2138] : memref<32x1000000xf32, #tpu.memory_space<hbm>> -> memref<32x128xf32, #tpu.memory_space<hbm>>
        tpu.enqueue_dma source(%dma_start3A_2157 : memref<32x128xf32, #tpu.memory_space<hbm>>) target(%dma_start3A_2155 : memref<32x128xf32, #tpu.memory_space<vmem>>) target_semaphore(%arg11 : memref<!tpu.dma_semaphore, #tpu.memory_space<semaphore_mem>>)
        %dma_start3A_2158 = arith.constant 0 : i32
        %dma_start3A_2159 = arith.constant 1 : i32
        %dma_start3A_2160 = arith.constant 0 : i32
        %dma_start3A_2161 = arith.constant 0 : i32
        %dma_start3A_2162 = tpu.memref_slice %arg9[%dma_start3A_2158, %dma_start3A_2159, %dma_start3A_2160, %dma_start3A_2161] : memref<8x2x32x128xf32, #tpu.memory_space<vmem>> -> memref<1x1x32x128xf32, #tpu.memory_space<vmem>>
        %dma_start3A_2163 = tpu.memref_squeeze %dma_start3A_2162 : memref<1x1x32x128xf32, #tpu.memory_space<vmem>> -> memref<32x128xf32, #tpu.memory_space<vmem>>
        %dma_start3A_2164 = arith.constant 0 : i32
        %dma_start3A_2165 = tpu.memref_slice %arg5[%dma_start3A_2164, %multiple_of3A_2143] : memref<32x1000000xf32, #tpu.memory_space<hbm>> -> memref<32x128xf32, #tpu.memory_space<hbm>>
        %dma_start3A_2166 = arith.constant 0 : i32
        %dma_start3A_2167 = arith.constant 0 : i32
        %dma_start3A_2168 = tpu.memref_slice %arg9[%dma_start3A_2158, %dma_start3A_2159, %dma_start3A_2166, %dma_start3A_2167] : memref<8x2x32x128xf32, #tpu.memory_space<vmem>> -> memref<1x1x32x128xf32, #tpu.memory_space<vmem>>
        %dma_start3A_2169 = tpu.memref_squeeze %dma_start3A_2168 : memref<1x1x32x128xf32, #tpu.memory_space<vmem>> -> memref<32x128xf32, #tpu.memory_space<vmem>>
        %dma_start3A_2170 = arith.constant 0 : i32
        %dma_start3A_2171 = tpu.memref_slice %arg5[%dma_start3A_2170, %multiple_of3A_2143] : memref<32x1000000xf32, #tpu.memory_space<hbm>> -> memref<32x128xf32, #tpu.memory_space<hbm>>
        tpu.enqueue_dma source(%dma_start3A_2171 : memref<32x128xf32, #tpu.memory_space<hbm>>) target(%dma_start3A_2169 : memref<32x128xf32, #tpu.memory_space<vmem>>) target_semaphore(%arg11 : memref<!tpu.dma_semaphore, #tpu.memory_space<semaphore_mem>>)
      } else {
      }
      %mul3A_707 = arith.constant 8 : i32
      %mul3A_708 = arith.muli %scan3A_531, %mul3A_707 : i32
      %add3A_709 = arith.constant 1 : i32
      %add3A_710 = arith.addi %mul3A_708, %add3A_709 : i32
      %dma_wait3A_711 = arith.constant 1 : i32
      %dma_wait3A_712 = arith.constant 0 : i32
      %dma_wait3A_713 = arith.constant 0 : i32
      %dma_wait3A_714 = arith.constant 0 : i32
      %dma_wait3A_715 = tpu.memref_slice %arg9[%dma_wait3A_711, %dma_wait3A_712, %dma_wait3A_713, %dma_wait3A_714] : memref<8x2x32x128xf32, #tpu.memory_space<vmem>> -> memref<1x2x32x128xf32, #tpu.memory_space<vmem>>
      %dma_wait3A_716 = tpu.memref_squeeze %dma_wait3A_715 : memref<1x2x32x128xf32, #tpu.memory_space<vmem>> -> memref<2x32x128xf32, #tpu.memory_space<vmem>>
      %dma_wait3A_717 = arith.constant 0 : i32
      %dma_wait3A_718 = arith.constant 0 : i32
      %dma_wait3A_719 = tpu.memref_slice %arg4[%dma_wait3A_717, %dma_wait3A_718] : memref<32x1000000xf32, #tpu.memory_space<hbm>> -> memref<32x256xf32, #tpu.memory_space<hbm>>
      %dma_wait3A_720 = arith.constant 0 : i32
      %dma_wait3A_721 = arith.constant 0 : i32
      %dma_wait3A_722 = arith.constant 0 : i32
      %dma_wait3A_723 = tpu.memref_slice %arg9[%dma_wait3A_711, %dma_wait3A_720, %dma_wait3A_721, %dma_wait3A_722] : memref<8x2x32x128xf32, #tpu.memory_space<vmem>> -> memref<1x2x32x128xf32, #tpu.memory_space<vmem>>
      %dma_wait3A_724 = tpu.memref_squeeze %dma_wait3A_723 : memref<1x2x32x128xf32, #tpu.memory_space<vmem>> -> memref<2x32x128xf32, #tpu.memory_space<vmem>>
      %dma_wait3A_725 = arith.constant 0 : i32
      %dma_wait3A_726 = arith.constant 0 : i32
      %dma_wait3A_727 = tpu.memref_slice %arg4[%dma_wait3A_725, %dma_wait3A_726] : memref<32x1000000xf32, #tpu.memory_space<hbm>> -> memref<32x256xf32, #tpu.memory_space<hbm>>
      tpu.wait_dma2 semaphore(%arg12 : memref<!tpu.dma_semaphore, #tpu.memory_space<semaphore_mem>>) src(%dma_wait3A_727 : memref<32x256xf32, #tpu.memory_space<hbm>>) dst(%dma_wait3A_724 : memref<2x32x128xf32, #tpu.memory_space<vmem>>)
      %jit3A_728 = arith.constant 128 : i32
      %eq3A_729 = arith.constant 0 : i32
      %eq3A_730 = arith.cmpi eq, %jit3A_728, %eq3A_729 : i32
      %jit3A_731 = arith.constant 1 : i32
      %select_n3A_732 = arith.select %eq3A_730, %jit3A_731, %jit3A_728 : i32
      %rem3A_733 = arith.remsi %add3A_710, %select_n3A_732 : i32
      %ne3A_734 = arith.constant 0 : i32
      %ne3A_735 = arith.cmpi ne, %rem3A_733, %ne3A_734 : i32
      %lt3A_736 = arith.constant 0 : i32
      %lt3A_737 = arith.cmpi slt, %rem3A_733, %lt3A_736 : i32
      %lt3A_738 = arith.constant 0 : i32
      %lt3A_739 = arith.cmpi slt, %select_n3A_732, %lt3A_738 : i32
      %ne3A_740 = arith.xori %lt3A_737, %lt3A_739 : i1
      %and3A_741 = arith.andi %ne3A_740, %ne3A_735 : i1
      %add3A_742 = arith.addi %rem3A_733, %select_n3A_732 : i32
      %select_n3A_743 = arith.select %and3A_741, %add3A_742, %rem3A_733 : i32
      %shift_right_arithmetic3A_744 = arith.constant 4 : i32
      %shift_right_arithmetic3A_745 = arith.shrsi %select_n3A_743, %shift_right_arithmetic3A_744 : i32
      %shift_left3A_746 = arith.constant 4 : i32
      %shift_left3A_747 = arith.shli %shift_right_arithmetic3A_745, %shift_left3A_746 : i32
      %jit3A_748 = arith.constant 128 : i32
      %div3A_749 = arith.divsi %add3A_710, %jit3A_748 : i32
      %sign3A_750 = arith.constant 0 : i32
      %sign3A_751 = arith.cmpi sgt, %add3A_710, %sign3A_750 : i32
      %sign3A_752 = arith.extui %sign3A_751 : i1 to i32
      %sign3A_753 = arith.constant 0 : i32
      %sign3A_754 = arith.cmpi slt, %add3A_710, %sign3A_753 : i32
      %sign3A_755 = arith.extui %sign3A_754 : i1 to i32
      %sign3A_756 = arith.subi %sign3A_752, %sign3A_755 : i32
      %sign3A_757 = arith.constant 0 : i32
      %sign3A_758 = arith.cmpi sgt, %jit3A_748, %sign3A_757 : i32
      %sign3A_759 = arith.extui %sign3A_758 : i1 to i32
      %sign3A_760 = arith.constant 0 : i32
      %sign3A_761 = arith.cmpi slt, %jit3A_748, %sign3A_760 : i32
      %sign3A_762 = arith.extui %sign3A_761 : i1 to i32
      %sign3A_763 = arith.subi %sign3A_759, %sign3A_762 : i32
      %ne3A_764 = arith.cmpi ne, %sign3A_756, %sign3A_763 : i32
      %rem3A_765 = arith.remsi %add3A_710, %jit3A_748 : i32
      %ne3A_766 = arith.constant 0 : i32
      %ne3A_767 = arith.cmpi ne, %rem3A_765, %ne3A_766 : i32
      %and3A_768 = arith.andi %ne3A_764, %ne3A_767 : i1
      %sub3A_769 = arith.constant 1 : i32
      %sub3A_770 = arith.subi %div3A_749, %sub3A_769 : i32
      %select_n3A_771 = arith.select %and3A_768, %sub3A_770, %div3A_749 : i32
      %get3A_772 = arith.index_cast %select_n3A_771 : i32 to index
      %get3A_773 = arith.index_cast %shift_left3A_747 : i32 to index
      %get3A_774 = tpu.vector_load %arg7[%get3A_772, %get3A_773] {strides = array<i32>} : memref<4x128xi32, #tpu.memory_space<vmem>>, vector<16xi32>,
      %and3A_775 = arith.constant 15 : i32
      %and3A_776 = arith.andi %add3A_710, %and3A_775 : i32
      %eq3A_777 = vector.broadcast %and3A_776 : i32 to vector<16xi32>
      %eq3A_778 = arith.cmpi eq, %iota3A, %eq3A_777 : vector<16xi32>
      %jit3A_779 = arith.constant 0 : i32
      %broadcast_in_dim3A_780 = vector.broadcast %jit3A_779 : i32 to vector<16xi32>
      %select_n3A_781 = arith.select %eq3A_778, %get3A_774, %broadcast_in_dim3A_780 : vector<16xi1>, vector<16xi32>
      %reduce_sum3A_782 = arith.constant true
      %reduce_sum3A_783 = vector.broadcast %reduce_sum3A_782 : i1 to vector<16xi1>
      %reduce_sum3A_784 = tpu.scan <sum>, %select_n3A_781 masked %reduce_sum3A_783 : vector<16xi32>, vector<16xi1> -> vector<16xi32>
      %reduce_sum3A_785 = vector.extract %reduce_sum3A_784[15] : i32 from vector<16xi32>
      %jit3A_786 = arith.constant 128 : i32
      %eq3A_787 = arith.constant 0 : i32
      %eq3A_788 = arith.cmpi eq, %jit3A_786, %eq3A_787 : i32
      %jit3A_789 = arith.constant 1 : i32
      %select_n3A_790 = arith.select %eq3A_788, %jit3A_789, %jit3A_786 : i32
      %rem3A_791 = arith.remsi %add3A_710, %select_n3A_790 : i32
      %ne3A_792 = arith.constant 0 : i32
      %ne3A_793 = arith.cmpi ne, %rem3A_791, %ne3A_792 : i32
      %lt3A_794 = arith.constant 0 : i32
      %lt3A_795 = arith.cmpi slt, %rem3A_791, %lt3A_794 : i32
      %lt3A_796 = arith.constant 0 : i32
      %lt3A_797 = arith.cmpi slt, %select_n3A_790, %lt3A_796 : i32
      %ne3A_798 = arith.xori %lt3A_795, %lt3A_797 : i1
      %and3A_799 = arith.andi %ne3A_798, %ne3A_793 : i1
      %add3A_800 = arith.addi %rem3A_791, %select_n3A_790 : i32
      %select_n3A_801 = arith.select %and3A_799, %add3A_800, %rem3A_791 : i32
      %shift_right_arithmetic3A_802 = arith.constant 4 : i32
      %shift_right_arithmetic3A_803 = arith.shrsi %select_n3A_801, %shift_right_arithmetic3A_802 : i32
      %shift_left3A_804 = arith.constant 4 : i32
      %shift_left3A_805 = arith.shli %shift_right_arithmetic3A_803, %shift_left3A_804 : i32
      %jit3A_806 = arith.constant 128 : i32
      %div3A_807 = arith.divsi %add3A_710, %jit3A_806 : i32
      %sign3A_808 = arith.constant 0 : i32
      %sign3A_809 = arith.cmpi sgt, %add3A_710, %sign3A_808 : i32
      %sign3A_810 = arith.extui %sign3A_809 : i1 to i32
      %sign3A_811 = arith.constant 0 : i32
      %sign3A_812 = arith.cmpi slt, %add3A_710, %sign3A_811 : i32
      %sign3A_813 = arith.extui %sign3A_812 : i1 to i32
      %sign3A_814 = arith.subi %sign3A_810, %sign3A_813 : i32
      %sign3A_815 = arith.constant 0 : i32
      %sign3A_816 = arith.cmpi sgt, %jit3A_806, %sign3A_815 : i32
      %sign3A_817 = arith.extui %sign3A_816 : i1 to i32
      %sign3A_818 = arith.constant 0 : i32
      %sign3A_819 = arith.cmpi slt, %jit3A_806, %sign3A_818 : i32
      %sign3A_820 = arith.extui %sign3A_819 : i1 to i32
      %sign3A_821 = arith.subi %sign3A_817, %sign3A_820 : i32
      %ne3A_822 = arith.cmpi ne, %sign3A_814, %sign3A_821 : i32
      %rem3A_823 = arith.remsi %add3A_710, %jit3A_806 : i32
      %ne3A_824 = arith.constant 0 : i32
      %ne3A_825 = arith.cmpi ne, %rem3A_823, %ne3A_824 : i32
      %and3A_826 = arith.andi %ne3A_822, %ne3A_825 : i1
      %sub3A_827 = arith.constant 1 : i32
      %sub3A_828 = arith.subi %div3A_807, %sub3A_827 : i32
      %select_n3A_829 = arith.select %and3A_826, %sub3A_828, %div3A_807 : i32
      %get3A_830 = arith.index_cast %select_n3A_829 : i32 to index
      %get3A_831 = arith.index_cast %shift_left3A_805 : i32 to index
      %get3A_832 = tpu.vector_load %arg8[%get3A_830, %get3A_831] {strides = array<i32>} : memref<4x128xi32, #tpu.memory_space<vmem>>, vector<16xi32>,
      %and3A_833 = arith.constant 15 : i32
      %and3A_834 = arith.andi %add3A_710, %and3A_833 : i32
      %eq3A_835 = vector.broadcast %and3A_834 : i32 to vector<16xi32>
      %eq3A_836 = arith.cmpi eq, %iota3A, %eq3A_835 : vector<16xi32>
      %jit3A_837 = arith.constant 0 : i32
      %broadcast_in_dim3A_838 = vector.broadcast %jit3A_837 : i32 to vector<16xi32>
      %select_n3A_839 = arith.select %eq3A_836, %get3A_832, %broadcast_in_dim3A_838 : vector<16xi1>, vector<16xi32>
      %reduce_sum3A_840 = arith.constant true
      %reduce_sum3A_841 = vector.broadcast %reduce_sum3A_840 : i1 to vector<16xi1>
      %reduce_sum3A_842 = tpu.scan <sum>, %select_n3A_839 masked %reduce_sum3A_841 : vector<16xi32>, vector<16xi1> -> vector<16xi32>
      %reduce_sum3A_843 = vector.extract %reduce_sum3A_842[15] : i32 from vector<16xi32>
      %and3A_844 = arith.constant 127 : i32
      %and3A_845 = arith.andi %reduce_sum3A_785, %and3A_844 : i32
      %broadcast_in_dim3A_846 = vector.broadcast %and3A_845 : i32 to vector<16xi32>
      %and3A_847 = arith.constant 127 : i32
      %and3A_848 = arith.andi %reduce_sum3A_843, %and3A_847 : i32
      %broadcast_in_dim3A_849 = vector.broadcast %and3A_848 : i32 to vector<16xi32>
      %broadcast_in_dim3A_850 = vector.broadcast %add3A_710 : i32 to vector<16xi32>
      %add3A_851 = arith.constant 0 : i32
      %add3A_852 = vector.broadcast %add3A_851 : i32 to vector<16xi32>
      %add3A_853 = arith.addi %iota3A, %add3A_852 : vector<16xi32>
      %gather3A_854 = arith.constant 1 : i32
      %gather3A_855 = arith.constant 0 : i32
      %gather3A_856 = arith.constant 0 : i32
      %gather3A_857 = arith.constant 0 : i32
      %gather3A_858 = tpu.memref_slice %arg9[%gather3A_854, %gather3A_855, %gather3A_856, %gather3A_857] : memref<8x2x32x128xf32, #tpu.memory_space<vmem>> -> memref<1x1x32x128xf32, #tpu.memory_space<vmem>>
      %gather3A_859 = tpu.memref_squeeze %gather3A_858 : memref<1x1x32x128xf32, #tpu.memory_space<vmem>> -> memref<32x128xf32, #tpu.memory_space<vmem>>
      %gather3A_860 = tpu.vector_load_idx %gather3A_859[%add3A_853, %broadcast_in_dim3A_846] : memref<32x128xf32, #tpu.memory_space<vmem>>[vector<16xi32>, vector<16xi32>], vector<16xf32>,
      %gather3A_861 = arith.constant 1 : i32
      %gather3A_862 = arith.constant 1 : i32
      %gather3A_863 = arith.constant 0 : i32
      %gather3A_864 = arith.constant 0 : i32
      %gather3A_865 = tpu.memref_slice %arg9[%gather3A_861, %gather3A_862, %gather3A_863, %gather3A_864] : memref<8x2x32x128xf32, #tpu.memory_space<vmem>> -> memref<1x1x32x128xf32, #tpu.memory_space<vmem>>
      %gather3A_866 = tpu.memref_squeeze %gather3A_865 : memref<1x1x32x128xf32, #tpu.memory_space<vmem>> -> memref<32x128xf32, #tpu.memory_space<vmem>>
      %gather3A_867 = tpu.vector_load_idx %gather3A_866[%add3A_853, %broadcast_in_dim3A_849] : memref<32x128xf32, #tpu.memory_space<vmem>>[vector<16xi32>, vector<16xi32>], vector<16xf32>,
      %mul3A_868 = arith.mulf %gather3A_860, %gather3A_867 : vector<16xf32>
      tpu.vector_store_idx %arg10[%add3A_853, %broadcast_in_dim3A_850], %mul3A_868 : memref<32x512xf32, #tpu.memory_space<vmem>>[vector<16xi32>, vector<16xi32>], vector<16xf32>,
      %add3A_869 = arith.constant 16 : i32
      %add3A_870 = vector.broadcast %add3A_869 : i32 to vector<16xi32>
      %add3A_871 = arith.addi %iota3A, %add3A_870 : vector<16xi32>
      %gather3A_872 = arith.constant 1 : i32
      %gather3A_873 = arith.constant 0 : i32
      %gather3A_874 = arith.constant 0 : i32
      %gather3A_875 = arith.constant 0 : i32
      %gather3A_876 = tpu.memref_slice %arg9[%gather3A_872, %gather3A_873, %gather3A_874, %gather3A_875] : memref<8x2x32x128xf32, #tpu.memory_space<vmem>> -> memref<1x1x32x128xf32, #tpu.memory_space<vmem>>
      %gather3A_877 = tpu.memref_squeeze %gather3A_876 : memref<1x1x32x128xf32, #tpu.memory_space<vmem>> -> memref<32x128xf32, #tpu.memory_space<vmem>>
      %gather3A_878 = tpu.vector_load_idx %gather3A_877[%add3A_871, %broadcast_in_dim3A_846] : memref<32x128xf32, #tpu.memory_space<vmem>>[vector<16xi32>, vector<16xi32>], vector<16xf32>,
      %gather3A_879 = arith.constant 1 : i32
      %gather3A_880 = arith.constant 1 : i32
      %gather3A_881 = arith.constant 0 : i32
      %gather3A_882 = arith.constant 0 : i32
      %gather3A_883 = tpu.memref_slice %arg9[%gather3A_879, %gather3A_880, %gather3A_881, %gather3A_882] : memref<8x2x32x128xf32, #tpu.memory_space<vmem>> -> memref<1x1x32x128xf32, #tpu.memory_space<vmem>>
      %gather3A_884 = tpu.memref_squeeze %gather3A_883 : memref<1x1x32x128xf32, #tpu.memory_space<vmem>> -> memref<32x128xf32, #tpu.memory_space<vmem>>
      %gather3A_885 = tpu.vector_load_idx %gather3A_884[%add3A_871, %broadcast_in_dim3A_849] : memref<32x128xf32, #tpu.memory_space<vmem>>[vector<16xi32>, vector<16xi32>], vector<16xf32>,
      %mul3A_886 = arith.mulf %gather3A_878, %gather3A_885 : vector<16xf32>
      tpu.vector_store_idx %arg10[%add3A_871, %broadcast_in_dim3A_850], %mul3A_886 : memref<32x512xf32, #tpu.memory_space<vmem>>[vector<16xi32>, vector<16xi32>], vector<16xf32>,
      %add3A_887 = arith.constant 8 : i32
      %add3A_888 = arith.addi %add3A_710, %add3A_887 : i32
      %lt3A_889 = arith.constant 512 : i32
      %lt3A_890 = arith.cmpi slt, %add3A_888, %lt3A_889 : i32
      %convert_element_type3A_891 = arith.extui %lt3A_890 : i1 to i32
      %cond3A_892 = arith.constant 0 : i32
      %cond3A_893 = arith.cmpi ne, %convert_element_type3A_891, %cond3A_892 : i32
      scf.if %cond3A_893 {
        %add3A_2016 = arith.constant 8 : i32
        %add3A_2017 = arith.addi %add3A_710, %add3A_2016 : i32
        %jit3A_2018 = arith.constant 128 : i32
        %eq3A_2019 = arith.constant 0 : i32
        %eq3A_2020 = arith.cmpi eq, %jit3A_2018, %eq3A_2019 : i32
        %jit3A_2021 = arith.constant 1 : i32
        %select_n3A_2022 = arith.select %eq3A_2020, %jit3A_2021, %jit3A_2018 : i32
        %rem3A_2023 = arith.remsi %add3A_2017, %select_n3A_2022 : i32
        %ne3A_2024 = arith.constant 0 : i32
        %ne3A_2025 = arith.cmpi ne, %rem3A_2023, %ne3A_2024 : i32
        %lt3A_2026 = arith.constant 0 : i32
        %lt3A_2027 = arith.cmpi slt, %rem3A_2023, %lt3A_2026 : i32
        %lt3A_2028 = arith.constant 0 : i32
        %lt3A_2029 = arith.cmpi slt, %select_n3A_2022, %lt3A_2028 : i32
        %ne3A_2030 = arith.xori %lt3A_2027, %lt3A_2029 : i1
        %and3A_2031 = arith.andi %ne3A_2030, %ne3A_2025 : i1
        %add3A_2032 = arith.addi %rem3A_2023, %select_n3A_2022 : i32
        %select_n3A_2033 = arith.select %and3A_2031, %add3A_2032, %rem3A_2023 : i32
        %shift_right_arithmetic3A_2034 = arith.constant 4 : i32
        %shift_right_arithmetic3A_2035 = arith.shrsi %select_n3A_2033, %shift_right_arithmetic3A_2034 : i32
        %shift_left3A_2036 = arith.constant 4 : i32
        %shift_left3A_2037 = arith.shli %shift_right_arithmetic3A_2035, %shift_left3A_2036 : i32
        %jit3A_2038 = arith.constant 128 : i32
        %div3A_2039 = arith.divsi %add3A_2017, %jit3A_2038 : i32
        %sign3A_2040 = arith.constant 0 : i32
        %sign3A_2041 = arith.cmpi sgt, %add3A_2017, %sign3A_2040 : i32
        %sign3A_2042 = arith.extui %sign3A_2041 : i1 to i32
        %sign3A_2043 = arith.constant 0 : i32
        %sign3A_2044 = arith.cmpi slt, %add3A_2017, %sign3A_2043 : i32
        %sign3A_2045 = arith.extui %sign3A_2044 : i1 to i32
        %sign3A_2046 = arith.subi %sign3A_2042, %sign3A_2045 : i32
        %sign3A_2047 = arith.constant 0 : i32
        %sign3A_2048 = arith.cmpi sgt, %jit3A_2038, %sign3A_2047 : i32
        %sign3A_2049 = arith.extui %sign3A_2048 : i1 to i32
        %sign3A_2050 = arith.constant 0 : i32
        %sign3A_2051 = arith.cmpi slt, %jit3A_2038, %sign3A_2050 : i32
        %sign3A_2052 = arith.extui %sign3A_2051 : i1 to i32
        %sign3A_2053 = arith.subi %sign3A_2049, %sign3A_2052 : i32
        %ne3A_2054 = arith.cmpi ne, %sign3A_2046, %sign3A_2053 : i32
        %rem3A_2055 = arith.remsi %add3A_2017, %jit3A_2038 : i32
        %ne3A_2056 = arith.constant 0 : i32
        %ne3A_2057 = arith.cmpi ne, %rem3A_2055, %ne3A_2056 : i32
        %and3A_2058 = arith.andi %ne3A_2054, %ne3A_2057 : i1
        %sub3A_2059 = arith.constant 1 : i32
        %sub3A_2060 = arith.subi %div3A_2039, %sub3A_2059 : i32
        %select_n3A_2061 = arith.select %and3A_2058, %sub3A_2060, %div3A_2039 : i32
        %get3A_2062 = arith.index_cast %select_n3A_2061 : i32 to index
        %get3A_2063 = arith.index_cast %shift_left3A_2037 : i32 to index
        %get3A_2064 = tpu.vector_load %arg7[%get3A_2062, %get3A_2063] {strides = array<i32>} : memref<4x128xi32, #tpu.memory_space<vmem>>, vector<16xi32>,
        %and3A_2065 = arith.constant 15 : i32
        %and3A_2066 = arith.andi %add3A_2017, %and3A_2065 : i32
        %eq3A_2067 = vector.broadcast %and3A_2066 : i32 to vector<16xi32>
        %eq3A_2068 = arith.cmpi eq, %iota3A, %eq3A_2067 : vector<16xi32>
        %jit3A_2069 = arith.constant 0 : i32
        %broadcast_in_dim3A_2070 = vector.broadcast %jit3A_2069 : i32 to vector<16xi32>
        %select_n3A_2071 = arith.select %eq3A_2068, %get3A_2064, %broadcast_in_dim3A_2070 : vector<16xi1>, vector<16xi32>
        %reduce_sum3A_2072 = arith.constant true
        %reduce_sum3A_2073 = vector.broadcast %reduce_sum3A_2072 : i1 to vector<16xi1>
        %reduce_sum3A_2074 = tpu.scan <sum>, %select_n3A_2071 masked %reduce_sum3A_2073 : vector<16xi32>, vector<16xi1> -> vector<16xi32>
        %reduce_sum3A_2075 = vector.extract %reduce_sum3A_2074[15] : i32 from vector<16xi32>
        %jit3A_2076 = arith.constant 128 : i32
        %eq3A_2077 = arith.constant 0 : i32
        %eq3A_2078 = arith.cmpi eq, %jit3A_2076, %eq3A_2077 : i32
        %jit3A_2079 = arith.constant 1 : i32
        %select_n3A_2080 = arith.select %eq3A_2078, %jit3A_2079, %jit3A_2076 : i32
        %rem3A_2081 = arith.remsi %add3A_2017, %select_n3A_2080 : i32
        %ne3A_2082 = arith.constant 0 : i32
        %ne3A_2083 = arith.cmpi ne, %rem3A_2081, %ne3A_2082 : i32
        %lt3A_2084 = arith.constant 0 : i32
        %lt3A_2085 = arith.cmpi slt, %rem3A_2081, %lt3A_2084 : i32
        %lt3A_2086 = arith.constant 0 : i32
        %lt3A_2087 = arith.cmpi slt, %select_n3A_2080, %lt3A_2086 : i32
        %ne3A_2088 = arith.xori %lt3A_2085, %lt3A_2087 : i1
        %and3A_2089 = arith.andi %ne3A_2088, %ne3A_2083 : i1
        %add3A_2090 = arith.addi %rem3A_2081, %select_n3A_2080 : i32
        %select_n3A_2091 = arith.select %and3A_2089, %add3A_2090, %rem3A_2081 : i32
        %shift_right_arithmetic3A_2092 = arith.constant 4 : i32
        %shift_right_arithmetic3A_2093 = arith.shrsi %select_n3A_2091, %shift_right_arithmetic3A_2092 : i32
        %shift_left3A_2094 = arith.constant 4 : i32
        %shift_left3A_2095 = arith.shli %shift_right_arithmetic3A_2093, %shift_left3A_2094 : i32
        %jit3A_2096 = arith.constant 128 : i32
        %div3A_2097 = arith.divsi %add3A_2017, %jit3A_2096 : i32
        %sign3A_2098 = arith.constant 0 : i32
        %sign3A_2099 = arith.cmpi sgt, %add3A_2017, %sign3A_2098 : i32
        %sign3A_2100 = arith.extui %sign3A_2099 : i1 to i32
        %sign3A_2101 = arith.constant 0 : i32
        %sign3A_2102 = arith.cmpi slt, %add3A_2017, %sign3A_2101 : i32
        %sign3A_2103 = arith.extui %sign3A_2102 : i1 to i32
        %sign3A_2104 = arith.subi %sign3A_2100, %sign3A_2103 : i32
        %sign3A_2105 = arith.constant 0 : i32
        %sign3A_2106 = arith.cmpi sgt, %jit3A_2096, %sign3A_2105 : i32
        %sign3A_2107 = arith.extui %sign3A_2106 : i1 to i32
        %sign3A_2108 = arith.constant 0 : i32
        %sign3A_2109 = arith.cmpi slt, %jit3A_2096, %sign3A_2108 : i32
        %sign3A_2110 = arith.extui %sign3A_2109 : i1 to i32
        %sign3A_2111 = arith.subi %sign3A_2107, %sign3A_2110 : i32
        %ne3A_2112 = arith.cmpi ne, %sign3A_2104, %sign3A_2111 : i32
        %rem3A_2113 = arith.remsi %add3A_2017, %jit3A_2096 : i32
        %ne3A_2114 = arith.constant 0 : i32
        %ne3A_2115 = arith.cmpi ne, %rem3A_2113, %ne3A_2114 : i32
        %and3A_2116 = arith.andi %ne3A_2112, %ne3A_2115 : i1
        %sub3A_2117 = arith.constant 1 : i32
        %sub3A_2118 = arith.subi %div3A_2097, %sub3A_2117 : i32
        %select_n3A_2119 = arith.select %and3A_2116, %sub3A_2118, %div3A_2097 : i32
        %get3A_2120 = arith.index_cast %select_n3A_2119 : i32 to index
        %get3A_2121 = arith.index_cast %shift_left3A_2095 : i32 to index
        %get3A_2122 = tpu.vector_load %arg8[%get3A_2120, %get3A_2121] {strides = array<i32>} : memref<4x128xi32, #tpu.memory_space<vmem>>, vector<16xi32>,
        %and3A_2123 = arith.constant 15 : i32
        %and3A_2124 = arith.andi %add3A_2017, %and3A_2123 : i32
        %eq3A_2125 = vector.broadcast %and3A_2124 : i32 to vector<16xi32>
        %eq3A_2126 = arith.cmpi eq, %iota3A, %eq3A_2125 : vector<16xi32>
        %jit3A_2127 = arith.constant 0 : i32
        %broadcast_in_dim3A_2128 = vector.broadcast %jit3A_2127 : i32 to vector<16xi32>
        %select_n3A_2129 = arith.select %eq3A_2126, %get3A_2122, %broadcast_in_dim3A_2128 : vector<16xi1>, vector<16xi32>
        %reduce_sum3A_2130 = arith.constant true
        %reduce_sum3A_2131 = vector.broadcast %reduce_sum3A_2130 : i1 to vector<16xi1>
        %reduce_sum3A_2132 = tpu.scan <sum>, %select_n3A_2129 masked %reduce_sum3A_2131 : vector<16xi32>, vector<16xi1> -> vector<16xi32>
        %reduce_sum3A_2133 = vector.extract %reduce_sum3A_2132[15] : i32 from vector<16xi32>
        %shift_right_arithmetic3A_2134 = arith.constant 7 : i32
        %shift_right_arithmetic3A_2135 = arith.shrsi %reduce_sum3A_2075, %shift_right_arithmetic3A_2134 : i32
        %mul3A_2136 = arith.constant 128 : i32
        %mul3A_2137 = arith.muli %shift_right_arithmetic3A_2135, %mul3A_2136 : i32
        %multiple_of3A_2138 = tpu.assume_multiple %mul3A_2137, 128 : i32
        %shift_right_arithmetic3A_2139 = arith.constant 7 : i32
        %shift_right_arithmetic3A_2140 = arith.shrsi %reduce_sum3A_2133, %shift_right_arithmetic3A_2139 : i32
        %mul3A_2141 = arith.constant 128 : i32
        %mul3A_2142 = arith.muli %shift_right_arithmetic3A_2140, %mul3A_2141 : i32
        %multiple_of3A_2143 = tpu.assume_multiple %mul3A_2142, 128 : i32
        %dma_start3A_2144 = arith.constant 1 : i32
        %dma_start3A_2145 = arith.constant 0 : i32
        %dma_start3A_2146 = arith.constant 0 : i32
        %dma_start3A_2147 = arith.constant 0 : i32
        %dma_start3A_2148 = tpu.memref_slice %arg9[%dma_start3A_2144, %dma_start3A_2145, %dma_start3A_2146, %dma_start3A_2147] : memref<8x2x32x128xf32, #tpu.memory_space<vmem>> -> memref<1x1x32x128xf32, #tpu.memory_space<vmem>>
        %dma_start3A_2149 = tpu.memref_squeeze %dma_start3A_2148 : memref<1x1x32x128xf32, #tpu.memory_space<vmem>> -> memref<32x128xf32, #tpu.memory_space<vmem>>
        %dma_start3A_2150 = arith.constant 0 : i32
        %dma_start3A_2151 = tpu.memref_slice %arg4[%dma_start3A_2150, %multiple_of3A_2138] : memref<32x1000000xf32, #tpu.memory_space<hbm>> -> memref<32x128xf32, #tpu.memory_space<hbm>>
        %dma_start3A_2152 = arith.constant 0 : i32
        %dma_start3A_2153 = arith.constant 0 : i32
        %dma_start3A_2154 = tpu.memref_slice %arg9[%dma_start3A_2144, %dma_start3A_2145, %dma_start3A_2152, %dma_start3A_2153] : memref<8x2x32x128xf32, #tpu.memory_space<vmem>> -> memref<1x1x32x128xf32, #tpu.memory_space<vmem>>
        %dma_start3A_2155 = tpu.memref_squeeze %dma_start3A_2154 : memref<1x1x32x128xf32, #tpu.memory_space<vmem>> -> memref<32x128xf32, #tpu.memory_space<vmem>>
        %dma_start3A_2156 = arith.constant 0 : i32
        %dma_start3A_2157 = tpu.memref_slice %arg4[%dma_start3A_2156, %multiple_of3A_2138] : memref<32x1000000xf32, #tpu.memory_space<hbm>> -> memref<32x128xf32, #tpu.memory_space<hbm>>
        tpu.enqueue_dma source(%dma_start3A_2157 : memref<32x128xf32, #tpu.memory_space<hbm>>) target(%dma_start3A_2155 : memref<32x128xf32, #tpu.memory_space<vmem>>) target_semaphore(%arg12 : memref<!tpu.dma_semaphore, #tpu.memory_space<semaphore_mem>>)
        %dma_start3A_2158 = arith.constant 1 : i32
        %dma_start3A_2159 = arith.constant 1 : i32
        %dma_start3A_2160 = arith.constant 0 : i32
        %dma_start3A_2161 = arith.constant 0 : i32
        %dma_start3A_2162 = tpu.memref_slice %arg9[%dma_start3A_2158, %dma_start3A_2159, %dma_start3A_2160, %dma_start3A_2161] : memref<8x2x32x128xf32, #tpu.memory_space<vmem>> -> memref<1x1x32x128xf32, #tpu.memory_space<vmem>>
        %dma_start3A_2163 = tpu.memref_squeeze %dma_start3A_2162 : memref<1x1x32x128xf32, #tpu.memory_space<vmem>> -> memref<32x128xf32, #tpu.memory_space<vmem>>
        %dma_start3A_2164 = arith.constant 0 : i32
        %dma_start3A_2165 = tpu.memref_slice %arg5[%dma_start3A_2164, %multiple_of3A_2143] : memref<32x1000000xf32, #tpu.memory_space<hbm>> -> memref<32x128xf32, #tpu.memory_space<hbm>>
        %dma_start3A_2166 = arith.constant 0 : i32
        %dma_start3A_2167 = arith.constant 0 : i32
        %dma_start3A_2168 = tpu.memref_slice %arg9[%dma_start3A_2158, %dma_start3A_2159, %dma_start3A_2166, %dma_start3A_2167] : memref<8x2x32x128xf32, #tpu.memory_space<vmem>> -> memref<1x1x32x128xf32, #tpu.memory_space<vmem>>
        %dma_start3A_2169 = tpu.memref_squeeze %dma_start3A_2168 : memref<1x1x32x128xf32, #tpu.memory_space<vmem>> -> memref<32x128xf32, #tpu.memory_space<vmem>>
        %dma_start3A_2170 = arith.constant 0 : i32
        %dma_start3A_2171 = tpu.memref_slice %arg5[%dma_start3A_2170, %multiple_of3A_2143] : memref<32x1000000xf32, #tpu.memory_space<hbm>> -> memref<32x128xf32, #tpu.memory_space<hbm>>
        tpu.enqueue_dma source(%dma_start3A_2171 : memref<32x128xf32, #tpu.memory_space<hbm>>) target(%dma_start3A_2169 : memref<32x128xf32, #tpu.memory_space<vmem>>) target_semaphore(%arg12 : memref<!tpu.dma_semaphore, #tpu.memory_space<semaphore_mem>>)
      } else {
      }
      %mul3A_894 = arith.constant 8 : i32
      %mul3A_895 = arith.muli %scan3A_531, %mul3A_894 : i32
      %add3A_896 = arith.constant 2 : i32
      %add3A_897 = arith.addi %mul3A_895, %add3A_896 : i32
      %dma_wait3A_898 = arith.constant 2 : i32
      %dma_wait3A_899 = arith.constant 0 : i32
      %dma_wait3A_900 = arith.constant 0 : i32
      %dma_wait3A_901 = arith.constant 0 : i32
      %dma_wait3A_902 = tpu.memref_slice %arg9[%dma_wait3A_898, %dma_wait3A_899, %dma_wait3A_900, %dma_wait3A_901] : memref<8x2x32x128xf32, #tpu.memory_space<vmem>> -> memref<1x2x32x128xf32, #tpu.memory_space<vmem>>
      %dma_wait3A_903 = tpu.memref_squeeze %dma_wait3A_902 : memref<1x2x32x128xf32, #tpu.memory_space<vmem>> -> memref<2x32x128xf32, #tpu.memory_space<vmem>>
      %dma_wait3A_904 = arith.constant 0 : i32
      %dma_wait3A_905 = arith.constant 0 : i32
      %dma_wait3A_906 = tpu.memref_slice %arg4[%dma_wait3A_904, %dma_wait3A_905] : memref<32x1000000xf32, #tpu.memory_space<hbm>> -> memref<32x256xf32, #tpu.memory_space<hbm>>
      %dma_wait3A_907 = arith.constant 0 : i32
      %dma_wait3A_908 = arith.constant 0 : i32
      %dma_wait3A_909 = arith.constant 0 : i32
      %dma_wait3A_910 = tpu.memref_slice %arg9[%dma_wait3A_898, %dma_wait3A_907, %dma_wait3A_908, %dma_wait3A_909] : memref<8x2x32x128xf32, #tpu.memory_space<vmem>> -> memref<1x2x32x128xf32, #tpu.memory_space<vmem>>
      %dma_wait3A_911 = tpu.memref_squeeze %dma_wait3A_910 : memref<1x2x32x128xf32, #tpu.memory_space<vmem>> -> memref<2x32x128xf32, #tpu.memory_space<vmem>>
      %dma_wait3A_912 = arith.constant 0 : i32
      %dma_wait3A_913 = arith.constant 0 : i32
      %dma_wait3A_914 = tpu.memref_slice %arg4[%dma_wait3A_912, %dma_wait3A_913] : memref<32x1000000xf32, #tpu.memory_space<hbm>> -> memref<32x256xf32, #tpu.memory_space<hbm>>
      tpu.wait_dma2 semaphore(%arg13 : memref<!tpu.dma_semaphore, #tpu.memory_space<semaphore_mem>>) src(%dma_wait3A_914 : memref<32x256xf32, #tpu.memory_space<hbm>>) dst(%dma_wait3A_911 : memref<2x32x128xf32, #tpu.memory_space<vmem>>)
      %jit3A_915 = arith.constant 128 : i32
      %eq3A_916 = arith.constant 0 : i32
      %eq3A_917 = arith.cmpi eq, %jit3A_915, %eq3A_916 : i32
      %jit3A_918 = arith.constant 1 : i32
      %select_n3A_919 = arith.select %eq3A_917, %jit3A_918, %jit3A_915 : i32
      %rem3A_920 = arith.remsi %add3A_897, %select_n3A_919 : i32
      %ne3A_921 = arith.constant 0 : i32
      %ne3A_922 = arith.cmpi ne, %rem3A_920, %ne3A_921 : i32
      %lt3A_923 = arith.constant 0 : i32
      %lt3A_924 = arith.cmpi slt, %rem3A_920, %lt3A_923 : i32
      %lt3A_925 = arith.constant 0 : i32
      %lt3A_926 = arith.cmpi slt, %select_n3A_919, %lt3A_925 : i32
      %ne3A_927 = arith.xori %lt3A_924, %lt3A_926 : i1
      %and3A_928 = arith.andi %ne3A_927, %ne3A_922 : i1
      %add3A_929 = arith.addi %rem3A_920, %select_n3A_919 : i32
      %select_n3A_930 = arith.select %and3A_928, %add3A_929, %rem3A_920 : i32
      %shift_right_arithmetic3A_931 = arith.constant 4 : i32
      %shift_right_arithmetic3A_932 = arith.shrsi %select_n3A_930, %shift_right_arithmetic3A_931 : i32
      %shift_left3A_933 = arith.constant 4 : i32
      %shift_left3A_934 = arith.shli %shift_right_arithmetic3A_932, %shift_left3A_933 : i32
      %jit3A_935 = arith.constant 128 : i32
      %div3A_936 = arith.divsi %add3A_897, %jit3A_935 : i32
      %sign3A_937 = arith.constant 0 : i32
      %sign3A_938 = arith.cmpi sgt, %add3A_897, %sign3A_937 : i32
      %sign3A_939 = arith.extui %sign3A_938 : i1 to i32
      %sign3A_940 = arith.constant 0 : i32
      %sign3A_941 = arith.cmpi slt, %add3A_897, %sign3A_940 : i32
      %sign3A_942 = arith.extui %sign3A_941 : i1 to i32
      %sign3A_943 = arith.subi %sign3A_939, %sign3A_942 : i32
      %sign3A_944 = arith.constant 0 : i32
      %sign3A_945 = arith.cmpi sgt, %jit3A_935, %sign3A_944 : i32
      %sign3A_946 = arith.extui %sign3A_945 : i1 to i32
      %sign3A_947 = arith.constant 0 : i32
      %sign3A_948 = arith.cmpi slt, %jit3A_935, %sign3A_947 : i32
      %sign3A_949 = arith.extui %sign3A_948 : i1 to i32
      %sign3A_950 = arith.subi %sign3A_946, %sign3A_949 : i32
      %ne3A_951 = arith.cmpi ne, %sign3A_943, %sign3A_950 : i32
      %rem3A_952 = arith.remsi %add3A_897, %jit3A_935 : i32
      %ne3A_953 = arith.constant 0 : i32
      %ne3A_954 = arith.cmpi ne, %rem3A_952, %ne3A_953 : i32
      %and3A_955 = arith.andi %ne3A_951, %ne3A_954 : i1
      %sub3A_956 = arith.constant 1 : i32
      %sub3A_957 = arith.subi %div3A_936, %sub3A_956 : i32
      %select_n3A_958 = arith.select %and3A_955, %sub3A_957, %div3A_936 : i32
      %get3A_959 = arith.index_cast %select_n3A_958 : i32 to index
      %get3A_960 = arith.index_cast %shift_left3A_934 : i32 to index
      %get3A_961 = tpu.vector_load %arg7[%get3A_959, %get3A_960] {strides = array<i32>} : memref<4x128xi32, #tpu.memory_space<vmem>>, vector<16xi32>,
      %and3A_962 = arith.constant 15 : i32
      %and3A_963 = arith.andi %add3A_897, %and3A_962 : i32
      %eq3A_964 = vector.broadcast %and3A_963 : i32 to vector<16xi32>
      %eq3A_965 = arith.cmpi eq, %iota3A, %eq3A_964 : vector<16xi32>
      %jit3A_966 = arith.constant 0 : i32
      %broadcast_in_dim3A_967 = vector.broadcast %jit3A_966 : i32 to vector<16xi32>
      %select_n3A_968 = arith.select %eq3A_965, %get3A_961, %broadcast_in_dim3A_967 : vector<16xi1>, vector<16xi32>
      %reduce_sum3A_969 = arith.constant true
      %reduce_sum3A_970 = vector.broadcast %reduce_sum3A_969 : i1 to vector<16xi1>
      %reduce_sum3A_971 = tpu.scan <sum>, %select_n3A_968 masked %reduce_sum3A_970 : vector<16xi32>, vector<16xi1> -> vector<16xi32>
      %reduce_sum3A_972 = vector.extract %reduce_sum3A_971[15] : i32 from vector<16xi32>
      %jit3A_973 = arith.constant 128 : i32
      %eq3A_974 = arith.constant 0 : i32
      %eq3A_975 = arith.cmpi eq, %jit3A_973, %eq3A_974 : i32
      %jit3A_976 = arith.constant 1 : i32
      %select_n3A_977 = arith.select %eq3A_975, %jit3A_976, %jit3A_973 : i32
      %rem3A_978 = arith.remsi %add3A_897, %select_n3A_977 : i32
      %ne3A_979 = arith.constant 0 : i32
      %ne3A_980 = arith.cmpi ne, %rem3A_978, %ne3A_979 : i32
      %lt3A_981 = arith.constant 0 : i32
      %lt3A_982 = arith.cmpi slt, %rem3A_978, %lt3A_981 : i32
      %lt3A_983 = arith.constant 0 : i32
      %lt3A_984 = arith.cmpi slt, %select_n3A_977, %lt3A_983 : i32
      %ne3A_985 = arith.xori %lt3A_982, %lt3A_984 : i1
      %and3A_986 = arith.andi %ne3A_985, %ne3A_980 : i1
      %add3A_987 = arith.addi %rem3A_978, %select_n3A_977 : i32
      %select_n3A_988 = arith.select %and3A_986, %add3A_987, %rem3A_978 : i32
      %shift_right_arithmetic3A_989 = arith.constant 4 : i32
      %shift_right_arithmetic3A_990 = arith.shrsi %select_n3A_988, %shift_right_arithmetic3A_989 : i32
      %shift_left3A_991 = arith.constant 4 : i32
      %shift_left3A_992 = arith.shli %shift_right_arithmetic3A_990, %shift_left3A_991 : i32
      %jit3A_993 = arith.constant 128 : i32
      %div3A_994 = arith.divsi %add3A_897, %jit3A_993 : i32
      %sign3A_995 = arith.constant 0 : i32
      %sign3A_996 = arith.cmpi sgt, %add3A_897, %sign3A_995 : i32
      %sign3A_997 = arith.extui %sign3A_996 : i1 to i32
      %sign3A_998 = arith.constant 0 : i32
      %sign3A_999 = arith.cmpi slt, %add3A_897, %sign3A_998 : i32
      %sign3A_1000 = arith.extui %sign3A_999 : i1 to i32
      %sign3A_1001 = arith.subi %sign3A_997, %sign3A_1000 : i32
      %sign3A_1002 = arith.constant 0 : i32
      %sign3A_1003 = arith.cmpi sgt, %jit3A_993, %sign3A_1002 : i32
      %sign3A_1004 = arith.extui %sign3A_1003 : i1 to i32
      %sign3A_1005 = arith.constant 0 : i32
      %sign3A_1006 = arith.cmpi slt, %jit3A_993, %sign3A_1005 : i32
      %sign3A_1007 = arith.extui %sign3A_1006 : i1 to i32
      %sign3A_1008 = arith.subi %sign3A_1004, %sign3A_1007 : i32
      %ne3A_1009 = arith.cmpi ne, %sign3A_1001, %sign3A_1008 : i32
      %rem3A_1010 = arith.remsi %add3A_897, %jit3A_993 : i32
      %ne3A_1011 = arith.constant 0 : i32
      %ne3A_1012 = arith.cmpi ne, %rem3A_1010, %ne3A_1011 : i32
      %and3A_1013 = arith.andi %ne3A_1009, %ne3A_1012 : i1
      %sub3A_1014 = arith.constant 1 : i32
      %sub3A_1015 = arith.subi %div3A_994, %sub3A_1014 : i32
      %select_n3A_1016 = arith.select %and3A_1013, %sub3A_1015, %div3A_994 : i32
      %get3A_1017 = arith.index_cast %select_n3A_1016 : i32 to index
      %get3A_1018 = arith.index_cast %shift_left3A_992 : i32 to index
      %get3A_1019 = tpu.vector_load %arg8[%get3A_1017, %get3A_1018] {strides = array<i32>} : memref<4x128xi32, #tpu.memory_space<vmem>>, vector<16xi32>,
      %and3A_1020 = arith.constant 15 : i32
      %and3A_1021 = arith.andi %add3A_897, %and3A_1020 : i32
      %eq3A_1022 = vector.broadcast %and3A_1021 : i32 to vector<16xi32>
      %eq3A_1023 = arith.cmpi eq, %iota3A, %eq3A_1022 : vector<16xi32>
      %jit3A_1024 = arith.constant 0 : i32
      %broadcast_in_dim3A_1025 = vector.broadcast %jit3A_1024 : i32 to vector<16xi32>
      %select_n3A_1026 = arith.select %eq3A_1023, %get3A_1019, %broadcast_in_dim3A_1025 : vector<16xi1>, vector<16xi32>
      %reduce_sum3A_1027 = arith.constant true
      %reduce_sum3A_1028 = vector.broadcast %reduce_sum3A_1027 : i1 to vector<16xi1>
      %reduce_sum3A_1029 = tpu.scan <sum>, %select_n3A_1026 masked %reduce_sum3A_1028 : vector<16xi32>, vector<16xi1> -> vector<16xi32>
      %reduce_sum3A_1030 = vector.extract %reduce_sum3A_1029[15] : i32 from vector<16xi32>
      %and3A_1031 = arith.constant 127 : i32
      %and3A_1032 = arith.andi %reduce_sum3A_972, %and3A_1031 : i32
      %broadcast_in_dim3A_1033 = vector.broadcast %and3A_1032 : i32 to vector<16xi32>
      %and3A_1034 = arith.constant 127 : i32
      %and3A_1035 = arith.andi %reduce_sum3A_1030, %and3A_1034 : i32
      %broadcast_in_dim3A_1036 = vector.broadcast %and3A_1035 : i32 to vector<16xi32>
      %broadcast_in_dim3A_1037 = vector.broadcast %add3A_897 : i32 to vector<16xi32>
      %add3A_1038 = arith.constant 0 : i32
      %add3A_1039 = vector.broadcast %add3A_1038 : i32 to vector<16xi32>
      %add3A_1040 = arith.addi %iota3A, %add3A_1039 : vector<16xi32>
      %gather3A_1041 = arith.constant 2 : i32
      %gather3A_1042 = arith.constant 0 : i32
      %gather3A_1043 = arith.constant 0 : i32
      %gather3A_1044 = arith.constant 0 : i32
      %gather3A_1045 = tpu.memref_slice %arg9[%gather3A_1041, %gather3A_1042, %gather3A_1043, %gather3A_1044] : memref<8x2x32x128xf32, #tpu.memory_space<vmem>> -> memref<1x1x32x128xf32, #tpu.memory_space<vmem>>
      %gather3A_1046 = tpu.memref_squeeze %gather3A_1045 : memref<1x1x32x128xf32, #tpu.memory_space<vmem>> -> memref<32x128xf32, #tpu.memory_space<vmem>>
      %gather3A_1047 = tpu.vector_load_idx %gather3A_1046[%add3A_1040, %broadcast_in_dim3A_1033] : memref<32x128xf32, #tpu.memory_space<vmem>>[vector<16xi32>, vector<16xi32>], vector<16xf32>,
      %gather3A_1048 = arith.constant 2 : i32
      %gather3A_1049 = arith.constant 1 : i32
      %gather3A_1050 = arith.constant 0 : i32
      %gather3A_1051 = arith.constant 0 : i32
      %gather3A_1052 = tpu.memref_slice %arg9[%gather3A_1048, %gather3A_1049, %gather3A_1050, %gather3A_1051] : memref<8x2x32x128xf32, #tpu.memory_space<vmem>> -> memref<1x1x32x128xf32, #tpu.memory_space<vmem>>
      %gather3A_1053 = tpu.memref_squeeze %gather3A_1052 : memref<1x1x32x128xf32, #tpu.memory_space<vmem>> -> memref<32x128xf32, #tpu.memory_space<vmem>>
      %gather3A_1054 = tpu.vector_load_idx %gather3A_1053[%add3A_1040, %broadcast_in_dim3A_1036] : memref<32x128xf32, #tpu.memory_space<vmem>>[vector<16xi32>, vector<16xi32>], vector<16xf32>,
      %mul3A_1055 = arith.mulf %gather3A_1047, %gather3A_1054 : vector<16xf32>
      tpu.vector_store_idx %arg10[%add3A_1040, %broadcast_in_dim3A_1037], %mul3A_1055 : memref<32x512xf32, #tpu.memory_space<vmem>>[vector<16xi32>, vector<16xi32>], vector<16xf32>,
      %add3A_1056 = arith.constant 16 : i32
      %add3A_1057 = vector.broadcast %add3A_1056 : i32 to vector<16xi32>
      %add3A_1058 = arith.addi %iota3A, %add3A_1057 : vector<16xi32>
      %gather3A_1059 = arith.constant 2 : i32
      %gather3A_1060 = arith.constant 0 : i32
      %gather3A_1061 = arith.constant 0 : i32
      %gather3A_1062 = arith.constant 0 : i32
      %gather3A_1063 = tpu.memref_slice %arg9[%gather3A_1059, %gather3A_1060, %gather3A_1061, %gather3A_1062] : memref<8x2x32x128xf32, #tpu.memory_space<vmem>> -> memref<1x1x32x128xf32, #tpu.memory_space<vmem>>
      %gather3A_1064 = tpu.memref_squeeze %gather3A_1063 : memref<1x1x32x128xf32, #tpu.memory_space<vmem>> -> memref<32x128xf32, #tpu.memory_space<vmem>>
      %gather3A_1065 = tpu.vector_load_idx %gather3A_1064[%add3A_1058, %broadcast_in_dim3A_1033] : memref<32x128xf32, #tpu.memory_space<vmem>>[vector<16xi32>, vector<16xi32>], vector<16xf32>,
      %gather3A_1066 = arith.constant 2 : i32
      %gather3A_1067 = arith.constant 1 : i32
      %gather3A_1068 = arith.constant 0 : i32
      %gather3A_1069 = arith.constant 0 : i32
      %gather3A_1070 = tpu.memref_slice %arg9[%gather3A_1066, %gather3A_1067, %gather3A_1068, %gather3A_1069] : memref<8x2x32x128xf32, #tpu.memory_space<vmem>> -> memref<1x1x32x128xf32, #tpu.memory_space<vmem>>
      %gather3A_1071 = tpu.memref_squeeze %gather3A_1070 : memref<1x1x32x128xf32, #tpu.memory_space<vmem>> -> memref<32x128xf32, #tpu.memory_space<vmem>>
      %gather3A_1072 = tpu.vector_load_idx %gather3A_1071[%add3A_1058, %broadcast_in_dim3A_1036] : memref<32x128xf32, #tpu.memory_space<vmem>>[vector<16xi32>, vector<16xi32>], vector<16xf32>,
      %mul3A_1073 = arith.mulf %gather3A_1065, %gather3A_1072 : vector<16xf32>
      tpu.vector_store_idx %arg10[%add3A_1058, %broadcast_in_dim3A_1037], %mul3A_1073 : memref<32x512xf32, #tpu.memory_space<vmem>>[vector<16xi32>, vector<16xi32>], vector<16xf32>,
      %add3A_1074 = arith.constant 8 : i32
      %add3A_1075 = arith.addi %add3A_897, %add3A_1074 : i32
      %lt3A_1076 = arith.constant 512 : i32
      %lt3A_1077 = arith.cmpi slt, %add3A_1075, %lt3A_1076 : i32
      %convert_element_type3A_1078 = arith.extui %lt3A_1077 : i1 to i32
      %cond3A_1079 = arith.constant 0 : i32
      %cond3A_1080 = arith.cmpi ne, %convert_element_type3A_1078, %cond3A_1079 : i32
      scf.if %cond3A_1080 {
        %add3A_2016 = arith.constant 8 : i32
        %add3A_2017 = arith.addi %add3A_897, %add3A_2016 : i32
        %jit3A_2018 = arith.constant 128 : i32
        %eq3A_2019 = arith.constant 0 : i32
        %eq3A_2020 = arith.cmpi eq, %jit3A_2018, %eq3A_2019 : i32
        %jit3A_2021 = arith.constant 1 : i32
        %select_n3A_2022 = arith.select %eq3A_2020, %jit3A_2021, %jit3A_2018 : i32
        %rem3A_2023 = arith.remsi %add3A_2017, %select_n3A_2022 : i32
        %ne3A_2024 = arith.constant 0 : i32
        %ne3A_2025 = arith.cmpi ne, %rem3A_2023, %ne3A_2024 : i32
        %lt3A_2026 = arith.constant 0 : i32
        %lt3A_2027 = arith.cmpi slt, %rem3A_2023, %lt3A_2026 : i32
        %lt3A_2028 = arith.constant 0 : i32
        %lt3A_2029 = arith.cmpi slt, %select_n3A_2022, %lt3A_2028 : i32
        %ne3A_2030 = arith.xori %lt3A_2027, %lt3A_2029 : i1
        %and3A_2031 = arith.andi %ne3A_2030, %ne3A_2025 : i1
        %add3A_2032 = arith.addi %rem3A_2023, %select_n3A_2022 : i32
        %select_n3A_2033 = arith.select %and3A_2031, %add3A_2032, %rem3A_2023 : i32
        %shift_right_arithmetic3A_2034 = arith.constant 4 : i32
        %shift_right_arithmetic3A_2035 = arith.shrsi %select_n3A_2033, %shift_right_arithmetic3A_2034 : i32
        %shift_left3A_2036 = arith.constant 4 : i32
        %shift_left3A_2037 = arith.shli %shift_right_arithmetic3A_2035, %shift_left3A_2036 : i32
        %jit3A_2038 = arith.constant 128 : i32
        %div3A_2039 = arith.divsi %add3A_2017, %jit3A_2038 : i32
        %sign3A_2040 = arith.constant 0 : i32
        %sign3A_2041 = arith.cmpi sgt, %add3A_2017, %sign3A_2040 : i32
        %sign3A_2042 = arith.extui %sign3A_2041 : i1 to i32
        %sign3A_2043 = arith.constant 0 : i32
        %sign3A_2044 = arith.cmpi slt, %add3A_2017, %sign3A_2043 : i32
        %sign3A_2045 = arith.extui %sign3A_2044 : i1 to i32
        %sign3A_2046 = arith.subi %sign3A_2042, %sign3A_2045 : i32
        %sign3A_2047 = arith.constant 0 : i32
        %sign3A_2048 = arith.cmpi sgt, %jit3A_2038, %sign3A_2047 : i32
        %sign3A_2049 = arith.extui %sign3A_2048 : i1 to i32
        %sign3A_2050 = arith.constant 0 : i32
        %sign3A_2051 = arith.cmpi slt, %jit3A_2038, %sign3A_2050 : i32
        %sign3A_2052 = arith.extui %sign3A_2051 : i1 to i32
        %sign3A_2053 = arith.subi %sign3A_2049, %sign3A_2052 : i32
        %ne3A_2054 = arith.cmpi ne, %sign3A_2046, %sign3A_2053 : i32
        %rem3A_2055 = arith.remsi %add3A_2017, %jit3A_2038 : i32
        %ne3A_2056 = arith.constant 0 : i32
        %ne3A_2057 = arith.cmpi ne, %rem3A_2055, %ne3A_2056 : i32
        %and3A_2058 = arith.andi %ne3A_2054, %ne3A_2057 : i1
        %sub3A_2059 = arith.constant 1 : i32
        %sub3A_2060 = arith.subi %div3A_2039, %sub3A_2059 : i32
        %select_n3A_2061 = arith.select %and3A_2058, %sub3A_2060, %div3A_2039 : i32
        %get3A_2062 = arith.index_cast %select_n3A_2061 : i32 to index
        %get3A_2063 = arith.index_cast %shift_left3A_2037 : i32 to index
        %get3A_2064 = tpu.vector_load %arg7[%get3A_2062, %get3A_2063] {strides = array<i32>} : memref<4x128xi32, #tpu.memory_space<vmem>>, vector<16xi32>,
        %and3A_2065 = arith.constant 15 : i32
        %and3A_2066 = arith.andi %add3A_2017, %and3A_2065 : i32
        %eq3A_2067 = vector.broadcast %and3A_2066 : i32 to vector<16xi32>
        %eq3A_2068 = arith.cmpi eq, %iota3A, %eq3A_2067 : vector<16xi32>
        %jit3A_2069 = arith.constant 0 : i32
        %broadcast_in_dim3A_2070 = vector.broadcast %jit3A_2069 : i32 to vector<16xi32>
        %select_n3A_2071 = arith.select %eq3A_2068, %get3A_2064, %broadcast_in_dim3A_2070 : vector<16xi1>, vector<16xi32>
        %reduce_sum3A_2072 = arith.constant true
        %reduce_sum3A_2073 = vector.broadcast %reduce_sum3A_2072 : i1 to vector<16xi1>
        %reduce_sum3A_2074 = tpu.scan <sum>, %select_n3A_2071 masked %reduce_sum3A_2073 : vector<16xi32>, vector<16xi1> -> vector<16xi32>
        %reduce_sum3A_2075 = vector.extract %reduce_sum3A_2074[15] : i32 from vector<16xi32>
        %jit3A_2076 = arith.constant 128 : i32
        %eq3A_2077 = arith.constant 0 : i32
        %eq3A_2078 = arith.cmpi eq, %jit3A_2076, %eq3A_2077 : i32
        %jit3A_2079 = arith.constant 1 : i32
        %select_n3A_2080 = arith.select %eq3A_2078, %jit3A_2079, %jit3A_2076 : i32
        %rem3A_2081 = arith.remsi %add3A_2017, %select_n3A_2080 : i32
        %ne3A_2082 = arith.constant 0 : i32
        %ne3A_2083 = arith.cmpi ne, %rem3A_2081, %ne3A_2082 : i32
        %lt3A_2084 = arith.constant 0 : i32
        %lt3A_2085 = arith.cmpi slt, %rem3A_2081, %lt3A_2084 : i32
        %lt3A_2086 = arith.constant 0 : i32
        %lt3A_2087 = arith.cmpi slt, %select_n3A_2080, %lt3A_2086 : i32
        %ne3A_2088 = arith.xori %lt3A_2085, %lt3A_2087 : i1
        %and3A_2089 = arith.andi %ne3A_2088, %ne3A_2083 : i1
        %add3A_2090 = arith.addi %rem3A_2081, %select_n3A_2080 : i32
        %select_n3A_2091 = arith.select %and3A_2089, %add3A_2090, %rem3A_2081 : i32
        %shift_right_arithmetic3A_2092 = arith.constant 4 : i32
        %shift_right_arithmetic3A_2093 = arith.shrsi %select_n3A_2091, %shift_right_arithmetic3A_2092 : i32
        %shift_left3A_2094 = arith.constant 4 : i32
        %shift_left3A_2095 = arith.shli %shift_right_arithmetic3A_2093, %shift_left3A_2094 : i32
        %jit3A_2096 = arith.constant 128 : i32
        %div3A_2097 = arith.divsi %add3A_2017, %jit3A_2096 : i32
        %sign3A_2098 = arith.constant 0 : i32
        %sign3A_2099 = arith.cmpi sgt, %add3A_2017, %sign3A_2098 : i32
        %sign3A_2100 = arith.extui %sign3A_2099 : i1 to i32
        %sign3A_2101 = arith.constant 0 : i32
        %sign3A_2102 = arith.cmpi slt, %add3A_2017, %sign3A_2101 : i32
        %sign3A_2103 = arith.extui %sign3A_2102 : i1 to i32
        %sign3A_2104 = arith.subi %sign3A_2100, %sign3A_2103 : i32
        %sign3A_2105 = arith.constant 0 : i32
        %sign3A_2106 = arith.cmpi sgt, %jit3A_2096, %sign3A_2105 : i32
        %sign3A_2107 = arith.extui %sign3A_2106 : i1 to i32
        %sign3A_2108 = arith.constant 0 : i32
        %sign3A_2109 = arith.cmpi slt, %jit3A_2096, %sign3A_2108 : i32
        %sign3A_2110 = arith.extui %sign3A_2109 : i1 to i32
        %sign3A_2111 = arith.subi %sign3A_2107, %sign3A_2110 : i32
        %ne3A_2112 = arith.cmpi ne, %sign3A_2104, %sign3A_2111 : i32
        %rem3A_2113 = arith.remsi %add3A_2017, %jit3A_2096 : i32
        %ne3A_2114 = arith.constant 0 : i32
        %ne3A_2115 = arith.cmpi ne, %rem3A_2113, %ne3A_2114 : i32
        %and3A_2116 = arith.andi %ne3A_2112, %ne3A_2115 : i1
        %sub3A_2117 = arith.constant 1 : i32
        %sub3A_2118 = arith.subi %div3A_2097, %sub3A_2117 : i32
        %select_n3A_2119 = arith.select %and3A_2116, %sub3A_2118, %div3A_2097 : i32
        %get3A_2120 = arith.index_cast %select_n3A_2119 : i32 to index
        %get3A_2121 = arith.index_cast %shift_left3A_2095 : i32 to index
        %get3A_2122 = tpu.vector_load %arg8[%get3A_2120, %get3A_2121] {strides = array<i32>} : memref<4x128xi32, #tpu.memory_space<vmem>>, vector<16xi32>,
        %and3A_2123 = arith.constant 15 : i32
        %and3A_2124 = arith.andi %add3A_2017, %and3A_2123 : i32
        %eq3A_2125 = vector.broadcast %and3A_2124 : i32 to vector<16xi32>
        %eq3A_2126 = arith.cmpi eq, %iota3A, %eq3A_2125 : vector<16xi32>
        %jit3A_2127 = arith.constant 0 : i32
        %broadcast_in_dim3A_2128 = vector.broadcast %jit3A_2127 : i32 to vector<16xi32>
        %select_n3A_2129 = arith.select %eq3A_2126, %get3A_2122, %broadcast_in_dim3A_2128 : vector<16xi1>, vector<16xi32>
        %reduce_sum3A_2130 = arith.constant true
        %reduce_sum3A_2131 = vector.broadcast %reduce_sum3A_2130 : i1 to vector<16xi1>
        %reduce_sum3A_2132 = tpu.scan <sum>, %select_n3A_2129 masked %reduce_sum3A_2131 : vector<16xi32>, vector<16xi1> -> vector<16xi32>
        %reduce_sum3A_2133 = vector.extract %reduce_sum3A_2132[15] : i32 from vector<16xi32>
        %shift_right_arithmetic3A_2134 = arith.constant 7 : i32
        %shift_right_arithmetic3A_2135 = arith.shrsi %reduce_sum3A_2075, %shift_right_arithmetic3A_2134 : i32
        %mul3A_2136 = arith.constant 128 : i32
        %mul3A_2137 = arith.muli %shift_right_arithmetic3A_2135, %mul3A_2136 : i32
        %multiple_of3A_2138 = tpu.assume_multiple %mul3A_2137, 128 : i32
        %shift_right_arithmetic3A_2139 = arith.constant 7 : i32
        %shift_right_arithmetic3A_2140 = arith.shrsi %reduce_sum3A_2133, %shift_right_arithmetic3A_2139 : i32
        %mul3A_2141 = arith.constant 128 : i32
        %mul3A_2142 = arith.muli %shift_right_arithmetic3A_2140, %mul3A_2141 : i32
        %multiple_of3A_2143 = tpu.assume_multiple %mul3A_2142, 128 : i32
        %dma_start3A_2144 = arith.constant 2 : i32
        %dma_start3A_2145 = arith.constant 0 : i32
        %dma_start3A_2146 = arith.constant 0 : i32
        %dma_start3A_2147 = arith.constant 0 : i32
        %dma_start3A_2148 = tpu.memref_slice %arg9[%dma_start3A_2144, %dma_start3A_2145, %dma_start3A_2146, %dma_start3A_2147] : memref<8x2x32x128xf32, #tpu.memory_space<vmem>> -> memref<1x1x32x128xf32, #tpu.memory_space<vmem>>
        %dma_start3A_2149 = tpu.memref_squeeze %dma_start3A_2148 : memref<1x1x32x128xf32, #tpu.memory_space<vmem>> -> memref<32x128xf32, #tpu.memory_space<vmem>>
        %dma_start3A_2150 = arith.constant 0 : i32
        %dma_start3A_2151 = tpu.memref_slice %arg4[%dma_start3A_2150, %multiple_of3A_2138] : memref<32x1000000xf32, #tpu.memory_space<hbm>> -> memref<32x128xf32, #tpu.memory_space<hbm>>
        %dma_start3A_2152 = arith.constant 0 : i32
        %dma_start3A_2153 = arith.constant 0 : i32
        %dma_start3A_2154 = tpu.memref_slice %arg9[%dma_start3A_2144, %dma_start3A_2145, %dma_start3A_2152, %dma_start3A_2153] : memref<8x2x32x128xf32, #tpu.memory_space<vmem>> -> memref<1x1x32x128xf32, #tpu.memory_space<vmem>>
        %dma_start3A_2155 = tpu.memref_squeeze %dma_start3A_2154 : memref<1x1x32x128xf32, #tpu.memory_space<vmem>> -> memref<32x128xf32, #tpu.memory_space<vmem>>
        %dma_start3A_2156 = arith.constant 0 : i32
        %dma_start3A_2157 = tpu.memref_slice %arg4[%dma_start3A_2156, %multiple_of3A_2138] : memref<32x1000000xf32, #tpu.memory_space<hbm>> -> memref<32x128xf32, #tpu.memory_space<hbm>>
        tpu.enqueue_dma source(%dma_start3A_2157 : memref<32x128xf32, #tpu.memory_space<hbm>>) target(%dma_start3A_2155 : memref<32x128xf32, #tpu.memory_space<vmem>>) target_semaphore(%arg13 : memref<!tpu.dma_semaphore, #tpu.memory_space<semaphore_mem>>)
        %dma_start3A_2158 = arith.constant 2 : i32
        %dma_start3A_2159 = arith.constant 1 : i32
        %dma_start3A_2160 = arith.constant 0 : i32
        %dma_start3A_2161 = arith.constant 0 : i32
        %dma_start3A_2162 = tpu.memref_slice %arg9[%dma_start3A_2158, %dma_start3A_2159, %dma_start3A_2160, %dma_start3A_2161] : memref<8x2x32x128xf32, #tpu.memory_space<vmem>> -> memref<1x1x32x128xf32, #tpu.memory_space<vmem>>
        %dma_start3A_2163 = tpu.memref_squeeze %dma_start3A_2162 : memref<1x1x32x128xf32, #tpu.memory_space<vmem>> -> memref<32x128xf32, #tpu.memory_space<vmem>>
        %dma_start3A_2164 = arith.constant 0 : i32
        %dma_start3A_2165 = tpu.memref_slice %arg5[%dma_start3A_2164, %multiple_of3A_2143] : memref<32x1000000xf32, #tpu.memory_space<hbm>> -> memref<32x128xf32, #tpu.memory_space<hbm>>
        %dma_start3A_2166 = arith.constant 0 : i32
        %dma_start3A_2167 = arith.constant 0 : i32
        %dma_start3A_2168 = tpu.memref_slice %arg9[%dma_start3A_2158, %dma_start3A_2159, %dma_start3A_2166, %dma_start3A_2167] : memref<8x2x32x128xf32, #tpu.memory_space<vmem>> -> memref<1x1x32x128xf32, #tpu.memory_space<vmem>>
        %dma_start3A_2169 = tpu.memref_squeeze %dma_start3A_2168 : memref<1x1x32x128xf32, #tpu.memory_space<vmem>> -> memref<32x128xf32, #tpu.memory_space<vmem>>
        %dma_start3A_2170 = arith.constant 0 : i32
        %dma_start3A_2171 = tpu.memref_slice %arg5[%dma_start3A_2170, %multiple_of3A_2143] : memref<32x1000000xf32, #tpu.memory_space<hbm>> -> memref<32x128xf32, #tpu.memory_space<hbm>>
        tpu.enqueue_dma source(%dma_start3A_2171 : memref<32x128xf32, #tpu.memory_space<hbm>>) target(%dma_start3A_2169 : memref<32x128xf32, #tpu.memory_space<vmem>>) target_semaphore(%arg13 : memref<!tpu.dma_semaphore, #tpu.memory_space<semaphore_mem>>)
      } else {
      }
      %mul3A_1081 = arith.constant 8 : i32
      %mul3A_1082 = arith.muli %scan3A_531, %mul3A_1081 : i32
      %add3A_1083 = arith.constant 3 : i32
      %add3A_1084 = arith.addi %mul3A_1082, %add3A_1083 : i32
      %dma_wait3A_1085 = arith.constant 3 : i32
      %dma_wait3A_1086 = arith.constant 0 : i32
      %dma_wait3A_1087 = arith.constant 0 : i32
      %dma_wait3A_1088 = arith.constant 0 : i32
      %dma_wait3A_1089 = tpu.memref_slice %arg9[%dma_wait3A_1085, %dma_wait3A_1086, %dma_wait3A_1087, %dma_wait3A_1088] : memref<8x2x32x128xf32, #tpu.memory_space<vmem>> -> memref<1x2x32x128xf32, #tpu.memory_space<vmem>>
      %dma_wait3A_1090 = tpu.memref_squeeze %dma_wait3A_1089 : memref<1x2x32x128xf32, #tpu.memory_space<vmem>> -> memref<2x32x128xf32, #tpu.memory_space<vmem>>
      %dma_wait3A_1091 = arith.constant 0 : i32
      %dma_wait3A_1092 = arith.constant 0 : i32
      %dma_wait3A_1093 = tpu.memref_slice %arg4[%dma_wait3A_1091, %dma_wait3A_1092] : memref<32x1000000xf32, #tpu.memory_space<hbm>> -> memref<32x256xf32, #tpu.memory_space<hbm>>
      %dma_wait3A_1094 = arith.constant 0 : i32
      %dma_wait3A_1095 = arith.constant 0 : i32
      %dma_wait3A_1096 = arith.constant 0 : i32
      %dma_wait3A_1097 = tpu.memref_slice %arg9[%dma_wait3A_1085, %dma_wait3A_1094, %dma_wait3A_1095, %dma_wait3A_1096] : memref<8x2x32x128xf32, #tpu.memory_space<vmem>> -> memref<1x2x32x128xf32, #tpu.memory_space<vmem>>
      %dma_wait3A_1098 = tpu.memref_squeeze %dma_wait3A_1097 : memref<1x2x32x128xf32, #tpu.memory_space<vmem>> -> memref<2x32x128xf32, #tpu.memory_space<vmem>>
      %dma_wait3A_1099 = arith.constant 0 : i32
      %dma_wait3A_1100 = arith.constant 0 : i32
      %dma_wait3A_1101 = tpu.memref_slice %arg4[%dma_wait3A_1099, %dma_wait3A_1100] : memref<32x1000000xf32, #tpu.memory_space<hbm>> -> memref<32x256xf32, #tpu.memory_space<hbm>>
      tpu.wait_dma2 semaphore(%arg14 : memref<!tpu.dma_semaphore, #tpu.memory_space<semaphore_mem>>) src(%dma_wait3A_1101 : memref<32x256xf32, #tpu.memory_space<hbm>>) dst(%dma_wait3A_1098 : memref<2x32x128xf32, #tpu.memory_space<vmem>>)
      %jit3A_1102 = arith.constant 128 : i32
      %eq3A_1103 = arith.constant 0 : i32
      %eq3A_1104 = arith.cmpi eq, %jit3A_1102, %eq3A_1103 : i32
      %jit3A_1105 = arith.constant 1 : i32
      %select_n3A_1106 = arith.select %eq3A_1104, %jit3A_1105, %jit3A_1102 : i32
      %rem3A_1107 = arith.remsi %add3A_1084, %select_n3A_1106 : i32
      %ne3A_1108 = arith.constant 0 : i32
      %ne3A_1109 = arith.cmpi ne, %rem3A_1107, %ne3A_1108 : i32
      %lt3A_1110 = arith.constant 0 : i32
      %lt3A_1111 = arith.cmpi slt, %rem3A_1107, %lt3A_1110 : i32
      %lt3A_1112 = arith.constant 0 : i32
      %lt3A_1113 = arith.cmpi slt, %select_n3A_1106, %lt3A_1112 : i32
      %ne3A_1114 = arith.xori %lt3A_1111, %lt3A_1113 : i1
      %and3A_1115 = arith.andi %ne3A_1114, %ne3A_1109 : i1
      %add3A_1116 = arith.addi %rem3A_1107, %select_n3A_1106 : i32
      %select_n3A_1117 = arith.select %and3A_1115, %add3A_1116, %rem3A_1107 : i32
      %shift_right_arithmetic3A_1118 = arith.constant 4 : i32
      %shift_right_arithmetic3A_1119 = arith.shrsi %select_n3A_1117, %shift_right_arithmetic3A_1118 : i32
      %shift_left3A_1120 = arith.constant 4 : i32
      %shift_left3A_1121 = arith.shli %shift_right_arithmetic3A_1119, %shift_left3A_1120 : i32
      %jit3A_1122 = arith.constant 128 : i32
      %div3A_1123 = arith.divsi %add3A_1084, %jit3A_1122 : i32
      %sign3A_1124 = arith.constant 0 : i32
      %sign3A_1125 = arith.cmpi sgt, %add3A_1084, %sign3A_1124 : i32
      %sign3A_1126 = arith.extui %sign3A_1125 : i1 to i32
      %sign3A_1127 = arith.constant 0 : i32
      %sign3A_1128 = arith.cmpi slt, %add3A_1084, %sign3A_1127 : i32
      %sign3A_1129 = arith.extui %sign3A_1128 : i1 to i32
      %sign3A_1130 = arith.subi %sign3A_1126, %sign3A_1129 : i32
      %sign3A_1131 = arith.constant 0 : i32
      %sign3A_1132 = arith.cmpi sgt, %jit3A_1122, %sign3A_1131 : i32
      %sign3A_1133 = arith.extui %sign3A_1132 : i1 to i32
      %sign3A_1134 = arith.constant 0 : i32
      %sign3A_1135 = arith.cmpi slt, %jit3A_1122, %sign3A_1134 : i32
      %sign3A_1136 = arith.extui %sign3A_1135 : i1 to i32
      %sign3A_1137 = arith.subi %sign3A_1133, %sign3A_1136 : i32
      %ne3A_1138 = arith.cmpi ne, %sign3A_1130, %sign3A_1137 : i32
      %rem3A_1139 = arith.remsi %add3A_1084, %jit3A_1122 : i32
      %ne3A_1140 = arith.constant 0 : i32
      %ne3A_1141 = arith.cmpi ne, %rem3A_1139, %ne3A_1140 : i32
      %and3A_1142 = arith.andi %ne3A_1138, %ne3A_1141 : i1
      %sub3A_1143 = arith.constant 1 : i32
      %sub3A_1144 = arith.subi %div3A_1123, %sub3A_1143 : i32
      %select_n3A_1145 = arith.select %and3A_1142, %sub3A_1144, %div3A_1123 : i32
      %get3A_1146 = arith.index_cast %select_n3A_1145 : i32 to index
      %get3A_1147 = arith.index_cast %shift_left3A_1121 : i32 to index
      %get3A_1148 = tpu.vector_load %arg7[%get3A_1146, %get3A_1147] {strides = array<i32>} : memref<4x128xi32, #tpu.memory_space<vmem>>, vector<16xi32>,
      %and3A_1149 = arith.constant 15 : i32
      %and3A_1150 = arith.andi %add3A_1084, %and3A_1149 : i32
      %eq3A_1151 = vector.broadcast %and3A_1150 : i32 to vector<16xi32>
      %eq3A_1152 = arith.cmpi eq, %iota3A, %eq3A_1151 : vector<16xi32>
      %jit3A_1153 = arith.constant 0 : i32
      %broadcast_in_dim3A_1154 = vector.broadcast %jit3A_1153 : i32 to vector<16xi32>
      %select_n3A_1155 = arith.select %eq3A_1152, %get3A_1148, %broadcast_in_dim3A_1154 : vector<16xi1>, vector<16xi32>
      %reduce_sum3A_1156 = arith.constant true
      %reduce_sum3A_1157 = vector.broadcast %reduce_sum3A_1156 : i1 to vector<16xi1>
      %reduce_sum3A_1158 = tpu.scan <sum>, %select_n3A_1155 masked %reduce_sum3A_1157 : vector<16xi32>, vector<16xi1> -> vector<16xi32>
      %reduce_sum3A_1159 = vector.extract %reduce_sum3A_1158[15] : i32 from vector<16xi32>
      %jit3A_1160 = arith.constant 128 : i32
      %eq3A_1161 = arith.constant 0 : i32
      %eq3A_1162 = arith.cmpi eq, %jit3A_1160, %eq3A_1161 : i32
      %jit3A_1163 = arith.constant 1 : i32
      %select_n3A_1164 = arith.select %eq3A_1162, %jit3A_1163, %jit3A_1160 : i32
      %rem3A_1165 = arith.remsi %add3A_1084, %select_n3A_1164 : i32
      %ne3A_1166 = arith.constant 0 : i32
      %ne3A_1167 = arith.cmpi ne, %rem3A_1165, %ne3A_1166 : i32
      %lt3A_1168 = arith.constant 0 : i32
      %lt3A_1169 = arith.cmpi slt, %rem3A_1165, %lt3A_1168 : i32
      %lt3A_1170 = arith.constant 0 : i32
      %lt3A_1171 = arith.cmpi slt, %select_n3A_1164, %lt3A_1170 : i32
      %ne3A_1172 = arith.xori %lt3A_1169, %lt3A_1171 : i1
      %and3A_1173 = arith.andi %ne3A_1172, %ne3A_1167 : i1
      %add3A_1174 = arith.addi %rem3A_1165, %select_n3A_1164 : i32
      %select_n3A_1175 = arith.select %and3A_1173, %add3A_1174, %rem3A_1165 : i32
      %shift_right_arithmetic3A_1176 = arith.constant 4 : i32
      %shift_right_arithmetic3A_1177 = arith.shrsi %select_n3A_1175, %shift_right_arithmetic3A_1176 : i32
      %shift_left3A_1178 = arith.constant 4 : i32
      %shift_left3A_1179 = arith.shli %shift_right_arithmetic3A_1177, %shift_left3A_1178 : i32
      %jit3A_1180 = arith.constant 128 : i32
      %div3A_1181 = arith.divsi %add3A_1084, %jit3A_1180 : i32
      %sign3A_1182 = arith.constant 0 : i32
      %sign3A_1183 = arith.cmpi sgt, %add3A_1084, %sign3A_1182 : i32
      %sign3A_1184 = arith.extui %sign3A_1183 : i1 to i32
      %sign3A_1185 = arith.constant 0 : i32
      %sign3A_1186 = arith.cmpi slt, %add3A_1084, %sign3A_1185 : i32
      %sign3A_1187 = arith.extui %sign3A_1186 : i1 to i32
      %sign3A_1188 = arith.subi %sign3A_1184, %sign3A_1187 : i32
      %sign3A_1189 = arith.constant 0 : i32
      %sign3A_1190 = arith.cmpi sgt, %jit3A_1180, %sign3A_1189 : i32
      %sign3A_1191 = arith.extui %sign3A_1190 : i1 to i32
      %sign3A_1192 = arith.constant 0 : i32
      %sign3A_1193 = arith.cmpi slt, %jit3A_1180, %sign3A_1192 : i32
      %sign3A_1194 = arith.extui %sign3A_1193 : i1 to i32
      %sign3A_1195 = arith.subi %sign3A_1191, %sign3A_1194 : i32
      %ne3A_1196 = arith.cmpi ne, %sign3A_1188, %sign3A_1195 : i32
      %rem3A_1197 = arith.remsi %add3A_1084, %jit3A_1180 : i32
      %ne3A_1198 = arith.constant 0 : i32
      %ne3A_1199 = arith.cmpi ne, %rem3A_1197, %ne3A_1198 : i32
      %and3A_1200 = arith.andi %ne3A_1196, %ne3A_1199 : i1
      %sub3A_1201 = arith.constant 1 : i32
      %sub3A_1202 = arith.subi %div3A_1181, %sub3A_1201 : i32
      %select_n3A_1203 = arith.select %and3A_1200, %sub3A_1202, %div3A_1181 : i32
      %get3A_1204 = arith.index_cast %select_n3A_1203 : i32 to index
      %get3A_1205 = arith.index_cast %shift_left3A_1179 : i32 to index
      %get3A_1206 = tpu.vector_load %arg8[%get3A_1204, %get3A_1205] {strides = array<i32>} : memref<4x128xi32, #tpu.memory_space<vmem>>, vector<16xi32>,
      %and3A_1207 = arith.constant 15 : i32
      %and3A_1208 = arith.andi %add3A_1084, %and3A_1207 : i32
      %eq3A_1209 = vector.broadcast %and3A_1208 : i32 to vector<16xi32>
      %eq3A_1210 = arith.cmpi eq, %iota3A, %eq3A_1209 : vector<16xi32>
      %jit3A_1211 = arith.constant 0 : i32
      %broadcast_in_dim3A_1212 = vector.broadcast %jit3A_1211 : i32 to vector<16xi32>
      %select_n3A_1213 = arith.select %eq3A_1210, %get3A_1206, %broadcast_in_dim3A_1212 : vector<16xi1>, vector<16xi32>
      %reduce_sum3A_1214 = arith.constant true
      %reduce_sum3A_1215 = vector.broadcast %reduce_sum3A_1214 : i1 to vector<16xi1>
      %reduce_sum3A_1216 = tpu.scan <sum>, %select_n3A_1213 masked %reduce_sum3A_1215 : vector<16xi32>, vector<16xi1> -> vector<16xi32>
      %reduce_sum3A_1217 = vector.extract %reduce_sum3A_1216[15] : i32 from vector<16xi32>
      %and3A_1218 = arith.constant 127 : i32
      %and3A_1219 = arith.andi %reduce_sum3A_1159, %and3A_1218 : i32
      %broadcast_in_dim3A_1220 = vector.broadcast %and3A_1219 : i32 to vector<16xi32>
      %and3A_1221 = arith.constant 127 : i32
      %and3A_1222 = arith.andi %reduce_sum3A_1217, %and3A_1221 : i32
      %broadcast_in_dim3A_1223 = vector.broadcast %and3A_1222 : i32 to vector<16xi32>
      %broadcast_in_dim3A_1224 = vector.broadcast %add3A_1084 : i32 to vector<16xi32>
      %add3A_1225 = arith.constant 0 : i32
      %add3A_1226 = vector.broadcast %add3A_1225 : i32 to vector<16xi32>
      %add3A_1227 = arith.addi %iota3A, %add3A_1226 : vector<16xi32>
      %gather3A_1228 = arith.constant 3 : i32
      %gather3A_1229 = arith.constant 0 : i32
      %gather3A_1230 = arith.constant 0 : i32
      %gather3A_1231 = arith.constant 0 : i32
      %gather3A_1232 = tpu.memref_slice %arg9[%gather3A_1228, %gather3A_1229, %gather3A_1230, %gather3A_1231] : memref<8x2x32x128xf32, #tpu.memory_space<vmem>> -> memref<1x1x32x128xf32, #tpu.memory_space<vmem>>
      %gather3A_1233 = tpu.memref_squeeze %gather3A_1232 : memref<1x1x32x128xf32, #tpu.memory_space<vmem>> -> memref<32x128xf32, #tpu.memory_space<vmem>>
      %gather3A_1234 = tpu.vector_load_idx %gather3A_1233[%add3A_1227, %broadcast_in_dim3A_1220] : memref<32x128xf32, #tpu.memory_space<vmem>>[vector<16xi32>, vector<16xi32>], vector<16xf32>,
      %gather3A_1235 = arith.constant 3 : i32
      %gather3A_1236 = arith.constant 1 : i32
      %gather3A_1237 = arith.constant 0 : i32
      %gather3A_1238 = arith.constant 0 : i32
      %gather3A_1239 = tpu.memref_slice %arg9[%gather3A_1235, %gather3A_1236, %gather3A_1237, %gather3A_1238] : memref<8x2x32x128xf32, #tpu.memory_space<vmem>> -> memref<1x1x32x128xf32, #tpu.memory_space<vmem>>
      %gather3A_1240 = tpu.memref_squeeze %gather3A_1239 : memref<1x1x32x128xf32, #tpu.memory_space<vmem>> -> memref<32x128xf32, #tpu.memory_space<vmem>>
      %gather3A_1241 = tpu.vector_load_idx %gather3A_1240[%add3A_1227, %broadcast_in_dim3A_1223] : memref<32x128xf32, #tpu.memory_space<vmem>>[vector<16xi32>, vector<16xi32>], vector<16xf32>,
      %mul3A_1242 = arith.mulf %gather3A_1234, %gather3A_1241 : vector<16xf32>
      tpu.vector_store_idx %arg10[%add3A_1227, %broadcast_in_dim3A_1224], %mul3A_1242 : memref<32x512xf32, #tpu.memory_space<vmem>>[vector<16xi32>, vector<16xi32>], vector<16xf32>,
      %add3A_1243 = arith.constant 16 : i32
      %add3A_1244 = vector.broadcast %add3A_1243 : i32 to vector<16xi32>
      %add3A_1245 = arith.addi %iota3A, %add3A_1244 : vector<16xi32>
      %gather3A_1246 = arith.constant 3 : i32
      %gather3A_1247 = arith.constant 0 : i32
      %gather3A_1248 = arith.constant 0 : i32
      %gather3A_1249 = arith.constant 0 : i32
      %gather3A_1250 = tpu.memref_slice %arg9[%gather3A_1246, %gather3A_1247, %gather3A_1248, %gather3A_1249] : memref<8x2x32x128xf32, #tpu.memory_space<vmem>> -> memref<1x1x32x128xf32, #tpu.memory_space<vmem>>
      %gather3A_1251 = tpu.memref_squeeze %gather3A_1250 : memref<1x1x32x128xf32, #tpu.memory_space<vmem>> -> memref<32x128xf32, #tpu.memory_space<vmem>>
      %gather3A_1252 = tpu.vector_load_idx %gather3A_1251[%add3A_1245, %broadcast_in_dim3A_1220] : memref<32x128xf32, #tpu.memory_space<vmem>>[vector<16xi32>, vector<16xi32>], vector<16xf32>,
      %gather3A_1253 = arith.constant 3 : i32
      %gather3A_1254 = arith.constant 1 : i32
      %gather3A_1255 = arith.constant 0 : i32
      %gather3A_1256 = arith.constant 0 : i32
      %gather3A_1257 = tpu.memref_slice %arg9[%gather3A_1253, %gather3A_1254, %gather3A_1255, %gather3A_1256] : memref<8x2x32x128xf32, #tpu.memory_space<vmem>> -> memref<1x1x32x128xf32, #tpu.memory_space<vmem>>
      %gather3A_1258 = tpu.memref_squeeze %gather3A_1257 : memref<1x1x32x128xf32, #tpu.memory_space<vmem>> -> memref<32x128xf32, #tpu.memory_space<vmem>>
      %gather3A_1259 = tpu.vector_load_idx %gather3A_1258[%add3A_1245, %broadcast_in_dim3A_1223] : memref<32x128xf32, #tpu.memory_space<vmem>>[vector<16xi32>, vector<16xi32>], vector<16xf32>,
      %mul3A_1260 = arith.mulf %gather3A_1252, %gather3A_1259 : vector<16xf32>
      tpu.vector_store_idx %arg10[%add3A_1245, %broadcast_in_dim3A_1224], %mul3A_1260 : memref<32x512xf32, #tpu.memory_space<vmem>>[vector<16xi32>, vector<16xi32>], vector<16xf32>,
      %add3A_1261 = arith.constant 8 : i32
      %add3A_1262 = arith.addi %add3A_1084, %add3A_1261 : i32
      %lt3A_1263 = arith.constant 512 : i32
      %lt3A_1264 = arith.cmpi slt, %add3A_1262, %lt3A_1263 : i32
      %convert_element_type3A_1265 = arith.extui %lt3A_1264 : i1 to i32
      %cond3A_1266 = arith.constant 0 : i32
      %cond3A_1267 = arith.cmpi ne, %convert_element_type3A_1265, %cond3A_1266 : i32
      scf.if %cond3A_1267 {
        %add3A_2016 = arith.constant 8 : i32
        %add3A_2017 = arith.addi %add3A_1084, %add3A_2016 : i32
        %jit3A_2018 = arith.constant 128 : i32
        %eq3A_2019 = arith.constant 0 : i32
        %eq3A_2020 = arith.cmpi eq, %jit3A_2018, %eq3A_2019 : i32
        %jit3A_2021 = arith.constant 1 : i32
        %select_n3A_2022 = arith.select %eq3A_2020, %jit3A_2021, %jit3A_2018 : i32
        %rem3A_2023 = arith.remsi %add3A_2017, %select_n3A_2022 : i32
        %ne3A_2024 = arith.constant 0 : i32
        %ne3A_2025 = arith.cmpi ne, %rem3A_2023, %ne3A_2024 : i32
        %lt3A_2026 = arith.constant 0 : i32
        %lt3A_2027 = arith.cmpi slt, %rem3A_2023, %lt3A_2026 : i32
        %lt3A_2028 = arith.constant 0 : i32
        %lt3A_2029 = arith.cmpi slt, %select_n3A_2022, %lt3A_2028 : i32
        %ne3A_2030 = arith.xori %lt3A_2027, %lt3A_2029 : i1
        %and3A_2031 = arith.andi %ne3A_2030, %ne3A_2025 : i1
        %add3A_2032 = arith.addi %rem3A_2023, %select_n3A_2022 : i32
        %select_n3A_2033 = arith.select %and3A_2031, %add3A_2032, %rem3A_2023 : i32
        %shift_right_arithmetic3A_2034 = arith.constant 4 : i32
        %shift_right_arithmetic3A_2035 = arith.shrsi %select_n3A_2033, %shift_right_arithmetic3A_2034 : i32
        %shift_left3A_2036 = arith.constant 4 : i32
        %shift_left3A_2037 = arith.shli %shift_right_arithmetic3A_2035, %shift_left3A_2036 : i32
        %jit3A_2038 = arith.constant 128 : i32
        %div3A_2039 = arith.divsi %add3A_2017, %jit3A_2038 : i32
        %sign3A_2040 = arith.constant 0 : i32
        %sign3A_2041 = arith.cmpi sgt, %add3A_2017, %sign3A_2040 : i32
        %sign3A_2042 = arith.extui %sign3A_2041 : i1 to i32
        %sign3A_2043 = arith.constant 0 : i32
        %sign3A_2044 = arith.cmpi slt, %add3A_2017, %sign3A_2043 : i32
        %sign3A_2045 = arith.extui %sign3A_2044 : i1 to i32
        %sign3A_2046 = arith.subi %sign3A_2042, %sign3A_2045 : i32
        %sign3A_2047 = arith.constant 0 : i32
        %sign3A_2048 = arith.cmpi sgt, %jit3A_2038, %sign3A_2047 : i32
        %sign3A_2049 = arith.extui %sign3A_2048 : i1 to i32
        %sign3A_2050 = arith.constant 0 : i32
        %sign3A_2051 = arith.cmpi slt, %jit3A_2038, %sign3A_2050 : i32
        %sign3A_2052 = arith.extui %sign3A_2051 : i1 to i32
        %sign3A_2053 = arith.subi %sign3A_2049, %sign3A_2052 : i32
        %ne3A_2054 = arith.cmpi ne, %sign3A_2046, %sign3A_2053 : i32
        %rem3A_2055 = arith.remsi %add3A_2017, %jit3A_2038 : i32
        %ne3A_2056 = arith.constant 0 : i32
        %ne3A_2057 = arith.cmpi ne, %rem3A_2055, %ne3A_2056 : i32
        %and3A_2058 = arith.andi %ne3A_2054, %ne3A_2057 : i1
        %sub3A_2059 = arith.constant 1 : i32
        %sub3A_2060 = arith.subi %div3A_2039, %sub3A_2059 : i32
        %select_n3A_2061 = arith.select %and3A_2058, %sub3A_2060, %div3A_2039 : i32
        %get3A_2062 = arith.index_cast %select_n3A_2061 : i32 to index
        %get3A_2063 = arith.index_cast %shift_left3A_2037 : i32 to index
        %get3A_2064 = tpu.vector_load %arg7[%get3A_2062, %get3A_2063] {strides = array<i32>} : memref<4x128xi32, #tpu.memory_space<vmem>>, vector<16xi32>,
        %and3A_2065 = arith.constant 15 : i32
        %and3A_2066 = arith.andi %add3A_2017, %and3A_2065 : i32
        %eq3A_2067 = vector.broadcast %and3A_2066 : i32 to vector<16xi32>
        %eq3A_2068 = arith.cmpi eq, %iota3A, %eq3A_2067 : vector<16xi32>
        %jit3A_2069 = arith.constant 0 : i32
        %broadcast_in_dim3A_2070 = vector.broadcast %jit3A_2069 : i32 to vector<16xi32>
        %select_n3A_2071 = arith.select %eq3A_2068, %get3A_2064, %broadcast_in_dim3A_2070 : vector<16xi1>, vector<16xi32>
        %reduce_sum3A_2072 = arith.constant true
        %reduce_sum3A_2073 = vector.broadcast %reduce_sum3A_2072 : i1 to vector<16xi1>
        %reduce_sum3A_2074 = tpu.scan <sum>, %select_n3A_2071 masked %reduce_sum3A_2073 : vector<16xi32>, vector<16xi1> -> vector<16xi32>
        %reduce_sum3A_2075 = vector.extract %reduce_sum3A_2074[15] : i32 from vector<16xi32>
        %jit3A_2076 = arith.constant 128 : i32
        %eq3A_2077 = arith.constant 0 : i32
        %eq3A_2078 = arith.cmpi eq, %jit3A_2076, %eq3A_2077 : i32
        %jit3A_2079 = arith.constant 1 : i32
        %select_n3A_2080 = arith.select %eq3A_2078, %jit3A_2079, %jit3A_2076 : i32
        %rem3A_2081 = arith.remsi %add3A_2017, %select_n3A_2080 : i32
        %ne3A_2082 = arith.constant 0 : i32
        %ne3A_2083 = arith.cmpi ne, %rem3A_2081, %ne3A_2082 : i32
        %lt3A_2084 = arith.constant 0 : i32
        %lt3A_2085 = arith.cmpi slt, %rem3A_2081, %lt3A_2084 : i32
        %lt3A_2086 = arith.constant 0 : i32
        %lt3A_2087 = arith.cmpi slt, %select_n3A_2080, %lt3A_2086 : i32
        %ne3A_2088 = arith.xori %lt3A_2085, %lt3A_2087 : i1
        %and3A_2089 = arith.andi %ne3A_2088, %ne3A_2083 : i1
        %add3A_2090 = arith.addi %rem3A_2081, %select_n3A_2080 : i32
        %select_n3A_2091 = arith.select %and3A_2089, %add3A_2090, %rem3A_2081 : i32
        %shift_right_arithmetic3A_2092 = arith.constant 4 : i32
        %shift_right_arithmetic3A_2093 = arith.shrsi %select_n3A_2091, %shift_right_arithmetic3A_2092 : i32
        %shift_left3A_2094 = arith.constant 4 : i32
        %shift_left3A_2095 = arith.shli %shift_right_arithmetic3A_2093, %shift_left3A_2094 : i32
        %jit3A_2096 = arith.constant 128 : i32
        %div3A_2097 = arith.divsi %add3A_2017, %jit3A_2096 : i32
        %sign3A_2098 = arith.constant 0 : i32
        %sign3A_2099 = arith.cmpi sgt, %add3A_2017, %sign3A_2098 : i32
        %sign3A_2100 = arith.extui %sign3A_2099 : i1 to i32
        %sign3A_2101 = arith.constant 0 : i32
        %sign3A_2102 = arith.cmpi slt, %add3A_2017, %sign3A_2101 : i32
        %sign3A_2103 = arith.extui %sign3A_2102 : i1 to i32
        %sign3A_2104 = arith.subi %sign3A_2100, %sign3A_2103 : i32
        %sign3A_2105 = arith.constant 0 : i32
        %sign3A_2106 = arith.cmpi sgt, %jit3A_2096, %sign3A_2105 : i32
        %sign3A_2107 = arith.extui %sign3A_2106 : i1 to i32
        %sign3A_2108 = arith.constant 0 : i32
        %sign3A_2109 = arith.cmpi slt, %jit3A_2096, %sign3A_2108 : i32
        %sign3A_2110 = arith.extui %sign3A_2109 : i1 to i32
        %sign3A_2111 = arith.subi %sign3A_2107, %sign3A_2110 : i32
        %ne3A_2112 = arith.cmpi ne, %sign3A_2104, %sign3A_2111 : i32
        %rem3A_2113 = arith.remsi %add3A_2017, %jit3A_2096 : i32
        %ne3A_2114 = arith.constant 0 : i32
        %ne3A_2115 = arith.cmpi ne, %rem3A_2113, %ne3A_2114 : i32
        %and3A_2116 = arith.andi %ne3A_2112, %ne3A_2115 : i1
        %sub3A_2117 = arith.constant 1 : i32
        %sub3A_2118 = arith.subi %div3A_2097, %sub3A_2117 : i32
        %select_n3A_2119 = arith.select %and3A_2116, %sub3A_2118, %div3A_2097 : i32
        %get3A_2120 = arith.index_cast %select_n3A_2119 : i32 to index
        %get3A_2121 = arith.index_cast %shift_left3A_2095 : i32 to index
        %get3A_2122 = tpu.vector_load %arg8[%get3A_2120, %get3A_2121] {strides = array<i32>} : memref<4x128xi32, #tpu.memory_space<vmem>>, vector<16xi32>,
        %and3A_2123 = arith.constant 15 : i32
        %and3A_2124 = arith.andi %add3A_2017, %and3A_2123 : i32
        %eq3A_2125 = vector.broadcast %and3A_2124 : i32 to vector<16xi32>
        %eq3A_2126 = arith.cmpi eq, %iota3A, %eq3A_2125 : vector<16xi32>
        %jit3A_2127 = arith.constant 0 : i32
        %broadcast_in_dim3A_2128 = vector.broadcast %jit3A_2127 : i32 to vector<16xi32>
        %select_n3A_2129 = arith.select %eq3A_2126, %get3A_2122, %broadcast_in_dim3A_2128 : vector<16xi1>, vector<16xi32>
        %reduce_sum3A_2130 = arith.constant true
        %reduce_sum3A_2131 = vector.broadcast %reduce_sum3A_2130 : i1 to vector<16xi1>
        %reduce_sum3A_2132 = tpu.scan <sum>, %select_n3A_2129 masked %reduce_sum3A_2131 : vector<16xi32>, vector<16xi1> -> vector<16xi32>
        %reduce_sum3A_2133 = vector.extract %reduce_sum3A_2132[15] : i32 from vector<16xi32>
        %shift_right_arithmetic3A_2134 = arith.constant 7 : i32
        %shift_right_arithmetic3A_2135 = arith.shrsi %reduce_sum3A_2075, %shift_right_arithmetic3A_2134 : i32
        %mul3A_2136 = arith.constant 128 : i32
        %mul3A_2137 = arith.muli %shift_right_arithmetic3A_2135, %mul3A_2136 : i32
        %multiple_of3A_2138 = tpu.assume_multiple %mul3A_2137, 128 : i32
        %shift_right_arithmetic3A_2139 = arith.constant 7 : i32
        %shift_right_arithmetic3A_2140 = arith.shrsi %reduce_sum3A_2133, %shift_right_arithmetic3A_2139 : i32
        %mul3A_2141 = arith.constant 128 : i32
        %mul3A_2142 = arith.muli %shift_right_arithmetic3A_2140, %mul3A_2141 : i32
        %multiple_of3A_2143 = tpu.assume_multiple %mul3A_2142, 128 : i32
        %dma_start3A_2144 = arith.constant 3 : i32
        %dma_start3A_2145 = arith.constant 0 : i32
        %dma_start3A_2146 = arith.constant 0 : i32
        %dma_start3A_2147 = arith.constant 0 : i32
        %dma_start3A_2148 = tpu.memref_slice %arg9[%dma_start3A_2144, %dma_start3A_2145, %dma_start3A_2146, %dma_start3A_2147] : memref<8x2x32x128xf32, #tpu.memory_space<vmem>> -> memref<1x1x32x128xf32, #tpu.memory_space<vmem>>
        %dma_start3A_2149 = tpu.memref_squeeze %dma_start3A_2148 : memref<1x1x32x128xf32, #tpu.memory_space<vmem>> -> memref<32x128xf32, #tpu.memory_space<vmem>>
        %dma_start3A_2150 = arith.constant 0 : i32
        %dma_start3A_2151 = tpu.memref_slice %arg4[%dma_start3A_2150, %multiple_of3A_2138] : memref<32x1000000xf32, #tpu.memory_space<hbm>> -> memref<32x128xf32, #tpu.memory_space<hbm>>
        %dma_start3A_2152 = arith.constant 0 : i32
        %dma_start3A_2153 = arith.constant 0 : i32
        %dma_start3A_2154 = tpu.memref_slice %arg9[%dma_start3A_2144, %dma_start3A_2145, %dma_start3A_2152, %dma_start3A_2153] : memref<8x2x32x128xf32, #tpu.memory_space<vmem>> -> memref<1x1x32x128xf32, #tpu.memory_space<vmem>>
        %dma_start3A_2155 = tpu.memref_squeeze %dma_start3A_2154 : memref<1x1x32x128xf32, #tpu.memory_space<vmem>> -> memref<32x128xf32, #tpu.memory_space<vmem>>
        %dma_start3A_2156 = arith.constant 0 : i32
        %dma_start3A_2157 = tpu.memref_slice %arg4[%dma_start3A_2156, %multiple_of3A_2138] : memref<32x1000000xf32, #tpu.memory_space<hbm>> -> memref<32x128xf32, #tpu.memory_space<hbm>>
        tpu.enqueue_dma source(%dma_start3A_2157 : memref<32x128xf32, #tpu.memory_space<hbm>>) target(%dma_start3A_2155 : memref<32x128xf32, #tpu.memory_space<vmem>>) target_semaphore(%arg14 : memref<!tpu.dma_semaphore, #tpu.memory_space<semaphore_mem>>)
        %dma_start3A_2158 = arith.constant 3 : i32
        %dma_start3A_2159 = arith.constant 1 : i32
        %dma_start3A_2160 = arith.constant 0 : i32
        %dma_start3A_2161 = arith.constant 0 : i32
        %dma_start3A_2162 = tpu.memref_slice %arg9[%dma_start3A_2158, %dma_start3A_2159, %dma_start3A_2160, %dma_start3A_2161] : memref<8x2x32x128xf32, #tpu.memory_space<vmem>> -> memref<1x1x32x128xf32, #tpu.memory_space<vmem>>
        %dma_start3A_2163 = tpu.memref_squeeze %dma_start3A_2162 : memref<1x1x32x128xf32, #tpu.memory_space<vmem>> -> memref<32x128xf32, #tpu.memory_space<vmem>>
        %dma_start3A_2164 = arith.constant 0 : i32
        %dma_start3A_2165 = tpu.memref_slice %arg5[%dma_start3A_2164, %multiple_of3A_2143] : memref<32x1000000xf32, #tpu.memory_space<hbm>> -> memref<32x128xf32, #tpu.memory_space<hbm>>
        %dma_start3A_2166 = arith.constant 0 : i32
        %dma_start3A_2167 = arith.constant 0 : i32
        %dma_start3A_2168 = tpu.memref_slice %arg9[%dma_start3A_2158, %dma_start3A_2159, %dma_start3A_2166, %dma_start3A_2167] : memref<8x2x32x128xf32, #tpu.memory_space<vmem>> -> memref<1x1x32x128xf32, #tpu.memory_space<vmem>>
        %dma_start3A_2169 = tpu.memref_squeeze %dma_start3A_2168 : memref<1x1x32x128xf32, #tpu.memory_space<vmem>> -> memref<32x128xf32, #tpu.memory_space<vmem>>
        %dma_start3A_2170 = arith.constant 0 : i32
        %dma_start3A_2171 = tpu.memref_slice %arg5[%dma_start3A_2170, %multiple_of3A_2143] : memref<32x1000000xf32, #tpu.memory_space<hbm>> -> memref<32x128xf32, #tpu.memory_space<hbm>>
        tpu.enqueue_dma source(%dma_start3A_2171 : memref<32x128xf32, #tpu.memory_space<hbm>>) target(%dma_start3A_2169 : memref<32x128xf32, #tpu.memory_space<vmem>>) target_semaphore(%arg14 : memref<!tpu.dma_semaphore, #tpu.memory_space<semaphore_mem>>)
      } else {
      }
      %mul3A_1268 = arith.constant 8 : i32
      %mul3A_1269 = arith.muli %scan3A_531, %mul3A_1268 : i32
      %add3A_1270 = arith.constant 4 : i32
      %add3A_1271 = arith.addi %mul3A_1269, %add3A_1270 : i32
      %dma_wait3A_1272 = arith.constant 4 : i32
      %dma_wait3A_1273 = arith.constant 0 : i32
      %dma_wait3A_1274 = arith.constant 0 : i32
      %dma_wait3A_1275 = arith.constant 0 : i32
      %dma_wait3A_1276 = tpu.memref_slice %arg9[%dma_wait3A_1272, %dma_wait3A_1273, %dma_wait3A_1274, %dma_wait3A_1275] : memref<8x2x32x128xf32, #tpu.memory_space<vmem>> -> memref<1x2x32x128xf32, #tpu.memory_space<vmem>>
      %dma_wait3A_1277 = tpu.memref_squeeze %dma_wait3A_1276 : memref<1x2x32x128xf32, #tpu.memory_space<vmem>> -> memref<2x32x128xf32, #tpu.memory_space<vmem>>
      %dma_wait3A_1278 = arith.constant 0 : i32
      %dma_wait3A_1279 = arith.constant 0 : i32
      %dma_wait3A_1280 = tpu.memref_slice %arg4[%dma_wait3A_1278, %dma_wait3A_1279] : memref<32x1000000xf32, #tpu.memory_space<hbm>> -> memref<32x256xf32, #tpu.memory_space<hbm>>
      %dma_wait3A_1281 = arith.constant 0 : i32
      %dma_wait3A_1282 = arith.constant 0 : i32
      %dma_wait3A_1283 = arith.constant 0 : i32
      %dma_wait3A_1284 = tpu.memref_slice %arg9[%dma_wait3A_1272, %dma_wait3A_1281, %dma_wait3A_1282, %dma_wait3A_1283] : memref<8x2x32x128xf32, #tpu.memory_space<vmem>> -> memref<1x2x32x128xf32, #tpu.memory_space<vmem>>
      %dma_wait3A_1285 = tpu.memref_squeeze %dma_wait3A_1284 : memref<1x2x32x128xf32, #tpu.memory_space<vmem>> -> memref<2x32x128xf32, #tpu.memory_space<vmem>>
      %dma_wait3A_1286 = arith.constant 0 : i32
      %dma_wait3A_1287 = arith.constant 0 : i32
      %dma_wait3A_1288 = tpu.memref_slice %arg4[%dma_wait3A_1286, %dma_wait3A_1287] : memref<32x1000000xf32, #tpu.memory_space<hbm>> -> memref<32x256xf32, #tpu.memory_space<hbm>>
      tpu.wait_dma2 semaphore(%arg15 : memref<!tpu.dma_semaphore, #tpu.memory_space<semaphore_mem>>) src(%dma_wait3A_1288 : memref<32x256xf32, #tpu.memory_space<hbm>>) dst(%dma_wait3A_1285 : memref<2x32x128xf32, #tpu.memory_space<vmem>>)
      %jit3A_1289 = arith.constant 128 : i32
      %eq3A_1290 = arith.constant 0 : i32
      %eq3A_1291 = arith.cmpi eq, %jit3A_1289, %eq3A_1290 : i32
      %jit3A_1292 = arith.constant 1 : i32
      %select_n3A_1293 = arith.select %eq3A_1291, %jit3A_1292, %jit3A_1289 : i32
      %rem3A_1294 = arith.remsi %add3A_1271, %select_n3A_1293 : i32
      %ne3A_1295 = arith.constant 0 : i32
      %ne3A_1296 = arith.cmpi ne, %rem3A_1294, %ne3A_1295 : i32
      %lt3A_1297 = arith.constant 0 : i32
      %lt3A_1298 = arith.cmpi slt, %rem3A_1294, %lt3A_1297 : i32
      %lt3A_1299 = arith.constant 0 : i32
      %lt3A_1300 = arith.cmpi slt, %select_n3A_1293, %lt3A_1299 : i32
      %ne3A_1301 = arith.xori %lt3A_1298, %lt3A_1300 : i1
      %and3A_1302 = arith.andi %ne3A_1301, %ne3A_1296 : i1
      %add3A_1303 = arith.addi %rem3A_1294, %select_n3A_1293 : i32
      %select_n3A_1304 = arith.select %and3A_1302, %add3A_1303, %rem3A_1294 : i32
      %shift_right_arithmetic3A_1305 = arith.constant 4 : i32
      %shift_right_arithmetic3A_1306 = arith.shrsi %select_n3A_1304, %shift_right_arithmetic3A_1305 : i32
      %shift_left3A_1307 = arith.constant 4 : i32
      %shift_left3A_1308 = arith.shli %shift_right_arithmetic3A_1306, %shift_left3A_1307 : i32
      %jit3A_1309 = arith.constant 128 : i32
      %div3A_1310 = arith.divsi %add3A_1271, %jit3A_1309 : i32
      %sign3A_1311 = arith.constant 0 : i32
      %sign3A_1312 = arith.cmpi sgt, %add3A_1271, %sign3A_1311 : i32
      %sign3A_1313 = arith.extui %sign3A_1312 : i1 to i32
      %sign3A_1314 = arith.constant 0 : i32
      %sign3A_1315 = arith.cmpi slt, %add3A_1271, %sign3A_1314 : i32
      %sign3A_1316 = arith.extui %sign3A_1315 : i1 to i32
      %sign3A_1317 = arith.subi %sign3A_1313, %sign3A_1316 : i32
      %sign3A_1318 = arith.constant 0 : i32
      %sign3A_1319 = arith.cmpi sgt, %jit3A_1309, %sign3A_1318 : i32
      %sign3A_1320 = arith.extui %sign3A_1319 : i1 to i32
      %sign3A_1321 = arith.constant 0 : i32
      %sign3A_1322 = arith.cmpi slt, %jit3A_1309, %sign3A_1321 : i32
      %sign3A_1323 = arith.extui %sign3A_1322 : i1 to i32
      %sign3A_1324 = arith.subi %sign3A_1320, %sign3A_1323 : i32
      %ne3A_1325 = arith.cmpi ne, %sign3A_1317, %sign3A_1324 : i32
      %rem3A_1326 = arith.remsi %add3A_1271, %jit3A_1309 : i32
      %ne3A_1327 = arith.constant 0 : i32
      %ne3A_1328 = arith.cmpi ne, %rem3A_1326, %ne3A_1327 : i32
      %and3A_1329 = arith.andi %ne3A_1325, %ne3A_1328 : i1
      %sub3A_1330 = arith.constant 1 : i32
      %sub3A_1331 = arith.subi %div3A_1310, %sub3A_1330 : i32
      %select_n3A_1332 = arith.select %and3A_1329, %sub3A_1331, %div3A_1310 : i32
      %get3A_1333 = arith.index_cast %select_n3A_1332 : i32 to index
      %get3A_1334 = arith.index_cast %shift_left3A_1308 : i32 to index
      %get3A_1335 = tpu.vector_load %arg7[%get3A_1333, %get3A_1334] {strides = array<i32>} : memref<4x128xi32, #tpu.memory_space<vmem>>, vector<16xi32>,
      %and3A_1336 = arith.constant 15 : i32
      %and3A_1337 = arith.andi %add3A_1271, %and3A_1336 : i32
      %eq3A_1338 = vector.broadcast %and3A_1337 : i32 to vector<16xi32>
      %eq3A_1339 = arith.cmpi eq, %iota3A, %eq3A_1338 : vector<16xi32>
      %jit3A_1340 = arith.constant 0 : i32
      %broadcast_in_dim3A_1341 = vector.broadcast %jit3A_1340 : i32 to vector<16xi32>
      %select_n3A_1342 = arith.select %eq3A_1339, %get3A_1335, %broadcast_in_dim3A_1341 : vector<16xi1>, vector<16xi32>
      %reduce_sum3A_1343 = arith.constant true
      %reduce_sum3A_1344 = vector.broadcast %reduce_sum3A_1343 : i1 to vector<16xi1>
      %reduce_sum3A_1345 = tpu.scan <sum>, %select_n3A_1342 masked %reduce_sum3A_1344 : vector<16xi32>, vector<16xi1> -> vector<16xi32>
      %reduce_sum3A_1346 = vector.extract %reduce_sum3A_1345[15] : i32 from vector<16xi32>
      %jit3A_1347 = arith.constant 128 : i32
      %eq3A_1348 = arith.constant 0 : i32
      %eq3A_1349 = arith.cmpi eq, %jit3A_1347, %eq3A_1348 : i32
      %jit3A_1350 = arith.constant 1 : i32
      %select_n3A_1351 = arith.select %eq3A_1349, %jit3A_1350, %jit3A_1347 : i32
      %rem3A_1352 = arith.remsi %add3A_1271, %select_n3A_1351 : i32
      %ne3A_1353 = arith.constant 0 : i32
      %ne3A_1354 = arith.cmpi ne, %rem3A_1352, %ne3A_1353 : i32
      %lt3A_1355 = arith.constant 0 : i32
      %lt3A_1356 = arith.cmpi slt, %rem3A_1352, %lt3A_1355 : i32
      %lt3A_1357 = arith.constant 0 : i32
      %lt3A_1358 = arith.cmpi slt, %select_n3A_1351, %lt3A_1357 : i32
      %ne3A_1359 = arith.xori %lt3A_1356, %lt3A_1358 : i1
      %and3A_1360 = arith.andi %ne3A_1359, %ne3A_1354 : i1
      %add3A_1361 = arith.addi %rem3A_1352, %select_n3A_1351 : i32
      %select_n3A_1362 = arith.select %and3A_1360, %add3A_1361, %rem3A_1352 : i32
      %shift_right_arithmetic3A_1363 = arith.constant 4 : i32
      %shift_right_arithmetic3A_1364 = arith.shrsi %select_n3A_1362, %shift_right_arithmetic3A_1363 : i32
      %shift_left3A_1365 = arith.constant 4 : i32
      %shift_left3A_1366 = arith.shli %shift_right_arithmetic3A_1364, %shift_left3A_1365 : i32
      %jit3A_1367 = arith.constant 128 : i32
      %div3A_1368 = arith.divsi %add3A_1271, %jit3A_1367 : i32
      %sign3A_1369 = arith.constant 0 : i32
      %sign3A_1370 = arith.cmpi sgt, %add3A_1271, %sign3A_1369 : i32
      %sign3A_1371 = arith.extui %sign3A_1370 : i1 to i32
      %sign3A_1372 = arith.constant 0 : i32
      %sign3A_1373 = arith.cmpi slt, %add3A_1271, %sign3A_1372 : i32
      %sign3A_1374 = arith.extui %sign3A_1373 : i1 to i32
      %sign3A_1375 = arith.subi %sign3A_1371, %sign3A_1374 : i32
      %sign3A_1376 = arith.constant 0 : i32
      %sign3A_1377 = arith.cmpi sgt, %jit3A_1367, %sign3A_1376 : i32
      %sign3A_1378 = arith.extui %sign3A_1377 : i1 to i32
      %sign3A_1379 = arith.constant 0 : i32
      %sign3A_1380 = arith.cmpi slt, %jit3A_1367, %sign3A_1379 : i32
      %sign3A_1381 = arith.extui %sign3A_1380 : i1 to i32
      %sign3A_1382 = arith.subi %sign3A_1378, %sign3A_1381 : i32
      %ne3A_1383 = arith.cmpi ne, %sign3A_1375, %sign3A_1382 : i32
      %rem3A_1384 = arith.remsi %add3A_1271, %jit3A_1367 : i32
      %ne3A_1385 = arith.constant 0 : i32
      %ne3A_1386 = arith.cmpi ne, %rem3A_1384, %ne3A_1385 : i32
      %and3A_1387 = arith.andi %ne3A_1383, %ne3A_1386 : i1
      %sub3A_1388 = arith.constant 1 : i32
      %sub3A_1389 = arith.subi %div3A_1368, %sub3A_1388 : i32
      %select_n3A_1390 = arith.select %and3A_1387, %sub3A_1389, %div3A_1368 : i32
      %get3A_1391 = arith.index_cast %select_n3A_1390 : i32 to index
      %get3A_1392 = arith.index_cast %shift_left3A_1366 : i32 to index
      %get3A_1393 = tpu.vector_load %arg8[%get3A_1391, %get3A_1392] {strides = array<i32>} : memref<4x128xi32, #tpu.memory_space<vmem>>, vector<16xi32>,
      %and3A_1394 = arith.constant 15 : i32
      %and3A_1395 = arith.andi %add3A_1271, %and3A_1394 : i32
      %eq3A_1396 = vector.broadcast %and3A_1395 : i32 to vector<16xi32>
      %eq3A_1397 = arith.cmpi eq, %iota3A, %eq3A_1396 : vector<16xi32>
      %jit3A_1398 = arith.constant 0 : i32
      %broadcast_in_dim3A_1399 = vector.broadcast %jit3A_1398 : i32 to vector<16xi32>
      %select_n3A_1400 = arith.select %eq3A_1397, %get3A_1393, %broadcast_in_dim3A_1399 : vector<16xi1>, vector<16xi32>
      %reduce_sum3A_1401 = arith.constant true
      %reduce_sum3A_1402 = vector.broadcast %reduce_sum3A_1401 : i1 to vector<16xi1>
      %reduce_sum3A_1403 = tpu.scan <sum>, %select_n3A_1400 masked %reduce_sum3A_1402 : vector<16xi32>, vector<16xi1> -> vector<16xi32>
      %reduce_sum3A_1404 = vector.extract %reduce_sum3A_1403[15] : i32 from vector<16xi32>
      %and3A_1405 = arith.constant 127 : i32
      %and3A_1406 = arith.andi %reduce_sum3A_1346, %and3A_1405 : i32
      %broadcast_in_dim3A_1407 = vector.broadcast %and3A_1406 : i32 to vector<16xi32>
      %and3A_1408 = arith.constant 127 : i32
      %and3A_1409 = arith.andi %reduce_sum3A_1404, %and3A_1408 : i32
      %broadcast_in_dim3A_1410 = vector.broadcast %and3A_1409 : i32 to vector<16xi32>
      %broadcast_in_dim3A_1411 = vector.broadcast %add3A_1271 : i32 to vector<16xi32>
      %add3A_1412 = arith.constant 0 : i32
      %add3A_1413 = vector.broadcast %add3A_1412 : i32 to vector<16xi32>
      %add3A_1414 = arith.addi %iota3A, %add3A_1413 : vector<16xi32>
      %gather3A_1415 = arith.constant 4 : i32
      %gather3A_1416 = arith.constant 0 : i32
      %gather3A_1417 = arith.constant 0 : i32
      %gather3A_1418 = arith.constant 0 : i32
      %gather3A_1419 = tpu.memref_slice %arg9[%gather3A_1415, %gather3A_1416, %gather3A_1417, %gather3A_1418] : memref<8x2x32x128xf32, #tpu.memory_space<vmem>> -> memref<1x1x32x128xf32, #tpu.memory_space<vmem>>
      %gather3A_1420 = tpu.memref_squeeze %gather3A_1419 : memref<1x1x32x128xf32, #tpu.memory_space<vmem>> -> memref<32x128xf32, #tpu.memory_space<vmem>>
      %gather3A_1421 = tpu.vector_load_idx %gather3A_1420[%add3A_1414, %broadcast_in_dim3A_1407] : memref<32x128xf32, #tpu.memory_space<vmem>>[vector<16xi32>, vector<16xi32>], vector<16xf32>,
      %gather3A_1422 = arith.constant 4 : i32
      %gather3A_1423 = arith.constant 1 : i32
      %gather3A_1424 = arith.constant 0 : i32
      %gather3A_1425 = arith.constant 0 : i32
      %gather3A_1426 = tpu.memref_slice %arg9[%gather3A_1422, %gather3A_1423, %gather3A_1424, %gather3A_1425] : memref<8x2x32x128xf32, #tpu.memory_space<vmem>> -> memref<1x1x32x128xf32, #tpu.memory_space<vmem>>
      %gather3A_1427 = tpu.memref_squeeze %gather3A_1426 : memref<1x1x32x128xf32, #tpu.memory_space<vmem>> -> memref<32x128xf32, #tpu.memory_space<vmem>>
      %gather3A_1428 = tpu.vector_load_idx %gather3A_1427[%add3A_1414, %broadcast_in_dim3A_1410] : memref<32x128xf32, #tpu.memory_space<vmem>>[vector<16xi32>, vector<16xi32>], vector<16xf32>,
      %mul3A_1429 = arith.mulf %gather3A_1421, %gather3A_1428 : vector<16xf32>
      tpu.vector_store_idx %arg10[%add3A_1414, %broadcast_in_dim3A_1411], %mul3A_1429 : memref<32x512xf32, #tpu.memory_space<vmem>>[vector<16xi32>, vector<16xi32>], vector<16xf32>,
      %add3A_1430 = arith.constant 16 : i32
      %add3A_1431 = vector.broadcast %add3A_1430 : i32 to vector<16xi32>
      %add3A_1432 = arith.addi %iota3A, %add3A_1431 : vector<16xi32>
      %gather3A_1433 = arith.constant 4 : i32
      %gather3A_1434 = arith.constant 0 : i32
      %gather3A_1435 = arith.constant 0 : i32
      %gather3A_1436 = arith.constant 0 : i32
      %gather3A_1437 = tpu.memref_slice %arg9[%gather3A_1433, %gather3A_1434, %gather3A_1435, %gather3A_1436] : memref<8x2x32x128xf32, #tpu.memory_space<vmem>> -> memref<1x1x32x128xf32, #tpu.memory_space<vmem>>
      %gather3A_1438 = tpu.memref_squeeze %gather3A_1437 : memref<1x1x32x128xf32, #tpu.memory_space<vmem>> -> memref<32x128xf32, #tpu.memory_space<vmem>>
      %gather3A_1439 = tpu.vector_load_idx %gather3A_1438[%add3A_1432, %broadcast_in_dim3A_1407] : memref<32x128xf32, #tpu.memory_space<vmem>>[vector<16xi32>, vector<16xi32>], vector<16xf32>,
      %gather3A_1440 = arith.constant 4 : i32
      %gather3A_1441 = arith.constant 1 : i32
      %gather3A_1442 = arith.constant 0 : i32
      %gather3A_1443 = arith.constant 0 : i32
      %gather3A_1444 = tpu.memref_slice %arg9[%gather3A_1440, %gather3A_1441, %gather3A_1442, %gather3A_1443] : memref<8x2x32x128xf32, #tpu.memory_space<vmem>> -> memref<1x1x32x128xf32, #tpu.memory_space<vmem>>
      %gather3A_1445 = tpu.memref_squeeze %gather3A_1444 : memref<1x1x32x128xf32, #tpu.memory_space<vmem>> -> memref<32x128xf32, #tpu.memory_space<vmem>>
      %gather3A_1446 = tpu.vector_load_idx %gather3A_1445[%add3A_1432, %broadcast_in_dim3A_1410] : memref<32x128xf32, #tpu.memory_space<vmem>>[vector<16xi32>, vector<16xi32>], vector<16xf32>,
      %mul3A_1447 = arith.mulf %gather3A_1439, %gather3A_1446 : vector<16xf32>
      tpu.vector_store_idx %arg10[%add3A_1432, %broadcast_in_dim3A_1411], %mul3A_1447 : memref<32x512xf32, #tpu.memory_space<vmem>>[vector<16xi32>, vector<16xi32>], vector<16xf32>,
      %add3A_1448 = arith.constant 8 : i32
      %add3A_1449 = arith.addi %add3A_1271, %add3A_1448 : i32
      %lt3A_1450 = arith.constant 512 : i32
      %lt3A_1451 = arith.cmpi slt, %add3A_1449, %lt3A_1450 : i32
      %convert_element_type3A_1452 = arith.extui %lt3A_1451 : i1 to i32
      %cond3A_1453 = arith.constant 0 : i32
      %cond3A_1454 = arith.cmpi ne, %convert_element_type3A_1452, %cond3A_1453 : i32
      scf.if %cond3A_1454 {
        %add3A_2016 = arith.constant 8 : i32
        %add3A_2017 = arith.addi %add3A_1271, %add3A_2016 : i32
        %jit3A_2018 = arith.constant 128 : i32
        %eq3A_2019 = arith.constant 0 : i32
        %eq3A_2020 = arith.cmpi eq, %jit3A_2018, %eq3A_2019 : i32
        %jit3A_2021 = arith.constant 1 : i32
        %select_n3A_2022 = arith.select %eq3A_2020, %jit3A_2021, %jit3A_2018 : i32
        %rem3A_2023 = arith.remsi %add3A_2017, %select_n3A_2022 : i32
        %ne3A_2024 = arith.constant 0 : i32
        %ne3A_2025 = arith.cmpi ne, %rem3A_2023, %ne3A_2024 : i32
        %lt3A_2026 = arith.constant 0 : i32
        %lt3A_2027 = arith.cmpi slt, %rem3A_2023, %lt3A_2026 : i32
        %lt3A_2028 = arith.constant 0 : i32
        %lt3A_2029 = arith.cmpi slt, %select_n3A_2022, %lt3A_2028 : i32
        %ne3A_2030 = arith.xori %lt3A_2027, %lt3A_2029 : i1
        %and3A_2031 = arith.andi %ne3A_2030, %ne3A_2025 : i1
        %add3A_2032 = arith.addi %rem3A_2023, %select_n3A_2022 : i32
        %select_n3A_2033 = arith.select %and3A_2031, %add3A_2032, %rem3A_2023 : i32
        %shift_right_arithmetic3A_2034 = arith.constant 4 : i32
        %shift_right_arithmetic3A_2035 = arith.shrsi %select_n3A_2033, %shift_right_arithmetic3A_2034 : i32
        %shift_left3A_2036 = arith.constant 4 : i32
        %shift_left3A_2037 = arith.shli %shift_right_arithmetic3A_2035, %shift_left3A_2036 : i32
        %jit3A_2038 = arith.constant 128 : i32
        %div3A_2039 = arith.divsi %add3A_2017, %jit3A_2038 : i32
        %sign3A_2040 = arith.constant 0 : i32
        %sign3A_2041 = arith.cmpi sgt, %add3A_2017, %sign3A_2040 : i32
        %sign3A_2042 = arith.extui %sign3A_2041 : i1 to i32
        %sign3A_2043 = arith.constant 0 : i32
        %sign3A_2044 = arith.cmpi slt, %add3A_2017, %sign3A_2043 : i32
        %sign3A_2045 = arith.extui %sign3A_2044 : i1 to i32
        %sign3A_2046 = arith.subi %sign3A_2042, %sign3A_2045 : i32
        %sign3A_2047 = arith.constant 0 : i32
        %sign3A_2048 = arith.cmpi sgt, %jit3A_2038, %sign3A_2047 : i32
        %sign3A_2049 = arith.extui %sign3A_2048 : i1 to i32
        %sign3A_2050 = arith.constant 0 : i32
        %sign3A_2051 = arith.cmpi slt, %jit3A_2038, %sign3A_2050 : i32
        %sign3A_2052 = arith.extui %sign3A_2051 : i1 to i32
        %sign3A_2053 = arith.subi %sign3A_2049, %sign3A_2052 : i32
        %ne3A_2054 = arith.cmpi ne, %sign3A_2046, %sign3A_2053 : i32
        %rem3A_2055 = arith.remsi %add3A_2017, %jit3A_2038 : i32
        %ne3A_2056 = arith.constant 0 : i32
        %ne3A_2057 = arith.cmpi ne, %rem3A_2055, %ne3A_2056 : i32
        %and3A_2058 = arith.andi %ne3A_2054, %ne3A_2057 : i1
        %sub3A_2059 = arith.constant 1 : i32
        %sub3A_2060 = arith.subi %div3A_2039, %sub3A_2059 : i32
        %select_n3A_2061 = arith.select %and3A_2058, %sub3A_2060, %div3A_2039 : i32
        %get3A_2062 = arith.index_cast %select_n3A_2061 : i32 to index
        %get3A_2063 = arith.index_cast %shift_left3A_2037 : i32 to index
        %get3A_2064 = tpu.vector_load %arg7[%get3A_2062, %get3A_2063] {strides = array<i32>} : memref<4x128xi32, #tpu.memory_space<vmem>>, vector<16xi32>,
        %and3A_2065 = arith.constant 15 : i32
        %and3A_2066 = arith.andi %add3A_2017, %and3A_2065 : i32
        %eq3A_2067 = vector.broadcast %and3A_2066 : i32 to vector<16xi32>
        %eq3A_2068 = arith.cmpi eq, %iota3A, %eq3A_2067 : vector<16xi32>
        %jit3A_2069 = arith.constant 0 : i32
        %broadcast_in_dim3A_2070 = vector.broadcast %jit3A_2069 : i32 to vector<16xi32>
        %select_n3A_2071 = arith.select %eq3A_2068, %get3A_2064, %broadcast_in_dim3A_2070 : vector<16xi1>, vector<16xi32>
        %reduce_sum3A_2072 = arith.constant true
        %reduce_sum3A_2073 = vector.broadcast %reduce_sum3A_2072 : i1 to vector<16xi1>
        %reduce_sum3A_2074 = tpu.scan <sum>, %select_n3A_2071 masked %reduce_sum3A_2073 : vector<16xi32>, vector<16xi1> -> vector<16xi32>
        %reduce_sum3A_2075 = vector.extract %reduce_sum3A_2074[15] : i32 from vector<16xi32>
        %jit3A_2076 = arith.constant 128 : i32
        %eq3A_2077 = arith.constant 0 : i32
        %eq3A_2078 = arith.cmpi eq, %jit3A_2076, %eq3A_2077 : i32
        %jit3A_2079 = arith.constant 1 : i32
        %select_n3A_2080 = arith.select %eq3A_2078, %jit3A_2079, %jit3A_2076 : i32
        %rem3A_2081 = arith.remsi %add3A_2017, %select_n3A_2080 : i32
        %ne3A_2082 = arith.constant 0 : i32
        %ne3A_2083 = arith.cmpi ne, %rem3A_2081, %ne3A_2082 : i32
        %lt3A_2084 = arith.constant 0 : i32
        %lt3A_2085 = arith.cmpi slt, %rem3A_2081, %lt3A_2084 : i32
        %lt3A_2086 = arith.constant 0 : i32
        %lt3A_2087 = arith.cmpi slt, %select_n3A_2080, %lt3A_2086 : i32
        %ne3A_2088 = arith.xori %lt3A_2085, %lt3A_2087 : i1
        %and3A_2089 = arith.andi %ne3A_2088, %ne3A_2083 : i1
        %add3A_2090 = arith.addi %rem3A_2081, %select_n3A_2080 : i32
        %select_n3A_2091 = arith.select %and3A_2089, %add3A_2090, %rem3A_2081 : i32
        %shift_right_arithmetic3A_2092 = arith.constant 4 : i32
        %shift_right_arithmetic3A_2093 = arith.shrsi %select_n3A_2091, %shift_right_arithmetic3A_2092 : i32
        %shift_left3A_2094 = arith.constant 4 : i32
        %shift_left3A_2095 = arith.shli %shift_right_arithmetic3A_2093, %shift_left3A_2094 : i32
        %jit3A_2096 = arith.constant 128 : i32
        %div3A_2097 = arith.divsi %add3A_2017, %jit3A_2096 : i32
        %sign3A_2098 = arith.constant 0 : i32
        %sign3A_2099 = arith.cmpi sgt, %add3A_2017, %sign3A_2098 : i32
        %sign3A_2100 = arith.extui %sign3A_2099 : i1 to i32
        %sign3A_2101 = arith.constant 0 : i32
        %sign3A_2102 = arith.cmpi slt, %add3A_2017, %sign3A_2101 : i32
        %sign3A_2103 = arith.extui %sign3A_2102 : i1 to i32
        %sign3A_2104 = arith.subi %sign3A_2100, %sign3A_2103 : i32
        %sign3A_2105 = arith.constant 0 : i32
        %sign3A_2106 = arith.cmpi sgt, %jit3A_2096, %sign3A_2105 : i32
        %sign3A_2107 = arith.extui %sign3A_2106 : i1 to i32
        %sign3A_2108 = arith.constant 0 : i32
        %sign3A_2109 = arith.cmpi slt, %jit3A_2096, %sign3A_2108 : i32
        %sign3A_2110 = arith.extui %sign3A_2109 : i1 to i32
        %sign3A_2111 = arith.subi %sign3A_2107, %sign3A_2110 : i32
        %ne3A_2112 = arith.cmpi ne, %sign3A_2104, %sign3A_2111 : i32
        %rem3A_2113 = arith.remsi %add3A_2017, %jit3A_2096 : i32
        %ne3A_2114 = arith.constant 0 : i32
        %ne3A_2115 = arith.cmpi ne, %rem3A_2113, %ne3A_2114 : i32
        %and3A_2116 = arith.andi %ne3A_2112, %ne3A_2115 : i1
        %sub3A_2117 = arith.constant 1 : i32
        %sub3A_2118 = arith.subi %div3A_2097, %sub3A_2117 : i32
        %select_n3A_2119 = arith.select %and3A_2116, %sub3A_2118, %div3A_2097 : i32
        %get3A_2120 = arith.index_cast %select_n3A_2119 : i32 to index
        %get3A_2121 = arith.index_cast %shift_left3A_2095 : i32 to index
        %get3A_2122 = tpu.vector_load %arg8[%get3A_2120, %get3A_2121] {strides = array<i32>} : memref<4x128xi32, #tpu.memory_space<vmem>>, vector<16xi32>,
        %and3A_2123 = arith.constant 15 : i32
        %and3A_2124 = arith.andi %add3A_2017, %and3A_2123 : i32
        %eq3A_2125 = vector.broadcast %and3A_2124 : i32 to vector<16xi32>
        %eq3A_2126 = arith.cmpi eq, %iota3A, %eq3A_2125 : vector<16xi32>
        %jit3A_2127 = arith.constant 0 : i32
        %broadcast_in_dim3A_2128 = vector.broadcast %jit3A_2127 : i32 to vector<16xi32>
        %select_n3A_2129 = arith.select %eq3A_2126, %get3A_2122, %broadcast_in_dim3A_2128 : vector<16xi1>, vector<16xi32>
        %reduce_sum3A_2130 = arith.constant true
        %reduce_sum3A_2131 = vector.broadcast %reduce_sum3A_2130 : i1 to vector<16xi1>
        %reduce_sum3A_2132 = tpu.scan <sum>, %select_n3A_2129 masked %reduce_sum3A_2131 : vector<16xi32>, vector<16xi1> -> vector<16xi32>
        %reduce_sum3A_2133 = vector.extract %reduce_sum3A_2132[15] : i32 from vector<16xi32>
        %shift_right_arithmetic3A_2134 = arith.constant 7 : i32
        %shift_right_arithmetic3A_2135 = arith.shrsi %reduce_sum3A_2075, %shift_right_arithmetic3A_2134 : i32
        %mul3A_2136 = arith.constant 128 : i32
        %mul3A_2137 = arith.muli %shift_right_arithmetic3A_2135, %mul3A_2136 : i32
        %multiple_of3A_2138 = tpu.assume_multiple %mul3A_2137, 128 : i32
        %shift_right_arithmetic3A_2139 = arith.constant 7 : i32
        %shift_right_arithmetic3A_2140 = arith.shrsi %reduce_sum3A_2133, %shift_right_arithmetic3A_2139 : i32
        %mul3A_2141 = arith.constant 128 : i32
        %mul3A_2142 = arith.muli %shift_right_arithmetic3A_2140, %mul3A_2141 : i32
        %multiple_of3A_2143 = tpu.assume_multiple %mul3A_2142, 128 : i32
        %dma_start3A_2144 = arith.constant 4 : i32
        %dma_start3A_2145 = arith.constant 0 : i32
        %dma_start3A_2146 = arith.constant 0 : i32
        %dma_start3A_2147 = arith.constant 0 : i32
        %dma_start3A_2148 = tpu.memref_slice %arg9[%dma_start3A_2144, %dma_start3A_2145, %dma_start3A_2146, %dma_start3A_2147] : memref<8x2x32x128xf32, #tpu.memory_space<vmem>> -> memref<1x1x32x128xf32, #tpu.memory_space<vmem>>
        %dma_start3A_2149 = tpu.memref_squeeze %dma_start3A_2148 : memref<1x1x32x128xf32, #tpu.memory_space<vmem>> -> memref<32x128xf32, #tpu.memory_space<vmem>>
        %dma_start3A_2150 = arith.constant 0 : i32
        %dma_start3A_2151 = tpu.memref_slice %arg4[%dma_start3A_2150, %multiple_of3A_2138] : memref<32x1000000xf32, #tpu.memory_space<hbm>> -> memref<32x128xf32, #tpu.memory_space<hbm>>
        %dma_start3A_2152 = arith.constant 0 : i32
        %dma_start3A_2153 = arith.constant 0 : i32
        %dma_start3A_2154 = tpu.memref_slice %arg9[%dma_start3A_2144, %dma_start3A_2145, %dma_start3A_2152, %dma_start3A_2153] : memref<8x2x32x128xf32, #tpu.memory_space<vmem>> -> memref<1x1x32x128xf32, #tpu.memory_space<vmem>>
        %dma_start3A_2155 = tpu.memref_squeeze %dma_start3A_2154 : memref<1x1x32x128xf32, #tpu.memory_space<vmem>> -> memref<32x128xf32, #tpu.memory_space<vmem>>
        %dma_start3A_2156 = arith.constant 0 : i32
        %dma_start3A_2157 = tpu.memref_slice %arg4[%dma_start3A_2156, %multiple_of3A_2138] : memref<32x1000000xf32, #tpu.memory_space<hbm>> -> memref<32x128xf32, #tpu.memory_space<hbm>>
        tpu.enqueue_dma source(%dma_start3A_2157 : memref<32x128xf32, #tpu.memory_space<hbm>>) target(%dma_start3A_2155 : memref<32x128xf32, #tpu.memory_space<vmem>>) target_semaphore(%arg15 : memref<!tpu.dma_semaphore, #tpu.memory_space<semaphore_mem>>)
        %dma_start3A_2158 = arith.constant 4 : i32
        %dma_start3A_2159 = arith.constant 1 : i32
        %dma_start3A_2160 = arith.constant 0 : i32
        %dma_start3A_2161 = arith.constant 0 : i32
        %dma_start3A_2162 = tpu.memref_slice %arg9[%dma_start3A_2158, %dma_start3A_2159, %dma_start3A_2160, %dma_start3A_2161] : memref<8x2x32x128xf32, #tpu.memory_space<vmem>> -> memref<1x1x32x128xf32, #tpu.memory_space<vmem>>
        %dma_start3A_2163 = tpu.memref_squeeze %dma_start3A_2162 : memref<1x1x32x128xf32, #tpu.memory_space<vmem>> -> memref<32x128xf32, #tpu.memory_space<vmem>>
        %dma_start3A_2164 = arith.constant 0 : i32
        %dma_start3A_2165 = tpu.memref_slice %arg5[%dma_start3A_2164, %multiple_of3A_2143] : memref<32x1000000xf32, #tpu.memory_space<hbm>> -> memref<32x128xf32, #tpu.memory_space<hbm>>
        %dma_start3A_2166 = arith.constant 0 : i32
        %dma_start3A_2167 = arith.constant 0 : i32
        %dma_start3A_2168 = tpu.memref_slice %arg9[%dma_start3A_2158, %dma_start3A_2159, %dma_start3A_2166, %dma_start3A_2167] : memref<8x2x32x128xf32, #tpu.memory_space<vmem>> -> memref<1x1x32x128xf32, #tpu.memory_space<vmem>>
        %dma_start3A_2169 = tpu.memref_squeeze %dma_start3A_2168 : memref<1x1x32x128xf32, #tpu.memory_space<vmem>> -> memref<32x128xf32, #tpu.memory_space<vmem>>
        %dma_start3A_2170 = arith.constant 0 : i32
        %dma_start3A_2171 = tpu.memref_slice %arg5[%dma_start3A_2170, %multiple_of3A_2143] : memref<32x1000000xf32, #tpu.memory_space<hbm>> -> memref<32x128xf32, #tpu.memory_space<hbm>>
        tpu.enqueue_dma source(%dma_start3A_2171 : memref<32x128xf32, #tpu.memory_space<hbm>>) target(%dma_start3A_2169 : memref<32x128xf32, #tpu.memory_space<vmem>>) target_semaphore(%arg15 : memref<!tpu.dma_semaphore, #tpu.memory_space<semaphore_mem>>)
      } else {
      }
      %mul3A_1455 = arith.constant 8 : i32
      %mul3A_1456 = arith.muli %scan3A_531, %mul3A_1455 : i32
      %add3A_1457 = arith.constant 5 : i32
      %add3A_1458 = arith.addi %mul3A_1456, %add3A_1457 : i32
      %dma_wait3A_1459 = arith.constant 5 : i32
      %dma_wait3A_1460 = arith.constant 0 : i32
      %dma_wait3A_1461 = arith.constant 0 : i32
      %dma_wait3A_1462 = arith.constant 0 : i32
      %dma_wait3A_1463 = tpu.memref_slice %arg9[%dma_wait3A_1459, %dma_wait3A_1460, %dma_wait3A_1461, %dma_wait3A_1462] : memref<8x2x32x128xf32, #tpu.memory_space<vmem>> -> memref<1x2x32x128xf32, #tpu.memory_space<vmem>>
      %dma_wait3A_1464 = tpu.memref_squeeze %dma_wait3A_1463 : memref<1x2x32x128xf32, #tpu.memory_space<vmem>> -> memref<2x32x128xf32, #tpu.memory_space<vmem>>
      %dma_wait3A_1465 = arith.constant 0 : i32
      %dma_wait3A_1466 = arith.constant 0 : i32
      %dma_wait3A_1467 = tpu.memref_slice %arg4[%dma_wait3A_1465, %dma_wait3A_1466] : memref<32x1000000xf32, #tpu.memory_space<hbm>> -> memref<32x256xf32, #tpu.memory_space<hbm>>
      %dma_wait3A_1468 = arith.constant 0 : i32
      %dma_wait3A_1469 = arith.constant 0 : i32
      %dma_wait3A_1470 = arith.constant 0 : i32
      %dma_wait3A_1471 = tpu.memref_slice %arg9[%dma_wait3A_1459, %dma_wait3A_1468, %dma_wait3A_1469, %dma_wait3A_1470] : memref<8x2x32x128xf32, #tpu.memory_space<vmem>> -> memref<1x2x32x128xf32, #tpu.memory_space<vmem>>
      %dma_wait3A_1472 = tpu.memref_squeeze %dma_wait3A_1471 : memref<1x2x32x128xf32, #tpu.memory_space<vmem>> -> memref<2x32x128xf32, #tpu.memory_space<vmem>>
      %dma_wait3A_1473 = arith.constant 0 : i32
      %dma_wait3A_1474 = arith.constant 0 : i32
      %dma_wait3A_1475 = tpu.memref_slice %arg4[%dma_wait3A_1473, %dma_wait3A_1474] : memref<32x1000000xf32, #tpu.memory_space<hbm>> -> memref<32x256xf32, #tpu.memory_space<hbm>>
      tpu.wait_dma2 semaphore(%arg16 : memref<!tpu.dma_semaphore, #tpu.memory_space<semaphore_mem>>) src(%dma_wait3A_1475 : memref<32x256xf32, #tpu.memory_space<hbm>>) dst(%dma_wait3A_1472 : memref<2x32x128xf32, #tpu.memory_space<vmem>>)
      %jit3A_1476 = arith.constant 128 : i32
      %eq3A_1477 = arith.constant 0 : i32
      %eq3A_1478 = arith.cmpi eq, %jit3A_1476, %eq3A_1477 : i32
      %jit3A_1479 = arith.constant 1 : i32
      %select_n3A_1480 = arith.select %eq3A_1478, %jit3A_1479, %jit3A_1476 : i32
      %rem3A_1481 = arith.remsi %add3A_1458, %select_n3A_1480 : i32
      %ne3A_1482 = arith.constant 0 : i32
      %ne3A_1483 = arith.cmpi ne, %rem3A_1481, %ne3A_1482 : i32
      %lt3A_1484 = arith.constant 0 : i32
      %lt3A_1485 = arith.cmpi slt, %rem3A_1481, %lt3A_1484 : i32
      %lt3A_1486 = arith.constant 0 : i32
      %lt3A_1487 = arith.cmpi slt, %select_n3A_1480, %lt3A_1486 : i32
      %ne3A_1488 = arith.xori %lt3A_1485, %lt3A_1487 : i1
      %and3A_1489 = arith.andi %ne3A_1488, %ne3A_1483 : i1
      %add3A_1490 = arith.addi %rem3A_1481, %select_n3A_1480 : i32
      %select_n3A_1491 = arith.select %and3A_1489, %add3A_1490, %rem3A_1481 : i32
      %shift_right_arithmetic3A_1492 = arith.constant 4 : i32
      %shift_right_arithmetic3A_1493 = arith.shrsi %select_n3A_1491, %shift_right_arithmetic3A_1492 : i32
      %shift_left3A_1494 = arith.constant 4 : i32
      %shift_left3A_1495 = arith.shli %shift_right_arithmetic3A_1493, %shift_left3A_1494 : i32
      %jit3A_1496 = arith.constant 128 : i32
      %div3A_1497 = arith.divsi %add3A_1458, %jit3A_1496 : i32
      %sign3A_1498 = arith.constant 0 : i32
      %sign3A_1499 = arith.cmpi sgt, %add3A_1458, %sign3A_1498 : i32
      %sign3A_1500 = arith.extui %sign3A_1499 : i1 to i32
      %sign3A_1501 = arith.constant 0 : i32
      %sign3A_1502 = arith.cmpi slt, %add3A_1458, %sign3A_1501 : i32
      %sign3A_1503 = arith.extui %sign3A_1502 : i1 to i32
      %sign3A_1504 = arith.subi %sign3A_1500, %sign3A_1503 : i32
      %sign3A_1505 = arith.constant 0 : i32
      %sign3A_1506 = arith.cmpi sgt, %jit3A_1496, %sign3A_1505 : i32
      %sign3A_1507 = arith.extui %sign3A_1506 : i1 to i32
      %sign3A_1508 = arith.constant 0 : i32
      %sign3A_1509 = arith.cmpi slt, %jit3A_1496, %sign3A_1508 : i32
      %sign3A_1510 = arith.extui %sign3A_1509 : i1 to i32
      %sign3A_1511 = arith.subi %sign3A_1507, %sign3A_1510 : i32
      %ne3A_1512 = arith.cmpi ne, %sign3A_1504, %sign3A_1511 : i32
      %rem3A_1513 = arith.remsi %add3A_1458, %jit3A_1496 : i32
      %ne3A_1514 = arith.constant 0 : i32
      %ne3A_1515 = arith.cmpi ne, %rem3A_1513, %ne3A_1514 : i32
      %and3A_1516 = arith.andi %ne3A_1512, %ne3A_1515 : i1
      %sub3A_1517 = arith.constant 1 : i32
      %sub3A_1518 = arith.subi %div3A_1497, %sub3A_1517 : i32
      %select_n3A_1519 = arith.select %and3A_1516, %sub3A_1518, %div3A_1497 : i32
      %get3A_1520 = arith.index_cast %select_n3A_1519 : i32 to index
      %get3A_1521 = arith.index_cast %shift_left3A_1495 : i32 to index
      %get3A_1522 = tpu.vector_load %arg7[%get3A_1520, %get3A_1521] {strides = array<i32>} : memref<4x128xi32, #tpu.memory_space<vmem>>, vector<16xi32>,
      %and3A_1523 = arith.constant 15 : i32
      %and3A_1524 = arith.andi %add3A_1458, %and3A_1523 : i32
      %eq3A_1525 = vector.broadcast %and3A_1524 : i32 to vector<16xi32>
      %eq3A_1526 = arith.cmpi eq, %iota3A, %eq3A_1525 : vector<16xi32>
      %jit3A_1527 = arith.constant 0 : i32
      %broadcast_in_dim3A_1528 = vector.broadcast %jit3A_1527 : i32 to vector<16xi32>
      %select_n3A_1529 = arith.select %eq3A_1526, %get3A_1522, %broadcast_in_dim3A_1528 : vector<16xi1>, vector<16xi32>
      %reduce_sum3A_1530 = arith.constant true
      %reduce_sum3A_1531 = vector.broadcast %reduce_sum3A_1530 : i1 to vector<16xi1>
      %reduce_sum3A_1532 = tpu.scan <sum>, %select_n3A_1529 masked %reduce_sum3A_1531 : vector<16xi32>, vector<16xi1> -> vector<16xi32>
      %reduce_sum3A_1533 = vector.extract %reduce_sum3A_1532[15] : i32 from vector<16xi32>
      %jit3A_1534 = arith.constant 128 : i32
      %eq3A_1535 = arith.constant 0 : i32
      %eq3A_1536 = arith.cmpi eq, %jit3A_1534, %eq3A_1535 : i32
      %jit3A_1537 = arith.constant 1 : i32
      %select_n3A_1538 = arith.select %eq3A_1536, %jit3A_1537, %jit3A_1534 : i32
      %rem3A_1539 = arith.remsi %add3A_1458, %select_n3A_1538 : i32
      %ne3A_1540 = arith.constant 0 : i32
      %ne3A_1541 = arith.cmpi ne, %rem3A_1539, %ne3A_1540 : i32
      %lt3A_1542 = arith.constant 0 : i32
      %lt3A_1543 = arith.cmpi slt, %rem3A_1539, %lt3A_1542 : i32
      %lt3A_1544 = arith.constant 0 : i32
      %lt3A_1545 = arith.cmpi slt, %select_n3A_1538, %lt3A_1544 : i32
      %ne3A_1546 = arith.xori %lt3A_1543, %lt3A_1545 : i1
      %and3A_1547 = arith.andi %ne3A_1546, %ne3A_1541 : i1
      %add3A_1548 = arith.addi %rem3A_1539, %select_n3A_1538 : i32
      %select_n3A_1549 = arith.select %and3A_1547, %add3A_1548, %rem3A_1539 : i32
      %shift_right_arithmetic3A_1550 = arith.constant 4 : i32
      %shift_right_arithmetic3A_1551 = arith.shrsi %select_n3A_1549, %shift_right_arithmetic3A_1550 : i32
      %shift_left3A_1552 = arith.constant 4 : i32
      %shift_left3A_1553 = arith.shli %shift_right_arithmetic3A_1551, %shift_left3A_1552 : i32
      %jit3A_1554 = arith.constant 128 : i32
      %div3A_1555 = arith.divsi %add3A_1458, %jit3A_1554 : i32
      %sign3A_1556 = arith.constant 0 : i32
      %sign3A_1557 = arith.cmpi sgt, %add3A_1458, %sign3A_1556 : i32
      %sign3A_1558 = arith.extui %sign3A_1557 : i1 to i32
      %sign3A_1559 = arith.constant 0 : i32
      %sign3A_1560 = arith.cmpi slt, %add3A_1458, %sign3A_1559 : i32
      %sign3A_1561 = arith.extui %sign3A_1560 : i1 to i32
      %sign3A_1562 = arith.subi %sign3A_1558, %sign3A_1561 : i32
      %sign3A_1563 = arith.constant 0 : i32
      %sign3A_1564 = arith.cmpi sgt, %jit3A_1554, %sign3A_1563 : i32
      %sign3A_1565 = arith.extui %sign3A_1564 : i1 to i32
      %sign3A_1566 = arith.constant 0 : i32
      %sign3A_1567 = arith.cmpi slt, %jit3A_1554, %sign3A_1566 : i32
      %sign3A_1568 = arith.extui %sign3A_1567 : i1 to i32
      %sign3A_1569 = arith.subi %sign3A_1565, %sign3A_1568 : i32
      %ne3A_1570 = arith.cmpi ne, %sign3A_1562, %sign3A_1569 : i32
      %rem3A_1571 = arith.remsi %add3A_1458, %jit3A_1554 : i32
      %ne3A_1572 = arith.constant 0 : i32
      %ne3A_1573 = arith.cmpi ne, %rem3A_1571, %ne3A_1572 : i32
      %and3A_1574 = arith.andi %ne3A_1570, %ne3A_1573 : i1
      %sub3A_1575 = arith.constant 1 : i32
      %sub3A_1576 = arith.subi %div3A_1555, %sub3A_1575 : i32
      %select_n3A_1577 = arith.select %and3A_1574, %sub3A_1576, %div3A_1555 : i32
      %get3A_1578 = arith.index_cast %select_n3A_1577 : i32 to index
      %get3A_1579 = arith.index_cast %shift_left3A_1553 : i32 to index
      %get3A_1580 = tpu.vector_load %arg8[%get3A_1578, %get3A_1579] {strides = array<i32>} : memref<4x128xi32, #tpu.memory_space<vmem>>, vector<16xi32>,
      %and3A_1581 = arith.constant 15 : i32
      %and3A_1582 = arith.andi %add3A_1458, %and3A_1581 : i32
      %eq3A_1583 = vector.broadcast %and3A_1582 : i32 to vector<16xi32>
      %eq3A_1584 = arith.cmpi eq, %iota3A, %eq3A_1583 : vector<16xi32>
      %jit3A_1585 = arith.constant 0 : i32
      %broadcast_in_dim3A_1586 = vector.broadcast %jit3A_1585 : i32 to vector<16xi32>
      %select_n3A_1587 = arith.select %eq3A_1584, %get3A_1580, %broadcast_in_dim3A_1586 : vector<16xi1>, vector<16xi32>
      %reduce_sum3A_1588 = arith.constant true
      %reduce_sum3A_1589 = vector.broadcast %reduce_sum3A_1588 : i1 to vector<16xi1>
      %reduce_sum3A_1590 = tpu.scan <sum>, %select_n3A_1587 masked %reduce_sum3A_1589 : vector<16xi32>, vector<16xi1> -> vector<16xi32>
      %reduce_sum3A_1591 = vector.extract %reduce_sum3A_1590[15] : i32 from vector<16xi32>
      %and3A_1592 = arith.constant 127 : i32
      %and3A_1593 = arith.andi %reduce_sum3A_1533, %and3A_1592 : i32
      %broadcast_in_dim3A_1594 = vector.broadcast %and3A_1593 : i32 to vector<16xi32>
      %and3A_1595 = arith.constant 127 : i32
      %and3A_1596 = arith.andi %reduce_sum3A_1591, %and3A_1595 : i32
      %broadcast_in_dim3A_1597 = vector.broadcast %and3A_1596 : i32 to vector<16xi32>
      %broadcast_in_dim3A_1598 = vector.broadcast %add3A_1458 : i32 to vector<16xi32>
      %add3A_1599 = arith.constant 0 : i32
      %add3A_1600 = vector.broadcast %add3A_1599 : i32 to vector<16xi32>
      %add3A_1601 = arith.addi %iota3A, %add3A_1600 : vector<16xi32>
      %gather3A_1602 = arith.constant 5 : i32
      %gather3A_1603 = arith.constant 0 : i32
      %gather3A_1604 = arith.constant 0 : i32
      %gather3A_1605 = arith.constant 0 : i32
      %gather3A_1606 = tpu.memref_slice %arg9[%gather3A_1602, %gather3A_1603, %gather3A_1604, %gather3A_1605] : memref<8x2x32x128xf32, #tpu.memory_space<vmem>> -> memref<1x1x32x128xf32, #tpu.memory_space<vmem>>
      %gather3A_1607 = tpu.memref_squeeze %gather3A_1606 : memref<1x1x32x128xf32, #tpu.memory_space<vmem>> -> memref<32x128xf32, #tpu.memory_space<vmem>>
      %gather3A_1608 = tpu.vector_load_idx %gather3A_1607[%add3A_1601, %broadcast_in_dim3A_1594] : memref<32x128xf32, #tpu.memory_space<vmem>>[vector<16xi32>, vector<16xi32>], vector<16xf32>,
      %gather3A_1609 = arith.constant 5 : i32
      %gather3A_1610 = arith.constant 1 : i32
      %gather3A_1611 = arith.constant 0 : i32
      %gather3A_1612 = arith.constant 0 : i32
      %gather3A_1613 = tpu.memref_slice %arg9[%gather3A_1609, %gather3A_1610, %gather3A_1611, %gather3A_1612] : memref<8x2x32x128xf32, #tpu.memory_space<vmem>> -> memref<1x1x32x128xf32, #tpu.memory_space<vmem>>
      %gather3A_1614 = tpu.memref_squeeze %gather3A_1613 : memref<1x1x32x128xf32, #tpu.memory_space<vmem>> -> memref<32x128xf32, #tpu.memory_space<vmem>>
      %gather3A_1615 = tpu.vector_load_idx %gather3A_1614[%add3A_1601, %broadcast_in_dim3A_1597] : memref<32x128xf32, #tpu.memory_space<vmem>>[vector<16xi32>, vector<16xi32>], vector<16xf32>,
      %mul3A_1616 = arith.mulf %gather3A_1608, %gather3A_1615 : vector<16xf32>
      tpu.vector_store_idx %arg10[%add3A_1601, %broadcast_in_dim3A_1598], %mul3A_1616 : memref<32x512xf32, #tpu.memory_space<vmem>>[vector<16xi32>, vector<16xi32>], vector<16xf32>,
      %add3A_1617 = arith.constant 16 : i32
      %add3A_1618 = vector.broadcast %add3A_1617 : i32 to vector<16xi32>
      %add3A_1619 = arith.addi %iota3A, %add3A_1618 : vector<16xi32>
      %gather3A_1620 = arith.constant 5 : i32
      %gather3A_1621 = arith.constant 0 : i32
      %gather3A_1622 = arith.constant 0 : i32
      %gather3A_1623 = arith.constant 0 : i32
      %gather3A_1624 = tpu.memref_slice %arg9[%gather3A_1620, %gather3A_1621, %gather3A_1622, %gather3A_1623] : memref<8x2x32x128xf32, #tpu.memory_space<vmem>> -> memref<1x1x32x128xf32, #tpu.memory_space<vmem>>
      %gather3A_1625 = tpu.memref_squeeze %gather3A_1624 : memref<1x1x32x128xf32, #tpu.memory_space<vmem>> -> memref<32x128xf32, #tpu.memory_space<vmem>>
      %gather3A_1626 = tpu.vector_load_idx %gather3A_1625[%add3A_1619, %broadcast_in_dim3A_1594] : memref<32x128xf32, #tpu.memory_space<vmem>>[vector<16xi32>, vector<16xi32>], vector<16xf32>,
      %gather3A_1627 = arith.constant 5 : i32
      %gather3A_1628 = arith.constant 1 : i32
      %gather3A_1629 = arith.constant 0 : i32
      %gather3A_1630 = arith.constant 0 : i32
      %gather3A_1631 = tpu.memref_slice %arg9[%gather3A_1627, %gather3A_1628, %gather3A_1629, %gather3A_1630] : memref<8x2x32x128xf32, #tpu.memory_space<vmem>> -> memref<1x1x32x128xf32, #tpu.memory_space<vmem>>
      %gather3A_1632 = tpu.memref_squeeze %gather3A_1631 : memref<1x1x32x128xf32, #tpu.memory_space<vmem>> -> memref<32x128xf32, #tpu.memory_space<vmem>>
      %gather3A_1633 = tpu.vector_load_idx %gather3A_1632[%add3A_1619, %broadcast_in_dim3A_1597] : memref<32x128xf32, #tpu.memory_space<vmem>>[vector<16xi32>, vector<16xi32>], vector<16xf32>,
      %mul3A_1634 = arith.mulf %gather3A_1626, %gather3A_1633 : vector<16xf32>
      tpu.vector_store_idx %arg10[%add3A_1619, %broadcast_in_dim3A_1598], %mul3A_1634 : memref<32x512xf32, #tpu.memory_space<vmem>>[vector<16xi32>, vector<16xi32>], vector<16xf32>,
      %add3A_1635 = arith.constant 8 : i32
      %add3A_1636 = arith.addi %add3A_1458, %add3A_1635 : i32
      %lt3A_1637 = arith.constant 512 : i32
      %lt3A_1638 = arith.cmpi slt, %add3A_1636, %lt3A_1637 : i32
      %convert_element_type3A_1639 = arith.extui %lt3A_1638 : i1 to i32
      %cond3A_1640 = arith.constant 0 : i32
      %cond3A_1641 = arith.cmpi ne, %convert_element_type3A_1639, %cond3A_1640 : i32
      scf.if %cond3A_1641 {
        %add3A_2016 = arith.constant 8 : i32
        %add3A_2017 = arith.addi %add3A_1458, %add3A_2016 : i32
        %jit3A_2018 = arith.constant 128 : i32
        %eq3A_2019 = arith.constant 0 : i32
        %eq3A_2020 = arith.cmpi eq, %jit3A_2018, %eq3A_2019 : i32
        %jit3A_2021 = arith.constant 1 : i32
        %select_n3A_2022 = arith.select %eq3A_2020, %jit3A_2021, %jit3A_2018 : i32
        %rem3A_2023 = arith.remsi %add3A_2017, %select_n3A_2022 : i32
        %ne3A_2024 = arith.constant 0 : i32
        %ne3A_2025 = arith.cmpi ne, %rem3A_2023, %ne3A_2024 : i32
        %lt3A_2026 = arith.constant 0 : i32
        %lt3A_2027 = arith.cmpi slt, %rem3A_2023, %lt3A_2026 : i32
        %lt3A_2028 = arith.constant 0 : i32
        %lt3A_2029 = arith.cmpi slt, %select_n3A_2022, %lt3A_2028 : i32
        %ne3A_2030 = arith.xori %lt3A_2027, %lt3A_2029 : i1
        %and3A_2031 = arith.andi %ne3A_2030, %ne3A_2025 : i1
        %add3A_2032 = arith.addi %rem3A_2023, %select_n3A_2022 : i32
        %select_n3A_2033 = arith.select %and3A_2031, %add3A_2032, %rem3A_2023 : i32
        %shift_right_arithmetic3A_2034 = arith.constant 4 : i32
        %shift_right_arithmetic3A_2035 = arith.shrsi %select_n3A_2033, %shift_right_arithmetic3A_2034 : i32
        %shift_left3A_2036 = arith.constant 4 : i32
        %shift_left3A_2037 = arith.shli %shift_right_arithmetic3A_2035, %shift_left3A_2036 : i32
        %jit3A_2038 = arith.constant 128 : i32
        %div3A_2039 = arith.divsi %add3A_2017, %jit3A_2038 : i32
        %sign3A_2040 = arith.constant 0 : i32
        %sign3A_2041 = arith.cmpi sgt, %add3A_2017, %sign3A_2040 : i32
        %sign3A_2042 = arith.extui %sign3A_2041 : i1 to i32
        %sign3A_2043 = arith.constant 0 : i32
        %sign3A_2044 = arith.cmpi slt, %add3A_2017, %sign3A_2043 : i32
        %sign3A_2045 = arith.extui %sign3A_2044 : i1 to i32
        %sign3A_2046 = arith.subi %sign3A_2042, %sign3A_2045 : i32
        %sign3A_2047 = arith.constant 0 : i32
        %sign3A_2048 = arith.cmpi sgt, %jit3A_2038, %sign3A_2047 : i32
        %sign3A_2049 = arith.extui %sign3A_2048 : i1 to i32
        %sign3A_2050 = arith.constant 0 : i32
        %sign3A_2051 = arith.cmpi slt, %jit3A_2038, %sign3A_2050 : i32
        %sign3A_2052 = arith.extui %sign3A_2051 : i1 to i32
        %sign3A_2053 = arith.subi %sign3A_2049, %sign3A_2052 : i32
        %ne3A_2054 = arith.cmpi ne, %sign3A_2046, %sign3A_2053 : i32
        %rem3A_2055 = arith.remsi %add3A_2017, %jit3A_2038 : i32
        %ne3A_2056 = arith.constant 0 : i32
        %ne3A_2057 = arith.cmpi ne, %rem3A_2055, %ne3A_2056 : i32
        %and3A_2058 = arith.andi %ne3A_2054, %ne3A_2057 : i1
        %sub3A_2059 = arith.constant 1 : i32
        %sub3A_2060 = arith.subi %div3A_2039, %sub3A_2059 : i32
        %select_n3A_2061 = arith.select %and3A_2058, %sub3A_2060, %div3A_2039 : i32
        %get3A_2062 = arith.index_cast %select_n3A_2061 : i32 to index
        %get3A_2063 = arith.index_cast %shift_left3A_2037 : i32 to index
        %get3A_2064 = tpu.vector_load %arg7[%get3A_2062, %get3A_2063] {strides = array<i32>} : memref<4x128xi32, #tpu.memory_space<vmem>>, vector<16xi32>,
        %and3A_2065 = arith.constant 15 : i32
        %and3A_2066 = arith.andi %add3A_2017, %and3A_2065 : i32
        %eq3A_2067 = vector.broadcast %and3A_2066 : i32 to vector<16xi32>
        %eq3A_2068 = arith.cmpi eq, %iota3A, %eq3A_2067 : vector<16xi32>
        %jit3A_2069 = arith.constant 0 : i32
        %broadcast_in_dim3A_2070 = vector.broadcast %jit3A_2069 : i32 to vector<16xi32>
        %select_n3A_2071 = arith.select %eq3A_2068, %get3A_2064, %broadcast_in_dim3A_2070 : vector<16xi1>, vector<16xi32>
        %reduce_sum3A_2072 = arith.constant true
        %reduce_sum3A_2073 = vector.broadcast %reduce_sum3A_2072 : i1 to vector<16xi1>
        %reduce_sum3A_2074 = tpu.scan <sum>, %select_n3A_2071 masked %reduce_sum3A_2073 : vector<16xi32>, vector<16xi1> -> vector<16xi32>
        %reduce_sum3A_2075 = vector.extract %reduce_sum3A_2074[15] : i32 from vector<16xi32>
        %jit3A_2076 = arith.constant 128 : i32
        %eq3A_2077 = arith.constant 0 : i32
        %eq3A_2078 = arith.cmpi eq, %jit3A_2076, %eq3A_2077 : i32
        %jit3A_2079 = arith.constant 1 : i32
        %select_n3A_2080 = arith.select %eq3A_2078, %jit3A_2079, %jit3A_2076 : i32
        %rem3A_2081 = arith.remsi %add3A_2017, %select_n3A_2080 : i32
        %ne3A_2082 = arith.constant 0 : i32
        %ne3A_2083 = arith.cmpi ne, %rem3A_2081, %ne3A_2082 : i32
        %lt3A_2084 = arith.constant 0 : i32
        %lt3A_2085 = arith.cmpi slt, %rem3A_2081, %lt3A_2084 : i32
        %lt3A_2086 = arith.constant 0 : i32
        %lt3A_2087 = arith.cmpi slt, %select_n3A_2080, %lt3A_2086 : i32
        %ne3A_2088 = arith.xori %lt3A_2085, %lt3A_2087 : i1
        %and3A_2089 = arith.andi %ne3A_2088, %ne3A_2083 : i1
        %add3A_2090 = arith.addi %rem3A_2081, %select_n3A_2080 : i32
        %select_n3A_2091 = arith.select %and3A_2089, %add3A_2090, %rem3A_2081 : i32
        %shift_right_arithmetic3A_2092 = arith.constant 4 : i32
        %shift_right_arithmetic3A_2093 = arith.shrsi %select_n3A_2091, %shift_right_arithmetic3A_2092 : i32
        %shift_left3A_2094 = arith.constant 4 : i32
        %shift_left3A_2095 = arith.shli %shift_right_arithmetic3A_2093, %shift_left3A_2094 : i32
        %jit3A_2096 = arith.constant 128 : i32
        %div3A_2097 = arith.divsi %add3A_2017, %jit3A_2096 : i32
        %sign3A_2098 = arith.constant 0 : i32
        %sign3A_2099 = arith.cmpi sgt, %add3A_2017, %sign3A_2098 : i32
        %sign3A_2100 = arith.extui %sign3A_2099 : i1 to i32
        %sign3A_2101 = arith.constant 0 : i32
        %sign3A_2102 = arith.cmpi slt, %add3A_2017, %sign3A_2101 : i32
        %sign3A_2103 = arith.extui %sign3A_2102 : i1 to i32
        %sign3A_2104 = arith.subi %sign3A_2100, %sign3A_2103 : i32
        %sign3A_2105 = arith.constant 0 : i32
        %sign3A_2106 = arith.cmpi sgt, %jit3A_2096, %sign3A_2105 : i32
        %sign3A_2107 = arith.extui %sign3A_2106 : i1 to i32
        %sign3A_2108 = arith.constant 0 : i32
        %sign3A_2109 = arith.cmpi slt, %jit3A_2096, %sign3A_2108 : i32
        %sign3A_2110 = arith.extui %sign3A_2109 : i1 to i32
        %sign3A_2111 = arith.subi %sign3A_2107, %sign3A_2110 : i32
        %ne3A_2112 = arith.cmpi ne, %sign3A_2104, %sign3A_2111 : i32
        %rem3A_2113 = arith.remsi %add3A_2017, %jit3A_2096 : i32
        %ne3A_2114 = arith.constant 0 : i32
        %ne3A_2115 = arith.cmpi ne, %rem3A_2113, %ne3A_2114 : i32
        %and3A_2116 = arith.andi %ne3A_2112, %ne3A_2115 : i1
        %sub3A_2117 = arith.constant 1 : i32
        %sub3A_2118 = arith.subi %div3A_2097, %sub3A_2117 : i32
        %select_n3A_2119 = arith.select %and3A_2116, %sub3A_2118, %div3A_2097 : i32
        %get3A_2120 = arith.index_cast %select_n3A_2119 : i32 to index
        %get3A_2121 = arith.index_cast %shift_left3A_2095 : i32 to index
        %get3A_2122 = tpu.vector_load %arg8[%get3A_2120, %get3A_2121] {strides = array<i32>} : memref<4x128xi32, #tpu.memory_space<vmem>>, vector<16xi32>,
        %and3A_2123 = arith.constant 15 : i32
        %and3A_2124 = arith.andi %add3A_2017, %and3A_2123 : i32
        %eq3A_2125 = vector.broadcast %and3A_2124 : i32 to vector<16xi32>
        %eq3A_2126 = arith.cmpi eq, %iota3A, %eq3A_2125 : vector<16xi32>
        %jit3A_2127 = arith.constant 0 : i32
        %broadcast_in_dim3A_2128 = vector.broadcast %jit3A_2127 : i32 to vector<16xi32>
        %select_n3A_2129 = arith.select %eq3A_2126, %get3A_2122, %broadcast_in_dim3A_2128 : vector<16xi1>, vector<16xi32>
        %reduce_sum3A_2130 = arith.constant true
        %reduce_sum3A_2131 = vector.broadcast %reduce_sum3A_2130 : i1 to vector<16xi1>
        %reduce_sum3A_2132 = tpu.scan <sum>, %select_n3A_2129 masked %reduce_sum3A_2131 : vector<16xi32>, vector<16xi1> -> vector<16xi32>
        %reduce_sum3A_2133 = vector.extract %reduce_sum3A_2132[15] : i32 from vector<16xi32>
        %shift_right_arithmetic3A_2134 = arith.constant 7 : i32
        %shift_right_arithmetic3A_2135 = arith.shrsi %reduce_sum3A_2075, %shift_right_arithmetic3A_2134 : i32
        %mul3A_2136 = arith.constant 128 : i32
        %mul3A_2137 = arith.muli %shift_right_arithmetic3A_2135, %mul3A_2136 : i32
        %multiple_of3A_2138 = tpu.assume_multiple %mul3A_2137, 128 : i32
        %shift_right_arithmetic3A_2139 = arith.constant 7 : i32
        %shift_right_arithmetic3A_2140 = arith.shrsi %reduce_sum3A_2133, %shift_right_arithmetic3A_2139 : i32
        %mul3A_2141 = arith.constant 128 : i32
        %mul3A_2142 = arith.muli %shift_right_arithmetic3A_2140, %mul3A_2141 : i32
        %multiple_of3A_2143 = tpu.assume_multiple %mul3A_2142, 128 : i32
        %dma_start3A_2144 = arith.constant 5 : i32
        %dma_start3A_2145 = arith.constant 0 : i32
        %dma_start3A_2146 = arith.constant 0 : i32
        %dma_start3A_2147 = arith.constant 0 : i32
        %dma_start3A_2148 = tpu.memref_slice %arg9[%dma_start3A_2144, %dma_start3A_2145, %dma_start3A_2146, %dma_start3A_2147] : memref<8x2x32x128xf32, #tpu.memory_space<vmem>> -> memref<1x1x32x128xf32, #tpu.memory_space<vmem>>
        %dma_start3A_2149 = tpu.memref_squeeze %dma_start3A_2148 : memref<1x1x32x128xf32, #tpu.memory_space<vmem>> -> memref<32x128xf32, #tpu.memory_space<vmem>>
        %dma_start3A_2150 = arith.constant 0 : i32
        %dma_start3A_2151 = tpu.memref_slice %arg4[%dma_start3A_2150, %multiple_of3A_2138] : memref<32x1000000xf32, #tpu.memory_space<hbm>> -> memref<32x128xf32, #tpu.memory_space<hbm>>
        %dma_start3A_2152 = arith.constant 0 : i32
        %dma_start3A_2153 = arith.constant 0 : i32
        %dma_start3A_2154 = tpu.memref_slice %arg9[%dma_start3A_2144, %dma_start3A_2145, %dma_start3A_2152, %dma_start3A_2153] : memref<8x2x32x128xf32, #tpu.memory_space<vmem>> -> memref<1x1x32x128xf32, #tpu.memory_space<vmem>>
        %dma_start3A_2155 = tpu.memref_squeeze %dma_start3A_2154 : memref<1x1x32x128xf32, #tpu.memory_space<vmem>> -> memref<32x128xf32, #tpu.memory_space<vmem>>
        %dma_start3A_2156 = arith.constant 0 : i32
        %dma_start3A_2157 = tpu.memref_slice %arg4[%dma_start3A_2156, %multiple_of3A_2138] : memref<32x1000000xf32, #tpu.memory_space<hbm>> -> memref<32x128xf32, #tpu.memory_space<hbm>>
        tpu.enqueue_dma source(%dma_start3A_2157 : memref<32x128xf32, #tpu.memory_space<hbm>>) target(%dma_start3A_2155 : memref<32x128xf32, #tpu.memory_space<vmem>>) target_semaphore(%arg16 : memref<!tpu.dma_semaphore, #tpu.memory_space<semaphore_mem>>)
        %dma_start3A_2158 = arith.constant 5 : i32
        %dma_start3A_2159 = arith.constant 1 : i32
        %dma_start3A_2160 = arith.constant 0 : i32
        %dma_start3A_2161 = arith.constant 0 : i32
        %dma_start3A_2162 = tpu.memref_slice %arg9[%dma_start3A_2158, %dma_start3A_2159, %dma_start3A_2160, %dma_start3A_2161] : memref<8x2x32x128xf32, #tpu.memory_space<vmem>> -> memref<1x1x32x128xf32, #tpu.memory_space<vmem>>
        %dma_start3A_2163 = tpu.memref_squeeze %dma_start3A_2162 : memref<1x1x32x128xf32, #tpu.memory_space<vmem>> -> memref<32x128xf32, #tpu.memory_space<vmem>>
        %dma_start3A_2164 = arith.constant 0 : i32
        %dma_start3A_2165 = tpu.memref_slice %arg5[%dma_start3A_2164, %multiple_of3A_2143] : memref<32x1000000xf32, #tpu.memory_space<hbm>> -> memref<32x128xf32, #tpu.memory_space<hbm>>
        %dma_start3A_2166 = arith.constant 0 : i32
        %dma_start3A_2167 = arith.constant 0 : i32
        %dma_start3A_2168 = tpu.memref_slice %arg9[%dma_start3A_2158, %dma_start3A_2159, %dma_start3A_2166, %dma_start3A_2167] : memref<8x2x32x128xf32, #tpu.memory_space<vmem>> -> memref<1x1x32x128xf32, #tpu.memory_space<vmem>>
        %dma_start3A_2169 = tpu.memref_squeeze %dma_start3A_2168 : memref<1x1x32x128xf32, #tpu.memory_space<vmem>> -> memref<32x128xf32, #tpu.memory_space<vmem>>
        %dma_start3A_2170 = arith.constant 0 : i32
        %dma_start3A_2171 = tpu.memref_slice %arg5[%dma_start3A_2170, %multiple_of3A_2143] : memref<32x1000000xf32, #tpu.memory_space<hbm>> -> memref<32x128xf32, #tpu.memory_space<hbm>>
        tpu.enqueue_dma source(%dma_start3A_2171 : memref<32x128xf32, #tpu.memory_space<hbm>>) target(%dma_start3A_2169 : memref<32x128xf32, #tpu.memory_space<vmem>>) target_semaphore(%arg16 : memref<!tpu.dma_semaphore, #tpu.memory_space<semaphore_mem>>)
      } else {
      }
      %mul3A_1642 = arith.constant 8 : i32
      %mul3A_1643 = arith.muli %scan3A_531, %mul3A_1642 : i32
      %add3A_1644 = arith.constant 6 : i32
      %add3A_1645 = arith.addi %mul3A_1643, %add3A_1644 : i32
      %dma_wait3A_1646 = arith.constant 6 : i32
      %dma_wait3A_1647 = arith.constant 0 : i32
      %dma_wait3A_1648 = arith.constant 0 : i32
      %dma_wait3A_1649 = arith.constant 0 : i32
      %dma_wait3A_1650 = tpu.memref_slice %arg9[%dma_wait3A_1646, %dma_wait3A_1647, %dma_wait3A_1648, %dma_wait3A_1649] : memref<8x2x32x128xf32, #tpu.memory_space<vmem>> -> memref<1x2x32x128xf32, #tpu.memory_space<vmem>>
      %dma_wait3A_1651 = tpu.memref_squeeze %dma_wait3A_1650 : memref<1x2x32x128xf32, #tpu.memory_space<vmem>> -> memref<2x32x128xf32, #tpu.memory_space<vmem>>
      %dma_wait3A_1652 = arith.constant 0 : i32
      %dma_wait3A_1653 = arith.constant 0 : i32
      %dma_wait3A_1654 = tpu.memref_slice %arg4[%dma_wait3A_1652, %dma_wait3A_1653] : memref<32x1000000xf32, #tpu.memory_space<hbm>> -> memref<32x256xf32, #tpu.memory_space<hbm>>
      %dma_wait3A_1655 = arith.constant 0 : i32
      %dma_wait3A_1656 = arith.constant 0 : i32
      %dma_wait3A_1657 = arith.constant 0 : i32
      %dma_wait3A_1658 = tpu.memref_slice %arg9[%dma_wait3A_1646, %dma_wait3A_1655, %dma_wait3A_1656, %dma_wait3A_1657] : memref<8x2x32x128xf32, #tpu.memory_space<vmem>> -> memref<1x2x32x128xf32, #tpu.memory_space<vmem>>
      %dma_wait3A_1659 = tpu.memref_squeeze %dma_wait3A_1658 : memref<1x2x32x128xf32, #tpu.memory_space<vmem>> -> memref<2x32x128xf32, #tpu.memory_space<vmem>>
      %dma_wait3A_1660 = arith.constant 0 : i32
      %dma_wait3A_1661 = arith.constant 0 : i32
      %dma_wait3A_1662 = tpu.memref_slice %arg4[%dma_wait3A_1660, %dma_wait3A_1661] : memref<32x1000000xf32, #tpu.memory_space<hbm>> -> memref<32x256xf32, #tpu.memory_space<hbm>>
      tpu.wait_dma2 semaphore(%arg17 : memref<!tpu.dma_semaphore, #tpu.memory_space<semaphore_mem>>) src(%dma_wait3A_1662 : memref<32x256xf32, #tpu.memory_space<hbm>>) dst(%dma_wait3A_1659 : memref<2x32x128xf32, #tpu.memory_space<vmem>>)
      %jit3A_1663 = arith.constant 128 : i32
      %eq3A_1664 = arith.constant 0 : i32
      %eq3A_1665 = arith.cmpi eq, %jit3A_1663, %eq3A_1664 : i32
      %jit3A_1666 = arith.constant 1 : i32
      %select_n3A_1667 = arith.select %eq3A_1665, %jit3A_1666, %jit3A_1663 : i32
      %rem3A_1668 = arith.remsi %add3A_1645, %select_n3A_1667 : i32
      %ne3A_1669 = arith.constant 0 : i32
      %ne3A_1670 = arith.cmpi ne, %rem3A_1668, %ne3A_1669 : i32
      %lt3A_1671 = arith.constant 0 : i32
      %lt3A_1672 = arith.cmpi slt, %rem3A_1668, %lt3A_1671 : i32
      %lt3A_1673 = arith.constant 0 : i32
      %lt3A_1674 = arith.cmpi slt, %select_n3A_1667, %lt3A_1673 : i32
      %ne3A_1675 = arith.xori %lt3A_1672, %lt3A_1674 : i1
      %and3A_1676 = arith.andi %ne3A_1675, %ne3A_1670 : i1
      %add3A_1677 = arith.addi %rem3A_1668, %select_n3A_1667 : i32
      %select_n3A_1678 = arith.select %and3A_1676, %add3A_1677, %rem3A_1668 : i32
      %shift_right_arithmetic3A_1679 = arith.constant 4 : i32
      %shift_right_arithmetic3A_1680 = arith.shrsi %select_n3A_1678, %shift_right_arithmetic3A_1679 : i32
      %shift_left3A_1681 = arith.constant 4 : i32
      %shift_left3A_1682 = arith.shli %shift_right_arithmetic3A_1680, %shift_left3A_1681 : i32
      %jit3A_1683 = arith.constant 128 : i32
      %div3A_1684 = arith.divsi %add3A_1645, %jit3A_1683 : i32
      %sign3A_1685 = arith.constant 0 : i32
      %sign3A_1686 = arith.cmpi sgt, %add3A_1645, %sign3A_1685 : i32
      %sign3A_1687 = arith.extui %sign3A_1686 : i1 to i32
      %sign3A_1688 = arith.constant 0 : i32
      %sign3A_1689 = arith.cmpi slt, %add3A_1645, %sign3A_1688 : i32
      %sign3A_1690 = arith.extui %sign3A_1689 : i1 to i32
      %sign3A_1691 = arith.subi %sign3A_1687, %sign3A_1690 : i32
      %sign3A_1692 = arith.constant 0 : i32
      %sign3A_1693 = arith.cmpi sgt, %jit3A_1683, %sign3A_1692 : i32
      %sign3A_1694 = arith.extui %sign3A_1693 : i1 to i32
      %sign3A_1695 = arith.constant 0 : i32
      %sign3A_1696 = arith.cmpi slt, %jit3A_1683, %sign3A_1695 : i32
      %sign3A_1697 = arith.extui %sign3A_1696 : i1 to i32
      %sign3A_1698 = arith.subi %sign3A_1694, %sign3A_1697 : i32
      %ne3A_1699 = arith.cmpi ne, %sign3A_1691, %sign3A_1698 : i32
      %rem3A_1700 = arith.remsi %add3A_1645, %jit3A_1683 : i32
      %ne3A_1701 = arith.constant 0 : i32
      %ne3A_1702 = arith.cmpi ne, %rem3A_1700, %ne3A_1701 : i32
      %and3A_1703 = arith.andi %ne3A_1699, %ne3A_1702 : i1
      %sub3A_1704 = arith.constant 1 : i32
      %sub3A_1705 = arith.subi %div3A_1684, %sub3A_1704 : i32
      %select_n3A_1706 = arith.select %and3A_1703, %sub3A_1705, %div3A_1684 : i32
      %get3A_1707 = arith.index_cast %select_n3A_1706 : i32 to index
      %get3A_1708 = arith.index_cast %shift_left3A_1682 : i32 to index
      %get3A_1709 = tpu.vector_load %arg7[%get3A_1707, %get3A_1708] {strides = array<i32>} : memref<4x128xi32, #tpu.memory_space<vmem>>, vector<16xi32>,
      %and3A_1710 = arith.constant 15 : i32
      %and3A_1711 = arith.andi %add3A_1645, %and3A_1710 : i32
      %eq3A_1712 = vector.broadcast %and3A_1711 : i32 to vector<16xi32>
      %eq3A_1713 = arith.cmpi eq, %iota3A, %eq3A_1712 : vector<16xi32>
      %jit3A_1714 = arith.constant 0 : i32
      %broadcast_in_dim3A_1715 = vector.broadcast %jit3A_1714 : i32 to vector<16xi32>
      %select_n3A_1716 = arith.select %eq3A_1713, %get3A_1709, %broadcast_in_dim3A_1715 : vector<16xi1>, vector<16xi32>
      %reduce_sum3A_1717 = arith.constant true
      %reduce_sum3A_1718 = vector.broadcast %reduce_sum3A_1717 : i1 to vector<16xi1>
      %reduce_sum3A_1719 = tpu.scan <sum>, %select_n3A_1716 masked %reduce_sum3A_1718 : vector<16xi32>, vector<16xi1> -> vector<16xi32>
      %reduce_sum3A_1720 = vector.extract %reduce_sum3A_1719[15] : i32 from vector<16xi32>
      %jit3A_1721 = arith.constant 128 : i32
      %eq3A_1722 = arith.constant 0 : i32
      %eq3A_1723 = arith.cmpi eq, %jit3A_1721, %eq3A_1722 : i32
      %jit3A_1724 = arith.constant 1 : i32
      %select_n3A_1725 = arith.select %eq3A_1723, %jit3A_1724, %jit3A_1721 : i32
      %rem3A_1726 = arith.remsi %add3A_1645, %select_n3A_1725 : i32
      %ne3A_1727 = arith.constant 0 : i32
      %ne3A_1728 = arith.cmpi ne, %rem3A_1726, %ne3A_1727 : i32
      %lt3A_1729 = arith.constant 0 : i32
      %lt3A_1730 = arith.cmpi slt, %rem3A_1726, %lt3A_1729 : i32
      %lt3A_1731 = arith.constant 0 : i32
      %lt3A_1732 = arith.cmpi slt, %select_n3A_1725, %lt3A_1731 : i32
      %ne3A_1733 = arith.xori %lt3A_1730, %lt3A_1732 : i1
      %and3A_1734 = arith.andi %ne3A_1733, %ne3A_1728 : i1
      %add3A_1735 = arith.addi %rem3A_1726, %select_n3A_1725 : i32
      %select_n3A_1736 = arith.select %and3A_1734, %add3A_1735, %rem3A_1726 : i32
      %shift_right_arithmetic3A_1737 = arith.constant 4 : i32
      %shift_right_arithmetic3A_1738 = arith.shrsi %select_n3A_1736, %shift_right_arithmetic3A_1737 : i32
      %shift_left3A_1739 = arith.constant 4 : i32
      %shift_left3A_1740 = arith.shli %shift_right_arithmetic3A_1738, %shift_left3A_1739 : i32
      %jit3A_1741 = arith.constant 128 : i32
      %div3A_1742 = arith.divsi %add3A_1645, %jit3A_1741 : i32
      %sign3A_1743 = arith.constant 0 : i32
      %sign3A_1744 = arith.cmpi sgt, %add3A_1645, %sign3A_1743 : i32
      %sign3A_1745 = arith.extui %sign3A_1744 : i1 to i32
      %sign3A_1746 = arith.constant 0 : i32
      %sign3A_1747 = arith.cmpi slt, %add3A_1645, %sign3A_1746 : i32
      %sign3A_1748 = arith.extui %sign3A_1747 : i1 to i32
      %sign3A_1749 = arith.subi %sign3A_1745, %sign3A_1748 : i32
      %sign3A_1750 = arith.constant 0 : i32
      %sign3A_1751 = arith.cmpi sgt, %jit3A_1741, %sign3A_1750 : i32
      %sign3A_1752 = arith.extui %sign3A_1751 : i1 to i32
      %sign3A_1753 = arith.constant 0 : i32
      %sign3A_1754 = arith.cmpi slt, %jit3A_1741, %sign3A_1753 : i32
      %sign3A_1755 = arith.extui %sign3A_1754 : i1 to i32
      %sign3A_1756 = arith.subi %sign3A_1752, %sign3A_1755 : i32
      %ne3A_1757 = arith.cmpi ne, %sign3A_1749, %sign3A_1756 : i32
      %rem3A_1758 = arith.remsi %add3A_1645, %jit3A_1741 : i32
      %ne3A_1759 = arith.constant 0 : i32
      %ne3A_1760 = arith.cmpi ne, %rem3A_1758, %ne3A_1759 : i32
      %and3A_1761 = arith.andi %ne3A_1757, %ne3A_1760 : i1
      %sub3A_1762 = arith.constant 1 : i32
      %sub3A_1763 = arith.subi %div3A_1742, %sub3A_1762 : i32
      %select_n3A_1764 = arith.select %and3A_1761, %sub3A_1763, %div3A_1742 : i32
      %get3A_1765 = arith.index_cast %select_n3A_1764 : i32 to index
      %get3A_1766 = arith.index_cast %shift_left3A_1740 : i32 to index
      %get3A_1767 = tpu.vector_load %arg8[%get3A_1765, %get3A_1766] {strides = array<i32>} : memref<4x128xi32, #tpu.memory_space<vmem>>, vector<16xi32>,
      %and3A_1768 = arith.constant 15 : i32
      %and3A_1769 = arith.andi %add3A_1645, %and3A_1768 : i32
      %eq3A_1770 = vector.broadcast %and3A_1769 : i32 to vector<16xi32>
      %eq3A_1771 = arith.cmpi eq, %iota3A, %eq3A_1770 : vector<16xi32>
      %jit3A_1772 = arith.constant 0 : i32
      %broadcast_in_dim3A_1773 = vector.broadcast %jit3A_1772 : i32 to vector<16xi32>
      %select_n3A_1774 = arith.select %eq3A_1771, %get3A_1767, %broadcast_in_dim3A_1773 : vector<16xi1>, vector<16xi32>
      %reduce_sum3A_1775 = arith.constant true
      %reduce_sum3A_1776 = vector.broadcast %reduce_sum3A_1775 : i1 to vector<16xi1>
      %reduce_sum3A_1777 = tpu.scan <sum>, %select_n3A_1774 masked %reduce_sum3A_1776 : vector<16xi32>, vector<16xi1> -> vector<16xi32>
      %reduce_sum3A_1778 = vector.extract %reduce_sum3A_1777[15] : i32 from vector<16xi32>
      %and3A_1779 = arith.constant 127 : i32
      %and3A_1780 = arith.andi %reduce_sum3A_1720, %and3A_1779 : i32
      %broadcast_in_dim3A_1781 = vector.broadcast %and3A_1780 : i32 to vector<16xi32>
      %and3A_1782 = arith.constant 127 : i32
      %and3A_1783 = arith.andi %reduce_sum3A_1778, %and3A_1782 : i32
      %broadcast_in_dim3A_1784 = vector.broadcast %and3A_1783 : i32 to vector<16xi32>
      %broadcast_in_dim3A_1785 = vector.broadcast %add3A_1645 : i32 to vector<16xi32>
      %add3A_1786 = arith.constant 0 : i32
      %add3A_1787 = vector.broadcast %add3A_1786 : i32 to vector<16xi32>
      %add3A_1788 = arith.addi %iota3A, %add3A_1787 : vector<16xi32>
      %gather3A_1789 = arith.constant 6 : i32
      %gather3A_1790 = arith.constant 0 : i32
      %gather3A_1791 = arith.constant 0 : i32
      %gather3A_1792 = arith.constant 0 : i32
      %gather3A_1793 = tpu.memref_slice %arg9[%gather3A_1789, %gather3A_1790, %gather3A_1791, %gather3A_1792] : memref<8x2x32x128xf32, #tpu.memory_space<vmem>> -> memref<1x1x32x128xf32, #tpu.memory_space<vmem>>
      %gather3A_1794 = tpu.memref_squeeze %gather3A_1793 : memref<1x1x32x128xf32, #tpu.memory_space<vmem>> -> memref<32x128xf32, #tpu.memory_space<vmem>>
      %gather3A_1795 = tpu.vector_load_idx %gather3A_1794[%add3A_1788, %broadcast_in_dim3A_1781] : memref<32x128xf32, #tpu.memory_space<vmem>>[vector<16xi32>, vector<16xi32>], vector<16xf32>,
      %gather3A_1796 = arith.constant 6 : i32
      %gather3A_1797 = arith.constant 1 : i32
      %gather3A_1798 = arith.constant 0 : i32
      %gather3A_1799 = arith.constant 0 : i32
      %gather3A_1800 = tpu.memref_slice %arg9[%gather3A_1796, %gather3A_1797, %gather3A_1798, %gather3A_1799] : memref<8x2x32x128xf32, #tpu.memory_space<vmem>> -> memref<1x1x32x128xf32, #tpu.memory_space<vmem>>
      %gather3A_1801 = tpu.memref_squeeze %gather3A_1800 : memref<1x1x32x128xf32, #tpu.memory_space<vmem>> -> memref<32x128xf32, #tpu.memory_space<vmem>>
      %gather3A_1802 = tpu.vector_load_idx %gather3A_1801[%add3A_1788, %broadcast_in_dim3A_1784] : memref<32x128xf32, #tpu.memory_space<vmem>>[vector<16xi32>, vector<16xi32>], vector<16xf32>,
      %mul3A_1803 = arith.mulf %gather3A_1795, %gather3A_1802 : vector<16xf32>
      tpu.vector_store_idx %arg10[%add3A_1788, %broadcast_in_dim3A_1785], %mul3A_1803 : memref<32x512xf32, #tpu.memory_space<vmem>>[vector<16xi32>, vector<16xi32>], vector<16xf32>,
      %add3A_1804 = arith.constant 16 : i32
      %add3A_1805 = vector.broadcast %add3A_1804 : i32 to vector<16xi32>
      %add3A_1806 = arith.addi %iota3A, %add3A_1805 : vector<16xi32>
      %gather3A_1807 = arith.constant 6 : i32
      %gather3A_1808 = arith.constant 0 : i32
      %gather3A_1809 = arith.constant 0 : i32
      %gather3A_1810 = arith.constant 0 : i32
      %gather3A_1811 = tpu.memref_slice %arg9[%gather3A_1807, %gather3A_1808, %gather3A_1809, %gather3A_1810] : memref<8x2x32x128xf32, #tpu.memory_space<vmem>> -> memref<1x1x32x128xf32, #tpu.memory_space<vmem>>
      %gather3A_1812 = tpu.memref_squeeze %gather3A_1811 : memref<1x1x32x128xf32, #tpu.memory_space<vmem>> -> memref<32x128xf32, #tpu.memory_space<vmem>>
      %gather3A_1813 = tpu.vector_load_idx %gather3A_1812[%add3A_1806, %broadcast_in_dim3A_1781] : memref<32x128xf32, #tpu.memory_space<vmem>>[vector<16xi32>, vector<16xi32>], vector<16xf32>,
      %gather3A_1814 = arith.constant 6 : i32
      %gather3A_1815 = arith.constant 1 : i32
      %gather3A_1816 = arith.constant 0 : i32
      %gather3A_1817 = arith.constant 0 : i32
      %gather3A_1818 = tpu.memref_slice %arg9[%gather3A_1814, %gather3A_1815, %gather3A_1816, %gather3A_1817] : memref<8x2x32x128xf32, #tpu.memory_space<vmem>> -> memref<1x1x32x128xf32, #tpu.memory_space<vmem>>
      %gather3A_1819 = tpu.memref_squeeze %gather3A_1818 : memref<1x1x32x128xf32, #tpu.memory_space<vmem>> -> memref<32x128xf32, #tpu.memory_space<vmem>>
      %gather3A_1820 = tpu.vector_load_idx %gather3A_1819[%add3A_1806, %broadcast_in_dim3A_1784] : memref<32x128xf32, #tpu.memory_space<vmem>>[vector<16xi32>, vector<16xi32>], vector<16xf32>,
      %mul3A_1821 = arith.mulf %gather3A_1813, %gather3A_1820 : vector<16xf32>
      tpu.vector_store_idx %arg10[%add3A_1806, %broadcast_in_dim3A_1785], %mul3A_1821 : memref<32x512xf32, #tpu.memory_space<vmem>>[vector<16xi32>, vector<16xi32>], vector<16xf32>,
      %add3A_1822 = arith.constant 8 : i32
      %add3A_1823 = arith.addi %add3A_1645, %add3A_1822 : i32
      %lt3A_1824 = arith.constant 512 : i32
      %lt3A_1825 = arith.cmpi slt, %add3A_1823, %lt3A_1824 : i32
      %convert_element_type3A_1826 = arith.extui %lt3A_1825 : i1 to i32
      %cond3A_1827 = arith.constant 0 : i32
      %cond3A_1828 = arith.cmpi ne, %convert_element_type3A_1826, %cond3A_1827 : i32
      scf.if %cond3A_1828 {
        %add3A_2016 = arith.constant 8 : i32
        %add3A_2017 = arith.addi %add3A_1645, %add3A_2016 : i32
        %jit3A_2018 = arith.constant 128 : i32
        %eq3A_2019 = arith.constant 0 : i32
        %eq3A_2020 = arith.cmpi eq, %jit3A_2018, %eq3A_2019 : i32
        %jit3A_2021 = arith.constant 1 : i32
        %select_n3A_2022 = arith.select %eq3A_2020, %jit3A_2021, %jit3A_2018 : i32
        %rem3A_2023 = arith.remsi %add3A_2017, %select_n3A_2022 : i32
        %ne3A_2024 = arith.constant 0 : i32
        %ne3A_2025 = arith.cmpi ne, %rem3A_2023, %ne3A_2024 : i32
        %lt3A_2026 = arith.constant 0 : i32
        %lt3A_2027 = arith.cmpi slt, %rem3A_2023, %lt3A_2026 : i32
        %lt3A_2028 = arith.constant 0 : i32
        %lt3A_2029 = arith.cmpi slt, %select_n3A_2022, %lt3A_2028 : i32
        %ne3A_2030 = arith.xori %lt3A_2027, %lt3A_2029 : i1
        %and3A_2031 = arith.andi %ne3A_2030, %ne3A_2025 : i1
        %add3A_2032 = arith.addi %rem3A_2023, %select_n3A_2022 : i32
        %select_n3A_2033 = arith.select %and3A_2031, %add3A_2032, %rem3A_2023 : i32
        %shift_right_arithmetic3A_2034 = arith.constant 4 : i32
        %shift_right_arithmetic3A_2035 = arith.shrsi %select_n3A_2033, %shift_right_arithmetic3A_2034 : i32
        %shift_left3A_2036 = arith.constant 4 : i32
        %shift_left3A_2037 = arith.shli %shift_right_arithmetic3A_2035, %shift_left3A_2036 : i32
        %jit3A_2038 = arith.constant 128 : i32
        %div3A_2039 = arith.divsi %add3A_2017, %jit3A_2038 : i32
        %sign3A_2040 = arith.constant 0 : i32
        %sign3A_2041 = arith.cmpi sgt, %add3A_2017, %sign3A_2040 : i32
        %sign3A_2042 = arith.extui %sign3A_2041 : i1 to i32
        %sign3A_2043 = arith.constant 0 : i32
        %sign3A_2044 = arith.cmpi slt, %add3A_2017, %sign3A_2043 : i32
        %sign3A_2045 = arith.extui %sign3A_2044 : i1 to i32
        %sign3A_2046 = arith.subi %sign3A_2042, %sign3A_2045 : i32
        %sign3A_2047 = arith.constant 0 : i32
        %sign3A_2048 = arith.cmpi sgt, %jit3A_2038, %sign3A_2047 : i32
        %sign3A_2049 = arith.extui %sign3A_2048 : i1 to i32
        %sign3A_2050 = arith.constant 0 : i32
        %sign3A_2051 = arith.cmpi slt, %jit3A_2038, %sign3A_2050 : i32
        %sign3A_2052 = arith.extui %sign3A_2051 : i1 to i32
        %sign3A_2053 = arith.subi %sign3A_2049, %sign3A_2052 : i32
        %ne3A_2054 = arith.cmpi ne, %sign3A_2046, %sign3A_2053 : i32
        %rem3A_2055 = arith.remsi %add3A_2017, %jit3A_2038 : i32
        %ne3A_2056 = arith.constant 0 : i32
        %ne3A_2057 = arith.cmpi ne, %rem3A_2055, %ne3A_2056 : i32
        %and3A_2058 = arith.andi %ne3A_2054, %ne3A_2057 : i1
        %sub3A_2059 = arith.constant 1 : i32
        %sub3A_2060 = arith.subi %div3A_2039, %sub3A_2059 : i32
        %select_n3A_2061 = arith.select %and3A_2058, %sub3A_2060, %div3A_2039 : i32
        %get3A_2062 = arith.index_cast %select_n3A_2061 : i32 to index
        %get3A_2063 = arith.index_cast %shift_left3A_2037 : i32 to index
        %get3A_2064 = tpu.vector_load %arg7[%get3A_2062, %get3A_2063] {strides = array<i32>} : memref<4x128xi32, #tpu.memory_space<vmem>>, vector<16xi32>,
        %and3A_2065 = arith.constant 15 : i32
        %and3A_2066 = arith.andi %add3A_2017, %and3A_2065 : i32
        %eq3A_2067 = vector.broadcast %and3A_2066 : i32 to vector<16xi32>
        %eq3A_2068 = arith.cmpi eq, %iota3A, %eq3A_2067 : vector<16xi32>
        %jit3A_2069 = arith.constant 0 : i32
        %broadcast_in_dim3A_2070 = vector.broadcast %jit3A_2069 : i32 to vector<16xi32>
        %select_n3A_2071 = arith.select %eq3A_2068, %get3A_2064, %broadcast_in_dim3A_2070 : vector<16xi1>, vector<16xi32>
        %reduce_sum3A_2072 = arith.constant true
        %reduce_sum3A_2073 = vector.broadcast %reduce_sum3A_2072 : i1 to vector<16xi1>
        %reduce_sum3A_2074 = tpu.scan <sum>, %select_n3A_2071 masked %reduce_sum3A_2073 : vector<16xi32>, vector<16xi1> -> vector<16xi32>
        %reduce_sum3A_2075 = vector.extract %reduce_sum3A_2074[15] : i32 from vector<16xi32>
        %jit3A_2076 = arith.constant 128 : i32
        %eq3A_2077 = arith.constant 0 : i32
        %eq3A_2078 = arith.cmpi eq, %jit3A_2076, %eq3A_2077 : i32
        %jit3A_2079 = arith.constant 1 : i32
        %select_n3A_2080 = arith.select %eq3A_2078, %jit3A_2079, %jit3A_2076 : i32
        %rem3A_2081 = arith.remsi %add3A_2017, %select_n3A_2080 : i32
        %ne3A_2082 = arith.constant 0 : i32
        %ne3A_2083 = arith.cmpi ne, %rem3A_2081, %ne3A_2082 : i32
        %lt3A_2084 = arith.constant 0 : i32
        %lt3A_2085 = arith.cmpi slt, %rem3A_2081, %lt3A_2084 : i32
        %lt3A_2086 = arith.constant 0 : i32
        %lt3A_2087 = arith.cmpi slt, %select_n3A_2080, %lt3A_2086 : i32
        %ne3A_2088 = arith.xori %lt3A_2085, %lt3A_2087 : i1
        %and3A_2089 = arith.andi %ne3A_2088, %ne3A_2083 : i1
        %add3A_2090 = arith.addi %rem3A_2081, %select_n3A_2080 : i32
        %select_n3A_2091 = arith.select %and3A_2089, %add3A_2090, %rem3A_2081 : i32
        %shift_right_arithmetic3A_2092 = arith.constant 4 : i32
        %shift_right_arithmetic3A_2093 = arith.shrsi %select_n3A_2091, %shift_right_arithmetic3A_2092 : i32
        %shift_left3A_2094 = arith.constant 4 : i32
        %shift_left3A_2095 = arith.shli %shift_right_arithmetic3A_2093, %shift_left3A_2094 : i32
        %jit3A_2096 = arith.constant 128 : i32
        %div3A_2097 = arith.divsi %add3A_2017, %jit3A_2096 : i32
        %sign3A_2098 = arith.constant 0 : i32
        %sign3A_2099 = arith.cmpi sgt, %add3A_2017, %sign3A_2098 : i32
        %sign3A_2100 = arith.extui %sign3A_2099 : i1 to i32
        %sign3A_2101 = arith.constant 0 : i32
        %sign3A_2102 = arith.cmpi slt, %add3A_2017, %sign3A_2101 : i32
        %sign3A_2103 = arith.extui %sign3A_2102 : i1 to i32
        %sign3A_2104 = arith.subi %sign3A_2100, %sign3A_2103 : i32
        %sign3A_2105 = arith.constant 0 : i32
        %sign3A_2106 = arith.cmpi sgt, %jit3A_2096, %sign3A_2105 : i32
        %sign3A_2107 = arith.extui %sign3A_2106 : i1 to i32
        %sign3A_2108 = arith.constant 0 : i32
        %sign3A_2109 = arith.cmpi slt, %jit3A_2096, %sign3A_2108 : i32
        %sign3A_2110 = arith.extui %sign3A_2109 : i1 to i32
        %sign3A_2111 = arith.subi %sign3A_2107, %sign3A_2110 : i32
        %ne3A_2112 = arith.cmpi ne, %sign3A_2104, %sign3A_2111 : i32
        %rem3A_2113 = arith.remsi %add3A_2017, %jit3A_2096 : i32
        %ne3A_2114 = arith.constant 0 : i32
        %ne3A_2115 = arith.cmpi ne, %rem3A_2113, %ne3A_2114 : i32
        %and3A_2116 = arith.andi %ne3A_2112, %ne3A_2115 : i1
        %sub3A_2117 = arith.constant 1 : i32
        %sub3A_2118 = arith.subi %div3A_2097, %sub3A_2117 : i32
        %select_n3A_2119 = arith.select %and3A_2116, %sub3A_2118, %div3A_2097 : i32
        %get3A_2120 = arith.index_cast %select_n3A_2119 : i32 to index
        %get3A_2121 = arith.index_cast %shift_left3A_2095 : i32 to index
        %get3A_2122 = tpu.vector_load %arg8[%get3A_2120, %get3A_2121] {strides = array<i32>} : memref<4x128xi32, #tpu.memory_space<vmem>>, vector<16xi32>,
        %and3A_2123 = arith.constant 15 : i32
        %and3A_2124 = arith.andi %add3A_2017, %and3A_2123 : i32
        %eq3A_2125 = vector.broadcast %and3A_2124 : i32 to vector<16xi32>
        %eq3A_2126 = arith.cmpi eq, %iota3A, %eq3A_2125 : vector<16xi32>
        %jit3A_2127 = arith.constant 0 : i32
        %broadcast_in_dim3A_2128 = vector.broadcast %jit3A_2127 : i32 to vector<16xi32>
        %select_n3A_2129 = arith.select %eq3A_2126, %get3A_2122, %broadcast_in_dim3A_2128 : vector<16xi1>, vector<16xi32>
        %reduce_sum3A_2130 = arith.constant true
        %reduce_sum3A_2131 = vector.broadcast %reduce_sum3A_2130 : i1 to vector<16xi1>
        %reduce_sum3A_2132 = tpu.scan <sum>, %select_n3A_2129 masked %reduce_sum3A_2131 : vector<16xi32>, vector<16xi1> -> vector<16xi32>
        %reduce_sum3A_2133 = vector.extract %reduce_sum3A_2132[15] : i32 from vector<16xi32>
        %shift_right_arithmetic3A_2134 = arith.constant 7 : i32
        %shift_right_arithmetic3A_2135 = arith.shrsi %reduce_sum3A_2075, %shift_right_arithmetic3A_2134 : i32
        %mul3A_2136 = arith.constant 128 : i32
        %mul3A_2137 = arith.muli %shift_right_arithmetic3A_2135, %mul3A_2136 : i32
        %multiple_of3A_2138 = tpu.assume_multiple %mul3A_2137, 128 : i32
        %shift_right_arithmetic3A_2139 = arith.constant 7 : i32
        %shift_right_arithmetic3A_2140 = arith.shrsi %reduce_sum3A_2133, %shift_right_arithmetic3A_2139 : i32
        %mul3A_2141 = arith.constant 128 : i32
        %mul3A_2142 = arith.muli %shift_right_arithmetic3A_2140, %mul3A_2141 : i32
        %multiple_of3A_2143 = tpu.assume_multiple %mul3A_2142, 128 : i32
        %dma_start3A_2144 = arith.constant 6 : i32
        %dma_start3A_2145 = arith.constant 0 : i32
        %dma_start3A_2146 = arith.constant 0 : i32
        %dma_start3A_2147 = arith.constant 0 : i32
        %dma_start3A_2148 = tpu.memref_slice %arg9[%dma_start3A_2144, %dma_start3A_2145, %dma_start3A_2146, %dma_start3A_2147] : memref<8x2x32x128xf32, #tpu.memory_space<vmem>> -> memref<1x1x32x128xf32, #tpu.memory_space<vmem>>
        %dma_start3A_2149 = tpu.memref_squeeze %dma_start3A_2148 : memref<1x1x32x128xf32, #tpu.memory_space<vmem>> -> memref<32x128xf32, #tpu.memory_space<vmem>>
        %dma_start3A_2150 = arith.constant 0 : i32
        %dma_start3A_2151 = tpu.memref_slice %arg4[%dma_start3A_2150, %multiple_of3A_2138] : memref<32x1000000xf32, #tpu.memory_space<hbm>> -> memref<32x128xf32, #tpu.memory_space<hbm>>
        %dma_start3A_2152 = arith.constant 0 : i32
        %dma_start3A_2153 = arith.constant 0 : i32
        %dma_start3A_2154 = tpu.memref_slice %arg9[%dma_start3A_2144, %dma_start3A_2145, %dma_start3A_2152, %dma_start3A_2153] : memref<8x2x32x128xf32, #tpu.memory_space<vmem>> -> memref<1x1x32x128xf32, #tpu.memory_space<vmem>>
        %dma_start3A_2155 = tpu.memref_squeeze %dma_start3A_2154 : memref<1x1x32x128xf32, #tpu.memory_space<vmem>> -> memref<32x128xf32, #tpu.memory_space<vmem>>
        %dma_start3A_2156 = arith.constant 0 : i32
        %dma_start3A_2157 = tpu.memref_slice %arg4[%dma_start3A_2156, %multiple_of3A_2138] : memref<32x1000000xf32, #tpu.memory_space<hbm>> -> memref<32x128xf32, #tpu.memory_space<hbm>>
        tpu.enqueue_dma source(%dma_start3A_2157 : memref<32x128xf32, #tpu.memory_space<hbm>>) target(%dma_start3A_2155 : memref<32x128xf32, #tpu.memory_space<vmem>>) target_semaphore(%arg17 : memref<!tpu.dma_semaphore, #tpu.memory_space<semaphore_mem>>)
        %dma_start3A_2158 = arith.constant 6 : i32
        %dma_start3A_2159 = arith.constant 1 : i32
        %dma_start3A_2160 = arith.constant 0 : i32
        %dma_start3A_2161 = arith.constant 0 : i32
        %dma_start3A_2162 = tpu.memref_slice %arg9[%dma_start3A_2158, %dma_start3A_2159, %dma_start3A_2160, %dma_start3A_2161] : memref<8x2x32x128xf32, #tpu.memory_space<vmem>> -> memref<1x1x32x128xf32, #tpu.memory_space<vmem>>
        %dma_start3A_2163 = tpu.memref_squeeze %dma_start3A_2162 : memref<1x1x32x128xf32, #tpu.memory_space<vmem>> -> memref<32x128xf32, #tpu.memory_space<vmem>>
        %dma_start3A_2164 = arith.constant 0 : i32
        %dma_start3A_2165 = tpu.memref_slice %arg5[%dma_start3A_2164, %multiple_of3A_2143] : memref<32x1000000xf32, #tpu.memory_space<hbm>> -> memref<32x128xf32, #tpu.memory_space<hbm>>
        %dma_start3A_2166 = arith.constant 0 : i32
        %dma_start3A_2167 = arith.constant 0 : i32
        %dma_start3A_2168 = tpu.memref_slice %arg9[%dma_start3A_2158, %dma_start3A_2159, %dma_start3A_2166, %dma_start3A_2167] : memref<8x2x32x128xf32, #tpu.memory_space<vmem>> -> memref<1x1x32x128xf32, #tpu.memory_space<vmem>>
        %dma_start3A_2169 = tpu.memref_squeeze %dma_start3A_2168 : memref<1x1x32x128xf32, #tpu.memory_space<vmem>> -> memref<32x128xf32, #tpu.memory_space<vmem>>
        %dma_start3A_2170 = arith.constant 0 : i32
        %dma_start3A_2171 = tpu.memref_slice %arg5[%dma_start3A_2170, %multiple_of3A_2143] : memref<32x1000000xf32, #tpu.memory_space<hbm>> -> memref<32x128xf32, #tpu.memory_space<hbm>>
        tpu.enqueue_dma source(%dma_start3A_2171 : memref<32x128xf32, #tpu.memory_space<hbm>>) target(%dma_start3A_2169 : memref<32x128xf32, #tpu.memory_space<vmem>>) target_semaphore(%arg17 : memref<!tpu.dma_semaphore, #tpu.memory_space<semaphore_mem>>)
      } else {
      }
      %mul3A_1829 = arith.constant 8 : i32
      %mul3A_1830 = arith.muli %scan3A_531, %mul3A_1829 : i32
      %add3A_1831 = arith.constant 7 : i32
      %add3A_1832 = arith.addi %mul3A_1830, %add3A_1831 : i32
      %dma_wait3A_1833 = arith.constant 7 : i32
      %dma_wait3A_1834 = arith.constant 0 : i32
      %dma_wait3A_1835 = arith.constant 0 : i32
      %dma_wait3A_1836 = arith.constant 0 : i32
      %dma_wait3A_1837 = tpu.memref_slice %arg9[%dma_wait3A_1833, %dma_wait3A_1834, %dma_wait3A_1835, %dma_wait3A_1836] : memref<8x2x32x128xf32, #tpu.memory_space<vmem>> -> memref<1x2x32x128xf32, #tpu.memory_space<vmem>>
      %dma_wait3A_1838 = tpu.memref_squeeze %dma_wait3A_1837 : memref<1x2x32x128xf32, #tpu.memory_space<vmem>> -> memref<2x32x128xf32, #tpu.memory_space<vmem>>
      %dma_wait3A_1839 = arith.constant 0 : i32
      %dma_wait3A_1840 = arith.constant 0 : i32
      %dma_wait3A_1841 = tpu.memref_slice %arg4[%dma_wait3A_1839, %dma_wait3A_1840] : memref<32x1000000xf32, #tpu.memory_space<hbm>> -> memref<32x256xf32, #tpu.memory_space<hbm>>
      %dma_wait3A_1842 = arith.constant 0 : i32
      %dma_wait3A_1843 = arith.constant 0 : i32
      %dma_wait3A_1844 = arith.constant 0 : i32
      %dma_wait3A_1845 = tpu.memref_slice %arg9[%dma_wait3A_1833, %dma_wait3A_1842, %dma_wait3A_1843, %dma_wait3A_1844] : memref<8x2x32x128xf32, #tpu.memory_space<vmem>> -> memref<1x2x32x128xf32, #tpu.memory_space<vmem>>
      %dma_wait3A_1846 = tpu.memref_squeeze %dma_wait3A_1845 : memref<1x2x32x128xf32, #tpu.memory_space<vmem>> -> memref<2x32x128xf32, #tpu.memory_space<vmem>>
      %dma_wait3A_1847 = arith.constant 0 : i32
      %dma_wait3A_1848 = arith.constant 0 : i32
      %dma_wait3A_1849 = tpu.memref_slice %arg4[%dma_wait3A_1847, %dma_wait3A_1848] : memref<32x1000000xf32, #tpu.memory_space<hbm>> -> memref<32x256xf32, #tpu.memory_space<hbm>>
      tpu.wait_dma2 semaphore(%arg18 : memref<!tpu.dma_semaphore, #tpu.memory_space<semaphore_mem>>) src(%dma_wait3A_1849 : memref<32x256xf32, #tpu.memory_space<hbm>>) dst(%dma_wait3A_1846 : memref<2x32x128xf32, #tpu.memory_space<vmem>>)
      %jit3A_1850 = arith.constant 128 : i32
      %eq3A_1851 = arith.constant 0 : i32
      %eq3A_1852 = arith.cmpi eq, %jit3A_1850, %eq3A_1851 : i32
      %jit3A_1853 = arith.constant 1 : i32
      %select_n3A_1854 = arith.select %eq3A_1852, %jit3A_1853, %jit3A_1850 : i32
      %rem3A_1855 = arith.remsi %add3A_1832, %select_n3A_1854 : i32
      %ne3A_1856 = arith.constant 0 : i32
      %ne3A_1857 = arith.cmpi ne, %rem3A_1855, %ne3A_1856 : i32
      %lt3A_1858 = arith.constant 0 : i32
      %lt3A_1859 = arith.cmpi slt, %rem3A_1855, %lt3A_1858 : i32
      %lt3A_1860 = arith.constant 0 : i32
      %lt3A_1861 = arith.cmpi slt, %select_n3A_1854, %lt3A_1860 : i32
      %ne3A_1862 = arith.xori %lt3A_1859, %lt3A_1861 : i1
      %and3A_1863 = arith.andi %ne3A_1862, %ne3A_1857 : i1
      %add3A_1864 = arith.addi %rem3A_1855, %select_n3A_1854 : i32
      %select_n3A_1865 = arith.select %and3A_1863, %add3A_1864, %rem3A_1855 : i32
      %shift_right_arithmetic3A_1866 = arith.constant 4 : i32
      %shift_right_arithmetic3A_1867 = arith.shrsi %select_n3A_1865, %shift_right_arithmetic3A_1866 : i32
      %shift_left3A_1868 = arith.constant 4 : i32
      %shift_left3A_1869 = arith.shli %shift_right_arithmetic3A_1867, %shift_left3A_1868 : i32
      %jit3A_1870 = arith.constant 128 : i32
      %div3A_1871 = arith.divsi %add3A_1832, %jit3A_1870 : i32
      %sign3A_1872 = arith.constant 0 : i32
      %sign3A_1873 = arith.cmpi sgt, %add3A_1832, %sign3A_1872 : i32
      %sign3A_1874 = arith.extui %sign3A_1873 : i1 to i32
      %sign3A_1875 = arith.constant 0 : i32
      %sign3A_1876 = arith.cmpi slt, %add3A_1832, %sign3A_1875 : i32
      %sign3A_1877 = arith.extui %sign3A_1876 : i1 to i32
      %sign3A_1878 = arith.subi %sign3A_1874, %sign3A_1877 : i32
      %sign3A_1879 = arith.constant 0 : i32
      %sign3A_1880 = arith.cmpi sgt, %jit3A_1870, %sign3A_1879 : i32
      %sign3A_1881 = arith.extui %sign3A_1880 : i1 to i32
      %sign3A_1882 = arith.constant 0 : i32
      %sign3A_1883 = arith.cmpi slt, %jit3A_1870, %sign3A_1882 : i32
      %sign3A_1884 = arith.extui %sign3A_1883 : i1 to i32
      %sign3A_1885 = arith.subi %sign3A_1881, %sign3A_1884 : i32
      %ne3A_1886 = arith.cmpi ne, %sign3A_1878, %sign3A_1885 : i32
      %rem3A_1887 = arith.remsi %add3A_1832, %jit3A_1870 : i32
      %ne3A_1888 = arith.constant 0 : i32
      %ne3A_1889 = arith.cmpi ne, %rem3A_1887, %ne3A_1888 : i32
      %and3A_1890 = arith.andi %ne3A_1886, %ne3A_1889 : i1
      %sub3A_1891 = arith.constant 1 : i32
      %sub3A_1892 = arith.subi %div3A_1871, %sub3A_1891 : i32
      %select_n3A_1893 = arith.select %and3A_1890, %sub3A_1892, %div3A_1871 : i32
      %get3A_1894 = arith.index_cast %select_n3A_1893 : i32 to index
      %get3A_1895 = arith.index_cast %shift_left3A_1869 : i32 to index
      %get3A_1896 = tpu.vector_load %arg7[%get3A_1894, %get3A_1895] {strides = array<i32>} : memref<4x128xi32, #tpu.memory_space<vmem>>, vector<16xi32>,
      %and3A_1897 = arith.constant 15 : i32
      %and3A_1898 = arith.andi %add3A_1832, %and3A_1897 : i32
      %eq3A_1899 = vector.broadcast %and3A_1898 : i32 to vector<16xi32>
      %eq3A_1900 = arith.cmpi eq, %iota3A, %eq3A_1899 : vector<16xi32>
      %jit3A_1901 = arith.constant 0 : i32
      %broadcast_in_dim3A_1902 = vector.broadcast %jit3A_1901 : i32 to vector<16xi32>
      %select_n3A_1903 = arith.select %eq3A_1900, %get3A_1896, %broadcast_in_dim3A_1902 : vector<16xi1>, vector<16xi32>
      %reduce_sum3A_1904 = arith.constant true
      %reduce_sum3A_1905 = vector.broadcast %reduce_sum3A_1904 : i1 to vector<16xi1>
      %reduce_sum3A_1906 = tpu.scan <sum>, %select_n3A_1903 masked %reduce_sum3A_1905 : vector<16xi32>, vector<16xi1> -> vector<16xi32>
      %reduce_sum3A_1907 = vector.extract %reduce_sum3A_1906[15] : i32 from vector<16xi32>
      %jit3A_1908 = arith.constant 128 : i32
      %eq3A_1909 = arith.constant 0 : i32
      %eq3A_1910 = arith.cmpi eq, %jit3A_1908, %eq3A_1909 : i32
      %jit3A_1911 = arith.constant 1 : i32
      %select_n3A_1912 = arith.select %eq3A_1910, %jit3A_1911, %jit3A_1908 : i32
      %rem3A_1913 = arith.remsi %add3A_1832, %select_n3A_1912 : i32
      %ne3A_1914 = arith.constant 0 : i32
      %ne3A_1915 = arith.cmpi ne, %rem3A_1913, %ne3A_1914 : i32
      %lt3A_1916 = arith.constant 0 : i32
      %lt3A_1917 = arith.cmpi slt, %rem3A_1913, %lt3A_1916 : i32
      %lt3A_1918 = arith.constant 0 : i32
      %lt3A_1919 = arith.cmpi slt, %select_n3A_1912, %lt3A_1918 : i32
      %ne3A_1920 = arith.xori %lt3A_1917, %lt3A_1919 : i1
      %and3A_1921 = arith.andi %ne3A_1920, %ne3A_1915 : i1
      %add3A_1922 = arith.addi %rem3A_1913, %select_n3A_1912 : i32
      %select_n3A_1923 = arith.select %and3A_1921, %add3A_1922, %rem3A_1913 : i32
      %shift_right_arithmetic3A_1924 = arith.constant 4 : i32
      %shift_right_arithmetic3A_1925 = arith.shrsi %select_n3A_1923, %shift_right_arithmetic3A_1924 : i32
      %shift_left3A_1926 = arith.constant 4 : i32
      %shift_left3A_1927 = arith.shli %shift_right_arithmetic3A_1925, %shift_left3A_1926 : i32
      %jit3A_1928 = arith.constant 128 : i32
      %div3A_1929 = arith.divsi %add3A_1832, %jit3A_1928 : i32
      %sign3A_1930 = arith.constant 0 : i32
      %sign3A_1931 = arith.cmpi sgt, %add3A_1832, %sign3A_1930 : i32
      %sign3A_1932 = arith.extui %sign3A_1931 : i1 to i32
      %sign3A_1933 = arith.constant 0 : i32
      %sign3A_1934 = arith.cmpi slt, %add3A_1832, %sign3A_1933 : i32
      %sign3A_1935 = arith.extui %sign3A_1934 : i1 to i32
      %sign3A_1936 = arith.subi %sign3A_1932, %sign3A_1935 : i32
      %sign3A_1937 = arith.constant 0 : i32
      %sign3A_1938 = arith.cmpi sgt, %jit3A_1928, %sign3A_1937 : i32
      %sign3A_1939 = arith.extui %sign3A_1938 : i1 to i32
      %sign3A_1940 = arith.constant 0 : i32
      %sign3A_1941 = arith.cmpi slt, %jit3A_1928, %sign3A_1940 : i32
      %sign3A_1942 = arith.extui %sign3A_1941 : i1 to i32
      %sign3A_1943 = arith.subi %sign3A_1939, %sign3A_1942 : i32
      %ne3A_1944 = arith.cmpi ne, %sign3A_1936, %sign3A_1943 : i32
      %rem3A_1945 = arith.remsi %add3A_1832, %jit3A_1928 : i32
      %ne3A_1946 = arith.constant 0 : i32
      %ne3A_1947 = arith.cmpi ne, %rem3A_1945, %ne3A_1946 : i32
      %and3A_1948 = arith.andi %ne3A_1944, %ne3A_1947 : i1
      %sub3A_1949 = arith.constant 1 : i32
      %sub3A_1950 = arith.subi %div3A_1929, %sub3A_1949 : i32
      %select_n3A_1951 = arith.select %and3A_1948, %sub3A_1950, %div3A_1929 : i32
      %get3A_1952 = arith.index_cast %select_n3A_1951 : i32 to index
      %get3A_1953 = arith.index_cast %shift_left3A_1927 : i32 to index
      %get3A_1954 = tpu.vector_load %arg8[%get3A_1952, %get3A_1953] {strides = array<i32>} : memref<4x128xi32, #tpu.memory_space<vmem>>, vector<16xi32>,
      %and3A_1955 = arith.constant 15 : i32
      %and3A_1956 = arith.andi %add3A_1832, %and3A_1955 : i32
      %eq3A_1957 = vector.broadcast %and3A_1956 : i32 to vector<16xi32>
      %eq3A_1958 = arith.cmpi eq, %iota3A, %eq3A_1957 : vector<16xi32>
      %jit3A_1959 = arith.constant 0 : i32
      %broadcast_in_dim3A_1960 = vector.broadcast %jit3A_1959 : i32 to vector<16xi32>
      %select_n3A_1961 = arith.select %eq3A_1958, %get3A_1954, %broadcast_in_dim3A_1960 : vector<16xi1>, vector<16xi32>
      %reduce_sum3A_1962 = arith.constant true
      %reduce_sum3A_1963 = vector.broadcast %reduce_sum3A_1962 : i1 to vector<16xi1>
      %reduce_sum3A_1964 = tpu.scan <sum>, %select_n3A_1961 masked %reduce_sum3A_1963 : vector<16xi32>, vector<16xi1> -> vector<16xi32>
      %reduce_sum3A_1965 = vector.extract %reduce_sum3A_1964[15] : i32 from vector<16xi32>
      %and3A_1966 = arith.constant 127 : i32
      %and3A_1967 = arith.andi %reduce_sum3A_1907, %and3A_1966 : i32
      %broadcast_in_dim3A_1968 = vector.broadcast %and3A_1967 : i32 to vector<16xi32>
      %and3A_1969 = arith.constant 127 : i32
      %and3A_1970 = arith.andi %reduce_sum3A_1965, %and3A_1969 : i32
      %broadcast_in_dim3A_1971 = vector.broadcast %and3A_1970 : i32 to vector<16xi32>
      %broadcast_in_dim3A_1972 = vector.broadcast %add3A_1832 : i32 to vector<16xi32>
      %add3A_1973 = arith.constant 0 : i32
      %add3A_1974 = vector.broadcast %add3A_1973 : i32 to vector<16xi32>
      %add3A_1975 = arith.addi %iota3A, %add3A_1974 : vector<16xi32>
      %gather3A_1976 = arith.constant 7 : i32
      %gather3A_1977 = arith.constant 0 : i32
      %gather3A_1978 = arith.constant 0 : i32
      %gather3A_1979 = arith.constant 0 : i32
      %gather3A_1980 = tpu.memref_slice %arg9[%gather3A_1976, %gather3A_1977, %gather3A_1978, %gather3A_1979] : memref<8x2x32x128xf32, #tpu.memory_space<vmem>> -> memref<1x1x32x128xf32, #tpu.memory_space<vmem>>
      %gather3A_1981 = tpu.memref_squeeze %gather3A_1980 : memref<1x1x32x128xf32, #tpu.memory_space<vmem>> -> memref<32x128xf32, #tpu.memory_space<vmem>>
      %gather3A_1982 = tpu.vector_load_idx %gather3A_1981[%add3A_1975, %broadcast_in_dim3A_1968] : memref<32x128xf32, #tpu.memory_space<vmem>>[vector<16xi32>, vector<16xi32>], vector<16xf32>,
      %gather3A_1983 = arith.constant 7 : i32
      %gather3A_1984 = arith.constant 1 : i32
      %gather3A_1985 = arith.constant 0 : i32
      %gather3A_1986 = arith.constant 0 : i32
      %gather3A_1987 = tpu.memref_slice %arg9[%gather3A_1983, %gather3A_1984, %gather3A_1985, %gather3A_1986] : memref<8x2x32x128xf32, #tpu.memory_space<vmem>> -> memref<1x1x32x128xf32, #tpu.memory_space<vmem>>
      %gather3A_1988 = tpu.memref_squeeze %gather3A_1987 : memref<1x1x32x128xf32, #tpu.memory_space<vmem>> -> memref<32x128xf32, #tpu.memory_space<vmem>>
      %gather3A_1989 = tpu.vector_load_idx %gather3A_1988[%add3A_1975, %broadcast_in_dim3A_1971] : memref<32x128xf32, #tpu.memory_space<vmem>>[vector<16xi32>, vector<16xi32>], vector<16xf32>,
      %mul3A_1990 = arith.mulf %gather3A_1982, %gather3A_1989 : vector<16xf32>
      tpu.vector_store_idx %arg10[%add3A_1975, %broadcast_in_dim3A_1972], %mul3A_1990 : memref<32x512xf32, #tpu.memory_space<vmem>>[vector<16xi32>, vector<16xi32>], vector<16xf32>,
      %add3A_1991 = arith.constant 16 : i32
      %add3A_1992 = vector.broadcast %add3A_1991 : i32 to vector<16xi32>
      %add3A_1993 = arith.addi %iota3A, %add3A_1992 : vector<16xi32>
      %gather3A_1994 = arith.constant 7 : i32
      %gather3A_1995 = arith.constant 0 : i32
      %gather3A_1996 = arith.constant 0 : i32
      %gather3A_1997 = arith.constant 0 : i32
      %gather3A_1998 = tpu.memref_slice %arg9[%gather3A_1994, %gather3A_1995, %gather3A_1996, %gather3A_1997] : memref<8x2x32x128xf32, #tpu.memory_space<vmem>> -> memref<1x1x32x128xf32, #tpu.memory_space<vmem>>
      %gather3A_1999 = tpu.memref_squeeze %gather3A_1998 : memref<1x1x32x128xf32, #tpu.memory_space<vmem>> -> memref<32x128xf32, #tpu.memory_space<vmem>>
      %gather3A_2000 = tpu.vector_load_idx %gather3A_1999[%add3A_1993, %broadcast_in_dim3A_1968] : memref<32x128xf32, #tpu.memory_space<vmem>>[vector<16xi32>, vector<16xi32>], vector<16xf32>,
      %gather3A_2001 = arith.constant 7 : i32
      %gather3A_2002 = arith.constant 1 : i32
      %gather3A_2003 = arith.constant 0 : i32
      %gather3A_2004 = arith.constant 0 : i32
      %gather3A_2005 = tpu.memref_slice %arg9[%gather3A_2001, %gather3A_2002, %gather3A_2003, %gather3A_2004] : memref<8x2x32x128xf32, #tpu.memory_space<vmem>> -> memref<1x1x32x128xf32, #tpu.memory_space<vmem>>
      %gather3A_2006 = tpu.memref_squeeze %gather3A_2005 : memref<1x1x32x128xf32, #tpu.memory_space<vmem>> -> memref<32x128xf32, #tpu.memory_space<vmem>>
      %gather3A_2007 = tpu.vector_load_idx %gather3A_2006[%add3A_1993, %broadcast_in_dim3A_1971] : memref<32x128xf32, #tpu.memory_space<vmem>>[vector<16xi32>, vector<16xi32>], vector<16xf32>,
      %mul3A_2008 = arith.mulf %gather3A_2000, %gather3A_2007 : vector<16xf32>
      tpu.vector_store_idx %arg10[%add3A_1993, %broadcast_in_dim3A_1972], %mul3A_2008 : memref<32x512xf32, #tpu.memory_space<vmem>>[vector<16xi32>, vector<16xi32>], vector<16xf32>,
      %add3A_2009 = arith.constant 8 : i32
      %add3A_2010 = arith.addi %add3A_1832, %add3A_2009 : i32
      %lt3A_2011 = arith.constant 512 : i32
      %lt3A_2012 = arith.cmpi slt, %add3A_2010, %lt3A_2011 : i32
      %convert_element_type3A_2013 = arith.extui %lt3A_2012 : i1 to i32
      %cond3A_2014 = arith.constant 0 : i32
      %cond3A_2015 = arith.cmpi ne, %convert_element_type3A_2013, %cond3A_2014 : i32
      scf.if %cond3A_2015 {
        %add3A_2016 = arith.constant 8 : i32
        %add3A_2017 = arith.addi %add3A_1832, %add3A_2016 : i32
        %jit3A_2018 = arith.constant 128 : i32
        %eq3A_2019 = arith.constant 0 : i32
        %eq3A_2020 = arith.cmpi eq, %jit3A_2018, %eq3A_2019 : i32
        %jit3A_2021 = arith.constant 1 : i32
        %select_n3A_2022 = arith.select %eq3A_2020, %jit3A_2021, %jit3A_2018 : i32
        %rem3A_2023 = arith.remsi %add3A_2017, %select_n3A_2022 : i32
        %ne3A_2024 = arith.constant 0 : i32
        %ne3A_2025 = arith.cmpi ne, %rem3A_2023, %ne3A_2024 : i32
        %lt3A_2026 = arith.constant 0 : i32
        %lt3A_2027 = arith.cmpi slt, %rem3A_2023, %lt3A_2026 : i32
        %lt3A_2028 = arith.constant 0 : i32
        %lt3A_2029 = arith.cmpi slt, %select_n3A_2022, %lt3A_2028 : i32
        %ne3A_2030 = arith.xori %lt3A_2027, %lt3A_2029 : i1
        %and3A_2031 = arith.andi %ne3A_2030, %ne3A_2025 : i1
        %add3A_2032 = arith.addi %rem3A_2023, %select_n3A_2022 : i32
        %select_n3A_2033 = arith.select %and3A_2031, %add3A_2032, %rem3A_2023 : i32
        %shift_right_arithmetic3A_2034 = arith.constant 4 : i32
        %shift_right_arithmetic3A_2035 = arith.shrsi %select_n3A_2033, %shift_right_arithmetic3A_2034 : i32
        %shift_left3A_2036 = arith.constant 4 : i32
        %shift_left3A_2037 = arith.shli %shift_right_arithmetic3A_2035, %shift_left3A_2036 : i32
        %jit3A_2038 = arith.constant 128 : i32
        %div3A_2039 = arith.divsi %add3A_2017, %jit3A_2038 : i32
        %sign3A_2040 = arith.constant 0 : i32
        %sign3A_2041 = arith.cmpi sgt, %add3A_2017, %sign3A_2040 : i32
        %sign3A_2042 = arith.extui %sign3A_2041 : i1 to i32
        %sign3A_2043 = arith.constant 0 : i32
        %sign3A_2044 = arith.cmpi slt, %add3A_2017, %sign3A_2043 : i32
        %sign3A_2045 = arith.extui %sign3A_2044 : i1 to i32
        %sign3A_2046 = arith.subi %sign3A_2042, %sign3A_2045 : i32
        %sign3A_2047 = arith.constant 0 : i32
        %sign3A_2048 = arith.cmpi sgt, %jit3A_2038, %sign3A_2047 : i32
        %sign3A_2049 = arith.extui %sign3A_2048 : i1 to i32
        %sign3A_2050 = arith.constant 0 : i32
        %sign3A_2051 = arith.cmpi slt, %jit3A_2038, %sign3A_2050 : i32
        %sign3A_2052 = arith.extui %sign3A_2051 : i1 to i32
        %sign3A_2053 = arith.subi %sign3A_2049, %sign3A_2052 : i32
        %ne3A_2054 = arith.cmpi ne, %sign3A_2046, %sign3A_2053 : i32
        %rem3A_2055 = arith.remsi %add3A_2017, %jit3A_2038 : i32
        %ne3A_2056 = arith.constant 0 : i32
        %ne3A_2057 = arith.cmpi ne, %rem3A_2055, %ne3A_2056 : i32
        %and3A_2058 = arith.andi %ne3A_2054, %ne3A_2057 : i1
        %sub3A_2059 = arith.constant 1 : i32
        %sub3A_2060 = arith.subi %div3A_2039, %sub3A_2059 : i32
        %select_n3A_2061 = arith.select %and3A_2058, %sub3A_2060, %div3A_2039 : i32
        %get3A_2062 = arith.index_cast %select_n3A_2061 : i32 to index
        %get3A_2063 = arith.index_cast %shift_left3A_2037 : i32 to index
        %get3A_2064 = tpu.vector_load %arg7[%get3A_2062, %get3A_2063] {strides = array<i32>} : memref<4x128xi32, #tpu.memory_space<vmem>>, vector<16xi32>,
        %and3A_2065 = arith.constant 15 : i32
        %and3A_2066 = arith.andi %add3A_2017, %and3A_2065 : i32
        %eq3A_2067 = vector.broadcast %and3A_2066 : i32 to vector<16xi32>
        %eq3A_2068 = arith.cmpi eq, %iota3A, %eq3A_2067 : vector<16xi32>
        %jit3A_2069 = arith.constant 0 : i32
        %broadcast_in_dim3A_2070 = vector.broadcast %jit3A_2069 : i32 to vector<16xi32>
        %select_n3A_2071 = arith.select %eq3A_2068, %get3A_2064, %broadcast_in_dim3A_2070 : vector<16xi1>, vector<16xi32>
        %reduce_sum3A_2072 = arith.constant true
        %reduce_sum3A_2073 = vector.broadcast %reduce_sum3A_2072 : i1 to vector<16xi1>
        %reduce_sum3A_2074 = tpu.scan <sum>, %select_n3A_2071 masked %reduce_sum3A_2073 : vector<16xi32>, vector<16xi1> -> vector<16xi32>
        %reduce_sum3A_2075 = vector.extract %reduce_sum3A_2074[15] : i32 from vector<16xi32>
        %jit3A_2076 = arith.constant 128 : i32
        %eq3A_2077 = arith.constant 0 : i32
        %eq3A_2078 = arith.cmpi eq, %jit3A_2076, %eq3A_2077 : i32
        %jit3A_2079 = arith.constant 1 : i32
        %select_n3A_2080 = arith.select %eq3A_2078, %jit3A_2079, %jit3A_2076 : i32
        %rem3A_2081 = arith.remsi %add3A_2017, %select_n3A_2080 : i32
        %ne3A_2082 = arith.constant 0 : i32
        %ne3A_2083 = arith.cmpi ne, %rem3A_2081, %ne3A_2082 : i32
        %lt3A_2084 = arith.constant 0 : i32
        %lt3A_2085 = arith.cmpi slt, %rem3A_2081, %lt3A_2084 : i32
        %lt3A_2086 = arith.constant 0 : i32
        %lt3A_2087 = arith.cmpi slt, %select_n3A_2080, %lt3A_2086 : i32
        %ne3A_2088 = arith.xori %lt3A_2085, %lt3A_2087 : i1
        %and3A_2089 = arith.andi %ne3A_2088, %ne3A_2083 : i1
        %add3A_2090 = arith.addi %rem3A_2081, %select_n3A_2080 : i32
        %select_n3A_2091 = arith.select %and3A_2089, %add3A_2090, %rem3A_2081 : i32
        %shift_right_arithmetic3A_2092 = arith.constant 4 : i32
        %shift_right_arithmetic3A_2093 = arith.shrsi %select_n3A_2091, %shift_right_arithmetic3A_2092 : i32
        %shift_left3A_2094 = arith.constant 4 : i32
        %shift_left3A_2095 = arith.shli %shift_right_arithmetic3A_2093, %shift_left3A_2094 : i32
        %jit3A_2096 = arith.constant 128 : i32
        %div3A_2097 = arith.divsi %add3A_2017, %jit3A_2096 : i32
        %sign3A_2098 = arith.constant 0 : i32
        %sign3A_2099 = arith.cmpi sgt, %add3A_2017, %sign3A_2098 : i32
        %sign3A_2100 = arith.extui %sign3A_2099 : i1 to i32
        %sign3A_2101 = arith.constant 0 : i32
        %sign3A_2102 = arith.cmpi slt, %add3A_2017, %sign3A_2101 : i32
        %sign3A_2103 = arith.extui %sign3A_2102 : i1 to i32
        %sign3A_2104 = arith.subi %sign3A_2100, %sign3A_2103 : i32
        %sign3A_2105 = arith.constant 0 : i32
        %sign3A_2106 = arith.cmpi sgt, %jit3A_2096, %sign3A_2105 : i32
        %sign3A_2107 = arith.extui %sign3A_2106 : i1 to i32
        %sign3A_2108 = arith.constant 0 : i32
        %sign3A_2109 = arith.cmpi slt, %jit3A_2096, %sign3A_2108 : i32
        %sign3A_2110 = arith.extui %sign3A_2109 : i1 to i32
        %sign3A_2111 = arith.subi %sign3A_2107, %sign3A_2110 : i32
        %ne3A_2112 = arith.cmpi ne, %sign3A_2104, %sign3A_2111 : i32
        %rem3A_2113 = arith.remsi %add3A_2017, %jit3A_2096 : i32
        %ne3A_2114 = arith.constant 0 : i32
        %ne3A_2115 = arith.cmpi ne, %rem3A_2113, %ne3A_2114 : i32
        %and3A_2116 = arith.andi %ne3A_2112, %ne3A_2115 : i1
        %sub3A_2117 = arith.constant 1 : i32
        %sub3A_2118 = arith.subi %div3A_2097, %sub3A_2117 : i32
        %select_n3A_2119 = arith.select %and3A_2116, %sub3A_2118, %div3A_2097 : i32
        %get3A_2120 = arith.index_cast %select_n3A_2119 : i32 to index
        %get3A_2121 = arith.index_cast %shift_left3A_2095 : i32 to index
        %get3A_2122 = tpu.vector_load %arg8[%get3A_2120, %get3A_2121] {strides = array<i32>} : memref<4x128xi32, #tpu.memory_space<vmem>>, vector<16xi32>,
        %and3A_2123 = arith.constant 15 : i32
        %and3A_2124 = arith.andi %add3A_2017, %and3A_2123 : i32
        %eq3A_2125 = vector.broadcast %and3A_2124 : i32 to vector<16xi32>
        %eq3A_2126 = arith.cmpi eq, %iota3A, %eq3A_2125 : vector<16xi32>
        %jit3A_2127 = arith.constant 0 : i32
        %broadcast_in_dim3A_2128 = vector.broadcast %jit3A_2127 : i32 to vector<16xi32>
        %select_n3A_2129 = arith.select %eq3A_2126, %get3A_2122, %broadcast_in_dim3A_2128 : vector<16xi1>, vector<16xi32>
        %reduce_sum3A_2130 = arith.constant true
        %reduce_sum3A_2131 = vector.broadcast %reduce_sum3A_2130 : i1 to vector<16xi1>
        %reduce_sum3A_2132 = tpu.scan <sum>, %select_n3A_2129 masked %reduce_sum3A_2131 : vector<16xi32>, vector<16xi1> -> vector<16xi32>
        %reduce_sum3A_2133 = vector.extract %reduce_sum3A_2132[15] : i32 from vector<16xi32>
        %shift_right_arithmetic3A_2134 = arith.constant 7 : i32
        %shift_right_arithmetic3A_2135 = arith.shrsi %reduce_sum3A_2075, %shift_right_arithmetic3A_2134 : i32
        %mul3A_2136 = arith.constant 128 : i32
        %mul3A_2137 = arith.muli %shift_right_arithmetic3A_2135, %mul3A_2136 : i32
        %multiple_of3A_2138 = tpu.assume_multiple %mul3A_2137, 128 : i32
        %shift_right_arithmetic3A_2139 = arith.constant 7 : i32
        %shift_right_arithmetic3A_2140 = arith.shrsi %reduce_sum3A_2133, %shift_right_arithmetic3A_2139 : i32
        %mul3A_2141 = arith.constant 128 : i32
        %mul3A_2142 = arith.muli %shift_right_arithmetic3A_2140, %mul3A_2141 : i32
        %multiple_of3A_2143 = tpu.assume_multiple %mul3A_2142, 128 : i32
        %dma_start3A_2144 = arith.constant 7 : i32
        %dma_start3A_2145 = arith.constant 0 : i32
        %dma_start3A_2146 = arith.constant 0 : i32
        %dma_start3A_2147 = arith.constant 0 : i32
        %dma_start3A_2148 = tpu.memref_slice %arg9[%dma_start3A_2144, %dma_start3A_2145, %dma_start3A_2146, %dma_start3A_2147] : memref<8x2x32x128xf32, #tpu.memory_space<vmem>> -> memref<1x1x32x128xf32, #tpu.memory_space<vmem>>
        %dma_start3A_2149 = tpu.memref_squeeze %dma_start3A_2148 : memref<1x1x32x128xf32, #tpu.memory_space<vmem>> -> memref<32x128xf32, #tpu.memory_space<vmem>>
        %dma_start3A_2150 = arith.constant 0 : i32
        %dma_start3A_2151 = tpu.memref_slice %arg4[%dma_start3A_2150, %multiple_of3A_2138] : memref<32x1000000xf32, #tpu.memory_space<hbm>> -> memref<32x128xf32, #tpu.memory_space<hbm>>
        %dma_start3A_2152 = arith.constant 0 : i32
        %dma_start3A_2153 = arith.constant 0 : i32
        %dma_start3A_2154 = tpu.memref_slice %arg9[%dma_start3A_2144, %dma_start3A_2145, %dma_start3A_2152, %dma_start3A_2153] : memref<8x2x32x128xf32, #tpu.memory_space<vmem>> -> memref<1x1x32x128xf32, #tpu.memory_space<vmem>>
        %dma_start3A_2155 = tpu.memref_squeeze %dma_start3A_2154 : memref<1x1x32x128xf32, #tpu.memory_space<vmem>> -> memref<32x128xf32, #tpu.memory_space<vmem>>
        %dma_start3A_2156 = arith.constant 0 : i32
        %dma_start3A_2157 = tpu.memref_slice %arg4[%dma_start3A_2156, %multiple_of3A_2138] : memref<32x1000000xf32, #tpu.memory_space<hbm>> -> memref<32x128xf32, #tpu.memory_space<hbm>>
        tpu.enqueue_dma source(%dma_start3A_2157 : memref<32x128xf32, #tpu.memory_space<hbm>>) target(%dma_start3A_2155 : memref<32x128xf32, #tpu.memory_space<vmem>>) target_semaphore(%arg18 : memref<!tpu.dma_semaphore, #tpu.memory_space<semaphore_mem>>)
        %dma_start3A_2158 = arith.constant 7 : i32
        %dma_start3A_2159 = arith.constant 1 : i32
        %dma_start3A_2160 = arith.constant 0 : i32
        %dma_start3A_2161 = arith.constant 0 : i32
        %dma_start3A_2162 = tpu.memref_slice %arg9[%dma_start3A_2158, %dma_start3A_2159, %dma_start3A_2160, %dma_start3A_2161] : memref<8x2x32x128xf32, #tpu.memory_space<vmem>> -> memref<1x1x32x128xf32, #tpu.memory_space<vmem>>
        %dma_start3A_2163 = tpu.memref_squeeze %dma_start3A_2162 : memref<1x1x32x128xf32, #tpu.memory_space<vmem>> -> memref<32x128xf32, #tpu.memory_space<vmem>>
        %dma_start3A_2164 = arith.constant 0 : i32
        %dma_start3A_2165 = tpu.memref_slice %arg5[%dma_start3A_2164, %multiple_of3A_2143] : memref<32x1000000xf32, #tpu.memory_space<hbm>> -> memref<32x128xf32, #tpu.memory_space<hbm>>
        %dma_start3A_2166 = arith.constant 0 : i32
        %dma_start3A_2167 = arith.constant 0 : i32
        %dma_start3A_2168 = tpu.memref_slice %arg9[%dma_start3A_2158, %dma_start3A_2159, %dma_start3A_2166, %dma_start3A_2167] : memref<8x2x32x128xf32, #tpu.memory_space<vmem>> -> memref<1x1x32x128xf32, #tpu.memory_space<vmem>>
        %dma_start3A_2169 = tpu.memref_squeeze %dma_start3A_2168 : memref<1x1x32x128xf32, #tpu.memory_space<vmem>> -> memref<32x128xf32, #tpu.memory_space<vmem>>
        %dma_start3A_2170 = arith.constant 0 : i32
        %dma_start3A_2171 = tpu.memref_slice %arg5[%dma_start3A_2170, %multiple_of3A_2143] : memref<32x1000000xf32, #tpu.memory_space<hbm>> -> memref<32x128xf32, #tpu.memory_space<hbm>>
        tpu.enqueue_dma source(%dma_start3A_2171 : memref<32x128xf32, #tpu.memory_space<hbm>>) target(%dma_start3A_2169 : memref<32x128xf32, #tpu.memory_space<vmem>>) target_semaphore(%arg18 : memref<!tpu.dma_semaphore, #tpu.memory_space<semaphore_mem>>)
      } else {
      }
    }
    %scan3A_528 = arith.constant 64 : i32
    %mul3A_529 = arith.constant 512 : i32
    %mul3A_530 = arith.muli %add3A, %mul3A_529 : i32
    "tpu.region"() ({
      %run_scoped3A = tpu.sem_alloc : memref<!tpu.dma_semaphore, #tpu.memory_space<semaphore_mem>>
      %dma_start3A_531 = arith.constant 0 : i32
      %dma_start3A_532 = tpu.memref_slice %arg6[%dma_start3A_531, %mul3A_530] : memref<32x16384xf32, #tpu.memory_space<hbm>> -> memref<32x512xf32, #tpu.memory_space<hbm>>
      %dma_start3A_533 = arith.constant 0 : i32
      %dma_start3A_534 = tpu.memref_slice %arg6[%dma_start3A_533, %mul3A_530] : memref<32x16384xf32, #tpu.memory_space<hbm>> -> memref<32x512xf32, #tpu.memory_space<hbm>>
      tpu.enqueue_dma source(%arg10 : memref<32x512xf32, #tpu.memory_space<vmem>>) target(%dma_start3A_534 : memref<32x512xf32, #tpu.memory_space<hbm>>) target_semaphore(%run_scoped3A : memref<!tpu.dma_semaphore, #tpu.memory_space<semaphore_mem>>)
      %dma_wait3A = arith.constant 0 : i32
      %dma_wait3A_535 = tpu.memref_slice %arg6[%dma_wait3A, %mul3A_530] : memref<32x16384xf32, #tpu.memory_space<hbm>> -> memref<32x512xf32, #tpu.memory_space<hbm>>
      %dma_wait3A_536 = arith.constant 0 : i32
      %dma_wait3A_537 = tpu.memref_slice %arg6[%dma_wait3A_536, %mul3A_530] : memref<32x16384xf32, #tpu.memory_space<hbm>> -> memref<32x512xf32, #tpu.memory_space<hbm>>
      tpu.wait_dma2 semaphore(%run_scoped3A : memref<!tpu.dma_semaphore, #tpu.memory_space<semaphore_mem>>) src(%arg10 : memref<32x512xf32, #tpu.memory_space<vmem>>) dst(%dma_wait3A_537 : memref<32x512xf32, #tpu.memory_space<hbm>>)
      tpu.yield
    }) : () -> ()
    return
  }
}

</mosaic_0001>

<sc_bundles>
// kernel: kernel.3.cloned.1.call-start
scs
__scs_entry_jumppad:
0x0: {  	(pc) =	sbr.rel $0x88, $3  }
0x1: {  	(tag) =	ssettag $0x0;
	lr =	simm.s32 $0x1  }
0x2: {  	[smem:$0x3F9D] =	sst lr;
	_ =	strace $0xD0000000  }
0x3: {  	_ = 	snop  }
0x4: {  	_ = 	snop  }
0x5: {  	_ = 	snop  }
0x6: {  	_ = 	snop  }
0x7: {  	_ = 	snop  }
__scs_overlays_trampoline_lowered:
0x8: {  	[smem:$0x3FAC] =	sst s0  }
0x9: {  	[smem:$0x3FAD] =	sst s1  }
0xa: {  	[smem:$0x3FAE] =	sst s2  }
0xb: {  	[smem:$0x3FAF] =	sst s3  }
0xc: {  	[smem:$0x3FB0] =	sst s4  }
0xd: {  	[smem:$0x3FB1] =	sst s5  }
0xe: {  	[smem:$0x3FB2] =	sst s6  }
0xf: {  	[smem:$0x3FB3] =	sst s7  }
0x10: {  	[smem:$0x3FB4] =	sst s8  }
0x11: {  	[smem:$0x3FB5] =	sst s9;
	s0 =	simm.s32 @!p0 $0x0  }
0x12: {  	s1 =	sld [smem:$0x3F9B];
	s0 =	simm.s32 @p0 $0x1  }
0x13: {  	[smem:$0x3FB6] =	sst s0;
	s0 =	simm.s32 @!p1 $0x0  }
0x14: {  	s2 =	sld [smem:$0x3F9A];
	s0 =	simm.s32 @p1 $0x1  }
0x15: {  	[smem:$0x3FB7] =	sst s0;
	s0 =	simm.s32 @!p2 $0x0  }
0x16: {  	s3 =	sld [smem:$0x3FDB];
	s0 =	simm.s32 @p2 $0x1  }
0x17: {  	s4 =	simm.s32 $0x1BF5;
	[smem:$0x3FB9] =	sst s0  }
0x18: {  	s0 =	sld [smem:$0x3F9C];
	_ =	swait.ge [sflag:s4], $0x0  }
0x19: {  	s7 =	sld [smem:$0x3F9D]  }
0x1a: {  	s8 =	sadd.s32 $0xFFFFE003, lr  }
0x1b: {  	s9 =	sadd.s32 $0xFFFFFEF7, lr;
	s5 =	simm.s32 $0xFFFFFFFF;
	p2 =	slt.u32 s8, $0xFFFFF086  }
0x1c: {  	p1 =	slt.u32 s9, $0xF7A;
	s5 =	simm.s32 @!p2 $0x0  }
0x1d: {  	s5 =	simm.s32 @p1 $0x1;
	p0 =	seq.s32 s7, s2  }
0x1e: {  	s7 =	smul.u32 @!p0 $0xF7A, s2;
	p2 =	seq.s32 @!p0 s5, $0x0  }
0x1f: {  	s9 =	smul.u32 $0xF7A, s1;
	s8 =	simm.s32 @!p0 $0x1BF5;
	p2 =	por !p2, p0  }
0x20: {  	[sflag:s8] =	ssyncset.s32 @!p0 $0xFFFFF086;
	s6 =	sadd.s32 @!p0 s3, s7;
	s7 =	simm.s32 @!p0 $0x108  }
0x21: {  	s3 =	sadd.s32 s3, s9;
	s6 =	sadd.s32 @!p0 $0x88, s6;
	s7 =	simm.s32 @p2 $0x1082  }
0x22: {  	[simem:s7], [sflag:s8] =	dma.local @!p0 [hbm:s6], $0xF7A  }
0x23: {  	s9 =	sor.u32 $0xD0000000, s2;
	s6 =	simm.s32 $0x108;
	_ =	swait.ge @!p0 [sflag:s8], $0x0  }
0x24: {  	s3 =	sadd.s32 $0x88, s3;
	s6 =	simm.s32 @!p1 $0x1082;
	[sflag:s4] =	ssyncset.s32 $0xFFFFF086  }
0x25: {  	[simem:s6], [sflag:s4] =	dma.local [hbm:s3], $0xF7A  }
0x26: {  	[smem:$0x3F9D] =	sst s1;
	(tag) =	ssettag s2;
	_ =	strace s9  }
0x27: {  	s1 =	sld [smem:$0x3FAD]  }
0x28: {  	s2 =	sld [smem:$0x3FAE]  }
0x29: {  	s4 =	sld [smem:$0x3FB0]  }
0x2a: {  	p0 =	seq.s32 s5, $0x0;
	s5 =	sld [smem:$0x3FB1]  }
0x2b: {  	s6 =	sld [smem:$0x3FB2]  }
0x2c: {  	s7 =	sld [smem:$0x3FB3]  }
0x2d: {  	s3 =	simm.s32 $0x108;
	s8 =	sld [smem:$0x3FB4]  }
0x2e: {  	s3 =	simm.s32 @!p0 $0x1082;
	s9 =	sld [smem:$0x3FB5]  }
0x2f: {  	lr =	sadd.s32 s0, s3;
	s0 =	sld [smem:$0x3FAC]  }
0x30: {  	s3 =	sld [smem:$0x3FAF]  }
0x31: {  	[smem:$0x3FB8] =	sst s10  }
0x32: {  	s10 =	sld [smem:$0x3FB6];
	_ =	sdelay $0x3  }
0x33: {  	p0 =	seq.s32 s10, $0x1;
	s10 =	sld [smem:$0x3FB8];
	_ =	sdelay $0x3  }
0x34: {  	[smem:$0x3FB8] =	sst s10  }
0x35: {  	s10 =	sld [smem:$0x3FB7];
	_ =	sdelay $0x3  }
0x36: {  	p1 =	seq.s32 s10, $0x1;
	s10 =	sld [smem:$0x3FB8];
	_ =	sdelay $0x3  }
0x37: {  	[smem:$0x3FB8] =	sst s10  }
0x38: {  	s10 =	sld [smem:$0x3FB9]  }
0x39: {  	_ = 	snop;
	(pc) =	sbr.ind lr, $3  }
0x3a: {  	_ = 	snop  }
0x3b: {  	_ = 	snop  }
0x3c: {  	p2 =	seq.s32 s10, $0x1;
	s10 =	sld [smem:$0x3FB8]  }
0x3d: {  	_ =	shalt  }
0x3e: {  	_ =	shalt  }
0x3f: {  	_ =	shalt  }
0x40: {  	_ =	shalt  }
0x41: {  	_ =	shalt  }
0x42: {  	_ =	shalt  }
0x43: {  	_ =	shalt  }
0x44: {  	_ =	shalt  }
0x45: {  	_ =	shalt  }
0x46: {  	_ =	shalt  }
0x47: {  	_ =	shalt  }
0x48: {  	_ =	shalt  }
0x49: {  	_ =	shalt  }
0x4a: {  	_ =	shalt  }
0x4b: {  	_ =	shalt  }
0x4c: {  	_ =	shalt  }
0x4d: {  	_ =	shalt  }
0x4e: {  	_ =	shalt  }
0x4f: {  	_ =	shalt  }
0x50: {  	_ =	shalt  }
0x51: {  	_ =	shalt  }
0x52: {  	_ =	shalt  }
0x53: {  	_ =	shalt  }
0x54: {  	_ =	shalt  }
0x55: {  	_ =	shalt  }
0x56: {  	_ =	shalt  }
0x57: {  	_ =	shalt  }
0x58: {  	_ =	shalt  }
0x59: {  	_ =	shalt  }
0x5a: {  	_ =	shalt  }
0x5b: {  	_ =	shalt  }
0x5c: {  	_ =	shalt  }
0x5d: {  	_ =	shalt  }
0x5e: {  	_ =	shalt  }
0x5f: {  	_ =	shalt  }
0x60: {  	_ =	shalt  }
0x61: {  	_ =	shalt  }
0x62: {  	_ =	shalt  }
0x63: {  	_ =	shalt  }
0x64: {  	_ =	shalt  }
0x65: {  	_ =	shalt  }
0x66: {  	_ =	shalt  }
0x67: {  	_ =	shalt  }
0x68: {  	_ =	shalt  }
0x69: {  	_ =	shalt  }
0x6a: {  	_ =	shalt  }
0x6b: {  	_ =	shalt  }
0x6c: {  	_ =	shalt  }
0x6d: {  	_ =	shalt  }
0x6e: {  	_ =	shalt  }
0x6f: {  	_ =	shalt  }
0x70: {  	_ =	shalt  }
0x71: {  	_ =	shalt  }
0x72: {  	_ =	shalt  }
0x73: {  	_ =	shalt  }
0x74: {  	_ =	shalt  }
0x75: {  	_ =	shalt  }
0x76: {  	_ =	shalt  }
0x77: {  	_ =	shalt  }
0x78: {  	_ =	shalt  }
0x79: {  	_ =	shalt  }
0x7a: {  	_ =	shalt  }
0x7b: {  	_ =	shalt  }
0x7c: {  	_ =	shalt  }
0x7d: {  	_ =	shalt  }
0x7e: {  	_ =	shalt  }
0x7f: {  	_ =	shalt  }
0x80: {  	_ =	shalt  }
0x81: {  	_ =	shalt  }
0x82: {  	_ =	shalt  }
0x83: {  	_ =	shalt  }
0x84: {  	_ =	shalt  }
0x85: {  	_ =	shalt  }
0x86: {  	_ =	shalt  }
0x87: {  	_ =	shalt  }
.Lfunc_end0:
.L_simem_size_0:
called_computation_lowered:
.L_overlay_start_0:
0x88: {  	s2 =	sld [smem:$0x3FD9]  }
0x89: {  	s3 =	sld [smem:$0x3FFE];
	_ =	sdelay $0x1  }
0x8a: {  	s1 =	srdreg.scid  }
0x8b: {  	s0 =	sand.u32 $0x1, s1  }
0x8c: {  	s18 =	sshll.u32 s0, $0xA;
	s2 =	sadd.s32 s3, s2  }
0x8d: {  	s2 =	sadd.s32 s2, s18  }
0x8e: {  	[smem:$0x3FC4] =	sst s2  }
0x8f: {  	_ = 	snop  }
0x90: {  	s2 =	sld [smem:$0x3FC9]  }
0x91: {  	s19 =	sld [smem:$0x3FC8]  }
0x92: {  	s4 =	sld [smem:$0x3FC7]  }
0x93: {  	s5 =	sld [smem:$0x3FC6]  }
0x94: {  	s6 =	sld [smem:$0x3FD0];
	(tm) =	ssettm $0x1  }
0x95: {  	s7 =	sld [smem:$0x3FFB];
	_ =	sdelay $0x3  }
0x96: {  	_ =	strace s7  }
0x97: {  	s7 =	sld [smem:$0x3FFC];
	_ =	sdelay $0x3  }
0x98: {  	_ =	strace s7  }
0x99: {  	s7 =	sld [smem:$0x3FFD];
	_ =	sdelay $0x3  }
0x9a: {  	_ =	strace s7  }
0x9b: {  	_ =	strace $0x8FFFFFFF  }
0x9c: {  	s20 =	sld [smem:$0x3FDB];
	_ =	sdelay $0x1  }
0x9d: {  	s8 =	simm.s32 $_scs_section_size  }
0x9e: {  	s9 =	simm.s32 $_size__tile_overlayer_lowered;
	s10 =	simm.s32 $_tile_overlayer_lowered  }
0x9f: {  	s23 =	simm.s32 $0x1BFF;
	s22 =	sshll.u32 s10, $0x1;
	s7 =	sadd.s32 s8, s20  }
0xa0: {  	s11 =	simm.s32 $0x0;
	s21 =	sshll.u32 s9, $0x1;
	s9 =	sadd.s32 s22, s7  }
0xa1: {  	[timem:s11], [sflag:s23] =	dma.local [hbm:s9], s21  }
0xa2: {  	_ =	swait.ge [sflag:s23], s21  }
0xa3: {  	s8 =	ssub.s32 $0x0, s21;
	[sflag:s23] =	ssyncset.done $0x0  }
0xa4: {  	[sflag:s23] =	ssyncadd.s32 s8;
	_ =	sdelay $0x1  }
0xa5: {  	s24 =	simm.s32 $0x1B8B  }
0xa6: {  	_ =	swait.ge [sflag:s24], $0x1  }
0xa7: {  	[sflag:s24] =	ssyncset.done $0x0  }
0xa8: {  	s25 =	simm.s32 $0x1B8E;
	[sflag:s24] =	ssyncadd.s32 $0xFFFFFFFF  }
0xa9: {  	s26 =	simm.s32 $execute0_lowered;
	[smem:$0x3FD2] =	sst s25  }
0xaa: {  	s8 =	sshll.u32 s26, $0x1;
	_ =	strace $0x80000046;
	[dreg:$0x1] =	wrdreg $0xFFFFFFFF  }
0xab: {  	s28 =	simm.s32 $_size_execute0_lowered;
	s7 =	sadd.s32 s7, s8;
	[dreg:$0x0] =	wrdreg $0x0  }
0xac: {  	s8 =	sshll.u32 s28, $0x1;
	[dreg:$0x2] =	wrdreg s7  }
0xad: {  	[dreg:$0x3] =	wrdreg s8  }
0xae: {  	[dreg:$0x4] =	wrdreg $0xC0  }
0xaf: {  	_ =	task [dreg:s11], $0x5FFFF  }
0xb0: {  	[dreg:$0x1] =	wrdreg $0xFFFFFFFF  }
0xb1: {  	[dreg:$0x0] =	wrdreg $0x60  }
0xb2: {  	[dreg:$0x2] =	wrdreg s2  }
0xb3: {  	[dreg:$0x3] =	wrdreg s19  }
0xb4: {  	[dreg:$0x4] =	wrdreg s4  }
0xb5: {  	[dreg:$0x5] =	wrdreg s5  }
0xb6: {  	[dreg:$0x6] =	wrdreg s6  }
0xb7: {  	[dreg:$0x7] =	wrdreg $0x9  }
0xb8: {  	_ =	task.clear_ibuf [dreg:s11], $0x8FFFF;
	_ =	strace $0x90000046  }
0xb9: {  	s29 =	simm.s32 $0x9;
	_ =	strace $0x80000048  }
0xba: {  	_ =	swait.ge [sflag:s29], $0x1  }
0xbb: {  	[sflag:s29] =	ssyncadd.s32 $0xFFFFFFFF  }
0xbc: {  	_ =	strace $0x90000048  }
0xbd: {  	_ =	sfence  }
0xbe: {  	s30 =	sld [smem:$0x0];
	_ =	sdelay $0x2  }
0xbf: {  	s31 =	sshll.u32 s1, $0xD;
	s1 =	sshrl.u32 s1, $0x2  }
0xc0: {  	s3 =	sand.u32 $0x4000, s31;
	s1 =	sadd.s32 s1, s30  }
0xc1: {  	s0 =	sor.u32 s3, s0;
	s1 =	sshll.u32 s1, $0x11  }
0xc2: {  	s0 =	sor.u32 s1, s0  }
0xc3: {  	s0 =	sadd.s32 $0x8F2B, s0  }
0xc4: {  	[sflag:s0] =	ssyncadd.remote.s32 $0x1  }
0xc5: {  	_ =	sfence.sel $0xFFFF  }
0xc6: {  	[dreg:$0x0] =	wrdreg $0xFFFFFFFF;
	(pc) =	sbr.abs _section_cstart, $3  }
0xc7: {  	[dreg:$0x1] =	wrdreg $0xFFFFFFFF  }
0xc8: {  	_ =	task.clear_ibuf [dreg:s11], $0x2FFFF;
	_ =	strace $0x9FFFFFFF  }
0xc9: {  	(tm) =	ssettm $0x7FFFFFFF  }
tec
execute0_lowered:
.L_overlay_start_1:
0x0: {  	(tag) =	ssettag $0x1  }
0x1: {  	s2 =	rddreg [dreg:$0x0]  }
0x2: {  	s3 =	rddreg [dreg:$0x1];
	vm0 =	vmmov $0x1  }
0x3: {  	s0 =	rddreg [dreg:$0x2];
	vm1 =	vcmask $0x308;
	vm2 =	vcmask $0x70C;
	vm3 =	vcmask $0xB10  }
0x4: {  	s1 =	rddreg [dreg:$0x3];
	vm4 =	vcmask $0xF14;
	vm5 =	vcmask $0x1318;
	v0 =	vlaneseq.u32  }
0x5: {  	s4 =	rddreg [dreg:$0x4];
	v2 =	vimm.s32 $0x1380;
	vm6 =	vcmask $0x300;
	vm7 =	vcmask $0x704  }
0x6: {  	s5 =	srdreg.scid;
	s8 =	simm.s32 $0x0;
	s7 =	stileid.u32;
	v3 =	vimm.s32 $0x3380;
	vm8 =	vcmask $0x3B38;
	v1 =	vmul.u32 $0x80, v0  }
0x7: {  	s10 =	simm.s32 $0x9;
	s12 =	simm.s32 $0x400;
	s17 =	simm.s32 $0x1400;
	v2 =	vsel vm6, $0x0, v2;
	v3 =	vsel vm6, $0x2000, v3;
	vm6 =	vcmask $0xB08  }
0x8: {  	s18 =	simm.s32 $0x2400;
	s19 =	simm.s32 $0x3400;
	s20 =	simm.s32 $0x4400;
	v2 =	vsel vm7, $0x80, v2;
	v3 =	vsel vm7, $0x2080, v3;
	vm7 =	vcmask $0xF0C  }
0x9: {  	s21 =	simm.s32 $0x5400;
	s22 =	simm.s32 $0x6400;
	s11 =	simm.s32 $0xA400;
	v2 =	vsel vm6, $0x100, v2;
	v3 =	vsel vm6, $0x2100, v3;
	vm6 =	vcmask $0x1310  }
0xa: {  	s16 =	simm.s32 $0xC400;
	s28 =	simm.s32 $0xD400;
	s14 =	simm.s32 $0xE400;
	v4 =	vor.u32 $0x800, v1;
	v2 =	vsel vm7, $0x180, v2;
	v3 =	vsel vm7, $0x2180, v3  }
0xb: {  	s30 =	simm.s32 $0x10400;
	s29 =	simm.s32 $0xD400;
	s5 =	sand.u32 $0x1, s5;
	vm7 =	vcmask $0x1714;
	v2 =	vsel vm6, $0x200, v2;
	v3 =	vsel vm6, $0x2200, v3  }
0xc: {  	s7 =	sshll.u32 s7, $0xA;
	[smem:$0x7FF] =	sst s8;
	s8 =	simm.s32 $0x0;
	vm6 =	vcmask $0x1B18;
	v2 =	vsel vm7, $0x280, v2;
	v3 =	vsel vm7, $0x2280, v3  }
0xd: {  	s6 =	ssub.s32 $0x2, s5;
	s5 =	sshll.u32 s5, $0x9;
	_ =	strace $0x80000047;
	vm7 =	vcmask $0x1F1C;
	v2 =	vsel vm6, $0x300, v2;
	v3 =	vsel vm6, $0x2300, v3  }
0xe: {  	s23 =	sshrl.u32 s6, $0x1;
	s9 =	sor.u32 s5, s7;
	s26 =	sadd.s32 s4, s5;
	vm6 =	vcmask $0x2320;
	v2 =	vsel vm7, $0x380, v2;
	v3 =	vsel vm7, $0x2380, v3  }
0xf: {  	s4 =	simm.s32 $0x6;
	s5 =	simm.s32 $0x7;
	s6 =	ssub.s32 s6, s23;
	vm7 =	vcmask $0x2724;
	v2 =	vsel vm6, $0x1000, v2;
	v3 =	vsel vm6, $0x3000, v3  }
0x10: {  	s24 =	sshrl.u32 s9, $0x3;
	s23 =	simm.s32 $0x7400;
	s9 =	simm.s32 $0x5;
	vm6 =	vcmask $0x2B28;
	v2 =	vsel vm7, $0x1080, v2;
	v3 =	vsel vm7, $0x3080, v3  }
.Ltmp0:
0x11: {  	s2 =	sadd.s32 s2, s24;
	s25 =	sadd.s32 s3, s24;
	vm7 =	vcmask $0x2F2C;
	v2 =	vsel vm6, $0x1100, v2;
	v3 =	vsel vm6, $0x3100, v3;
	(pc) =	sbr.rel .LBB2_1-.Ltmp0, $4  }
0x12: {  	s31 =	smax.u32 s6, $0x1;
	s24 =	simm.s32 $0x8400;
	[dreg:$0x6] =	wrdreg s2;
	vm6 =	vcmask $0x3330;
	v2 =	vsel vm7, $0x1180, v2;
	v3 =	vsel vm7, $0x3180, v3  }
0x13: {  	s3 =	simm.s32 $0x4;
	s6 =	simm.s32 $0x8;
	[dreg:$0x7] =	wrdreg s25;
	vm7 =	vcmask $0x3734;
	v2 =	vsel vm6, $0x1200, v2;
	v3 =	vsel vm6, $0x3200, v3  }
0x14: {  	s2 =	sadd.s32 s7, s26;
	[dreg:$0x9] =	wrdreg s31;
	s25 =	simm.s32 $0x9400;
	vm6 =	vcmask $0x171C;
	v2 =	vsel vm7, $0x1280, v2;
	v3 =	vsel vm7, $0x3280, v3  }
0x15: {  	s26 =	simm.s32 $0xB400;
	[dreg:$0x8] =	wrdreg s2;
	s2 =	simm.s32 $0xF400;
	vm7 =	vcmask $0x1B20;
	v2 =	vsel vm8, $0x1300, v2;
	v3 =	vsel vm8, $0x3300, v3  }
.LBB2_4:
0x16: {  	s7 =	rddreg [dreg:$0x8];
	s8 =	simm.s32 $0x1000;
	s10 =	simm.s32 $0x20000  }
0x17: {  	[hbm4b:s7+s8] =	stream.strided.scatter [tilespmem:s30], [sflag:$0x9], $0x4000, s10, s8, $0x38;
	[tilespmem:$0x14400] =	vst v63  }
0x18: {  	s10 =	simm.s32 $0x9  }
0x19: {  	_ =	swait.ge [sflag:s10], $0x4000  }
0x1a: {  	s15 =	rddreg [dreg:$0xa]  }
0x1b: {  	s31 =	rddreg [dreg:$0x9];
	s8 =	sadd.s32 $0x1, s15  }
0x1c: {  	p0 =	sne.s32 s8, s31  }
.Ltmp1:
0x1d: {  	_ = 	snop;
	(pc) =	sbr.rel @!p0 .LBB2_5-.Ltmp1, $3  }
0x1e: {  	_ =	sdelay $0x1  }
0x1f: {  	[sflag:s10] =	ssyncset.done $0x0  }
0x20: {  	[sflag:s10] =	ssyncadd.s32 $0xFFFFC000  }
.LBB2_1:
0x21: {  	[dreg:$0xa] =	wrdreg s8  }
0x22: {  	s7 =	simm.s32 $0x0;
	s13 =	rddreg [dreg:$0x6]  }
0x23: {  	[tilespmem:s7], [sflag:$0x9] =	stream.linear.gather [hbm4b:s13+s7], $0x200, $0x38;
	[tilespmem:$0x14400] =	vst v63  }
0x24: {  	_ =	swait.ge [sflag:s10], $0x200  }
0x25: {  	[sflag:s10] =	ssyncset.done $0x0  }
0x26: {  	s13 =	simm.s32 $0x200;
	s15 =	rddreg [dreg:$0x7];
	[sflag:s10] =	ssyncadd.s32 $0xFFFFFE00  }
0x27: {  	[tilespmem:s13], [sflag:$0x9] =	stream.linear.gather [hbm4b:s15+s7], $0x200, $0x38;
	[tilespmem:$0x14400] =	vst v63  }
0x28: {  	_ =	swait.ge [sflag:s10], $0x200  }
0x29: {  	[sflag:s10] =	ssyncset.done $0x0  }
0x2a: {  	[sflag:s10] =	ssyncadd.s32 $0xFFFFFE00  }
0x2b: {  	v5 =	vld [tilespmem:$0x0];
	_ =	sdelay $0x1  }
0x2c: {  	v6 =	vld [tilespmem:$0x200];
	_ =	sdelay $0x2  }
0x2d: {  	v5 =	vnsel vm0, $0x0, v5  }
0x2e: {  	(xrf0) =	vadd.scan.msk.s32 $0xffff, v5  }
0x2f: {  	v5 =	vnsel vm0, $0x0, v6  }
0x30: {  	(xrf0) =	vadd.scan.msk.s32 $0xffff, v5;
	_ =	sdelay $0x3  }
0x31: {  	v5, _, _ =	vpop (xrf0)  }
0x32: {  	(v2sf) =	vpush v5, $0xF  }
0x33: {  	v5, _, _ =	vpop (xrf0)  }
0x34: {  	(v2sf) =	vpush v5, $0xF;
	_ =	sdelay $0xc  }
0x35: {  	s13 =	spop (v2sf)  }
0x36: {  	s7 =	sand.u32 $0xFFFFF80, s13  }
0x37: {  	s8 =	simm.s32 $0x7A1400;
	s15 =	spop (v2sf);
	s7 =	sadd.s32 s0, s7  }
0x38: {  	[tilespmem:s12], [sflag:$0x1] =	stream.strided.gather [hbm4b:s7+s12], $0x1000, s8, s12, $0x38;
	[tilespmem:$0x14400] =	vst v63  }
0x39: {  	s7 =	sand.u32 $0xFFFFF80, s15  }
0x3a: {  	s7 =	sadd.s32 s1, s7  }
0x3b: {  	[tilespmem:s17], [sflag:$0x1] =	stream.strided.gather [hbm4b:s7+s12], $0x1000, s8, s12, $0x38;
	[tilespmem:$0x14400] =	vst v63  }
0x3c: {  	v5 =	vld [tilespmem:$0x0];
	_ =	sdelay $0x1  }
0x3d: {  	v6 =	vld [tilespmem:$0x200];
	_ =	sdelay $0x2  }
0x3e: {  	v5 =	vsel vm1, $0x0, v5  }
0x3f: {  	(xrf0) =	vadd.scan.msk.s32 $0xffff, v5  }
0x40: {  	v5 =	vsel vm1, $0x0, v6  }
0x41: {  	(xrf0) =	vadd.scan.msk.s32 $0xffff, v5;
	_ =	sdelay $0x3  }
0x42: {  	v5, _, _ =	vpop (xrf0)  }
0x43: {  	(v2sf) =	vpush v5, $0xF  }
0x44: {  	v5, _, _ =	vpop (xrf0)  }
0x45: {  	(v2sf) =	vpush v5, $0xF;
	_ =	sdelay $0xc  }
0x46: {  	s10 =	spop (v2sf)  }
0x47: {  	s7 =	sand.u32 $0xFFFFF80, s10  }
0x48: {  	s13 =	spop (v2sf);
	s7 =	sadd.s32 s0, s7  }
0x49: {  	[tilespmem:s18], [sflag:$0x2] =	stream.strided.gather [hbm4b:s7+s12], $0x1000, s8, s12, $0x38;
	[tilespmem:$0x14400] =	vst v63  }
0x4a: {  	s7 =	sand.u32 $0xFFFFF80, s13  }
0x4b: {  	s7 =	sadd.s32 s1, s7  }
0x4c: {  	[tilespmem:s19], [sflag:$0x2] =	stream.strided.gather [hbm4b:s7+s12], $0x1000, s8, s12, $0x38;
	[tilespmem:$0x14400] =	vst v63  }
0x4d: {  	v5 =	vld [tilespmem:$0x0];
	_ =	sdelay $0x1  }
0x4e: {  	v6 =	vld [tilespmem:$0x200];
	_ =	sdelay $0x2  }
0x4f: {  	v5 =	vsel vm2, $0x0, v5  }
0x50: {  	(xrf0) =	vadd.scan.msk.s32 $0xffff, v5  }
0x51: {  	v5 =	vsel vm2, $0x0, v6  }
0x52: {  	(xrf0) =	vadd.scan.msk.s32 $0xffff, v5;
	_ =	sdelay $0x3  }
0x53: {  	v5, _, _ =	vpop (xrf0)  }
0x54: {  	(v2sf) =	vpush v5, $0xF  }
0x55: {  	v5, _, _ =	vpop (xrf0)  }
0x56: {  	(v2sf) =	vpush v5, $0xF;
	_ =	sdelay $0xc  }
0x57: {  	s15 =	spop (v2sf)  }
0x58: {  	s7 =	sand.u32 $0xFFFFF80, s15  }
0x59: {  	s17 =	spop (v2sf);
	s7 =	sadd.s32 s0, s7  }
0x5a: {  	[tilespmem:s20], [sflag:$0x3] =	stream.strided.gather [hbm4b:s7+s12], $0x1000, s8, s12, $0x38;
	[tilespmem:$0x14400] =	vst v63  }
0x5b: {  	s7 =	sand.u32 $0xFFFFF80, s17  }
0x5c: {  	s7 =	sadd.s32 s1, s7  }
0x5d: {  	[tilespmem:s21], [sflag:$0x3] =	stream.strided.gather [hbm4b:s7+s12], $0x1000, s8, s12, $0x38;
	[tilespmem:$0x14400] =	vst v63  }
0x5e: {  	v5 =	vld [tilespmem:$0x0];
	_ =	sdelay $0x1  }
0x5f: {  	v6 =	vld [tilespmem:$0x200];
	_ =	sdelay $0x2  }
0x60: {  	v5 =	vsel vm3, $0x0, v5  }
0x61: {  	(xrf0) =	vadd.scan.msk.s32 $0xffff, v5  }
0x62: {  	v5 =	vsel vm3, $0x0, v6  }
0x63: {  	(xrf0) =	vadd.scan.msk.s32 $0xffff, v5;
	_ =	sdelay $0x3  }
0x64: {  	v5, _, _ =	vpop (xrf0)  }
0x65: {  	(v2sf) =	vpush v5, $0xF  }
0x66: {  	v5, _, _ =	vpop (xrf0)  }
0x67: {  	(v2sf) =	vpush v5, $0xF;
	_ =	sdelay $0xc  }
0x68: {  	s18 =	spop (v2sf)  }
0x69: {  	s7 =	sand.u32 $0xFFFFF80, s18  }
0x6a: {  	s19 =	spop (v2sf);
	s7 =	sadd.s32 s0, s7  }
0x6b: {  	[tilespmem:s22], [sflag:$0x4] =	stream.strided.gather [hbm4b:s7+s12], $0x1000, s8, s12, $0x38;
	[tilespmem:$0x14400] =	vst v63  }
0x6c: {  	s7 =	sand.u32 $0xFFFFF80, s19  }
0x6d: {  	s7 =	sadd.s32 s1, s7  }
0x6e: {  	[tilespmem:s23], [sflag:$0x4] =	stream.strided.gather [hbm4b:s7+s12], $0x1000, s8, s12, $0x38;
	[tilespmem:$0x14400] =	vst v63  }
0x6f: {  	v5 =	vld [tilespmem:$0x0];
	_ =	sdelay $0x1  }
0x70: {  	v6 =	vld [tilespmem:$0x200];
	_ =	sdelay $0x2  }
0x71: {  	v5 =	vsel vm4, $0x0, v5  }
0x72: {  	(xrf0) =	vadd.scan.msk.s32 $0xffff, v5  }
0x73: {  	v5 =	vsel vm4, $0x0, v6  }
0x74: {  	(xrf0) =	vadd.scan.msk.s32 $0xffff, v5;
	_ =	sdelay $0x3  }
0x75: {  	v5, _, _ =	vpop (xrf0)  }
0x76: {  	(v2sf) =	vpush v5, $0xF  }
0x77: {  	v5, _, _ =	vpop (xrf0)  }
0x78: {  	(v2sf) =	vpush v5, $0xF;
	_ =	sdelay $0xc  }
0x79: {  	s20 =	spop (v2sf)  }
0x7a: {  	s7 =	sand.u32 $0xFFFFF80, s20  }
0x7b: {  	s21 =	spop (v2sf);
	s7 =	sadd.s32 s0, s7  }
0x7c: {  	[tilespmem:s24], [sflag:$0x5] =	stream.strided.gather [hbm4b:s7+s12], $0x1000, s8, s12, $0x38;
	[tilespmem:$0x14400] =	vst v63  }
0x7d: {  	s7 =	sand.u32 $0xFFFFF80, s21  }
0x7e: {  	s7 =	sadd.s32 s1, s7  }
0x7f: {  	[tilespmem:s25], [sflag:$0x5] =	stream.strided.gather [hbm4b:s7+s12], $0x1000, s8, s12, $0x38;
	[tilespmem:$0x14400] =	vst v63  }
0x80: {  	v5 =	vld [tilespmem:$0x0];
	_ =	sdelay $0x1  }
0x81: {  	v6 =	vld [tilespmem:$0x200];
	_ =	sdelay $0x2  }
0x82: {  	v5 =	vsel vm5, $0x0, v5  }
0x83: {  	(xrf0) =	vadd.scan.msk.s32 $0xffff, v5  }
0x84: {  	v5 =	vsel vm5, $0x0, v6  }
0x85: {  	(xrf0) =	vadd.scan.msk.s32 $0xffff, v5;
	_ =	sdelay $0x3  }
0x86: {  	v5, _, _ =	vpop (xrf0)  }
0x87: {  	(v2sf) =	vpush v5, $0xF  }
0x88: {  	v5, _, _ =	vpop (xrf0)  }
0x89: {  	(v2sf) =	vpush v5, $0xF;
	_ =	sdelay $0xc  }
0x8a: {  	s22 =	spop (v2sf)  }
0x8b: {  	s7 =	sand.u32 $0xFFFFF80, s22  }
0x8c: {  	s23 =	spop (v2sf);
	s7 =	sadd.s32 s0, s7  }
0x8d: {  	[tilespmem:s11], [sflag:$0x6] =	stream.strided.gather [hbm4b:s7+s12], $0x1000, s8, s12, $0x38;
	[tilespmem:$0x14400] =	vst v63  }
0x8e: {  	s7 =	sand.u32 $0xFFFFF80, s23  }
0x8f: {  	s7 =	sadd.s32 s1, s7  }
0x90: {  	[tilespmem:s26], [sflag:$0x6] =	stream.strided.gather [hbm4b:s7+s12], $0x1000, s8, s12, $0x38;
	[tilespmem:$0x14400] =	vst v63  }
0x91: {  	v5 =	vld [tilespmem:$0x0];
	_ =	sdelay $0x1  }
0x92: {  	v6 =	vld [tilespmem:$0x200];
	_ =	sdelay $0x2  }
0x93: {  	v5 =	vsel vm6, $0x0, v5  }
0x94: {  	(xrf0) =	vadd.scan.msk.s32 $0xffff, v5  }
0x95: {  	v5 =	vsel vm6, $0x0, v6  }
0x96: {  	(xrf0) =	vadd.scan.msk.s32 $0xffff, v5;
	_ =	sdelay $0x3  }
0x97: {  	v5, _, _ =	vpop (xrf0)  }
0x98: {  	(v2sf) =	vpush v5, $0xF  }
0x99: {  	v5, _, _ =	vpop (xrf0)  }
0x9a: {  	(v2sf) =	vpush v5, $0xF;
	_ =	sdelay $0xc  }
0x9b: {  	s24 =	spop (v2sf)  }
0x9c: {  	s7 =	sand.u32 $0xFFFFF80, s24  }
0x9d: {  	s25 =	spop (v2sf);
	s7 =	sadd.s32 s0, s7  }
0x9e: {  	[tilespmem:s16], [sflag:$0x7] =	stream.strided.gather [hbm4b:s7+s12], $0x1000, s8, s12, $0x38;
	[tilespmem:$0x14400] =	vst v63  }
0x9f: {  	s7 =	sand.u32 $0xFFFFF80, s25  }
0xa0: {  	s7 =	sadd.s32 s1, s7  }
0xa1: {  	[tilespmem:s28], [sflag:$0x7] =	stream.strided.gather [hbm4b:s7+s12], $0x1000, s8, s12, $0x38;
	[tilespmem:$0x14400] =	vst v63  }
0xa2: {  	v5 =	vld [tilespmem:$0x0];
	_ =	sdelay $0x1  }
0xa3: {  	v6 =	vld [tilespmem:$0x200];
	_ =	sdelay $0x2  }
0xa4: {  	v5 =	vsel vm7, $0x0, v5  }
0xa5: {  	(xrf0) =	vadd.scan.msk.s32 $0xffff, v5  }
0xa6: {  	v5 =	vsel vm7, $0x0, v6  }
0xa7: {  	(xrf0) =	vadd.scan.msk.s32 $0xffff, v5;
	_ =	sdelay $0x3  }
0xa8: {  	v5, _, _ =	vpop (xrf0)  }
0xa9: {  	(v2sf) =	vpush v5, $0xF  }
0xaa: {  	v5, _, _ =	vpop (xrf0)  }
0xab: {  	(v2sf) =	vpush v5, $0xF;
	_ =	sdelay $0xc  }
0xac: {  	s26 =	spop (v2sf)  }
0xad: {  	s7 =	sand.u32 $0xFFFFF80, s26  }
0xae: {  	s28 =	spop (v2sf);
	s7 =	sadd.s32 s0, s7  }
0xaf: {  	[tilespmem:s14], [sflag:$0x8] =	stream.strided.gather [hbm4b:s7+s12], $0x1000, s8, s12, $0x38;
	[tilespmem:$0x14400] =	vst v63  }
0xb0: {  	s7 =	sand.u32 $0xFFFFF80, s28  }
0xb1: {  	s7 =	sadd.s32 s1, s7  }
0xb2: {  	[tilespmem:s2], [sflag:$0x8] =	stream.strided.gather [hbm4b:s7+s12], $0x1000, s8, s12, $0x38;
	[tilespmem:$0x14400] =	vst v63  }
0xb3: {  	s31 =	simm.s32 $0xE400;
	s10 =	simm.s32 $0x0;
	s2 =	simm.s32 $0xF400  }
.LBB2_2:
0xb4: {  	s7 =	simm.s32 $0x1  }
0xb5: {  	_ =	swait.ge [sflag:s7], $0x2000  }
0xb6: {  	[sflag:s7] =	ssyncset.done $0x0  }
0xb7: {  	s8 =	sand.u32 $0x1F0, s10;
	[sflag:s7] =	ssyncadd.s32 $0xFFFFE000  }
0xb8: {  	v5 =	vld [tilespmem:s8+$0x0]  }
0xb9: {  	v6 =	vld [tilespmem:s8+$0x200]  }
0xba: {  	s25 =	sand.u32 $0x8, s10  }
0xbb: {  	v7 =	vmov s25  }
0xbc: {  	vm8 =	veq.s32 v7, v0  }
0xbd: {  	v5 =	vnsel vm8, $0x0, v5  }
0xbe: {  	(xrf0) =	vadd.scan.msk.s32 $0xffff, v5;
	v5 =	vnsel vm8, $0x0, v6  }
0xbf: {  	(xrf0) =	vadd.scan.msk.s32 $0xffff, v5;
	_ =	sdelay $0x4  }
0xc0: {  	v5, _, _ =	vpop (xrf0)  }
0xc1: {  	(v2sf) =	vpush v5, $0xF;
	v5, _, _ =	vpop (xrf0)  }
0xc2: {  	(v2sf) =	vpush v5, $0xF;
	_ =	sdelay $0xd  }
0xc3: {  	s26 =	spop (v2sf)  }
0xc4: {  	s13 =	spop (v2sf);
	s7 =	sand.u32 $0x7F, s26  }
0xc5: {  	s13 =	sand.u32 $0x7F, s13;
	v5 =	vor.u32 s7, v1  }
0xc6: {  	v6 =	vor.u32 s13, v1;
	_ =	sdelay $0x2  }
0xc7: {  	v7 =	vmov s10  }
0xc8: {  	s14 =	simm.s32 $0x1400;
	v8 =	vshll.u32 v7, $0x3;
	v5 =	vld.idx.msk [tilespmem:v5+s12+$0x0], $0xffff  }
0xc9: {  	v7 =	vand.u32 $0x78, v7;
	v8 =	vand.u32 $0xC00, v8;
	v6 =	vld.idx.msk [tilespmem:v6+s14+$0x0], $0xffff  }
0xca: {  	v7 =	vor.u32 v7, v8  }
0xcb: {  	v8 =	vor.u32 v2, v7  }
0xcc: {  	v9 =	vor.u32 s7, v4  }
0xcd: {  	v10 =	vor.u32 s13, v4  }
0xce: {  	v5 =	vmul.f32 v6, v5;
	_ =	sdelay $0x1  }
0xcf: {  	[tilespmem:v8+s30+$0x0] =	vst.idx.msk $0xffff, v5  }
0xd0: {  	v5 =	vld.idx.msk [tilespmem:v9+s12+$0x0], $0xffff  }
0xd1: {  	v6 =	vld.idx.msk [tilespmem:v10+s14+$0x0], $0xffff;
	_ =	sdelay $0x1  }
0xd2: {  	v7 =	vor.u32 v3, v7;
	_ =	sdelay $0x2  }
0xd3: {  	p0 =	seq.s32 s10, $0x1F8;
	v5 =	vmul.f32 v6, v5  }
0xd4: {  	s7 =	sadd.s32 @!p0 $0x8, s10  }
0xd5: {  	s13 =	sand.u32 @!p0 $0x3F0, s7;
	[tilespmem:v7+s30+$0x0] =	vst.idx.msk $0xffff, v5  }
0xd6: {  	v6 =	vld @!p0 [tilespmem:s13+$0x0];
	_ =	sdelay $0x1  }
0xd7: {  	s7 =	sand.u32 @!p0 $0x8, s7  }
0xd8: {  	v7 =	vmov @!p0 s7;
	v5 =	vlaneseq.u32 @!p0  }
0xd9: {  	vm8 =	veq.s32 @!p0 v7, v5;
	v7 =	vld @!p0 [tilespmem:s13+$0x200]  }
0xda: {  	v6 =	vnsel @!p0 vm8, $0x0, v6  }
0xdb: {  	(xrf0) =	vadd.scan.msk.s32 @!p0 $0xffff, v6;
	_ =	sdelay $0x2  }
0xdc: {  	v6 =	vnsel @!p0 vm8, $0x0, v7  }
0xdd: {  	(xrf0) =	vadd.scan.msk.s32 @!p0 $0xffff, v6;
	_ =	sdelay $0x1  }
0xde: {  	v6, _, _ =	vpop @!p0 (xrf0)  }
0xdf: {  	(v2sf) =	vpush @!p0 v6, $0xF;
	_ =	sdelay $0x2  }
0xe0: {  	v6, _, _ =	vpop @!p0 (xrf0)  }
0xe1: {  	(v2sf) =	vpush @!p0 v6, $0xF;
	_ =	sdelay $0xa  }
0xe2: {  	s7 =	spop @!p0 (v2sf)  }
0xe3: {  	s7 =	sand.u32 @!p0 $0xFFFFF80, s7  }
0xe4: {  	s13 =	simm.s32 @!p0 $0x400;
	s14 =	sadd.s32 @!p0 s0, s7;
	s7 =	simm.s32 @!p0 $0x7A1400  }
0xe5: {  	[tilespmem:s13], [sflag:$0x1] =	stream.strided.gather @!p0 [hbm4b:s14+s13], $0x1000, s7, s13, $0x38;
	[tilespmem:$0x14400] =	vst v63  }
0xe6: {  	s14 =	spop @!p0 (v2sf)  }
0xe7: {  	s14 =	sand.u32 @!p0 $0xFFFFF80, s14  }
0xe8: {  	s11 =	simm.s32 $0x2;
	s15 =	simm.s32 @!p0 $0x1400;
	s14 =	sadd.s32 @!p0 s1, s14  }
0xe9: {  	[tilespmem:s15], [sflag:$0x1] =	stream.strided.gather @!p0 [hbm4b:s14+s13], $0x1000, s7, s13, $0x38;
	[tilespmem:$0x14400] =	vst v63  }
0xea: {  	_ =	swait.ge [sflag:s11], $0x2000  }
0xeb: {  	[sflag:s11] =	ssyncset.done $0x0  }
0xec: {  	[sflag:s11] =	ssyncadd.s32 $0xFFFFE000  }
0xed: {  	v6 =	vld [tilespmem:s8+$0x0]  }
0xee: {  	s11 =	sadd.s32 $0x1, s10;
	v7 =	vld [tilespmem:s8+$0x200]  }
0xef: {  	s16 =	sand.u32 $0x9, s11  }
0xf0: {  	v32 =	vmov s16  }
0xf1: {  	vm8 =	veq.s32 v32, v0  }
0xf2: {  	v6 =	vnsel vm8, $0x0, v6  }
0xf3: {  	(xrf0) =	vadd.scan.msk.s32 $0xffff, v6;
	v6 =	vnsel vm8, $0x0, v7  }
0xf4: {  	(xrf0) =	vadd.scan.msk.s32 $0xffff, v6;
	_ =	sdelay $0x4  }
0xf5: {  	v6, _, _ =	vpop (xrf0)  }
0xf6: {  	(v2sf) =	vpush v6, $0xF;
	v6, _, _ =	vpop (xrf0)  }
0xf7: {  	(v2sf) =	vpush v6, $0xF;
	_ =	sdelay $0xd  }
0xf8: {  	s18 =	spop (v2sf)  }
0xf9: {  	s16 =	spop (v2sf);
	s15 =	sand.u32 $0x7F, s18  }
0xfa: {  	s16 =	sand.u32 $0x7F, s16;
	v6 =	vor.u32 s15, v1  }
0xfb: {  	v7 =	vor.u32 s16, v1;
	_ =	sdelay $0x2  }
0xfc: {  	s19 =	simm.s32 $0x2400;
	v33 =	vmov s11  }
0xfd: {  	s20 =	simm.s32 $0x3400;
	v34 =	vshll.u32 v33, $0x3;
	v6 =	vld.idx.msk [tilespmem:v6+s19+$0x0], $0xffff  }
0xfe: {  	v8 =	vand.u32 $0x79, v33;
	v9 =	vand.u32 $0xC00, v34;
	v7 =	vld.idx.msk [tilespmem:v7+s20+$0x0], $0xffff  }
0xff: {  	v8 =	vor.u32 v8, v9  }
0x100: {  	v9 =	vor.u32 v2, v8  }
0x101: {  	v35 =	vor.u32 s15, v4  }
0x102: {  	v11 =	vor.u32 s16, v4  }
0x103: {  	v6 =	vmul.f32 v7, v6;
	_ =	sdelay $0x1  }
0x104: {  	[tilespmem:v9+s30+$0x0] =	vst.idx.msk $0xffff, v6  }
0x105: {  	v6 =	vld.idx.msk [tilespmem:v35+s19+$0x0], $0xffff  }
0x106: {  	v7 =	vld.idx.msk [tilespmem:v11+s20+$0x0], $0xffff;
	_ =	sdelay $0x1  }
0x107: {  	v8 =	vor.u32 v3, v8;
	_ =	sdelay $0x2  }
0x108: {  	v6 =	vmul.f32 v7, v6  }
0x109: {  	s14 =	sadd.s32 @!p0 $0x9, s10  }
0x10a: {  	s15 =	sand.u32 @!p0 $0x3F0, s14;
	[tilespmem:v8+s30+$0x0] =	vst.idx.msk $0xffff, v6  }
0x10b: {  	v6 =	vld @!p0 [tilespmem:s15+$0x0];
	_ =	sdelay $0x1  }
0x10c: {  	s14 =	sand.u32 @!p0 $0x9, s14  }
0x10d: {  	v7 =	vmov @!p0 s14  }
0x10e: {  	vm8 =	veq.s32 @!p0 v7, v5;
	v7 =	vld @!p0 [tilespmem:s15+$0x200]  }
0x10f: {  	v6 =	vnsel @!p0 vm8, $0x0, v6  }
0x110: {  	(xrf0) =	vadd.scan.msk.s32 @!p0 $0xffff, v6;
	_ =	sdelay $0x2  }
0x111: {  	v6 =	vnsel @!p0 vm8, $0x0, v7  }
0x112: {  	(xrf0) =	vadd.scan.msk.s32 @!p0 $0xffff, v6;
	_ =	sdelay $0x1  }
0x113: {  	v6, _, _ =	vpop @!p0 (xrf0)  }
0x114: {  	(v2sf) =	vpush @!p0 v6, $0xF;
	_ =	sdelay $0x2  }
0x115: {  	v6, _, _ =	vpop @!p0 (xrf0)  }
0x116: {  	(v2sf) =	vpush @!p0 v6, $0xF;
	_ =	sdelay $0xa  }
0x117: {  	s14 =	spop @!p0 (v2sf)  }
0x118: {  	s14 =	sand.u32 @!p0 $0xFFFFF80, s14  }
0x119: {  	s15 =	simm.s32 @!p0 $0x2400;
	s14 =	sadd.s32 @!p0 s0, s14  }
0x11a: {  	[tilespmem:s15], [sflag:$0x2] =	stream.strided.gather @!p0 [hbm4b:s14+s13], $0x1000, s7, s13, $0x38;
	[tilespmem:$0x14400] =	vst v63  }
0x11b: {  	s14 =	spop @!p0 (v2sf)  }
0x11c: {  	s14 =	sand.u32 @!p0 $0xFFFFF80, s14  }
0x11d: {  	s21 =	simm.s32 $0x3;
	s15 =	simm.s32 @!p0 $0x3400;
	s14 =	sadd.s32 @!p0 s1, s14  }
0x11e: {  	[tilespmem:s15], [sflag:$0x2] =	stream.strided.gather @!p0 [hbm4b:s14+s13], $0x1000, s7, s13, $0x38;
	[tilespmem:$0x14400] =	vst v63  }
0x11f: {  	_ =	swait.ge [sflag:s21], $0x2000  }
0x120: {  	[sflag:s21] =	ssyncset.done $0x0  }
0x121: {  	[sflag:s21] =	ssyncadd.s32 $0xFFFFE000  }
0x122: {  	v6 =	vld [tilespmem:s8+$0x0]  }
0x123: {  	s22 =	sadd.s32 $0x2, s10;
	v7 =	vld [tilespmem:s8+$0x200]  }
0x124: {  	s23 =	sand.u32 $0xA, s22  }
0x125: {  	v36 =	vmov s23  }
0x126: {  	vm8 =	veq.s32 v36, v0  }
0x127: {  	v6 =	vnsel vm8, $0x0, v6  }
0x128: {  	(xrf0) =	vadd.scan.msk.s32 $0xffff, v6;
	v6 =	vnsel vm8, $0x0, v7  }
0x129: {  	(xrf0) =	vadd.scan.msk.s32 $0xffff, v6;
	_ =	sdelay $0x4  }
0x12a: {  	v6, _, _ =	vpop (xrf0)  }
0x12b: {  	(v2sf) =	vpush v6, $0xF;
	v6, _, _ =	vpop (xrf0)  }
0x12c: {  	(v2sf) =	vpush v6, $0xF;
	_ =	sdelay $0xd  }
0x12d: {  	s24 =	spop (v2sf)  }
0x12e: {  	s25 =	spop (v2sf);
	s15 =	sand.u32 $0x7F, s24  }
0x12f: {  	s16 =	sand.u32 $0x7F, s25;
	v6 =	vor.u32 s15, v1  }
0x130: {  	v7 =	vor.u32 s16, v1;
	_ =	sdelay $0x2  }
0x131: {  	v37 =	vmov s22;
	s26 =	simm.s32 $0x4400  }
0x132: {  	s22 =	simm.s32 $0x5400;
	v38 =	vshll.u32 v37, $0x3;
	v6 =	vld.idx.msk [tilespmem:v6+s26+$0x0], $0xffff  }
0x133: {  	v9 =	vand.u32 $0xC00, v38;
	v8 =	vand.u32 $0x7A, v37;
	v7 =	vld.idx.msk [tilespmem:v7+s22+$0x0], $0xffff  }
0x134: {  	v8 =	vor.u32 v8, v9  }
0x135: {  	v9 =	vor.u32 v2, v8  }
0x136: {  	v39 =	vor.u32 s15, v4  }
0x137: {  	v40 =	vor.u32 s16, v4  }
0x138: {  	v6 =	vmul.f32 v7, v6;
	_ =	sdelay $0x1  }
0x139: {  	[tilespmem:v9+s30+$0x0] =	vst.idx.msk $0xffff, v6  }
0x13a: {  	v6 =	vld.idx.msk [tilespmem:v39+s26+$0x0], $0xffff  }
0x13b: {  	v7 =	vld.idx.msk [tilespmem:v40+s22+$0x0], $0xffff;
	_ =	sdelay $0x1  }
0x13c: {  	v8 =	vor.u32 v3, v8;
	_ =	sdelay $0x2  }
0x13d: {  	v6 =	vmul.f32 v7, v6  }
0x13e: {  	s14 =	sadd.s32 @!p0 $0xA, s10  }
0x13f: {  	s15 =	sand.u32 @!p0 $0x3F0, s14;
	[tilespmem:v8+s30+$0x0] =	vst.idx.msk $0xffff, v6  }
0x140: {  	v6 =	vld @!p0 [tilespmem:s15+$0x0];
	_ =	sdelay $0x1  }
0x141: {  	s14 =	sand.u32 @!p0 $0xA, s14  }
0x142: {  	v7 =	vmov @!p0 s14  }
0x143: {  	vm8 =	veq.s32 @!p0 v7, v5;
	v7 =	vld @!p0 [tilespmem:s15+$0x200]  }
0x144: {  	v6 =	vnsel @!p0 vm8, $0x0, v6  }
0x145: {  	(xrf0) =	vadd.scan.msk.s32 @!p0 $0xffff, v6;
	_ =	sdelay $0x2  }
0x146: {  	v6 =	vnsel @!p0 vm8, $0x0, v7  }
0x147: {  	(xrf0) =	vadd.scan.msk.s32 @!p0 $0xffff, v6;
	_ =	sdelay $0x1  }
0x148: {  	v6, _, _ =	vpop @!p0 (xrf0)  }
0x149: {  	(v2sf) =	vpush @!p0 v6, $0xF;
	_ =	sdelay $0x2  }
0x14a: {  	v6, _, _ =	vpop @!p0 (xrf0)  }
0x14b: {  	(v2sf) =	vpush @!p0 v6, $0xF;
	_ =	sdelay $0xa  }
0x14c: {  	s14 =	spop @!p0 (v2sf)  }
0x14d: {  	s14 =	sand.u32 @!p0 $0xFFFFF80, s14  }
0x14e: {  	s15 =	simm.s32 @!p0 $0x4400;
	s14 =	sadd.s32 @!p0 s0, s14  }
0x14f: {  	[tilespmem:s15], [sflag:$0x3] =	stream.strided.gather @!p0 [hbm4b:s14+s13], $0x1000, s7, s13, $0x38;
	[tilespmem:$0x14400] =	vst v63  }
0x150: {  	s14 =	spop @!p0 (v2sf)  }
0x151: {  	s14 =	sand.u32 @!p0 $0xFFFFF80, s14  }
0x152: {  	s15 =	simm.s32 @!p0 $0x5400;
	s14 =	sadd.s32 @!p0 s1, s14  }
0x153: {  	[tilespmem:s15], [sflag:$0x3] =	stream.strided.gather @!p0 [hbm4b:s14+s13], $0x1000, s7, s13, $0x38;
	[tilespmem:$0x14400] =	vst v63  }
0x154: {  	_ =	swait.ge [sflag:s3], $0x2000  }
0x155: {  	[sflag:s3] =	ssyncset.done $0x0  }
0x156: {  	[sflag:s3] =	ssyncadd.s32 $0xFFFFE000  }
0x157: {  	v6 =	vld [tilespmem:s8+$0x0]  }
0x158: {  	s11 =	sadd.s32 $0x3, s10;
	v7 =	vld [tilespmem:s8+$0x200]  }
0x159: {  	s22 =	sand.u32 $0xB, s11  }
0x15a: {  	v41 =	vmov s22  }
0x15b: {  	vm8 =	veq.s32 v41, v0  }
0x15c: {  	v6 =	vnsel vm8, $0x0, v6  }
0x15d: {  	(xrf0) =	vadd.scan.msk.s32 $0xffff, v6;
	v6 =	vnsel vm8, $0x0, v7  }
0x15e: {  	(xrf0) =	vadd.scan.msk.s32 $0xffff, v6;
	_ =	sdelay $0x4  }
0x15f: {  	v6, _, _ =	vpop (xrf0)  }
0x160: {  	(v2sf) =	vpush v6, $0xF;
	v6, _, _ =	vpop (xrf0)  }
0x161: {  	(v2sf) =	vpush v6, $0xF;
	_ =	sdelay $0xd  }
0x162: {  	s23 =	spop (v2sf)  }
0x163: {  	s24 =	spop (v2sf);
	s15 =	sand.u32 $0x7F, s23  }
0x164: {  	s16 =	sand.u32 $0x7F, s24;
	v6 =	vor.u32 s15, v1  }
0x165: {  	v7 =	vor.u32 s16, v1;
	_ =	sdelay $0x2  }
0x166: {  	v42 =	vmov s11;
	s25 =	simm.s32 $0x6400  }
0x167: {  	v43 =	vshll.u32 v42, $0x3;
	s24 =	simm.s32 $0x7400;
	v6 =	vld.idx.msk [tilespmem:v6+s25+$0x0], $0xffff  }
0x168: {  	v9 =	vand.u32 $0xC00, v43;
	v8 =	vand.u32 $0x7B, v42;
	v7 =	vld.idx.msk [tilespmem:v7+s24+$0x0], $0xffff  }
0x169: {  	v8 =	vor.u32 v8, v9  }
0x16a: {  	v9 =	vor.u32 v2, v8  }
0x16b: {  	v44 =	vor.u32 s15, v4  }
0x16c: {  	v45 =	vor.u32 s16, v4  }
0x16d: {  	v6 =	vmul.f32 v7, v6;
	_ =	sdelay $0x1  }
0x16e: {  	[tilespmem:v9+s30+$0x0] =	vst.idx.msk $0xffff, v6  }
0x16f: {  	v6 =	vld.idx.msk [tilespmem:v44+s25+$0x0], $0xffff  }
0x170: {  	v7 =	vld.idx.msk [tilespmem:v45+s24+$0x0], $0xffff;
	_ =	sdelay $0x1  }
0x171: {  	v8 =	vor.u32 v3, v8;
	_ =	sdelay $0x2  }
0x172: {  	v6 =	vmul.f32 v7, v6  }
0x173: {  	s14 =	sadd.s32 @!p0 $0xB, s10  }
0x174: {  	s15 =	sand.u32 @!p0 $0x3F0, s14;
	[tilespmem:v8+s30+$0x0] =	vst.idx.msk $0xffff, v6  }
0x175: {  	v6 =	vld @!p0 [tilespmem:s15+$0x0];
	_ =	sdelay $0x1  }
0x176: {  	s14 =	sand.u32 @!p0 $0xB, s14  }
0x177: {  	v7 =	vmov @!p0 s14  }
0x178: {  	vm8 =	veq.s32 @!p0 v7, v5;
	v7 =	vld @!p0 [tilespmem:s15+$0x200]  }
0x179: {  	v6 =	vnsel @!p0 vm8, $0x0, v6  }
0x17a: {  	(xrf0) =	vadd.scan.msk.s32 @!p0 $0xffff, v6;
	_ =	sdelay $0x2  }
0x17b: {  	v6 =	vnsel @!p0 vm8, $0x0, v7  }
0x17c: {  	(xrf0) =	vadd.scan.msk.s32 @!p0 $0xffff, v6;
	_ =	sdelay $0x1  }
0x17d: {  	v6, _, _ =	vpop @!p0 (xrf0)  }
0x17e: {  	(v2sf) =	vpush @!p0 v6, $0xF;
	_ =	sdelay $0x2  }
0x17f: {  	v6, _, _ =	vpop @!p0 (xrf0)  }
0x180: {  	(v2sf) =	vpush @!p0 v6, $0xF;
	_ =	sdelay $0xa  }
0x181: {  	s14 =	spop @!p0 (v2sf)  }
0x182: {  	s14 =	sand.u32 @!p0 $0xFFFFF80, s14  }
0x183: {  	s15 =	simm.s32 @!p0 $0x6400;
	s14 =	sadd.s32 @!p0 s0, s14  }
0x184: {  	[tilespmem:s15], [sflag:$0x4] =	stream.strided.gather @!p0 [hbm4b:s14+s13], $0x1000, s7, s13, $0x38;
	[tilespmem:$0x14400] =	vst v63  }
0x185: {  	s14 =	spop @!p0 (v2sf)  }
0x186: {  	s14 =	sand.u32 @!p0 $0xFFFFF80, s14  }
0x187: {  	s15 =	simm.s32 @!p0 $0x7400;
	s14 =	sadd.s32 @!p0 s1, s14  }
0x188: {  	[tilespmem:s15], [sflag:$0x4] =	stream.strided.gather @!p0 [hbm4b:s14+s13], $0x1000, s7, s13, $0x38;
	[tilespmem:$0x14400] =	vst v63  }
0x189: {  	_ =	swait.ge [sflag:s9], $0x2000  }
0x18a: {  	[sflag:s9] =	ssyncset.done $0x0  }
0x18b: {  	[sflag:s9] =	ssyncadd.s32 $0xFFFFE000  }
0x18c: {  	v6 =	vld [tilespmem:s8+$0x0]  }
0x18d: {  	s26 =	sadd.s32 $0x4, s10;
	v7 =	vld [tilespmem:s8+$0x200]  }
0x18e: {  	s11 =	sand.u32 $0xC, s26  }
0x18f: {  	v46 =	vmov s11  }
0x190: {  	vm8 =	veq.s32 v46, v0  }
0x191: {  	v6 =	vnsel vm8, $0x0, v6  }
0x192: {  	(xrf0) =	vadd.scan.msk.s32 $0xffff, v6;
	v6 =	vnsel vm8, $0x0, v7  }
0x193: {  	(xrf0) =	vadd.scan.msk.s32 $0xffff, v6;
	_ =	sdelay $0x4  }
0x194: {  	v6, _, _ =	vpop (xrf0)  }
0x195: {  	(v2sf) =	vpush v6, $0xF;
	v6, _, _ =	vpop (xrf0)  }
0x196: {  	(v2sf) =	vpush v6, $0xF;
	_ =	sdelay $0xd  }
0x197: {  	s16 =	spop (v2sf)  }
0x198: {  	s24 =	spop (v2sf);
	s15 =	sand.u32 $0x7F, s16  }
0x199: {  	s16 =	sand.u32 $0x7F, s24;
	v6 =	vor.u32 s15, v1  }
0x19a: {  	v7 =	vor.u32 s16, v1;
	_ =	sdelay $0x2  }
0x19b: {  	v47 =	vmov s26;
	s25 =	simm.s32 $0x8400  }
0x19c: {  	s26 =	simm.s32 $0x9400;
	v48 =	vshll.u32 v47, $0x3;
	v6 =	vld.idx.msk [tilespmem:v6+s25+$0x0], $0xffff  }
0x19d: {  	v9 =	vand.u32 $0xC00, v48;
	v8 =	vand.u32 $0x7C, v47;
	v7 =	vld.idx.msk [tilespmem:v7+s26+$0x0], $0xffff  }
0x19e: {  	v8 =	vor.u32 v8, v9  }
0x19f: {  	v9 =	vor.u32 v2, v8  }
0x1a0: {  	v49 =	vor.u32 s15, v4  }
0x1a1: {  	v50 =	vor.u32 s16, v4  }
0x1a2: {  	v6 =	vmul.f32 v7, v6;
	_ =	sdelay $0x1  }
0x1a3: {  	[tilespmem:v9+s30+$0x0] =	vst.idx.msk $0xffff, v6  }
0x1a4: {  	v6 =	vld.idx.msk [tilespmem:v49+s25+$0x0], $0xffff  }
0x1a5: {  	v7 =	vld.idx.msk [tilespmem:v50+s26+$0x0], $0xffff;
	_ =	sdelay $0x1  }
0x1a6: {  	v8 =	vor.u32 v3, v8;
	_ =	sdelay $0x2  }
0x1a7: {  	v6 =	vmul.f32 v7, v6  }
0x1a8: {  	s14 =	sadd.s32 @!p0 $0xC, s10  }
0x1a9: {  	s15 =	sand.u32 @!p0 $0x3F0, s14;
	[tilespmem:v8+s30+$0x0] =	vst.idx.msk $0xffff, v6  }
0x1aa: {  	v6 =	vld @!p0 [tilespmem:s15+$0x0];
	_ =	sdelay $0x1  }
0x1ab: {  	s14 =	sand.u32 @!p0 $0xC, s14  }
0x1ac: {  	v7 =	vmov @!p0 s14  }
0x1ad: {  	vm8 =	veq.s32 @!p0 v7, v5;
	v7 =	vld @!p0 [tilespmem:s15+$0x200]  }
0x1ae: {  	v6 =	vnsel @!p0 vm8, $0x0, v6  }
0x1af: {  	(xrf0) =	vadd.scan.msk.s32 @!p0 $0xffff, v6;
	_ =	sdelay $0x2  }
0x1b0: {  	v6 =	vnsel @!p0 vm8, $0x0, v7  }
0x1b1: {  	(xrf0) =	vadd.scan.msk.s32 @!p0 $0xffff, v6;
	_ =	sdelay $0x1  }
0x1b2: {  	v6, _, _ =	vpop @!p0 (xrf0)  }
0x1b3: {  	(v2sf) =	vpush @!p0 v6, $0xF;
	_ =	sdelay $0x2  }
0x1b4: {  	v6, _, _ =	vpop @!p0 (xrf0)  }
0x1b5: {  	(v2sf) =	vpush @!p0 v6, $0xF;
	_ =	sdelay $0xa  }
0x1b6: {  	s14 =	spop @!p0 (v2sf)  }
0x1b7: {  	s14 =	sand.u32 @!p0 $0xFFFFF80, s14  }
0x1b8: {  	s15 =	simm.s32 @!p0 $0x8400;
	s14 =	sadd.s32 @!p0 s0, s14  }
0x1b9: {  	[tilespmem:s15], [sflag:$0x5] =	stream.strided.gather @!p0 [hbm4b:s14+s13], $0x1000, s7, s13, $0x38;
	[tilespmem:$0x14400] =	vst v63  }
0x1ba: {  	s14 =	spop @!p0 (v2sf)  }
0x1bb: {  	s14 =	sand.u32 @!p0 $0xFFFFF80, s14  }
0x1bc: {  	s15 =	simm.s32 @!p0 $0x9400;
	s14 =	sadd.s32 @!p0 s1, s14  }
0x1bd: {  	[tilespmem:s15], [sflag:$0x5] =	stream.strided.gather @!p0 [hbm4b:s14+s13], $0x1000, s7, s13, $0x38;
	[tilespmem:$0x14400] =	vst v63  }
0x1be: {  	_ =	swait.ge [sflag:s4], $0x2000  }
0x1bf: {  	[sflag:s4] =	ssyncset.done $0x0  }
0x1c0: {  	[sflag:s4] =	ssyncadd.s32 $0xFFFFE000  }
0x1c1: {  	v6 =	vld [tilespmem:s8+$0x0]  }
0x1c2: {  	s14 =	sadd.s32 $0x5, s10;
	v7 =	vld [tilespmem:s8+$0x200]  }
0x1c3: {  	s16 =	sand.u32 $0xD, s14  }
0x1c4: {  	v51 =	vmov s16  }
0x1c5: {  	vm8 =	veq.s32 v51, v0  }
0x1c6: {  	v6 =	vnsel vm8, $0x0, v6  }
0x1c7: {  	(xrf0) =	vadd.scan.msk.s32 $0xffff, v6;
	v6 =	vnsel vm8, $0x0, v7  }
0x1c8: {  	(xrf0) =	vadd.scan.msk.s32 $0xffff, v6;
	_ =	sdelay $0x4  }
0x1c9: {  	v6, _, _ =	vpop (xrf0)  }
0x1ca: {  	(v2sf) =	vpush v6, $0xF;
	v6, _, _ =	vpop (xrf0)  }
0x1cb: {  	(v2sf) =	vpush v6, $0xF;
	_ =	sdelay $0xd  }
0x1cc: {  	s26 =	spop (v2sf)  }
0x1cd: {  	s11 =	spop (v2sf);
	s15 =	sand.u32 $0x7F, s26  }
0x1ce: {  	s16 =	sand.u32 $0x7F, s11;
	v6 =	vor.u32 s15, v1  }
0x1cf: {  	v7 =	vor.u32 s16, v1;
	_ =	sdelay $0x2  }
0x1d0: {  	v52 =	vmov s14;
	s26 =	simm.s32 $0xA400  }
0x1d1: {  	s28 =	simm.s32 $0xB400;
	v53 =	vshll.u32 v52, $0x3;
	v6 =	vld.idx.msk [tilespmem:v6+s26+$0x0], $0xffff  }
0x1d2: {  	v8 =	vand.u32 $0x7D, v52;
	v9 =	vand.u32 $0xC00, v53;
	v7 =	vld.idx.msk [tilespmem:v7+s28+$0x0], $0xffff  }
0x1d3: {  	v8 =	vor.u32 v8, v9  }
0x1d4: {  	v9 =	vor.u32 v2, v8  }
0x1d5: {  	v54 =	vor.u32 s15, v4  }
0x1d6: {  	v55 =	vor.u32 s16, v4  }
0x1d7: {  	v6 =	vmul.f32 v7, v6;
	_ =	sdelay $0x1  }
0x1d8: {  	[tilespmem:v9+s30+$0x0] =	vst.idx.msk $0xffff, v6  }
0x1d9: {  	v6 =	vld.idx.msk [tilespmem:v54+s26+$0x0], $0xffff  }
0x1da: {  	v7 =	vld.idx.msk [tilespmem:v55+s28+$0x0], $0xffff;
	_ =	sdelay $0x1  }
0x1db: {  	v8 =	vor.u32 v3, v8;
	_ =	sdelay $0x2  }
0x1dc: {  	v6 =	vmul.f32 v7, v6  }
0x1dd: {  	s14 =	sadd.s32 @!p0 $0xD, s10  }
0x1de: {  	s15 =	sand.u32 @!p0 $0x3F0, s14;
	[tilespmem:v8+s30+$0x0] =	vst.idx.msk $0xffff, v6  }
0x1df: {  	v6 =	vld @!p0 [tilespmem:s15+$0x0];
	_ =	sdelay $0x1  }
0x1e0: {  	s14 =	sand.u32 @!p0 $0xD, s14  }
0x1e1: {  	v7 =	vmov @!p0 s14  }
0x1e2: {  	vm8 =	veq.s32 @!p0 v7, v5;
	v7 =	vld @!p0 [tilespmem:s15+$0x200]  }
0x1e3: {  	v6 =	vnsel @!p0 vm8, $0x0, v6  }
0x1e4: {  	(xrf0) =	vadd.scan.msk.s32 @!p0 $0xffff, v6;
	_ =	sdelay $0x2  }
0x1e5: {  	v6 =	vnsel @!p0 vm8, $0x0, v7  }
0x1e6: {  	(xrf0) =	vadd.scan.msk.s32 @!p0 $0xffff, v6;
	_ =	sdelay $0x1  }
0x1e7: {  	v6, _, _ =	vpop @!p0 (xrf0)  }
0x1e8: {  	(v2sf) =	vpush @!p0 v6, $0xF;
	_ =	sdelay $0x2  }
0x1e9: {  	v6, _, _ =	vpop @!p0 (xrf0)  }
0x1ea: {  	(v2sf) =	vpush @!p0 v6, $0xF;
	_ =	sdelay $0xa  }
0x1eb: {  	s14 =	spop @!p0 (v2sf)  }
0x1ec: {  	s14 =	sand.u32 @!p0 $0xFFFFF80, s14  }
0x1ed: {  	s15 =	simm.s32 @!p0 $0xA400;
	s14 =	sadd.s32 @!p0 s0, s14  }
0x1ee: {  	[tilespmem:s15], [sflag:$0x6] =	stream.strided.gather @!p0 [hbm4b:s14+s13], $0x1000, s7, s13, $0x38;
	[tilespmem:$0x14400] =	vst v63  }
0x1ef: {  	s14 =	spop @!p0 (v2sf)  }
0x1f0: {  	s14 =	sand.u32 @!p0 $0xFFFFF80, s14  }
0x1f1: {  	s15 =	simm.s32 @!p0 $0xB400;
	s14 =	sadd.s32 @!p0 s1, s14  }
0x1f2: {  	[tilespmem:s15], [sflag:$0x6] =	stream.strided.gather @!p0 [hbm4b:s14+s13], $0x1000, s7, s13, $0x38;
	[tilespmem:$0x14400] =	vst v63  }
0x1f3: {  	_ =	swait.ge [sflag:s5], $0x2000  }
0x1f4: {  	[sflag:s5] =	ssyncset.done $0x0  }
0x1f5: {  	[sflag:s5] =	ssyncadd.s32 $0xFFFFE000  }
0x1f6: {  	v6 =	vld [tilespmem:s8+$0x0]  }
0x1f7: {  	s14 =	sadd.s32 $0x6, s10;
	v7 =	vld [tilespmem:s8+$0x200]  }
0x1f8: {  	s16 =	sand.u32 $0xE, s14  }
0x1f9: {  	v56 =	vmov s16  }
0x1fa: {  	vm8 =	veq.s32 v56, v0  }
0x1fb: {  	v6 =	vnsel vm8, $0x0, v6  }
0x1fc: {  	(xrf0) =	vadd.scan.msk.s32 $0xffff, v6;
	v6 =	vnsel vm8, $0x0, v7  }
0x1fd: {  	(xrf0) =	vadd.scan.msk.s32 $0xffff, v6;
	_ =	sdelay $0x4  }
0x1fe: {  	v6, _, _ =	vpop (xrf0)  }
0x1ff: {  	(v2sf) =	vpush v6, $0xF;
	v6, _, _ =	vpop (xrf0)  }
0x200: {  	(v2sf) =	vpush v6, $0xF;
	_ =	sdelay $0xd  }
0x201: {  	s15 =	spop (v2sf)  }
0x202: {  	s16 =	spop (v2sf);
	s15 =	sand.u32 $0x7F, s15  }
0x203: {  	s16 =	sand.u32 $0x7F, s16;
	v6 =	vor.u32 s15, v1  }
0x204: {  	v7 =	vor.u32 s16, v1;
	_ =	sdelay $0x2  }
0x205: {  	v57 =	vmov s14;
	s14 =	simm.s32 $0xC400  }
0x206: {  	v58 =	vshll.u32 v57, $0x3;
	v6 =	vld.idx.msk [tilespmem:v6+s14+$0x0], $0xffff  }
0x207: {  	v8 =	vand.u32 $0x7E, v57;
	v9 =	vand.u32 $0xC00, v58;
	v7 =	vld.idx.msk [tilespmem:v7+s29+$0x0], $0xffff  }
0x208: {  	v8 =	vor.u32 v8, v9  }
0x209: {  	v9 =	vor.u32 v2, v8  }
0x20a: {  	v59 =	vor.u32 s15, v4  }
0x20b: {  	v60 =	vor.u32 s16, v4  }
0x20c: {  	v6 =	vmul.f32 v7, v6;
	_ =	sdelay $0x1  }
0x20d: {  	[tilespmem:v9+s30+$0x0] =	vst.idx.msk $0xffff, v6  }
0x20e: {  	v6 =	vld.idx.msk [tilespmem:v59+s14+$0x0], $0xffff  }
0x20f: {  	v7 =	vld.idx.msk [tilespmem:v60+s29+$0x0], $0xffff;
	_ =	sdelay $0x1  }
0x210: {  	v8 =	vor.u32 v3, v8;
	_ =	sdelay $0x2  }
0x211: {  	v6 =	vmul.f32 v7, v6  }
0x212: {  	s14 =	sadd.s32 @!p0 $0xE, s10  }
0x213: {  	s15 =	sand.u32 @!p0 $0x3F0, s14;
	[tilespmem:v8+s30+$0x0] =	vst.idx.msk $0xffff, v6  }
0x214: {  	v6 =	vld @!p0 [tilespmem:s15+$0x0];
	_ =	sdelay $0x1  }
0x215: {  	s14 =	sand.u32 @!p0 $0xE, s14  }
0x216: {  	v7 =	vmov @!p0 s14  }
0x217: {  	vm8 =	veq.s32 @!p0 v7, v5;
	v5 =	vld @!p0 [tilespmem:s15+$0x200]  }
0x218: {  	v6 =	vnsel @!p0 vm8, $0x0, v6  }
0x219: {  	(xrf0) =	vadd.scan.msk.s32 @!p0 $0xffff, v6;
	_ =	sdelay $0x2  }
0x21a: {  	v5 =	vnsel @!p0 vm8, $0x0, v5  }
0x21b: {  	(xrf0) =	vadd.scan.msk.s32 @!p0 $0xffff, v5;
	_ =	sdelay $0x1  }
0x21c: {  	v5, _, _ =	vpop @!p0 (xrf0)  }
0x21d: {  	(v2sf) =	vpush @!p0 v5, $0xF;
	_ =	sdelay $0x2  }
0x21e: {  	v5, _, _ =	vpop @!p0 (xrf0)  }
0x21f: {  	(v2sf) =	vpush @!p0 v5, $0xF;
	_ =	sdelay $0xa  }
0x220: {  	s14 =	spop @!p0 (v2sf)  }
0x221: {  	s14 =	sand.u32 @!p0 $0xFFFFF80, s14  }
0x222: {  	s15 =	simm.s32 @!p0 $0xC400;
	s14 =	sadd.s32 @!p0 s0, s14  }
0x223: {  	[tilespmem:s15], [sflag:$0x7] =	stream.strided.gather @!p0 [hbm4b:s14+s13], $0x1000, s7, s13, $0x38;
	[tilespmem:$0x14400] =	vst v63  }
0x224: {  	s14 =	spop @!p0 (v2sf)  }
0x225: {  	s14 =	sand.u32 @!p0 $0xFFFFF80, s14  }
0x226: {  	s15 =	simm.s32 @!p0 $0xD400;
	s14 =	sadd.s32 @!p0 s1, s14  }
0x227: {  	[tilespmem:s15], [sflag:$0x7] =	stream.strided.gather @!p0 [hbm4b:s14+s13], $0x1000, s7, s13, $0x38;
	[tilespmem:$0x14400] =	vst v63  }
0x228: {  	_ =	swait.ge [sflag:s6], $0x2000  }
0x229: {  	[sflag:s6] =	ssyncset.done $0x0  }
0x22a: {  	[sflag:s6] =	ssyncadd.s32 $0xFFFFE000  }
0x22b: {  	v5 =	vld [tilespmem:s8+$0x0]  }
0x22c: {  	s7 =	sadd.s32 $0x7, s10;
	v6 =	vld [tilespmem:s8+$0x200]  }
0x22d: {  	s13 =	sand.u32 $0xF, s7  }
0x22e: {  	v7 =	vmov s13  }
0x22f: {  	vm8 =	veq.s32 v7, v0  }
0x230: {  	v5 =	vnsel vm8, $0x0, v5  }
0x231: {  	(xrf0) =	vadd.scan.msk.s32 $0xffff, v5;
	v5 =	vnsel vm8, $0x0, v6  }
0x232: {  	(xrf0) =	vadd.scan.msk.s32 $0xffff, v5;
	_ =	sdelay $0x4  }
0x233: {  	v5, _, _ =	vpop (xrf0)  }
0x234: {  	(v2sf) =	vpush v5, $0xF;
	v5, _, _ =	vpop (xrf0)  }
0x235: {  	(v2sf) =	vpush v5, $0xF;
	_ =	sdelay $0xd  }
0x236: {  	s14 =	spop (v2sf)  }
0x237: {  	s15 =	spop (v2sf);
	s8 =	sand.u32 $0x7F, s14  }
0x238: {  	s13 =	sand.u32 $0x7F, s15;
	v5 =	vor.u32 s8, v1  }
0x239: {  	v6 =	vor.u32 s13, v1;
	_ =	sdelay $0x2  }
0x23a: {  	v7 =	vmov s7  }
0x23b: {  	v61 =	vshll.u32 v7, $0x3;
	v5 =	vld.idx.msk [tilespmem:v5+s31+$0x0], $0xffff  }
0x23c: {  	v7 =	vand.u32 $0x7F, v7;
	v8 =	vand.u32 $0xC00, v61;
	v6 =	vld.idx.msk [tilespmem:v6+s2+$0x0], $0xffff  }
0x23d: {  	v7 =	vor.u32 v7, v8  }
0x23e: {  	v8 =	vor.u32 v2, v7  }
0x23f: {  	v62 =	vor.u32 s8, v4  }
0x240: {  	v63 =	vor.u32 s13, v4  }
0x241: {  	v5 =	vmul.f32 v6, v5;
	_ =	sdelay $0x1  }
0x242: {  	[tilespmem:v8+s30+$0x0] =	vst.idx.msk $0xffff, v5  }
0x243: {  	v5 =	vld.idx.msk [tilespmem:v62+s31+$0x0], $0xffff  }
0x244: {  	v6 =	vld.idx.msk [tilespmem:v63+s2+$0x0], $0xffff;
	_ =	sdelay $0x1  }
0x245: {  	s17 =	simm.s32 $0x1400;
	v7 =	vor.u32 v3, v7  }
.Ltmp2:
0x246: {  	s18 =	simm.s32 $0x2400;
	s19 =	simm.s32 $0x3400;
	(pc) =	sbr.rel @p0 .LBB2_4-.Ltmp2, $4  }
0x247: {  	s20 =	simm.s32 $0x4400;
	s21 =	simm.s32 $0x5400;
	s22 =	simm.s32 $0x6400  }
0x248: {  	s23 =	simm.s32 $0x7400;
	s24 =	simm.s32 $0x8400;
	s25 =	simm.s32 $0x9400;
	v5 =	vmul.f32 v6, v5  }
0x249: {  	s11 =	simm.s32 $0xA400;
	s26 =	simm.s32 $0xB400;
	s28 =	simm.s32 $0xD400  }
0x24a: {  	s16 =	simm.s32 $0xC400;
	s14 =	simm.s32 $0xE400;
	s2 =	simm.s32 $0xF400;
	[tilespmem:v7+s30+$0x0] =	vst.idx.msk $0xffff, v5  }
0x24b: {  	s7 =	sadd.s32 $0xF, s10  }
0x24c: {  	s8 =	sand.u32 $0x3F0, s7  }
0x24d: {  	v5 =	vld [tilespmem:s8+$0x0];
	_ =	sdelay $0x1  }
0x24e: {  	s7 =	sand.u32 $0xF, s7  }
0x24f: {  	v6 =	vmov s7  }
0x250: {  	vm8 =	veq.s32 v6, v0;
	v6 =	vld [tilespmem:s8+$0x200]  }
0x251: {  	v5 =	vnsel vm8, $0x0, v5  }
0x252: {  	(xrf0) =	vadd.scan.msk.s32 $0xffff, v5;
	_ =	sdelay $0x2  }
0x253: {  	v5 =	vnsel vm8, $0x0, v6  }
0x254: {  	(xrf0) =	vadd.scan.msk.s32 $0xffff, v5;
	_ =	sdelay $0x1  }
0x255: {  	v5, _, _ =	vpop (xrf0)  }
0x256: {  	(v2sf) =	vpush v5, $0xF;
	_ =	sdelay $0x2  }
0x257: {  	v5, _, _ =	vpop (xrf0)  }
0x258: {  	(v2sf) =	vpush v5, $0xF;
	_ =	sdelay $0xa  }
0x259: {  	s25 =	spop (v2sf)  }
0x25a: {  	s7 =	sand.u32 $0xFFFFF80, s25  }
0x25b: {  	s26 =	simm.s32 $0x7A1400;
	s7 =	sadd.s32 s0, s7  }
0x25c: {  	[tilespmem:s14], [sflag:$0x8] =	stream.strided.gather [hbm4b:s7+s12], $0x1000, s26, s12, $0x38;
	[tilespmem:$0x14400] =	vst v63  }
.Ltmp3:
0x25d: {  	s28 =	spop (v2sf);
	(pc) =	sbr.rel .LBB2_2-.Ltmp3, $4  }
0x25e: {  	s7 =	sand.u32 $0xFFFFF80, s28  }
0x25f: {  	s7 =	sadd.s32 s1, s7  }
0x260: {  	[tilespmem:s2], [sflag:$0x8] =	stream.strided.gather [hbm4b:s7+s12], $0x1000, s26, s12, $0x38;
	[tilespmem:$0x14400] =	vst v63  }
0x261: {  	s10 =	sadd.s32 $0x8, s10;
	s31 =	simm.s32 $0xE400;
	s2 =	simm.s32 $0xF400  }
.LBB2_5:
0x262: {  	_ =	sfence.sel $0x180000  }
0x263: {  	[bflag:$0x0] =	sbarrier.arrive $0xFFFF  }
0x264: {  	_ =	strace $0x90000047  }
0x265: {  	s0 =	stileid.u32;
	[bflag:$0x2] =	sbarrier.arrive $0xFFFF  }
0x266: {  	p0 =	sne.s32 s0, $0x0;
	s0 =	rddreg [dreg:$0x5]  }
0x267: {  	s0 =	sadd.s32 @!p0 $0x100000, s0  }
0x268: {  	[sflag:s0] =	ssyncadd.tile.s32 @!p0 $0x1;
	_ =	shalt  }
.Lfunc_end2:
_tile_overlayer_lowered:
.L_overlay_start_2:
0x269: {  	(tag) =	ssettag $0x2  }
0x26a: {  	s0 =	rddreg [dreg:$0x0];
	s2 =	stileid.u32  }
0x26b: {  	s1 =	rddreg [dreg:$0x1];
	p0 =	sne.s32 s2, $0x0  }
0x26c: {  	s3 =	rddreg [dreg:$0x2];
	[bflag:$0x3] =	sbarrier.arrive $0xFFFF;
	s2 =	simm.s32 @!p0 $0x1C09  }
0x26d: {  	[timem:s3], [sflag:s2] =	dma.local @!p0 [hbm:s0], s1  }
0x26e: {  	s0 =	simm.s32 @!p0 $0x9  }
0x26f: {  	_ =	swait.ge @!p0 [sflag:s0], s1  }
0x270: {  	s1 =	ssub.s32 @!p0 $0x0, s1;
	[sflag:s0] =	ssyncset.done @!p0 $0x0  }
0x271: {  	[sflag:s0] =	ssyncadd.s32 @!p0 s1  }
0x272: {  	[bflag:$0x3] =	sbarrier.arrive $0xFFFF  }
0x273: {  	_ =	shalt  }

</sc_bundles>
